<compile_context>
chip_gen: v7x
topology: tpu7x:2x2x1
jax: 0.10.2.dev20260603
libtpu: 0.0.44.dev20260713+nightly
codegen_flags: <defaults>
</compile_context>

<pallas_src>
import dataclasses
import functools

import jax
import jax.numpy as jnp
from jax import lax
from jax.experimental import pallas as pl
from jax.experimental.pallas import tpu as pltpu
from jax.experimental.pallas import tpu_sc as plsc

NC = 2
NS = 16
NW = NC * NS
L = 16
D = 64
GAMMA = 12.0

CHUNK = 32


def _sc_score(sti, sro, ri2, rpo, dti, dro, ent3, rel2, batch):
    per_w = batch // NW
    nchunk = per_w // CHUNK
    mesh = plsc.VectorSubcoreMesh(core_axis_name="c", subcore_axis_name="s")
    cp = pltpu.CompilerParams()
    if "needs_layout_passes" in pltpu.CompilerParams.__dataclass_fields__:
        cp = dataclasses.replace(cp, needs_layout_passes=False)

    @functools.partial(
        pl.kernel,
        out_type=jax.ShapeDtypeStruct((batch,), jnp.float32),
        mesh=mesh,
        compiler_params=cp,
        scratch_types=[
            pltpu.VMEM((CHUNK,), jnp.int32),
            pltpu.VMEM((CHUNK,), jnp.int32),
            pltpu.VMEM((CHUNK,), jnp.int32),
            pltpu.VMEM((CHUNK,), jnp.int32),
            pltpu.VMEM((CHUNK,), jnp.int32),
            pltpu.VMEM((CHUNK,), jnp.int32),
            pltpu.VMEM((CHUNK, 8, D), jnp.float32),
            pltpu.VMEM((CHUNK, 8, D), jnp.float32),
            pltpu.VMEM((CHUNK, 2 * D), jnp.float32),
            pltpu.VMEM((CHUNK,), jnp.float32),
            pltpu.SemaphoreType.DMA,
            pltpu.SemaphoreType.DMA,
        ],
    )
    def sc_kernel(sti_hbm, sro_hbm, ri2_hbm, rpo_hbm, dti_hbm, dro_hbm,
                  ent_hbm, relt_hbm, out_hbm,
                  si_v, so_v, ri_v, rp_v, di_v, do_v, h_v, t_v, r_v, s_v,
                  sem_e, sem_r):
        wid = lax.axis_index("s") * NC + lax.axis_index("c")
        base = wid * per_w

        @pl.loop(0, nchunk)
        def _chunk(k):
            off = base + k * CHUNK
            pltpu.sync_copy(sti_hbm.at[pl.ds(off, CHUNK)], si_v)
            pltpu.sync_copy(dti_hbm.at[pl.ds(off, CHUNK)], di_v)
            pltpu.sync_copy(ri2_hbm.at[pl.ds(off, CHUNK)], ri_v)
            pltpu.sync_copy(sro_hbm.at[pl.ds(off, CHUNK)], so_v)
            pltpu.sync_copy(dro_hbm.at[pl.ds(off, CHUNK)], do_v)
            pltpu.sync_copy(rpo_hbm.at[pl.ds(off, CHUNK)], rp_v)

            cp_r = pltpu.async_copy(relt_hbm.at[ri_v], r_v, sem_r)

            pend = []
            for g in range(CHUNK // L):
                siv = si_v[pl.ds(g * L, L)]
                div = di_v[pl.ds(g * L, L)]
                for j in range(L):
                    row = g * L + j
                    pend.append(pltpu.async_copy(
                        ent_hbm.at[siv[j]], h_v.at[row], sem_e))
                    pend.append(pltpu.async_copy(
                        ent_hbm.at[div[j]], t_v.at[row], sem_e))
            for cp_ in pend:
                cp_.wait()
            cp_r.wait()

            lane = lax.iota(jnp.int32, L)

            @pl.loop(0, CHUNK // L)
            def _group(g):
                c_vec = g * L + lane
                r_s = so_v[pl.ds(g * L, L)]
                r_d = do_v[pl.ds(g * L, L)]
                p_r = rp_v[pl.ds(g * L, L)]
                acc = jnp.zeros((L,), jnp.float32)
                col = jnp.zeros((L,), jnp.int32)
                for j in range(D):
                    hv = plsc.load_gather(h_v, [c_vec, r_s, col])
                    tv = plsc.load_gather(t_v, [c_vec, r_d, col])
                    rv = plsc.load_gather(r_v, [c_vec, p_r + col])
                    acc = acc + jnp.abs(hv + rv - tv)
                    col = col + 1
                s_v[pl.ds(g * L, L)] = GAMMA - acc

            pltpu.sync_copy(s_v, out_hbm.at[pl.ds(off, CHUNK)])

    return sc_kernel(sti, sro, ri2, rpo, dti, dro, ent3, rel2)


def kernel(src, rel, dst, mode, ent_embed, rel_embed):
    del mode
    batch = src.shape[0]
    ent3 = ent_embed.reshape(-1, 8, D)
    rel2 = rel_embed.reshape(-1, 2 * D)
    sti = lax.shift_right_logical(src, 3)
    dti = lax.shift_right_logical(dst, 3)
    ri2 = lax.shift_right_logical(rel, 1)
    sro = src & 7
    dro = dst & 7
    rpo = (rel & 1) * D
    return _sc_score(sti, sro, ri2, rpo, dti, dro, ent3, rel2, batch)

# --- scband reference (transcript-rebuilt; emitter-appended) ---
"""Pipeline reference for scband-pre-train-model-69604239999389 (READ-ONLY COPY).

The authoritative reference and input builder live on the scoring server;
editing this copy changes nothing except your own understanding.
"""

import jax, jax.numpy as jnp
import numpy as np

ENTITY_NUM = 1000000
RELATION_NUM = 1000
EMBED_DIM = 64
BATCH = 16384
GAMMA = 12.0


def setup_inputs(seed: int = 0) -> dict:
    key = jax.random.key(seed)
    ks = jax.random.split(key, 5)
    src = jax.random.randint(ks[0], (BATCH,), 0, ENTITY_NUM, dtype=jnp.int64 if jax.config.jax_enable_x64 else jnp.int32).astype(jnp.int32)
    rel = jax.random.randint(ks[1], (BATCH,), 0, RELATION_NUM).astype(jnp.int32)
    dst = jax.random.randint(ks[2], (BATCH,), 0, ENTITY_NUM).astype(jnp.int32)
    # learned parameters sized per init_kwargs (normal init with 1/sqrt(dim) scale, as in module.init())
    ent_embed = jax.random.normal(ks[3], (ENTITY_NUM, EMBED_DIM), dtype=jnp.float32) * (1.0 / EMBED_DIM ** 0.5)
    rel_embed = jax.random.normal(ks[4], (RELATION_NUM, EMBED_DIM), dtype=jnp.float32) * (1.0 / EMBED_DIM ** 0.5)
    return {"src": src, "rel": rel, "dst": dst, "mode": 0, "ent_embed": ent_embed, "rel_embed": rel_embed}


def reference(src, rel, dst, mode, ent_embed, rel_embed):
    # embedding lookups (gathers)
    src_embeded = jnp.take(ent_embed, src, axis=0)
    dst_embeded = jnp.take(ent_embed, dst, axis=0)
    rel_embeded = jnp.take(rel_embed, rel, axis=0)
    # TransE decoder: score = gamma - ||h + r - t||_1  (mode='single' -> elementwise triples)
    score = GAMMA - jnp.sum(jnp.abs(src_embeded + rel_embeded - dst_embeded), axis=-1)
    return score

if __name__ == "__main__":
    import jax
    _d = setup_inputs()
    print(jax.jit(kernel)(*tuple(_d.values())))

</pallas_src>

<mosaic_0001>
#map = affine_map<(d0, d1) -> (0)>
#map1 = affine_map<(d0, d1) -> (0, 0, 0)>
#map2 = affine_map<(d0, d1) -> (0, 0)>
module attributes {stable_mosaic.version = 14 : i64} {
  func.func @sc_kernel(%arg0: i32, %arg1: i32, %arg2: memref<16384xi32, #tpu.memory_space<hbm>>, %arg3: memref<16384xi32, #tpu.memory_space<hbm>>, %arg4: memref<16384xi32, #tpu.memory_space<hbm>>, %arg5: memref<16384xi32, #tpu.memory_space<hbm>>, %arg6: memref<16384xi32, #tpu.memory_space<hbm>>, %arg7: memref<16384xi32, #tpu.memory_space<hbm>>, %arg8: memref<125000x8x64xf32, #tpu.memory_space<hbm>>, %arg9: memref<500x128xf32, #tpu.memory_space<hbm>>, %arg10: memref<16384xf32, #tpu.memory_space<hbm>>, %arg11: memref<32xi32, #tpu.memory_space<vmem>>, %arg12: memref<32xi32, #tpu.memory_space<vmem>>, %arg13: memref<32xi32, #tpu.memory_space<vmem>>, %arg14: memref<32xi32, #tpu.memory_space<vmem>>, %arg15: memref<32xi32, #tpu.memory_space<vmem>>, %arg16: memref<32xi32, #tpu.memory_space<vmem>>, %arg17: memref<32x8x64xf32, #tpu.memory_space<vmem>>, %arg18: memref<32x8x64xf32, #tpu.memory_space<vmem>>, %arg19: memref<32x128xf32, #tpu.memory_space<vmem>>, %arg20: memref<32xf32, #tpu.memory_space<vmem>>, %arg21: memref<!tpu.dma_semaphore, #tpu.memory_space<semaphore_mem>>, %arg22: memref<!tpu.dma_semaphore, #tpu.memory_space<semaphore_mem>>) attributes {dimension_semantics = [#tpu.dimension_semantics<core_parallel>, #tpu.dimension_semantics<subcore_parallel>], iteration_bounds = array<i64: 2, 16>, scalar_prefetch = 0 : i64, scratch_operands = 12 : i64, tpu.core_type = #tpu.core_type<sc_vector_subcore>, window_params = [{transform_indices = #map}, {transform_indices = #map}, {transform_indices = #map}, {transform_indices = #map}, {transform_indices = #map}, {transform_indices = #map}, {transform_indices = #map1}, {transform_indices = #map2}, {transform_indices = #map}]} {
    %mul3A = arith.constant 2 : i32
    %mul3A_0 = arith.muli %arg1, %mul3A : i32
    %add3A = arith.addi %mul3A_0, %arg0 : i32
    %mul3A_1 = arith.constant 512 : i32
    %mul3A_2 = arith.muli %add3A, %mul3A_1 : i32
    %scan3A = arith.constant 0 : i32
    %scan3A_3 = arith.constant 16 : i32
    %scan3A_4 = arith.addi %scan3A, %scan3A_3 : i32
    %scan3A_5 = arith.constant 1 : i32
    scf.for %scan3A_7 = %scan3A to %scan3A_4 step %scan3A_5  : i32 {
      %mul3A_8 = arith.constant 1 : i32
      %mul3A_9 = arith.muli %scan3A_7, %mul3A_8 : i32
      %add3A_10 = arith.constant 0 : i32
      %add3A_11 = arith.addi %add3A_10, %mul3A_9 : i32
      %mul3A_12 = arith.constant 32 : i32
      %mul3A_13 = arith.muli %add3A_11, %mul3A_12 : i32
      %add3A_14 = arith.addi %mul3A_2, %mul3A_13 : i32
      "tpu.region"() ({
        %run_scoped3A = tpu.sem_alloc : memref<!tpu.dma_semaphore, #tpu.memory_space<semaphore_mem>>
        %dma_start3A_2333 = tpu.memref_slice %arg2[%add3A_14] : memref<16384xi32, #tpu.memory_space<hbm>> -> memref<32xi32, #tpu.memory_space<hbm>>
        %dma_start3A_2334 = tpu.memref_slice %arg2[%add3A_14] : memref<16384xi32, #tpu.memory_space<hbm>> -> memref<32xi32, #tpu.memory_space<hbm>>
        tpu.enqueue_dma source(%dma_start3A_2334 : memref<32xi32, #tpu.memory_space<hbm>>) target(%arg11 : memref<32xi32, #tpu.memory_space<vmem>>) target_semaphore(%run_scoped3A : memref<!tpu.dma_semaphore, #tpu.memory_space<semaphore_mem>>)
        %dma_wait3A_2335 = tpu.memref_slice %arg2[%add3A_14] : memref<16384xi32, #tpu.memory_space<hbm>> -> memref<32xi32, #tpu.memory_space<hbm>>
        %dma_wait3A_2336 = tpu.memref_slice %arg2[%add3A_14] : memref<16384xi32, #tpu.memory_space<hbm>> -> memref<32xi32, #tpu.memory_space<hbm>>
        tpu.wait_dma2 semaphore(%run_scoped3A : memref<!tpu.dma_semaphore, #tpu.memory_space<semaphore_mem>>) src(%dma_wait3A_2336 : memref<32xi32, #tpu.memory_space<hbm>>) dst(%arg11 : memref<32xi32, #tpu.memory_space<vmem>>)
        tpu.yield
      }) : () -> ()
      "tpu.region"() ({
        %run_scoped3A = tpu.sem_alloc : memref<!tpu.dma_semaphore, #tpu.memory_space<semaphore_mem>>
        %dma_start3A_2333 = tpu.memref_slice %arg6[%add3A_14] : memref<16384xi32, #tpu.memory_space<hbm>> -> memref<32xi32, #tpu.memory_space<hbm>>
        %dma_start3A_2334 = tpu.memref_slice %arg6[%add3A_14] : memref<16384xi32, #tpu.memory_space<hbm>> -> memref<32xi32, #tpu.memory_space<hbm>>
        tpu.enqueue_dma source(%dma_start3A_2334 : memref<32xi32, #tpu.memory_space<hbm>>) target(%arg15 : memref<32xi32, #tpu.memory_space<vmem>>) target_semaphore(%run_scoped3A : memref<!tpu.dma_semaphore, #tpu.memory_space<semaphore_mem>>)
        %dma_wait3A_2335 = tpu.memref_slice %arg6[%add3A_14] : memref<16384xi32, #tpu.memory_space<hbm>> -> memref<32xi32, #tpu.memory_space<hbm>>
        %dma_wait3A_2336 = tpu.memref_slice %arg6[%add3A_14] : memref<16384xi32, #tpu.memory_space<hbm>> -> memref<32xi32, #tpu.memory_space<hbm>>
        tpu.wait_dma2 semaphore(%run_scoped3A : memref<!tpu.dma_semaphore, #tpu.memory_space<semaphore_mem>>) src(%dma_wait3A_2336 : memref<32xi32, #tpu.memory_space<hbm>>) dst(%arg15 : memref<32xi32, #tpu.memory_space<vmem>>)
        tpu.yield
      }) : () -> ()
      "tpu.region"() ({
        %run_scoped3A = tpu.sem_alloc : memref<!tpu.dma_semaphore, #tpu.memory_space<semaphore_mem>>
        %dma_start3A_2333 = tpu.memref_slice %arg4[%add3A_14] : memref<16384xi32, #tpu.memory_space<hbm>> -> memref<32xi32, #tpu.memory_space<hbm>>
        %dma_start3A_2334 = tpu.memref_slice %arg4[%add3A_14] : memref<16384xi32, #tpu.memory_space<hbm>> -> memref<32xi32, #tpu.memory_space<hbm>>
        tpu.enqueue_dma source(%dma_start3A_2334 : memref<32xi32, #tpu.memory_space<hbm>>) target(%arg13 : memref<32xi32, #tpu.memory_space<vmem>>) target_semaphore(%run_scoped3A : memref<!tpu.dma_semaphore, #tpu.memory_space<semaphore_mem>>)
        %dma_wait3A_2335 = tpu.memref_slice %arg4[%add3A_14] : memref<16384xi32, #tpu.memory_space<hbm>> -> memref<32xi32, #tpu.memory_space<hbm>>
        %dma_wait3A_2336 = tpu.memref_slice %arg4[%add3A_14] : memref<16384xi32, #tpu.memory_space<hbm>> -> memref<32xi32, #tpu.memory_space<hbm>>
        tpu.wait_dma2 semaphore(%run_scoped3A : memref<!tpu.dma_semaphore, #tpu.memory_space<semaphore_mem>>) src(%dma_wait3A_2336 : memref<32xi32, #tpu.memory_space<hbm>>) dst(%arg13 : memref<32xi32, #tpu.memory_space<vmem>>)
        tpu.yield
      }) : () -> ()
      "tpu.region"() ({
        %run_scoped3A = tpu.sem_alloc : memref<!tpu.dma_semaphore, #tpu.memory_space<semaphore_mem>>
        %dma_start3A_2333 = tpu.memref_slice %arg3[%add3A_14] : memref<16384xi32, #tpu.memory_space<hbm>> -> memref<32xi32, #tpu.memory_space<hbm>>
        %dma_start3A_2334 = tpu.memref_slice %arg3[%add3A_14] : memref<16384xi32, #tpu.memory_space<hbm>> -> memref<32xi32, #tpu.memory_space<hbm>>
        tpu.enqueue_dma source(%dma_start3A_2334 : memref<32xi32, #tpu.memory_space<hbm>>) target(%arg12 : memref<32xi32, #tpu.memory_space<vmem>>) target_semaphore(%run_scoped3A : memref<!tpu.dma_semaphore, #tpu.memory_space<semaphore_mem>>)
        %dma_wait3A_2335 = tpu.memref_slice %arg3[%add3A_14] : memref<16384xi32, #tpu.memory_space<hbm>> -> memref<32xi32, #tpu.memory_space<hbm>>
        %dma_wait3A_2336 = tpu.memref_slice %arg3[%add3A_14] : memref<16384xi32, #tpu.memory_space<hbm>> -> memref<32xi32, #tpu.memory_space<hbm>>
        tpu.wait_dma2 semaphore(%run_scoped3A : memref<!tpu.dma_semaphore, #tpu.memory_space<semaphore_mem>>) src(%dma_wait3A_2336 : memref<32xi32, #tpu.memory_space<hbm>>) dst(%arg12 : memref<32xi32, #tpu.memory_space<vmem>>)
        tpu.yield
      }) : () -> ()
      "tpu.region"() ({
        %run_scoped3A = tpu.sem_alloc : memref<!tpu.dma_semaphore, #tpu.memory_space<semaphore_mem>>
        %dma_start3A_2333 = tpu.memref_slice %arg7[%add3A_14] : memref<16384xi32, #tpu.memory_space<hbm>> -> memref<32xi32, #tpu.memory_space<hbm>>
        %dma_start3A_2334 = tpu.memref_slice %arg7[%add3A_14] : memref<16384xi32, #tpu.memory_space<hbm>> -> memref<32xi32, #tpu.memory_space<hbm>>
        tpu.enqueue_dma source(%dma_start3A_2334 : memref<32xi32, #tpu.memory_space<hbm>>) target(%arg16 : memref<32xi32, #tpu.memory_space<vmem>>) target_semaphore(%run_scoped3A : memref<!tpu.dma_semaphore, #tpu.memory_space<semaphore_mem>>)
        %dma_wait3A_2335 = tpu.memref_slice %arg7[%add3A_14] : memref<16384xi32, #tpu.memory_space<hbm>> -> memref<32xi32, #tpu.memory_space<hbm>>
        %dma_wait3A_2336 = tpu.memref_slice %arg7[%add3A_14] : memref<16384xi32, #tpu.memory_space<hbm>> -> memref<32xi32, #tpu.memory_space<hbm>>
        tpu.wait_dma2 semaphore(%run_scoped3A : memref<!tpu.dma_semaphore, #tpu.memory_space<semaphore_mem>>) src(%dma_wait3A_2336 : memref<32xi32, #tpu.memory_space<hbm>>) dst(%arg16 : memref<32xi32, #tpu.memory_space<vmem>>)
        tpu.yield
      }) : () -> ()
      "tpu.region"() ({
        %run_scoped3A = tpu.sem_alloc : memref<!tpu.dma_semaphore, #tpu.memory_space<semaphore_mem>>
        %dma_start3A_2333 = tpu.memref_slice %arg5[%add3A_14] : memref<16384xi32, #tpu.memory_space<hbm>> -> memref<32xi32, #tpu.memory_space<hbm>>
        %dma_start3A_2334 = tpu.memref_slice %arg5[%add3A_14] : memref<16384xi32, #tpu.memory_space<hbm>> -> memref<32xi32, #tpu.memory_space<hbm>>
        tpu.enqueue_dma source(%dma_start3A_2334 : memref<32xi32, #tpu.memory_space<hbm>>) target(%arg14 : memref<32xi32, #tpu.memory_space<vmem>>) target_semaphore(%run_scoped3A : memref<!tpu.dma_semaphore, #tpu.memory_space<semaphore_mem>>)
        %dma_wait3A_2335 = tpu.memref_slice %arg5[%add3A_14] : memref<16384xi32, #tpu.memory_space<hbm>> -> memref<32xi32, #tpu.memory_space<hbm>>
        %dma_wait3A_2336 = tpu.memref_slice %arg5[%add3A_14] : memref<16384xi32, #tpu.memory_space<hbm>> -> memref<32xi32, #tpu.memory_space<hbm>>
        tpu.wait_dma2 semaphore(%run_scoped3A : memref<!tpu.dma_semaphore, #tpu.memory_space<semaphore_mem>>) src(%dma_wait3A_2336 : memref<32xi32, #tpu.memory_space<hbm>>) dst(%arg14 : memref<32xi32, #tpu.memory_space<vmem>>)
        tpu.yield
      }) : () -> ()
      %dma_start3A = arith.constant 0 : i32
      %dma_start3A_15 = arith.constant 0 : i32
      %dma_start3A_16 = tpu.memref_slice %arg9[%dma_start3A, %dma_start3A_15] : memref<500x128xf32, #tpu.memory_space<hbm>> -> memref<500x128xf32, #tpu.memory_space<hbm>>
      tpu.enqueue_indirect_dma source(%dma_start3A_16 : memref<500x128xf32, #tpu.memory_space<hbm>>) target(%arg19 : memref<32x128xf32, #tpu.memory_space<vmem>>) offsets(%arg13 : memref<32xi32, #tpu.memory_space<vmem>>) semaphore(%arg22 : memref<!tpu.dma_semaphore, #tpu.memory_space<semaphore_mem>>)
      %get3A = arith.constant 0 : index
      %get3A_17 = tpu.vector_load %arg11[%get3A] {strides = array<i32>} : memref<32xi32, #tpu.memory_space<vmem>>, vector<16xi32>,
      %get3A_18 = arith.constant 0 : index
      %get3A_19 = tpu.vector_load %arg15[%get3A_18] {strides = array<i32>} : memref<32xi32, #tpu.memory_space<vmem>>, vector<16xi32>,
      %slice3A = vector.extract_strided_slice %get3A_17 {offsets = [0], sizes = [1], strides = [1]} : vector<16xi32> to vector<1xi32>
      %squeeze3A = vector.extract %slice3A[0] : i32 from vector<1xi32>
      %dma_start3A_20 = arith.constant 0 : i32
      %dma_start3A_21 = arith.constant 0 : i32
      %dma_start3A_22 = arith.constant 0 : i32
      %dma_start3A_23 = tpu.memref_slice %arg17[%dma_start3A_20, %dma_start3A_21, %dma_start3A_22] : memref<32x8x64xf32, #tpu.memory_space<vmem>> -> memref<1x8x64xf32, #tpu.memory_space<vmem>>
      %dma_start3A_24 = tpu.memref_squeeze %dma_start3A_23 : memref<1x8x64xf32, #tpu.memory_space<vmem>> -> memref<8x64xf32, #tpu.memory_space<vmem>>
      %dma_start3A_25 = arith.constant 0 : i32
      %dma_start3A_26 = arith.constant 0 : i32
      %dma_start3A_27 = tpu.memref_slice %arg8[%squeeze3A, %dma_start3A_25, %dma_start3A_26] : memref<125000x8x64xf32, #tpu.memory_space<hbm>> -> memref<1x8x64xf32, #tpu.memory_space<hbm>>
      %dma_start3A_28 = tpu.memref_squeeze %dma_start3A_27 : memref<1x8x64xf32, #tpu.memory_space<hbm>> -> memref<8x64xf32, #tpu.memory_space<hbm>>
      %dma_start3A_29 = arith.constant 0 : i32
      %dma_start3A_30 = arith.constant 0 : i32
      %dma_start3A_31 = tpu.memref_slice %arg17[%dma_start3A_20, %dma_start3A_29, %dma_start3A_30] : memref<32x8x64xf32, #tpu.memory_space<vmem>> -> memref<1x8x64xf32, #tpu.memory_space<vmem>>
      %dma_start3A_32 = tpu.memref_squeeze %dma_start3A_31 : memref<1x8x64xf32, #tpu.memory_space<vmem>> -> memref<8x64xf32, #tpu.memory_space<vmem>>
      %dma_start3A_33 = arith.constant 0 : i32
      %dma_start3A_34 = arith.constant 0 : i32
      %dma_start3A_35 = tpu.memref_slice %arg8[%squeeze3A, %dma_start3A_33, %dma_start3A_34] : memref<125000x8x64xf32, #tpu.memory_space<hbm>> -> memref<1x8x64xf32, #tpu.memory_space<hbm>>
      %dma_start3A_36 = tpu.memref_squeeze %dma_start3A_35 : memref<1x8x64xf32, #tpu.memory_space<hbm>> -> memref<8x64xf32, #tpu.memory_space<hbm>>
      tpu.enqueue_dma source(%dma_start3A_36 : memref<8x64xf32, #tpu.memory_space<hbm>>) target(%dma_start3A_32 : memref<8x64xf32, #tpu.memory_space<vmem>>) target_semaphore(%arg21 : memref<!tpu.dma_semaphore, #tpu.memory_space<semaphore_mem>>)
      %slice3A_37 = vector.extract_strided_slice %get3A_19 {offsets = [0], sizes = [1], strides = [1]} : vector<16xi32> to vector<1xi32>
      %squeeze3A_38 = vector.extract %slice3A_37[0] : i32 from vector<1xi32>
      %dma_start3A_39 = arith.constant 0 : i32
      %dma_start3A_40 = arith.constant 0 : i32
      %dma_start3A_41 = arith.constant 0 : i32
      %dma_start3A_42 = tpu.memref_slice %arg18[%dma_start3A_39, %dma_start3A_40, %dma_start3A_41] : memref<32x8x64xf32, #tpu.memory_space<vmem>> -> memref<1x8x64xf32, #tpu.memory_space<vmem>>
      %dma_start3A_43 = tpu.memref_squeeze %dma_start3A_42 : memref<1x8x64xf32, #tpu.memory_space<vmem>> -> memref<8x64xf32, #tpu.memory_space<vmem>>
      %dma_start3A_44 = arith.constant 0 : i32
      %dma_start3A_45 = arith.constant 0 : i32
      %dma_start3A_46 = tpu.memref_slice %arg8[%squeeze3A_38, %dma_start3A_44, %dma_start3A_45] : memref<125000x8x64xf32, #tpu.memory_space<hbm>> -> memref<1x8x64xf32, #tpu.memory_space<hbm>>
      %dma_start3A_47 = tpu.memref_squeeze %dma_start3A_46 : memref<1x8x64xf32, #tpu.memory_space<hbm>> -> memref<8x64xf32, #tpu.memory_space<hbm>>
      %dma_start3A_48 = arith.constant 0 : i32
      %dma_start3A_49 = arith.constant 0 : i32
      %dma_start3A_50 = tpu.memref_slice %arg18[%dma_start3A_39, %dma_start3A_48, %dma_start3A_49] : memref<32x8x64xf32, #tpu.memory_space<vmem>> -> memref<1x8x64xf32, #tpu.memory_space<vmem>>
      %dma_start3A_51 = tpu.memref_squeeze %dma_start3A_50 : memref<1x8x64xf32, #tpu.memory_space<vmem>> -> memref<8x64xf32, #tpu.memory_space<vmem>>
      %dma_start3A_52 = arith.constant 0 : i32
      %dma_start3A_53 = arith.constant 0 : i32
      %dma_start3A_54 = tpu.memref_slice %arg8[%squeeze3A_38, %dma_start3A_52, %dma_start3A_53] : memref<125000x8x64xf32, #tpu.memory_space<hbm>> -> memref<1x8x64xf32, #tpu.memory_space<hbm>>
      %dma_start3A_55 = tpu.memref_squeeze %dma_start3A_54 : memref<1x8x64xf32, #tpu.memory_space<hbm>> -> memref<8x64xf32, #tpu.memory_space<hbm>>
      tpu.enqueue_dma source(%dma_start3A_55 : memref<8x64xf32, #tpu.memory_space<hbm>>) target(%dma_start3A_51 : memref<8x64xf32, #tpu.memory_space<vmem>>) target_semaphore(%arg21 : memref<!tpu.dma_semaphore, #tpu.memory_space<semaphore_mem>>)
      %slice3A_56 = vector.extract_strided_slice %get3A_17 {offsets = [1], sizes = [1], strides = [1]} : vector<16xi32> to vector<1xi32>
      %squeeze3A_57 = vector.extract %slice3A_56[0] : i32 from vector<1xi32>
      %dma_start3A_58 = arith.constant 1 : i32
      %dma_start3A_59 = arith.constant 0 : i32
      %dma_start3A_60 = arith.constant 0 : i32
      %dma_start3A_61 = tpu.memref_slice %arg17[%dma_start3A_58, %dma_start3A_59, %dma_start3A_60] : memref<32x8x64xf32, #tpu.memory_space<vmem>> -> memref<1x8x64xf32, #tpu.memory_space<vmem>>
      %dma_start3A_62 = tpu.memref_squeeze %dma_start3A_61 : memref<1x8x64xf32, #tpu.memory_space<vmem>> -> memref<8x64xf32, #tpu.memory_space<vmem>>
      %dma_start3A_63 = arith.constant 0 : i32
      %dma_start3A_64 = arith.constant 0 : i32
      %dma_start3A_65 = tpu.memref_slice %arg8[%squeeze3A_57, %dma_start3A_63, %dma_start3A_64] : memref<125000x8x64xf32, #tpu.memory_space<hbm>> -> memref<1x8x64xf32, #tpu.memory_space<hbm>>
      %dma_start3A_66 = tpu.memref_squeeze %dma_start3A_65 : memref<1x8x64xf32, #tpu.memory_space<hbm>> -> memref<8x64xf32, #tpu.memory_space<hbm>>
      %dma_start3A_67 = arith.constant 0 : i32
      %dma_start3A_68 = arith.constant 0 : i32
      %dma_start3A_69 = tpu.memref_slice %arg17[%dma_start3A_58, %dma_start3A_67, %dma_start3A_68] : memref<32x8x64xf32, #tpu.memory_space<vmem>> -> memref<1x8x64xf32, #tpu.memory_space<vmem>>
      %dma_start3A_70 = tpu.memref_squeeze %dma_start3A_69 : memref<1x8x64xf32, #tpu.memory_space<vmem>> -> memref<8x64xf32, #tpu.memory_space<vmem>>
      %dma_start3A_71 = arith.constant 0 : i32
      %dma_start3A_72 = arith.constant 0 : i32
      %dma_start3A_73 = tpu.memref_slice %arg8[%squeeze3A_57, %dma_start3A_71, %dma_start3A_72] : memref<125000x8x64xf32, #tpu.memory_space<hbm>> -> memref<1x8x64xf32, #tpu.memory_space<hbm>>
      %dma_start3A_74 = tpu.memref_squeeze %dma_start3A_73 : memref<1x8x64xf32, #tpu.memory_space<hbm>> -> memref<8x64xf32, #tpu.memory_space<hbm>>
      tpu.enqueue_dma source(%dma_start3A_74 : memref<8x64xf32, #tpu.memory_space<hbm>>) target(%dma_start3A_70 : memref<8x64xf32, #tpu.memory_space<vmem>>) target_semaphore(%arg21 : memref<!tpu.dma_semaphore, #tpu.memory_space<semaphore_mem>>)
      %slice3A_75 = vector.extract_strided_slice %get3A_19 {offsets = [1], sizes = [1], strides = [1]} : vector<16xi32> to vector<1xi32>
      %squeeze3A_76 = vector.extract %slice3A_75[0] : i32 from vector<1xi32>
      %dma_start3A_77 = arith.constant 1 : i32
      %dma_start3A_78 = arith.constant 0 : i32
      %dma_start3A_79 = arith.constant 0 : i32
      %dma_start3A_80 = tpu.memref_slice %arg18[%dma_start3A_77, %dma_start3A_78, %dma_start3A_79] : memref<32x8x64xf32, #tpu.memory_space<vmem>> -> memref<1x8x64xf32, #tpu.memory_space<vmem>>
      %dma_start3A_81 = tpu.memref_squeeze %dma_start3A_80 : memref<1x8x64xf32, #tpu.memory_space<vmem>> -> memref<8x64xf32, #tpu.memory_space<vmem>>
      %dma_start3A_82 = arith.constant 0 : i32
      %dma_start3A_83 = arith.constant 0 : i32
      %dma_start3A_84 = tpu.memref_slice %arg8[%squeeze3A_76, %dma_start3A_82, %dma_start3A_83] : memref<125000x8x64xf32, #tpu.memory_space<hbm>> -> memref<1x8x64xf32, #tpu.memory_space<hbm>>
      %dma_start3A_85 = tpu.memref_squeeze %dma_start3A_84 : memref<1x8x64xf32, #tpu.memory_space<hbm>> -> memref<8x64xf32, #tpu.memory_space<hbm>>
      %dma_start3A_86 = arith.constant 0 : i32
      %dma_start3A_87 = arith.constant 0 : i32
      %dma_start3A_88 = tpu.memref_slice %arg18[%dma_start3A_77, %dma_start3A_86, %dma_start3A_87] : memref<32x8x64xf32, #tpu.memory_space<vmem>> -> memref<1x8x64xf32, #tpu.memory_space<vmem>>
      %dma_start3A_89 = tpu.memref_squeeze %dma_start3A_88 : memref<1x8x64xf32, #tpu.memory_space<vmem>> -> memref<8x64xf32, #tpu.memory_space<vmem>>
      %dma_start3A_90 = arith.constant 0 : i32
      %dma_start3A_91 = arith.constant 0 : i32
      %dma_start3A_92 = tpu.memref_slice %arg8[%squeeze3A_76, %dma_start3A_90, %dma_start3A_91] : memref<125000x8x64xf32, #tpu.memory_space<hbm>> -> memref<1x8x64xf32, #tpu.memory_space<hbm>>
      %dma_start3A_93 = tpu.memref_squeeze %dma_start3A_92 : memref<1x8x64xf32, #tpu.memory_space<hbm>> -> memref<8x64xf32, #tpu.memory_space<hbm>>
      tpu.enqueue_dma source(%dma_start3A_93 : memref<8x64xf32, #tpu.memory_space<hbm>>) target(%dma_start3A_89 : memref<8x64xf32, #tpu.memory_space<vmem>>) target_semaphore(%arg21 : memref<!tpu.dma_semaphore, #tpu.memory_space<semaphore_mem>>)
      %slice3A_94 = vector.extract_strided_slice %get3A_17 {offsets = [2], sizes = [1], strides = [1]} : vector<16xi32> to vector<1xi32>
      %squeeze3A_95 = vector.extract %slice3A_94[0] : i32 from vector<1xi32>
      %dma_start3A_96 = arith.constant 2 : i32
      %dma_start3A_97 = arith.constant 0 : i32
      %dma_start3A_98 = arith.constant 0 : i32
      %dma_start3A_99 = tpu.memref_slice %arg17[%dma_start3A_96, %dma_start3A_97, %dma_start3A_98] : memref<32x8x64xf32, #tpu.memory_space<vmem>> -> memref<1x8x64xf32, #tpu.memory_space<vmem>>
      %dma_start3A_100 = tpu.memref_squeeze %dma_start3A_99 : memref<1x8x64xf32, #tpu.memory_space<vmem>> -> memref<8x64xf32, #tpu.memory_space<vmem>>
      %dma_start3A_101 = arith.constant 0 : i32
      %dma_start3A_102 = arith.constant 0 : i32
      %dma_start3A_103 = tpu.memref_slice %arg8[%squeeze3A_95, %dma_start3A_101, %dma_start3A_102] : memref<125000x8x64xf32, #tpu.memory_space<hbm>> -> memref<1x8x64xf32, #tpu.memory_space<hbm>>
      %dma_start3A_104 = tpu.memref_squeeze %dma_start3A_103 : memref<1x8x64xf32, #tpu.memory_space<hbm>> -> memref<8x64xf32, #tpu.memory_space<hbm>>
      %dma_start3A_105 = arith.constant 0 : i32
      %dma_start3A_106 = arith.constant 0 : i32
      %dma_start3A_107 = tpu.memref_slice %arg17[%dma_start3A_96, %dma_start3A_105, %dma_start3A_106] : memref<32x8x64xf32, #tpu.memory_space<vmem>> -> memref<1x8x64xf32, #tpu.memory_space<vmem>>
      %dma_start3A_108 = tpu.memref_squeeze %dma_start3A_107 : memref<1x8x64xf32, #tpu.memory_space<vmem>> -> memref<8x64xf32, #tpu.memory_space<vmem>>
      %dma_start3A_109 = arith.constant 0 : i32
      %dma_start3A_110 = arith.constant 0 : i32
      %dma_start3A_111 = tpu.memref_slice %arg8[%squeeze3A_95, %dma_start3A_109, %dma_start3A_110] : memref<125000x8x64xf32, #tpu.memory_space<hbm>> -> memref<1x8x64xf32, #tpu.memory_space<hbm>>
      %dma_start3A_112 = tpu.memref_squeeze %dma_start3A_111 : memref<1x8x64xf32, #tpu.memory_space<hbm>> -> memref<8x64xf32, #tpu.memory_space<hbm>>
      tpu.enqueue_dma source(%dma_start3A_112 : memref<8x64xf32, #tpu.memory_space<hbm>>) target(%dma_start3A_108 : memref<8x64xf32, #tpu.memory_space<vmem>>) target_semaphore(%arg21 : memref<!tpu.dma_semaphore, #tpu.memory_space<semaphore_mem>>)
      %slice3A_113 = vector.extract_strided_slice %get3A_19 {offsets = [2], sizes = [1], strides = [1]} : vector<16xi32> to vector<1xi32>
      %squeeze3A_114 = vector.extract %slice3A_113[0] : i32 from vector<1xi32>
      %dma_start3A_115 = arith.constant 2 : i32
      %dma_start3A_116 = arith.constant 0 : i32
      %dma_start3A_117 = arith.constant 0 : i32
      %dma_start3A_118 = tpu.memref_slice %arg18[%dma_start3A_115, %dma_start3A_116, %dma_start3A_117] : memref<32x8x64xf32, #tpu.memory_space<vmem>> -> memref<1x8x64xf32, #tpu.memory_space<vmem>>
      %dma_start3A_119 = tpu.memref_squeeze %dma_start3A_118 : memref<1x8x64xf32, #tpu.memory_space<vmem>> -> memref<8x64xf32, #tpu.memory_space<vmem>>
      %dma_start3A_120 = arith.constant 0 : i32
      %dma_start3A_121 = arith.constant 0 : i32
      %dma_start3A_122 = tpu.memref_slice %arg8[%squeeze3A_114, %dma_start3A_120, %dma_start3A_121] : memref<125000x8x64xf32, #tpu.memory_space<hbm>> -> memref<1x8x64xf32, #tpu.memory_space<hbm>>
      %dma_start3A_123 = tpu.memref_squeeze %dma_start3A_122 : memref<1x8x64xf32, #tpu.memory_space<hbm>> -> memref<8x64xf32, #tpu.memory_space<hbm>>
      %dma_start3A_124 = arith.constant 0 : i32
      %dma_start3A_125 = arith.constant 0 : i32
      %dma_start3A_126 = tpu.memref_slice %arg18[%dma_start3A_115, %dma_start3A_124, %dma_start3A_125] : memref<32x8x64xf32, #tpu.memory_space<vmem>> -> memref<1x8x64xf32, #tpu.memory_space<vmem>>
      %dma_start3A_127 = tpu.memref_squeeze %dma_start3A_126 : memref<1x8x64xf32, #tpu.memory_space<vmem>> -> memref<8x64xf32, #tpu.memory_space<vmem>>
      %dma_start3A_128 = arith.constant 0 : i32
      %dma_start3A_129 = arith.constant 0 : i32
      %dma_start3A_130 = tpu.memref_slice %arg8[%squeeze3A_114, %dma_start3A_128, %dma_start3A_129] : memref<125000x8x64xf32, #tpu.memory_space<hbm>> -> memref<1x8x64xf32, #tpu.memory_space<hbm>>
      %dma_start3A_131 = tpu.memref_squeeze %dma_start3A_130 : memref<1x8x64xf32, #tpu.memory_space<hbm>> -> memref<8x64xf32, #tpu.memory_space<hbm>>
      tpu.enqueue_dma source(%dma_start3A_131 : memref<8x64xf32, #tpu.memory_space<hbm>>) target(%dma_start3A_127 : memref<8x64xf32, #tpu.memory_space<vmem>>) target_semaphore(%arg21 : memref<!tpu.dma_semaphore, #tpu.memory_space<semaphore_mem>>)
      %slice3A_132 = vector.extract_strided_slice %get3A_17 {offsets = [3], sizes = [1], strides = [1]} : vector<16xi32> to vector<1xi32>
      %squeeze3A_133 = vector.extract %slice3A_132[0] : i32 from vector<1xi32>
      %dma_start3A_134 = arith.constant 3 : i32
      %dma_start3A_135 = arith.constant 0 : i32
      %dma_start3A_136 = arith.constant 0 : i32
      %dma_start3A_137 = tpu.memref_slice %arg17[%dma_start3A_134, %dma_start3A_135, %dma_start3A_136] : memref<32x8x64xf32, #tpu.memory_space<vmem>> -> memref<1x8x64xf32, #tpu.memory_space<vmem>>
      %dma_start3A_138 = tpu.memref_squeeze %dma_start3A_137 : memref<1x8x64xf32, #tpu.memory_space<vmem>> -> memref<8x64xf32, #tpu.memory_space<vmem>>
      %dma_start3A_139 = arith.constant 0 : i32
      %dma_start3A_140 = arith.constant 0 : i32
      %dma_start3A_141 = tpu.memref_slice %arg8[%squeeze3A_133, %dma_start3A_139, %dma_start3A_140] : memref<125000x8x64xf32, #tpu.memory_space<hbm>> -> memref<1x8x64xf32, #tpu.memory_space<hbm>>
      %dma_start3A_142 = tpu.memref_squeeze %dma_start3A_141 : memref<1x8x64xf32, #tpu.memory_space<hbm>> -> memref<8x64xf32, #tpu.memory_space<hbm>>
      %dma_start3A_143 = arith.constant 0 : i32
      %dma_start3A_144 = arith.constant 0 : i32
      %dma_start3A_145 = tpu.memref_slice %arg17[%dma_start3A_134, %dma_start3A_143, %dma_start3A_144] : memref<32x8x64xf32, #tpu.memory_space<vmem>> -> memref<1x8x64xf32, #tpu.memory_space<vmem>>
      %dma_start3A_146 = tpu.memref_squeeze %dma_start3A_145 : memref<1x8x64xf32, #tpu.memory_space<vmem>> -> memref<8x64xf32, #tpu.memory_space<vmem>>
      %dma_start3A_147 = arith.constant 0 : i32
      %dma_start3A_148 = arith.constant 0 : i32
      %dma_start3A_149 = tpu.memref_slice %arg8[%squeeze3A_133, %dma_start3A_147, %dma_start3A_148] : memref<125000x8x64xf32, #tpu.memory_space<hbm>> -> memref<1x8x64xf32, #tpu.memory_space<hbm>>
      %dma_start3A_150 = tpu.memref_squeeze %dma_start3A_149 : memref<1x8x64xf32, #tpu.memory_space<hbm>> -> memref<8x64xf32, #tpu.memory_space<hbm>>
      tpu.enqueue_dma source(%dma_start3A_150 : memref<8x64xf32, #tpu.memory_space<hbm>>) target(%dma_start3A_146 : memref<8x64xf32, #tpu.memory_space<vmem>>) target_semaphore(%arg21 : memref<!tpu.dma_semaphore, #tpu.memory_space<semaphore_mem>>)
      %slice3A_151 = vector.extract_strided_slice %get3A_19 {offsets = [3], sizes = [1], strides = [1]} : vector<16xi32> to vector<1xi32>
      %squeeze3A_152 = vector.extract %slice3A_151[0] : i32 from vector<1xi32>
      %dma_start3A_153 = arith.constant 3 : i32
      %dma_start3A_154 = arith.constant 0 : i32
      %dma_start3A_155 = arith.constant 0 : i32
      %dma_start3A_156 = tpu.memref_slice %arg18[%dma_start3A_153, %dma_start3A_154, %dma_start3A_155] : memref<32x8x64xf32, #tpu.memory_space<vmem>> -> memref<1x8x64xf32, #tpu.memory_space<vmem>>
      %dma_start3A_157 = tpu.memref_squeeze %dma_start3A_156 : memref<1x8x64xf32, #tpu.memory_space<vmem>> -> memref<8x64xf32, #tpu.memory_space<vmem>>
      %dma_start3A_158 = arith.constant 0 : i32
      %dma_start3A_159 = arith.constant 0 : i32
      %dma_start3A_160 = tpu.memref_slice %arg8[%squeeze3A_152, %dma_start3A_158, %dma_start3A_159] : memref<125000x8x64xf32, #tpu.memory_space<hbm>> -> memref<1x8x64xf32, #tpu.memory_space<hbm>>
      %dma_start3A_161 = tpu.memref_squeeze %dma_start3A_160 : memref<1x8x64xf32, #tpu.memory_space<hbm>> -> memref<8x64xf32, #tpu.memory_space<hbm>>
      %dma_start3A_162 = arith.constant 0 : i32
      %dma_start3A_163 = arith.constant 0 : i32
      %dma_start3A_164 = tpu.memref_slice %arg18[%dma_start3A_153, %dma_start3A_162, %dma_start3A_163] : memref<32x8x64xf32, #tpu.memory_space<vmem>> -> memref<1x8x64xf32, #tpu.memory_space<vmem>>
      %dma_start3A_165 = tpu.memref_squeeze %dma_start3A_164 : memref<1x8x64xf32, #tpu.memory_space<vmem>> -> memref<8x64xf32, #tpu.memory_space<vmem>>
      %dma_start3A_166 = arith.constant 0 : i32
      %dma_start3A_167 = arith.constant 0 : i32
      %dma_start3A_168 = tpu.memref_slice %arg8[%squeeze3A_152, %dma_start3A_166, %dma_start3A_167] : memref<125000x8x64xf32, #tpu.memory_space<hbm>> -> memref<1x8x64xf32, #tpu.memory_space<hbm>>
      %dma_start3A_169 = tpu.memref_squeeze %dma_start3A_168 : memref<1x8x64xf32, #tpu.memory_space<hbm>> -> memref<8x64xf32, #tpu.memory_space<hbm>>
      tpu.enqueue_dma source(%dma_start3A_169 : memref<8x64xf32, #tpu.memory_space<hbm>>) target(%dma_start3A_165 : memref<8x64xf32, #tpu.memory_space<vmem>>) target_semaphore(%arg21 : memref<!tpu.dma_semaphore, #tpu.memory_space<semaphore_mem>>)
      %slice3A_170 = vector.extract_strided_slice %get3A_17 {offsets = [4], sizes = [1], strides = [1]} : vector<16xi32> to vector<1xi32>
      %squeeze3A_171 = vector.extract %slice3A_170[0] : i32 from vector<1xi32>
      %dma_start3A_172 = arith.constant 4 : i32
      %dma_start3A_173 = arith.constant 0 : i32
      %dma_start3A_174 = arith.constant 0 : i32
      %dma_start3A_175 = tpu.memref_slice %arg17[%dma_start3A_172, %dma_start3A_173, %dma_start3A_174] : memref<32x8x64xf32, #tpu.memory_space<vmem>> -> memref<1x8x64xf32, #tpu.memory_space<vmem>>
      %dma_start3A_176 = tpu.memref_squeeze %dma_start3A_175 : memref<1x8x64xf32, #tpu.memory_space<vmem>> -> memref<8x64xf32, #tpu.memory_space<vmem>>
      %dma_start3A_177 = arith.constant 0 : i32
      %dma_start3A_178 = arith.constant 0 : i32
      %dma_start3A_179 = tpu.memref_slice %arg8[%squeeze3A_171, %dma_start3A_177, %dma_start3A_178] : memref<125000x8x64xf32, #tpu.memory_space<hbm>> -> memref<1x8x64xf32, #tpu.memory_space<hbm>>
      %dma_start3A_180 = tpu.memref_squeeze %dma_start3A_179 : memref<1x8x64xf32, #tpu.memory_space<hbm>> -> memref<8x64xf32, #tpu.memory_space<hbm>>
      %dma_start3A_181 = arith.constant 0 : i32
      %dma_start3A_182 = arith.constant 0 : i32
      %dma_start3A_183 = tpu.memref_slice %arg17[%dma_start3A_172, %dma_start3A_181, %dma_start3A_182] : memref<32x8x64xf32, #tpu.memory_space<vmem>> -> memref<1x8x64xf32, #tpu.memory_space<vmem>>
      %dma_start3A_184 = tpu.memref_squeeze %dma_start3A_183 : memref<1x8x64xf32, #tpu.memory_space<vmem>> -> memref<8x64xf32, #tpu.memory_space<vmem>>
      %dma_start3A_185 = arith.constant 0 : i32
      %dma_start3A_186 = arith.constant 0 : i32
      %dma_start3A_187 = tpu.memref_slice %arg8[%squeeze3A_171, %dma_start3A_185, %dma_start3A_186] : memref<125000x8x64xf32, #tpu.memory_space<hbm>> -> memref<1x8x64xf32, #tpu.memory_space<hbm>>
      %dma_start3A_188 = tpu.memref_squeeze %dma_start3A_187 : memref<1x8x64xf32, #tpu.memory_space<hbm>> -> memref<8x64xf32, #tpu.memory_space<hbm>>
      tpu.enqueue_dma source(%dma_start3A_188 : memref<8x64xf32, #tpu.memory_space<hbm>>) target(%dma_start3A_184 : memref<8x64xf32, #tpu.memory_space<vmem>>) target_semaphore(%arg21 : memref<!tpu.dma_semaphore, #tpu.memory_space<semaphore_mem>>)
      %slice3A_189 = vector.extract_strided_slice %get3A_19 {offsets = [4], sizes = [1], strides = [1]} : vector<16xi32> to vector<1xi32>
      %squeeze3A_190 = vector.extract %slice3A_189[0] : i32 from vector<1xi32>
      %dma_start3A_191 = arith.constant 4 : i32
      %dma_start3A_192 = arith.constant 0 : i32
      %dma_start3A_193 = arith.constant 0 : i32
      %dma_start3A_194 = tpu.memref_slice %arg18[%dma_start3A_191, %dma_start3A_192, %dma_start3A_193] : memref<32x8x64xf32, #tpu.memory_space<vmem>> -> memref<1x8x64xf32, #tpu.memory_space<vmem>>
      %dma_start3A_195 = tpu.memref_squeeze %dma_start3A_194 : memref<1x8x64xf32, #tpu.memory_space<vmem>> -> memref<8x64xf32, #tpu.memory_space<vmem>>
      %dma_start3A_196 = arith.constant 0 : i32
      %dma_start3A_197 = arith.constant 0 : i32
      %dma_start3A_198 = tpu.memref_slice %arg8[%squeeze3A_190, %dma_start3A_196, %dma_start3A_197] : memref<125000x8x64xf32, #tpu.memory_space<hbm>> -> memref<1x8x64xf32, #tpu.memory_space<hbm>>
      %dma_start3A_199 = tpu.memref_squeeze %dma_start3A_198 : memref<1x8x64xf32, #tpu.memory_space<hbm>> -> memref<8x64xf32, #tpu.memory_space<hbm>>
      %dma_start3A_200 = arith.constant 0 : i32
      %dma_start3A_201 = arith.constant 0 : i32
      %dma_start3A_202 = tpu.memref_slice %arg18[%dma_start3A_191, %dma_start3A_200, %dma_start3A_201] : memref<32x8x64xf32, #tpu.memory_space<vmem>> -> memref<1x8x64xf32, #tpu.memory_space<vmem>>
      %dma_start3A_203 = tpu.memref_squeeze %dma_start3A_202 : memref<1x8x64xf32, #tpu.memory_space<vmem>> -> memref<8x64xf32, #tpu.memory_space<vmem>>
      %dma_start3A_204 = arith.constant 0 : i32
      %dma_start3A_205 = arith.constant 0 : i32
      %dma_start3A_206 = tpu.memref_slice %arg8[%squeeze3A_190, %dma_start3A_204, %dma_start3A_205] : memref<125000x8x64xf32, #tpu.memory_space<hbm>> -> memref<1x8x64xf32, #tpu.memory_space<hbm>>
      %dma_start3A_207 = tpu.memref_squeeze %dma_start3A_206 : memref<1x8x64xf32, #tpu.memory_space<hbm>> -> memref<8x64xf32, #tpu.memory_space<hbm>>
      tpu.enqueue_dma source(%dma_start3A_207 : memref<8x64xf32, #tpu.memory_space<hbm>>) target(%dma_start3A_203 : memref<8x64xf32, #tpu.memory_space<vmem>>) target_semaphore(%arg21 : memref<!tpu.dma_semaphore, #tpu.memory_space<semaphore_mem>>)
      %slice3A_208 = vector.extract_strided_slice %get3A_17 {offsets = [5], sizes = [1], strides = [1]} : vector<16xi32> to vector<1xi32>
      %squeeze3A_209 = vector.extract %slice3A_208[0] : i32 from vector<1xi32>
      %dma_start3A_210 = arith.constant 5 : i32
      %dma_start3A_211 = arith.constant 0 : i32
      %dma_start3A_212 = arith.constant 0 : i32
      %dma_start3A_213 = tpu.memref_slice %arg17[%dma_start3A_210, %dma_start3A_211, %dma_start3A_212] : memref<32x8x64xf32, #tpu.memory_space<vmem>> -> memref<1x8x64xf32, #tpu.memory_space<vmem>>
      %dma_start3A_214 = tpu.memref_squeeze %dma_start3A_213 : memref<1x8x64xf32, #tpu.memory_space<vmem>> -> memref<8x64xf32, #tpu.memory_space<vmem>>
      %dma_start3A_215 = arith.constant 0 : i32
      %dma_start3A_216 = arith.constant 0 : i32
      %dma_start3A_217 = tpu.memref_slice %arg8[%squeeze3A_209, %dma_start3A_215, %dma_start3A_216] : memref<125000x8x64xf32, #tpu.memory_space<hbm>> -> memref<1x8x64xf32, #tpu.memory_space<hbm>>
      %dma_start3A_218 = tpu.memref_squeeze %dma_start3A_217 : memref<1x8x64xf32, #tpu.memory_space<hbm>> -> memref<8x64xf32, #tpu.memory_space<hbm>>
      %dma_start3A_219 = arith.constant 0 : i32
      %dma_start3A_220 = arith.constant 0 : i32
      %dma_start3A_221 = tpu.memref_slice %arg17[%dma_start3A_210, %dma_start3A_219, %dma_start3A_220] : memref<32x8x64xf32, #tpu.memory_space<vmem>> -> memref<1x8x64xf32, #tpu.memory_space<vmem>>
      %dma_start3A_222 = tpu.memref_squeeze %dma_start3A_221 : memref<1x8x64xf32, #tpu.memory_space<vmem>> -> memref<8x64xf32, #tpu.memory_space<vmem>>
      %dma_start3A_223 = arith.constant 0 : i32
      %dma_start3A_224 = arith.constant 0 : i32
      %dma_start3A_225 = tpu.memref_slice %arg8[%squeeze3A_209, %dma_start3A_223, %dma_start3A_224] : memref<125000x8x64xf32, #tpu.memory_space<hbm>> -> memref<1x8x64xf32, #tpu.memory_space<hbm>>
      %dma_start3A_226 = tpu.memref_squeeze %dma_start3A_225 : memref<1x8x64xf32, #tpu.memory_space<hbm>> -> memref<8x64xf32, #tpu.memory_space<hbm>>
      tpu.enqueue_dma source(%dma_start3A_226 : memref<8x64xf32, #tpu.memory_space<hbm>>) target(%dma_start3A_222 : memref<8x64xf32, #tpu.memory_space<vmem>>) target_semaphore(%arg21 : memref<!tpu.dma_semaphore, #tpu.memory_space<semaphore_mem>>)
      %slice3A_227 = vector.extract_strided_slice %get3A_19 {offsets = [5], sizes = [1], strides = [1]} : vector<16xi32> to vector<1xi32>
      %squeeze3A_228 = vector.extract %slice3A_227[0] : i32 from vector<1xi32>
      %dma_start3A_229 = arith.constant 5 : i32
      %dma_start3A_230 = arith.constant 0 : i32
      %dma_start3A_231 = arith.constant 0 : i32
      %dma_start3A_232 = tpu.memref_slice %arg18[%dma_start3A_229, %dma_start3A_230, %dma_start3A_231] : memref<32x8x64xf32, #tpu.memory_space<vmem>> -> memref<1x8x64xf32, #tpu.memory_space<vmem>>
      %dma_start3A_233 = tpu.memref_squeeze %dma_start3A_232 : memref<1x8x64xf32, #tpu.memory_space<vmem>> -> memref<8x64xf32, #tpu.memory_space<vmem>>
      %dma_start3A_234 = arith.constant 0 : i32
      %dma_start3A_235 = arith.constant 0 : i32
      %dma_start3A_236 = tpu.memref_slice %arg8[%squeeze3A_228, %dma_start3A_234, %dma_start3A_235] : memref<125000x8x64xf32, #tpu.memory_space<hbm>> -> memref<1x8x64xf32, #tpu.memory_space<hbm>>
      %dma_start3A_237 = tpu.memref_squeeze %dma_start3A_236 : memref<1x8x64xf32, #tpu.memory_space<hbm>> -> memref<8x64xf32, #tpu.memory_space<hbm>>
      %dma_start3A_238 = arith.constant 0 : i32
      %dma_start3A_239 = arith.constant 0 : i32
      %dma_start3A_240 = tpu.memref_slice %arg18[%dma_start3A_229, %dma_start3A_238, %dma_start3A_239] : memref<32x8x64xf32, #tpu.memory_space<vmem>> -> memref<1x8x64xf32, #tpu.memory_space<vmem>>
      %dma_start3A_241 = tpu.memref_squeeze %dma_start3A_240 : memref<1x8x64xf32, #tpu.memory_space<vmem>> -> memref<8x64xf32, #tpu.memory_space<vmem>>
      %dma_start3A_242 = arith.constant 0 : i32
      %dma_start3A_243 = arith.constant 0 : i32
      %dma_start3A_244 = tpu.memref_slice %arg8[%squeeze3A_228, %dma_start3A_242, %dma_start3A_243] : memref<125000x8x64xf32, #tpu.memory_space<hbm>> -> memref<1x8x64xf32, #tpu.memory_space<hbm>>
      %dma_start3A_245 = tpu.memref_squeeze %dma_start3A_244 : memref<1x8x64xf32, #tpu.memory_space<hbm>> -> memref<8x64xf32, #tpu.memory_space<hbm>>
      tpu.enqueue_dma source(%dma_start3A_245 : memref<8x64xf32, #tpu.memory_space<hbm>>) target(%dma_start3A_241 : memref<8x64xf32, #tpu.memory_space<vmem>>) target_semaphore(%arg21 : memref<!tpu.dma_semaphore, #tpu.memory_space<semaphore_mem>>)
      %slice3A_246 = vector.extract_strided_slice %get3A_17 {offsets = [6], sizes = [1], strides = [1]} : vector<16xi32> to vector<1xi32>
      %squeeze3A_247 = vector.extract %slice3A_246[0] : i32 from vector<1xi32>
      %dma_start3A_248 = arith.constant 6 : i32
      %dma_start3A_249 = arith.constant 0 : i32
      %dma_start3A_250 = arith.constant 0 : i32
      %dma_start3A_251 = tpu.memref_slice %arg17[%dma_start3A_248, %dma_start3A_249, %dma_start3A_250] : memref<32x8x64xf32, #tpu.memory_space<vmem>> -> memref<1x8x64xf32, #tpu.memory_space<vmem>>
      %dma_start3A_252 = tpu.memref_squeeze %dma_start3A_251 : memref<1x8x64xf32, #tpu.memory_space<vmem>> -> memref<8x64xf32, #tpu.memory_space<vmem>>
      %dma_start3A_253 = arith.constant 0 : i32
      %dma_start3A_254 = arith.constant 0 : i32
      %dma_start3A_255 = tpu.memref_slice %arg8[%squeeze3A_247, %dma_start3A_253, %dma_start3A_254] : memref<125000x8x64xf32, #tpu.memory_space<hbm>> -> memref<1x8x64xf32, #tpu.memory_space<hbm>>
      %dma_start3A_256 = tpu.memref_squeeze %dma_start3A_255 : memref<1x8x64xf32, #tpu.memory_space<hbm>> -> memref<8x64xf32, #tpu.memory_space<hbm>>
      %dma_start3A_257 = arith.constant 0 : i32
      %dma_start3A_258 = arith.constant 0 : i32
      %dma_start3A_259 = tpu.memref_slice %arg17[%dma_start3A_248, %dma_start3A_257, %dma_start3A_258] : memref<32x8x64xf32, #tpu.memory_space<vmem>> -> memref<1x8x64xf32, #tpu.memory_space<vmem>>
      %dma_start3A_260 = tpu.memref_squeeze %dma_start3A_259 : memref<1x8x64xf32, #tpu.memory_space<vmem>> -> memref<8x64xf32, #tpu.memory_space<vmem>>
      %dma_start3A_261 = arith.constant 0 : i32
      %dma_start3A_262 = arith.constant 0 : i32
      %dma_start3A_263 = tpu.memref_slice %arg8[%squeeze3A_247, %dma_start3A_261, %dma_start3A_262] : memref<125000x8x64xf32, #tpu.memory_space<hbm>> -> memref<1x8x64xf32, #tpu.memory_space<hbm>>
      %dma_start3A_264 = tpu.memref_squeeze %dma_start3A_263 : memref<1x8x64xf32, #tpu.memory_space<hbm>> -> memref<8x64xf32, #tpu.memory_space<hbm>>
      tpu.enqueue_dma source(%dma_start3A_264 : memref<8x64xf32, #tpu.memory_space<hbm>>) target(%dma_start3A_260 : memref<8x64xf32, #tpu.memory_space<vmem>>) target_semaphore(%arg21 : memref<!tpu.dma_semaphore, #tpu.memory_space<semaphore_mem>>)
      %slice3A_265 = vector.extract_strided_slice %get3A_19 {offsets = [6], sizes = [1], strides = [1]} : vector<16xi32> to vector<1xi32>
      %squeeze3A_266 = vector.extract %slice3A_265[0] : i32 from vector<1xi32>
      %dma_start3A_267 = arith.constant 6 : i32
      %dma_start3A_268 = arith.constant 0 : i32
      %dma_start3A_269 = arith.constant 0 : i32
      %dma_start3A_270 = tpu.memref_slice %arg18[%dma_start3A_267, %dma_start3A_268, %dma_start3A_269] : memref<32x8x64xf32, #tpu.memory_space<vmem>> -> memref<1x8x64xf32, #tpu.memory_space<vmem>>
      %dma_start3A_271 = tpu.memref_squeeze %dma_start3A_270 : memref<1x8x64xf32, #tpu.memory_space<vmem>> -> memref<8x64xf32, #tpu.memory_space<vmem>>
      %dma_start3A_272 = arith.constant 0 : i32
      %dma_start3A_273 = arith.constant 0 : i32
      %dma_start3A_274 = tpu.memref_slice %arg8[%squeeze3A_266, %dma_start3A_272, %dma_start3A_273] : memref<125000x8x64xf32, #tpu.memory_space<hbm>> -> memref<1x8x64xf32, #tpu.memory_space<hbm>>
      %dma_start3A_275 = tpu.memref_squeeze %dma_start3A_274 : memref<1x8x64xf32, #tpu.memory_space<hbm>> -> memref<8x64xf32, #tpu.memory_space<hbm>>
      %dma_start3A_276 = arith.constant 0 : i32
      %dma_start3A_277 = arith.constant 0 : i32
      %dma_start3A_278 = tpu.memref_slice %arg18[%dma_start3A_267, %dma_start3A_276, %dma_start3A_277] : memref<32x8x64xf32, #tpu.memory_space<vmem>> -> memref<1x8x64xf32, #tpu.memory_space<vmem>>
      %dma_start3A_279 = tpu.memref_squeeze %dma_start3A_278 : memref<1x8x64xf32, #tpu.memory_space<vmem>> -> memref<8x64xf32, #tpu.memory_space<vmem>>
      %dma_start3A_280 = arith.constant 0 : i32
      %dma_start3A_281 = arith.constant 0 : i32
      %dma_start3A_282 = tpu.memref_slice %arg8[%squeeze3A_266, %dma_start3A_280, %dma_start3A_281] : memref<125000x8x64xf32, #tpu.memory_space<hbm>> -> memref<1x8x64xf32, #tpu.memory_space<hbm>>
      %dma_start3A_283 = tpu.memref_squeeze %dma_start3A_282 : memref<1x8x64xf32, #tpu.memory_space<hbm>> -> memref<8x64xf32, #tpu.memory_space<hbm>>
      tpu.enqueue_dma source(%dma_start3A_283 : memref<8x64xf32, #tpu.memory_space<hbm>>) target(%dma_start3A_279 : memref<8x64xf32, #tpu.memory_space<vmem>>) target_semaphore(%arg21 : memref<!tpu.dma_semaphore, #tpu.memory_space<semaphore_mem>>)
      %slice3A_284 = vector.extract_strided_slice %get3A_17 {offsets = [7], sizes = [1], strides = [1]} : vector<16xi32> to vector<1xi32>
      %squeeze3A_285 = vector.extract %slice3A_284[0] : i32 from vector<1xi32>
      %dma_start3A_286 = arith.constant 7 : i32
      %dma_start3A_287 = arith.constant 0 : i32
      %dma_start3A_288 = arith.constant 0 : i32
      %dma_start3A_289 = tpu.memref_slice %arg17[%dma_start3A_286, %dma_start3A_287, %dma_start3A_288] : memref<32x8x64xf32, #tpu.memory_space<vmem>> -> memref<1x8x64xf32, #tpu.memory_space<vmem>>
      %dma_start3A_290 = tpu.memref_squeeze %dma_start3A_289 : memref<1x8x64xf32, #tpu.memory_space<vmem>> -> memref<8x64xf32, #tpu.memory_space<vmem>>
      %dma_start3A_291 = arith.constant 0 : i32
      %dma_start3A_292 = arith.constant 0 : i32
      %dma_start3A_293 = tpu.memref_slice %arg8[%squeeze3A_285, %dma_start3A_291, %dma_start3A_292] : memref<125000x8x64xf32, #tpu.memory_space<hbm>> -> memref<1x8x64xf32, #tpu.memory_space<hbm>>
      %dma_start3A_294 = tpu.memref_squeeze %dma_start3A_293 : memref<1x8x64xf32, #tpu.memory_space<hbm>> -> memref<8x64xf32, #tpu.memory_space<hbm>>
      %dma_start3A_295 = arith.constant 0 : i32
      %dma_start3A_296 = arith.constant 0 : i32
      %dma_start3A_297 = tpu.memref_slice %arg17[%dma_start3A_286, %dma_start3A_295, %dma_start3A_296] : memref<32x8x64xf32, #tpu.memory_space<vmem>> -> memref<1x8x64xf32, #tpu.memory_space<vmem>>
      %dma_start3A_298 = tpu.memref_squeeze %dma_start3A_297 : memref<1x8x64xf32, #tpu.memory_space<vmem>> -> memref<8x64xf32, #tpu.memory_space<vmem>>
      %dma_start3A_299 = arith.constant 0 : i32
      %dma_start3A_300 = arith.constant 0 : i32
      %dma_start3A_301 = tpu.memref_slice %arg8[%squeeze3A_285, %dma_start3A_299, %dma_start3A_300] : memref<125000x8x64xf32, #tpu.memory_space<hbm>> -> memref<1x8x64xf32, #tpu.memory_space<hbm>>
      %dma_start3A_302 = tpu.memref_squeeze %dma_start3A_301 : memref<1x8x64xf32, #tpu.memory_space<hbm>> -> memref<8x64xf32, #tpu.memory_space<hbm>>
      tpu.enqueue_dma source(%dma_start3A_302 : memref<8x64xf32, #tpu.memory_space<hbm>>) target(%dma_start3A_298 : memref<8x64xf32, #tpu.memory_space<vmem>>) target_semaphore(%arg21 : memref<!tpu.dma_semaphore, #tpu.memory_space<semaphore_mem>>)
      %slice3A_303 = vector.extract_strided_slice %get3A_19 {offsets = [7], sizes = [1], strides = [1]} : vector<16xi32> to vector<1xi32>
      %squeeze3A_304 = vector.extract %slice3A_303[0] : i32 from vector<1xi32>
      %dma_start3A_305 = arith.constant 7 : i32
      %dma_start3A_306 = arith.constant 0 : i32
      %dma_start3A_307 = arith.constant 0 : i32
      %dma_start3A_308 = tpu.memref_slice %arg18[%dma_start3A_305, %dma_start3A_306, %dma_start3A_307] : memref<32x8x64xf32, #tpu.memory_space<vmem>> -> memref<1x8x64xf32, #tpu.memory_space<vmem>>
      %dma_start3A_309 = tpu.memref_squeeze %dma_start3A_308 : memref<1x8x64xf32, #tpu.memory_space<vmem>> -> memref<8x64xf32, #tpu.memory_space<vmem>>
      %dma_start3A_310 = arith.constant 0 : i32
      %dma_start3A_311 = arith.constant 0 : i32
      %dma_start3A_312 = tpu.memref_slice %arg8[%squeeze3A_304, %dma_start3A_310, %dma_start3A_311] : memref<125000x8x64xf32, #tpu.memory_space<hbm>> -> memref<1x8x64xf32, #tpu.memory_space<hbm>>
      %dma_start3A_313 = tpu.memref_squeeze %dma_start3A_312 : memref<1x8x64xf32, #tpu.memory_space<hbm>> -> memref<8x64xf32, #tpu.memory_space<hbm>>
      %dma_start3A_314 = arith.constant 0 : i32
      %dma_start3A_315 = arith.constant 0 : i32
      %dma_start3A_316 = tpu.memref_slice %arg18[%dma_start3A_305, %dma_start3A_314, %dma_start3A_315] : memref<32x8x64xf32, #tpu.memory_space<vmem>> -> memref<1x8x64xf32, #tpu.memory_space<vmem>>
      %dma_start3A_317 = tpu.memref_squeeze %dma_start3A_316 : memref<1x8x64xf32, #tpu.memory_space<vmem>> -> memref<8x64xf32, #tpu.memory_space<vmem>>
      %dma_start3A_318 = arith.constant 0 : i32
      %dma_start3A_319 = arith.constant 0 : i32
      %dma_start3A_320 = tpu.memref_slice %arg8[%squeeze3A_304, %dma_start3A_318, %dma_start3A_319] : memref<125000x8x64xf32, #tpu.memory_space<hbm>> -> memref<1x8x64xf32, #tpu.memory_space<hbm>>
      %dma_start3A_321 = tpu.memref_squeeze %dma_start3A_320 : memref<1x8x64xf32, #tpu.memory_space<hbm>> -> memref<8x64xf32, #tpu.memory_space<hbm>>
      tpu.enqueue_dma source(%dma_start3A_321 : memref<8x64xf32, #tpu.memory_space<hbm>>) target(%dma_start3A_317 : memref<8x64xf32, #tpu.memory_space<vmem>>) target_semaphore(%arg21 : memref<!tpu.dma_semaphore, #tpu.memory_space<semaphore_mem>>)
      %slice3A_322 = vector.extract_strided_slice %get3A_17 {offsets = [8], sizes = [1], strides = [1]} : vector<16xi32> to vector<1xi32>
      %squeeze3A_323 = vector.extract %slice3A_322[0] : i32 from vector<1xi32>
      %dma_start3A_324 = arith.constant 8 : i32
      %dma_start3A_325 = arith.constant 0 : i32
      %dma_start3A_326 = arith.constant 0 : i32
      %dma_start3A_327 = tpu.memref_slice %arg17[%dma_start3A_324, %dma_start3A_325, %dma_start3A_326] : memref<32x8x64xf32, #tpu.memory_space<vmem>> -> memref<1x8x64xf32, #tpu.memory_space<vmem>>
      %dma_start3A_328 = tpu.memref_squeeze %dma_start3A_327 : memref<1x8x64xf32, #tpu.memory_space<vmem>> -> memref<8x64xf32, #tpu.memory_space<vmem>>
      %dma_start3A_329 = arith.constant 0 : i32
      %dma_start3A_330 = arith.constant 0 : i32
      %dma_start3A_331 = tpu.memref_slice %arg8[%squeeze3A_323, %dma_start3A_329, %dma_start3A_330] : memref<125000x8x64xf32, #tpu.memory_space<hbm>> -> memref<1x8x64xf32, #tpu.memory_space<hbm>>
      %dma_start3A_332 = tpu.memref_squeeze %dma_start3A_331 : memref<1x8x64xf32, #tpu.memory_space<hbm>> -> memref<8x64xf32, #tpu.memory_space<hbm>>
      %dma_start3A_333 = arith.constant 0 : i32
      %dma_start3A_334 = arith.constant 0 : i32
      %dma_start3A_335 = tpu.memref_slice %arg17[%dma_start3A_324, %dma_start3A_333, %dma_start3A_334] : memref<32x8x64xf32, #tpu.memory_space<vmem>> -> memref<1x8x64xf32, #tpu.memory_space<vmem>>
      %dma_start3A_336 = tpu.memref_squeeze %dma_start3A_335 : memref<1x8x64xf32, #tpu.memory_space<vmem>> -> memref<8x64xf32, #tpu.memory_space<vmem>>
      %dma_start3A_337 = arith.constant 0 : i32
      %dma_start3A_338 = arith.constant 0 : i32
      %dma_start3A_339 = tpu.memref_slice %arg8[%squeeze3A_323, %dma_start3A_337, %dma_start3A_338] : memref<125000x8x64xf32, #tpu.memory_space<hbm>> -> memref<1x8x64xf32, #tpu.memory_space<hbm>>
      %dma_start3A_340 = tpu.memref_squeeze %dma_start3A_339 : memref<1x8x64xf32, #tpu.memory_space<hbm>> -> memref<8x64xf32, #tpu.memory_space<hbm>>
      tpu.enqueue_dma source(%dma_start3A_340 : memref<8x64xf32, #tpu.memory_space<hbm>>) target(%dma_start3A_336 : memref<8x64xf32, #tpu.memory_space<vmem>>) target_semaphore(%arg21 : memref<!tpu.dma_semaphore, #tpu.memory_space<semaphore_mem>>)
      %slice3A_341 = vector.extract_strided_slice %get3A_19 {offsets = [8], sizes = [1], strides = [1]} : vector<16xi32> to vector<1xi32>
      %squeeze3A_342 = vector.extract %slice3A_341[0] : i32 from vector<1xi32>
      %dma_start3A_343 = arith.constant 8 : i32
      %dma_start3A_344 = arith.constant 0 : i32
      %dma_start3A_345 = arith.constant 0 : i32
      %dma_start3A_346 = tpu.memref_slice %arg18[%dma_start3A_343, %dma_start3A_344, %dma_start3A_345] : memref<32x8x64xf32, #tpu.memory_space<vmem>> -> memref<1x8x64xf32, #tpu.memory_space<vmem>>
      %dma_start3A_347 = tpu.memref_squeeze %dma_start3A_346 : memref<1x8x64xf32, #tpu.memory_space<vmem>> -> memref<8x64xf32, #tpu.memory_space<vmem>>
      %dma_start3A_348 = arith.constant 0 : i32
      %dma_start3A_349 = arith.constant 0 : i32
      %dma_start3A_350 = tpu.memref_slice %arg8[%squeeze3A_342, %dma_start3A_348, %dma_start3A_349] : memref<125000x8x64xf32, #tpu.memory_space<hbm>> -> memref<1x8x64xf32, #tpu.memory_space<hbm>>
      %dma_start3A_351 = tpu.memref_squeeze %dma_start3A_350 : memref<1x8x64xf32, #tpu.memory_space<hbm>> -> memref<8x64xf32, #tpu.memory_space<hbm>>
      %dma_start3A_352 = arith.constant 0 : i32
      %dma_start3A_353 = arith.constant 0 : i32
      %dma_start3A_354 = tpu.memref_slice %arg18[%dma_start3A_343, %dma_start3A_352, %dma_start3A_353] : memref<32x8x64xf32, #tpu.memory_space<vmem>> -> memref<1x8x64xf32, #tpu.memory_space<vmem>>
      %dma_start3A_355 = tpu.memref_squeeze %dma_start3A_354 : memref<1x8x64xf32, #tpu.memory_space<vmem>> -> memref<8x64xf32, #tpu.memory_space<vmem>>
      %dma_start3A_356 = arith.constant 0 : i32
      %dma_start3A_357 = arith.constant 0 : i32
      %dma_start3A_358 = tpu.memref_slice %arg8[%squeeze3A_342, %dma_start3A_356, %dma_start3A_357] : memref<125000x8x64xf32, #tpu.memory_space<hbm>> -> memref<1x8x64xf32, #tpu.memory_space<hbm>>
      %dma_start3A_359 = tpu.memref_squeeze %dma_start3A_358 : memref<1x8x64xf32, #tpu.memory_space<hbm>> -> memref<8x64xf32, #tpu.memory_space<hbm>>
      tpu.enqueue_dma source(%dma_start3A_359 : memref<8x64xf32, #tpu.memory_space<hbm>>) target(%dma_start3A_355 : memref<8x64xf32, #tpu.memory_space<vmem>>) target_semaphore(%arg21 : memref<!tpu.dma_semaphore, #tpu.memory_space<semaphore_mem>>)
      %slice3A_360 = vector.extract_strided_slice %get3A_17 {offsets = [9], sizes = [1], strides = [1]} : vector<16xi32> to vector<1xi32>
      %squeeze3A_361 = vector.extract %slice3A_360[0] : i32 from vector<1xi32>
      %dma_start3A_362 = arith.constant 9 : i32
      %dma_start3A_363 = arith.constant 0 : i32
      %dma_start3A_364 = arith.constant 0 : i32
      %dma_start3A_365 = tpu.memref_slice %arg17[%dma_start3A_362, %dma_start3A_363, %dma_start3A_364] : memref<32x8x64xf32, #tpu.memory_space<vmem>> -> memref<1x8x64xf32, #tpu.memory_space<vmem>>
      %dma_start3A_366 = tpu.memref_squeeze %dma_start3A_365 : memref<1x8x64xf32, #tpu.memory_space<vmem>> -> memref<8x64xf32, #tpu.memory_space<vmem>>
      %dma_start3A_367 = arith.constant 0 : i32
      %dma_start3A_368 = arith.constant 0 : i32
      %dma_start3A_369 = tpu.memref_slice %arg8[%squeeze3A_361, %dma_start3A_367, %dma_start3A_368] : memref<125000x8x64xf32, #tpu.memory_space<hbm>> -> memref<1x8x64xf32, #tpu.memory_space<hbm>>
      %dma_start3A_370 = tpu.memref_squeeze %dma_start3A_369 : memref<1x8x64xf32, #tpu.memory_space<hbm>> -> memref<8x64xf32, #tpu.memory_space<hbm>>
      %dma_start3A_371 = arith.constant 0 : i32
      %dma_start3A_372 = arith.constant 0 : i32
      %dma_start3A_373 = tpu.memref_slice %arg17[%dma_start3A_362, %dma_start3A_371, %dma_start3A_372] : memref<32x8x64xf32, #tpu.memory_space<vmem>> -> memref<1x8x64xf32, #tpu.memory_space<vmem>>
      %dma_start3A_374 = tpu.memref_squeeze %dma_start3A_373 : memref<1x8x64xf32, #tpu.memory_space<vmem>> -> memref<8x64xf32, #tpu.memory_space<vmem>>
      %dma_start3A_375 = arith.constant 0 : i32
      %dma_start3A_376 = arith.constant 0 : i32
      %dma_start3A_377 = tpu.memref_slice %arg8[%squeeze3A_361, %dma_start3A_375, %dma_start3A_376] : memref<125000x8x64xf32, #tpu.memory_space<hbm>> -> memref<1x8x64xf32, #tpu.memory_space<hbm>>
      %dma_start3A_378 = tpu.memref_squeeze %dma_start3A_377 : memref<1x8x64xf32, #tpu.memory_space<hbm>> -> memref<8x64xf32, #tpu.memory_space<hbm>>
      tpu.enqueue_dma source(%dma_start3A_378 : memref<8x64xf32, #tpu.memory_space<hbm>>) target(%dma_start3A_374 : memref<8x64xf32, #tpu.memory_space<vmem>>) target_semaphore(%arg21 : memref<!tpu.dma_semaphore, #tpu.memory_space<semaphore_mem>>)
      %slice3A_379 = vector.extract_strided_slice %get3A_19 {offsets = [9], sizes = [1], strides = [1]} : vector<16xi32> to vector<1xi32>
      %squeeze3A_380 = vector.extract %slice3A_379[0] : i32 from vector<1xi32>
      %dma_start3A_381 = arith.constant 9 : i32
      %dma_start3A_382 = arith.constant 0 : i32
      %dma_start3A_383 = arith.constant 0 : i32
      %dma_start3A_384 = tpu.memref_slice %arg18[%dma_start3A_381, %dma_start3A_382, %dma_start3A_383] : memref<32x8x64xf32, #tpu.memory_space<vmem>> -> memref<1x8x64xf32, #tpu.memory_space<vmem>>
      %dma_start3A_385 = tpu.memref_squeeze %dma_start3A_384 : memref<1x8x64xf32, #tpu.memory_space<vmem>> -> memref<8x64xf32, #tpu.memory_space<vmem>>
      %dma_start3A_386 = arith.constant 0 : i32
      %dma_start3A_387 = arith.constant 0 : i32
      %dma_start3A_388 = tpu.memref_slice %arg8[%squeeze3A_380, %dma_start3A_386, %dma_start3A_387] : memref<125000x8x64xf32, #tpu.memory_space<hbm>> -> memref<1x8x64xf32, #tpu.memory_space<hbm>>
      %dma_start3A_389 = tpu.memref_squeeze %dma_start3A_388 : memref<1x8x64xf32, #tpu.memory_space<hbm>> -> memref<8x64xf32, #tpu.memory_space<hbm>>
      %dma_start3A_390 = arith.constant 0 : i32
      %dma_start3A_391 = arith.constant 0 : i32
      %dma_start3A_392 = tpu.memref_slice %arg18[%dma_start3A_381, %dma_start3A_390, %dma_start3A_391] : memref<32x8x64xf32, #tpu.memory_space<vmem>> -> memref<1x8x64xf32, #tpu.memory_space<vmem>>
      %dma_start3A_393 = tpu.memref_squeeze %dma_start3A_392 : memref<1x8x64xf32, #tpu.memory_space<vmem>> -> memref<8x64xf32, #tpu.memory_space<vmem>>
      %dma_start3A_394 = arith.constant 0 : i32
      %dma_start3A_395 = arith.constant 0 : i32
      %dma_start3A_396 = tpu.memref_slice %arg8[%squeeze3A_380, %dma_start3A_394, %dma_start3A_395] : memref<125000x8x64xf32, #tpu.memory_space<hbm>> -> memref<1x8x64xf32, #tpu.memory_space<hbm>>
      %dma_start3A_397 = tpu.memref_squeeze %dma_start3A_396 : memref<1x8x64xf32, #tpu.memory_space<hbm>> -> memref<8x64xf32, #tpu.memory_space<hbm>>
      tpu.enqueue_dma source(%dma_start3A_397 : memref<8x64xf32, #tpu.memory_space<hbm>>) target(%dma_start3A_393 : memref<8x64xf32, #tpu.memory_space<vmem>>) target_semaphore(%arg21 : memref<!tpu.dma_semaphore, #tpu.memory_space<semaphore_mem>>)
      %slice3A_398 = vector.extract_strided_slice %get3A_17 {offsets = [10], sizes = [1], strides = [1]} : vector<16xi32> to vector<1xi32>
      %squeeze3A_399 = vector.extract %slice3A_398[0] : i32 from vector<1xi32>
      %dma_start3A_400 = arith.constant 10 : i32
      %dma_start3A_401 = arith.constant 0 : i32
      %dma_start3A_402 = arith.constant 0 : i32
      %dma_start3A_403 = tpu.memref_slice %arg17[%dma_start3A_400, %dma_start3A_401, %dma_start3A_402] : memref<32x8x64xf32, #tpu.memory_space<vmem>> -> memref<1x8x64xf32, #tpu.memory_space<vmem>>
      %dma_start3A_404 = tpu.memref_squeeze %dma_start3A_403 : memref<1x8x64xf32, #tpu.memory_space<vmem>> -> memref<8x64xf32, #tpu.memory_space<vmem>>
      %dma_start3A_405 = arith.constant 0 : i32
      %dma_start3A_406 = arith.constant 0 : i32
      %dma_start3A_407 = tpu.memref_slice %arg8[%squeeze3A_399, %dma_start3A_405, %dma_start3A_406] : memref<125000x8x64xf32, #tpu.memory_space<hbm>> -> memref<1x8x64xf32, #tpu.memory_space<hbm>>
      %dma_start3A_408 = tpu.memref_squeeze %dma_start3A_407 : memref<1x8x64xf32, #tpu.memory_space<hbm>> -> memref<8x64xf32, #tpu.memory_space<hbm>>
      %dma_start3A_409 = arith.constant 0 : i32
      %dma_start3A_410 = arith.constant 0 : i32
      %dma_start3A_411 = tpu.memref_slice %arg17[%dma_start3A_400, %dma_start3A_409, %dma_start3A_410] : memref<32x8x64xf32, #tpu.memory_space<vmem>> -> memref<1x8x64xf32, #tpu.memory_space<vmem>>
      %dma_start3A_412 = tpu.memref_squeeze %dma_start3A_411 : memref<1x8x64xf32, #tpu.memory_space<vmem>> -> memref<8x64xf32, #tpu.memory_space<vmem>>
      %dma_start3A_413 = arith.constant 0 : i32
      %dma_start3A_414 = arith.constant 0 : i32
      %dma_start3A_415 = tpu.memref_slice %arg8[%squeeze3A_399, %dma_start3A_413, %dma_start3A_414] : memref<125000x8x64xf32, #tpu.memory_space<hbm>> -> memref<1x8x64xf32, #tpu.memory_space<hbm>>
      %dma_start3A_416 = tpu.memref_squeeze %dma_start3A_415 : memref<1x8x64xf32, #tpu.memory_space<hbm>> -> memref<8x64xf32, #tpu.memory_space<hbm>>
      tpu.enqueue_dma source(%dma_start3A_416 : memref<8x64xf32, #tpu.memory_space<hbm>>) target(%dma_start3A_412 : memref<8x64xf32, #tpu.memory_space<vmem>>) target_semaphore(%arg21 : memref<!tpu.dma_semaphore, #tpu.memory_space<semaphore_mem>>)
      %slice3A_417 = vector.extract_strided_slice %get3A_19 {offsets = [10], sizes = [1], strides = [1]} : vector<16xi32> to vector<1xi32>
      %squeeze3A_418 = vector.extract %slice3A_417[0] : i32 from vector<1xi32>
      %dma_start3A_419 = arith.constant 10 : i32
      %dma_start3A_420 = arith.constant 0 : i32
      %dma_start3A_421 = arith.constant 0 : i32
      %dma_start3A_422 = tpu.memref_slice %arg18[%dma_start3A_419, %dma_start3A_420, %dma_start3A_421] : memref<32x8x64xf32, #tpu.memory_space<vmem>> -> memref<1x8x64xf32, #tpu.memory_space<vmem>>
      %dma_start3A_423 = tpu.memref_squeeze %dma_start3A_422 : memref<1x8x64xf32, #tpu.memory_space<vmem>> -> memref<8x64xf32, #tpu.memory_space<vmem>>
      %dma_start3A_424 = arith.constant 0 : i32
      %dma_start3A_425 = arith.constant 0 : i32
      %dma_start3A_426 = tpu.memref_slice %arg8[%squeeze3A_418, %dma_start3A_424, %dma_start3A_425] : memref<125000x8x64xf32, #tpu.memory_space<hbm>> -> memref<1x8x64xf32, #tpu.memory_space<hbm>>
      %dma_start3A_427 = tpu.memref_squeeze %dma_start3A_426 : memref<1x8x64xf32, #tpu.memory_space<hbm>> -> memref<8x64xf32, #tpu.memory_space<hbm>>
      %dma_start3A_428 = arith.constant 0 : i32
      %dma_start3A_429 = arith.constant 0 : i32
      %dma_start3A_430 = tpu.memref_slice %arg18[%dma_start3A_419, %dma_start3A_428, %dma_start3A_429] : memref<32x8x64xf32, #tpu.memory_space<vmem>> -> memref<1x8x64xf32, #tpu.memory_space<vmem>>
      %dma_start3A_431 = tpu.memref_squeeze %dma_start3A_430 : memref<1x8x64xf32, #tpu.memory_space<vmem>> -> memref<8x64xf32, #tpu.memory_space<vmem>>
      %dma_start3A_432 = arith.constant 0 : i32
      %dma_start3A_433 = arith.constant 0 : i32
      %dma_start3A_434 = tpu.memref_slice %arg8[%squeeze3A_418, %dma_start3A_432, %dma_start3A_433] : memref<125000x8x64xf32, #tpu.memory_space<hbm>> -> memref<1x8x64xf32, #tpu.memory_space<hbm>>
      %dma_start3A_435 = tpu.memref_squeeze %dma_start3A_434 : memref<1x8x64xf32, #tpu.memory_space<hbm>> -> memref<8x64xf32, #tpu.memory_space<hbm>>
      tpu.enqueue_dma source(%dma_start3A_435 : memref<8x64xf32, #tpu.memory_space<hbm>>) target(%dma_start3A_431 : memref<8x64xf32, #tpu.memory_space<vmem>>) target_semaphore(%arg21 : memref<!tpu.dma_semaphore, #tpu.memory_space<semaphore_mem>>)
      %slice3A_436 = vector.extract_strided_slice %get3A_17 {offsets = [11], sizes = [1], strides = [1]} : vector<16xi32> to vector<1xi32>
      %squeeze3A_437 = vector.extract %slice3A_436[0] : i32 from vector<1xi32>
      %dma_start3A_438 = arith.constant 11 : i32
      %dma_start3A_439 = arith.constant 0 : i32
      %dma_start3A_440 = arith.constant 0 : i32
      %dma_start3A_441 = tpu.memref_slice %arg17[%dma_start3A_438, %dma_start3A_439, %dma_start3A_440] : memref<32x8x64xf32, #tpu.memory_space<vmem>> -> memref<1x8x64xf32, #tpu.memory_space<vmem>>
      %dma_start3A_442 = tpu.memref_squeeze %dma_start3A_441 : memref<1x8x64xf32, #tpu.memory_space<vmem>> -> memref<8x64xf32, #tpu.memory_space<vmem>>
      %dma_start3A_443 = arith.constant 0 : i32
      %dma_start3A_444 = arith.constant 0 : i32
      %dma_start3A_445 = tpu.memref_slice %arg8[%squeeze3A_437, %dma_start3A_443, %dma_start3A_444] : memref<125000x8x64xf32, #tpu.memory_space<hbm>> -> memref<1x8x64xf32, #tpu.memory_space<hbm>>
      %dma_start3A_446 = tpu.memref_squeeze %dma_start3A_445 : memref<1x8x64xf32, #tpu.memory_space<hbm>> -> memref<8x64xf32, #tpu.memory_space<hbm>>
      %dma_start3A_447 = arith.constant 0 : i32
      %dma_start3A_448 = arith.constant 0 : i32
      %dma_start3A_449 = tpu.memref_slice %arg17[%dma_start3A_438, %dma_start3A_447, %dma_start3A_448] : memref<32x8x64xf32, #tpu.memory_space<vmem>> -> memref<1x8x64xf32, #tpu.memory_space<vmem>>
      %dma_start3A_450 = tpu.memref_squeeze %dma_start3A_449 : memref<1x8x64xf32, #tpu.memory_space<vmem>> -> memref<8x64xf32, #tpu.memory_space<vmem>>
      %dma_start3A_451 = arith.constant 0 : i32
      %dma_start3A_452 = arith.constant 0 : i32
      %dma_start3A_453 = tpu.memref_slice %arg8[%squeeze3A_437, %dma_start3A_451, %dma_start3A_452] : memref<125000x8x64xf32, #tpu.memory_space<hbm>> -> memref<1x8x64xf32, #tpu.memory_space<hbm>>
      %dma_start3A_454 = tpu.memref_squeeze %dma_start3A_453 : memref<1x8x64xf32, #tpu.memory_space<hbm>> -> memref<8x64xf32, #tpu.memory_space<hbm>>
      tpu.enqueue_dma source(%dma_start3A_454 : memref<8x64xf32, #tpu.memory_space<hbm>>) target(%dma_start3A_450 : memref<8x64xf32, #tpu.memory_space<vmem>>) target_semaphore(%arg21 : memref<!tpu.dma_semaphore, #tpu.memory_space<semaphore_mem>>)
      %slice3A_455 = vector.extract_strided_slice %get3A_19 {offsets = [11], sizes = [1], strides = [1]} : vector<16xi32> to vector<1xi32>
      %squeeze3A_456 = vector.extract %slice3A_455[0] : i32 from vector<1xi32>
      %dma_start3A_457 = arith.constant 11 : i32
      %dma_start3A_458 = arith.constant 0 : i32
      %dma_start3A_459 = arith.constant 0 : i32
      %dma_start3A_460 = tpu.memref_slice %arg18[%dma_start3A_457, %dma_start3A_458, %dma_start3A_459] : memref<32x8x64xf32, #tpu.memory_space<vmem>> -> memref<1x8x64xf32, #tpu.memory_space<vmem>>
      %dma_start3A_461 = tpu.memref_squeeze %dma_start3A_460 : memref<1x8x64xf32, #tpu.memory_space<vmem>> -> memref<8x64xf32, #tpu.memory_space<vmem>>
      %dma_start3A_462 = arith.constant 0 : i32
      %dma_start3A_463 = arith.constant 0 : i32
      %dma_start3A_464 = tpu.memref_slice %arg8[%squeeze3A_456, %dma_start3A_462, %dma_start3A_463] : memref<125000x8x64xf32, #tpu.memory_space<hbm>> -> memref<1x8x64xf32, #tpu.memory_space<hbm>>
      %dma_start3A_465 = tpu.memref_squeeze %dma_start3A_464 : memref<1x8x64xf32, #tpu.memory_space<hbm>> -> memref<8x64xf32, #tpu.memory_space<hbm>>
      %dma_start3A_466 = arith.constant 0 : i32
      %dma_start3A_467 = arith.constant 0 : i32
      %dma_start3A_468 = tpu.memref_slice %arg18[%dma_start3A_457, %dma_start3A_466, %dma_start3A_467] : memref<32x8x64xf32, #tpu.memory_space<vmem>> -> memref<1x8x64xf32, #tpu.memory_space<vmem>>
      %dma_start3A_469 = tpu.memref_squeeze %dma_start3A_468 : memref<1x8x64xf32, #tpu.memory_space<vmem>> -> memref<8x64xf32, #tpu.memory_space<vmem>>
      %dma_start3A_470 = arith.constant 0 : i32
      %dma_start3A_471 = arith.constant 0 : i32
      %dma_start3A_472 = tpu.memref_slice %arg8[%squeeze3A_456, %dma_start3A_470, %dma_start3A_471] : memref<125000x8x64xf32, #tpu.memory_space<hbm>> -> memref<1x8x64xf32, #tpu.memory_space<hbm>>
      %dma_start3A_473 = tpu.memref_squeeze %dma_start3A_472 : memref<1x8x64xf32, #tpu.memory_space<hbm>> -> memref<8x64xf32, #tpu.memory_space<hbm>>
      tpu.enqueue_dma source(%dma_start3A_473 : memref<8x64xf32, #tpu.memory_space<hbm>>) target(%dma_start3A_469 : memref<8x64xf32, #tpu.memory_space<vmem>>) target_semaphore(%arg21 : memref<!tpu.dma_semaphore, #tpu.memory_space<semaphore_mem>>)
      %slice3A_474 = vector.extract_strided_slice %get3A_17 {offsets = [12], sizes = [1], strides = [1]} : vector<16xi32> to vector<1xi32>
      %squeeze3A_475 = vector.extract %slice3A_474[0] : i32 from vector<1xi32>
      %dma_start3A_476 = arith.constant 12 : i32
      %dma_start3A_477 = arith.constant 0 : i32
      %dma_start3A_478 = arith.constant 0 : i32
      %dma_start3A_479 = tpu.memref_slice %arg17[%dma_start3A_476, %dma_start3A_477, %dma_start3A_478] : memref<32x8x64xf32, #tpu.memory_space<vmem>> -> memref<1x8x64xf32, #tpu.memory_space<vmem>>
      %dma_start3A_480 = tpu.memref_squeeze %dma_start3A_479 : memref<1x8x64xf32, #tpu.memory_space<vmem>> -> memref<8x64xf32, #tpu.memory_space<vmem>>
      %dma_start3A_481 = arith.constant 0 : i32
      %dma_start3A_482 = arith.constant 0 : i32
      %dma_start3A_483 = tpu.memref_slice %arg8[%squeeze3A_475, %dma_start3A_481, %dma_start3A_482] : memref<125000x8x64xf32, #tpu.memory_space<hbm>> -> memref<1x8x64xf32, #tpu.memory_space<hbm>>
      %dma_start3A_484 = tpu.memref_squeeze %dma_start3A_483 : memref<1x8x64xf32, #tpu.memory_space<hbm>> -> memref<8x64xf32, #tpu.memory_space<hbm>>
      %dma_start3A_485 = arith.constant 0 : i32
      %dma_start3A_486 = arith.constant 0 : i32
      %dma_start3A_487 = tpu.memref_slice %arg17[%dma_start3A_476, %dma_start3A_485, %dma_start3A_486] : memref<32x8x64xf32, #tpu.memory_space<vmem>> -> memref<1x8x64xf32, #tpu.memory_space<vmem>>
      %dma_start3A_488 = tpu.memref_squeeze %dma_start3A_487 : memref<1x8x64xf32, #tpu.memory_space<vmem>> -> memref<8x64xf32, #tpu.memory_space<vmem>>
      %dma_start3A_489 = arith.constant 0 : i32
      %dma_start3A_490 = arith.constant 0 : i32
      %dma_start3A_491 = tpu.memref_slice %arg8[%squeeze3A_475, %dma_start3A_489, %dma_start3A_490] : memref<125000x8x64xf32, #tpu.memory_space<hbm>> -> memref<1x8x64xf32, #tpu.memory_space<hbm>>
      %dma_start3A_492 = tpu.memref_squeeze %dma_start3A_491 : memref<1x8x64xf32, #tpu.memory_space<hbm>> -> memref<8x64xf32, #tpu.memory_space<hbm>>
      tpu.enqueue_dma source(%dma_start3A_492 : memref<8x64xf32, #tpu.memory_space<hbm>>) target(%dma_start3A_488 : memref<8x64xf32, #tpu.memory_space<vmem>>) target_semaphore(%arg21 : memref<!tpu.dma_semaphore, #tpu.memory_space<semaphore_mem>>)
      %slice3A_493 = vector.extract_strided_slice %get3A_19 {offsets = [12], sizes = [1], strides = [1]} : vector<16xi32> to vector<1xi32>
      %squeeze3A_494 = vector.extract %slice3A_493[0] : i32 from vector<1xi32>
      %dma_start3A_495 = arith.constant 12 : i32
      %dma_start3A_496 = arith.constant 0 : i32
      %dma_start3A_497 = arith.constant 0 : i32
      %dma_start3A_498 = tpu.memref_slice %arg18[%dma_start3A_495, %dma_start3A_496, %dma_start3A_497] : memref<32x8x64xf32, #tpu.memory_space<vmem>> -> memref<1x8x64xf32, #tpu.memory_space<vmem>>
      %dma_start3A_499 = tpu.memref_squeeze %dma_start3A_498 : memref<1x8x64xf32, #tpu.memory_space<vmem>> -> memref<8x64xf32, #tpu.memory_space<vmem>>
      %dma_start3A_500 = arith.constant 0 : i32
      %dma_start3A_501 = arith.constant 0 : i32
      %dma_start3A_502 = tpu.memref_slice %arg8[%squeeze3A_494, %dma_start3A_500, %dma_start3A_501] : memref<125000x8x64xf32, #tpu.memory_space<hbm>> -> memref<1x8x64xf32, #tpu.memory_space<hbm>>
      %dma_start3A_503 = tpu.memref_squeeze %dma_start3A_502 : memref<1x8x64xf32, #tpu.memory_space<hbm>> -> memref<8x64xf32, #tpu.memory_space<hbm>>
      %dma_start3A_504 = arith.constant 0 : i32
      %dma_start3A_505 = arith.constant 0 : i32
      %dma_start3A_506 = tpu.memref_slice %arg18[%dma_start3A_495, %dma_start3A_504, %dma_start3A_505] : memref<32x8x64xf32, #tpu.memory_space<vmem>> -> memref<1x8x64xf32, #tpu.memory_space<vmem>>
      %dma_start3A_507 = tpu.memref_squeeze %dma_start3A_506 : memref<1x8x64xf32, #tpu.memory_space<vmem>> -> memref<8x64xf32, #tpu.memory_space<vmem>>
      %dma_start3A_508 = arith.constant 0 : i32
      %dma_start3A_509 = arith.constant 0 : i32
      %dma_start3A_510 = tpu.memref_slice %arg8[%squeeze3A_494, %dma_start3A_508, %dma_start3A_509] : memref<125000x8x64xf32, #tpu.memory_space<hbm>> -> memref<1x8x64xf32, #tpu.memory_space<hbm>>
      %dma_start3A_511 = tpu.memref_squeeze %dma_start3A_510 : memref<1x8x64xf32, #tpu.memory_space<hbm>> -> memref<8x64xf32, #tpu.memory_space<hbm>>
      tpu.enqueue_dma source(%dma_start3A_511 : memref<8x64xf32, #tpu.memory_space<hbm>>) target(%dma_start3A_507 : memref<8x64xf32, #tpu.memory_space<vmem>>) target_semaphore(%arg21 : memref<!tpu.dma_semaphore, #tpu.memory_space<semaphore_mem>>)
      %slice3A_512 = vector.extract_strided_slice %get3A_17 {offsets = [13], sizes = [1], strides = [1]} : vector<16xi32> to vector<1xi32>
      %squeeze3A_513 = vector.extract %slice3A_512[0] : i32 from vector<1xi32>
      %dma_start3A_514 = arith.constant 13 : i32
      %dma_start3A_515 = arith.constant 0 : i32
      %dma_start3A_516 = arith.constant 0 : i32
      %dma_start3A_517 = tpu.memref_slice %arg17[%dma_start3A_514, %dma_start3A_515, %dma_start3A_516] : memref<32x8x64xf32, #tpu.memory_space<vmem>> -> memref<1x8x64xf32, #tpu.memory_space<vmem>>
      %dma_start3A_518 = tpu.memref_squeeze %dma_start3A_517 : memref<1x8x64xf32, #tpu.memory_space<vmem>> -> memref<8x64xf32, #tpu.memory_space<vmem>>
      %dma_start3A_519 = arith.constant 0 : i32
      %dma_start3A_520 = arith.constant 0 : i32
      %dma_start3A_521 = tpu.memref_slice %arg8[%squeeze3A_513, %dma_start3A_519, %dma_start3A_520] : memref<125000x8x64xf32, #tpu.memory_space<hbm>> -> memref<1x8x64xf32, #tpu.memory_space<hbm>>
      %dma_start3A_522 = tpu.memref_squeeze %dma_start3A_521 : memref<1x8x64xf32, #tpu.memory_space<hbm>> -> memref<8x64xf32, #tpu.memory_space<hbm>>
      %dma_start3A_523 = arith.constant 0 : i32
      %dma_start3A_524 = arith.constant 0 : i32
      %dma_start3A_525 = tpu.memref_slice %arg17[%dma_start3A_514, %dma_start3A_523, %dma_start3A_524] : memref<32x8x64xf32, #tpu.memory_space<vmem>> -> memref<1x8x64xf32, #tpu.memory_space<vmem>>
      %dma_start3A_526 = tpu.memref_squeeze %dma_start3A_525 : memref<1x8x64xf32, #tpu.memory_space<vmem>> -> memref<8x64xf32, #tpu.memory_space<vmem>>
      %dma_start3A_527 = arith.constant 0 : i32
      %dma_start3A_528 = arith.constant 0 : i32
      %dma_start3A_529 = tpu.memref_slice %arg8[%squeeze3A_513, %dma_start3A_527, %dma_start3A_528] : memref<125000x8x64xf32, #tpu.memory_space<hbm>> -> memref<1x8x64xf32, #tpu.memory_space<hbm>>
      %dma_start3A_530 = tpu.memref_squeeze %dma_start3A_529 : memref<1x8x64xf32, #tpu.memory_space<hbm>> -> memref<8x64xf32, #tpu.memory_space<hbm>>
      tpu.enqueue_dma source(%dma_start3A_530 : memref<8x64xf32, #tpu.memory_space<hbm>>) target(%dma_start3A_526 : memref<8x64xf32, #tpu.memory_space<vmem>>) target_semaphore(%arg21 : memref<!tpu.dma_semaphore, #tpu.memory_space<semaphore_mem>>)
      %slice3A_531 = vector.extract_strided_slice %get3A_19 {offsets = [13], sizes = [1], strides = [1]} : vector<16xi32> to vector<1xi32>
      %squeeze3A_532 = vector.extract %slice3A_531[0] : i32 from vector<1xi32>
      %dma_start3A_533 = arith.constant 13 : i32
      %dma_start3A_534 = arith.constant 0 : i32
      %dma_start3A_535 = arith.constant 0 : i32
      %dma_start3A_536 = tpu.memref_slice %arg18[%dma_start3A_533, %dma_start3A_534, %dma_start3A_535] : memref<32x8x64xf32, #tpu.memory_space<vmem>> -> memref<1x8x64xf32, #tpu.memory_space<vmem>>
      %dma_start3A_537 = tpu.memref_squeeze %dma_start3A_536 : memref<1x8x64xf32, #tpu.memory_space<vmem>> -> memref<8x64xf32, #tpu.memory_space<vmem>>
      %dma_start3A_538 = arith.constant 0 : i32
      %dma_start3A_539 = arith.constant 0 : i32
      %dma_start3A_540 = tpu.memref_slice %arg8[%squeeze3A_532, %dma_start3A_538, %dma_start3A_539] : memref<125000x8x64xf32, #tpu.memory_space<hbm>> -> memref<1x8x64xf32, #tpu.memory_space<hbm>>
      %dma_start3A_541 = tpu.memref_squeeze %dma_start3A_540 : memref<1x8x64xf32, #tpu.memory_space<hbm>> -> memref<8x64xf32, #tpu.memory_space<hbm>>
      %dma_start3A_542 = arith.constant 0 : i32
      %dma_start3A_543 = arith.constant 0 : i32
      %dma_start3A_544 = tpu.memref_slice %arg18[%dma_start3A_533, %dma_start3A_542, %dma_start3A_543] : memref<32x8x64xf32, #tpu.memory_space<vmem>> -> memref<1x8x64xf32, #tpu.memory_space<vmem>>
      %dma_start3A_545 = tpu.memref_squeeze %dma_start3A_544 : memref<1x8x64xf32, #tpu.memory_space<vmem>> -> memref<8x64xf32, #tpu.memory_space<vmem>>
      %dma_start3A_546 = arith.constant 0 : i32
      %dma_start3A_547 = arith.constant 0 : i32
      %dma_start3A_548 = tpu.memref_slice %arg8[%squeeze3A_532, %dma_start3A_546, %dma_start3A_547] : memref<125000x8x64xf32, #tpu.memory_space<hbm>> -> memref<1x8x64xf32, #tpu.memory_space<hbm>>
      %dma_start3A_549 = tpu.memref_squeeze %dma_start3A_548 : memref<1x8x64xf32, #tpu.memory_space<hbm>> -> memref<8x64xf32, #tpu.memory_space<hbm>>
      tpu.enqueue_dma source(%dma_start3A_549 : memref<8x64xf32, #tpu.memory_space<hbm>>) target(%dma_start3A_545 : memref<8x64xf32, #tpu.memory_space<vmem>>) target_semaphore(%arg21 : memref<!tpu.dma_semaphore, #tpu.memory_space<semaphore_mem>>)
      %slice3A_550 = vector.extract_strided_slice %get3A_17 {offsets = [14], sizes = [1], strides = [1]} : vector<16xi32> to vector<1xi32>
      %squeeze3A_551 = vector.extract %slice3A_550[0] : i32 from vector<1xi32>
      %dma_start3A_552 = arith.constant 14 : i32
      %dma_start3A_553 = arith.constant 0 : i32
      %dma_start3A_554 = arith.constant 0 : i32
      %dma_start3A_555 = tpu.memref_slice %arg17[%dma_start3A_552, %dma_start3A_553, %dma_start3A_554] : memref<32x8x64xf32, #tpu.memory_space<vmem>> -> memref<1x8x64xf32, #tpu.memory_space<vmem>>
      %dma_start3A_556 = tpu.memref_squeeze %dma_start3A_555 : memref<1x8x64xf32, #tpu.memory_space<vmem>> -> memref<8x64xf32, #tpu.memory_space<vmem>>
      %dma_start3A_557 = arith.constant 0 : i32
      %dma_start3A_558 = arith.constant 0 : i32
      %dma_start3A_559 = tpu.memref_slice %arg8[%squeeze3A_551, %dma_start3A_557, %dma_start3A_558] : memref<125000x8x64xf32, #tpu.memory_space<hbm>> -> memref<1x8x64xf32, #tpu.memory_space<hbm>>
      %dma_start3A_560 = tpu.memref_squeeze %dma_start3A_559 : memref<1x8x64xf32, #tpu.memory_space<hbm>> -> memref<8x64xf32, #tpu.memory_space<hbm>>
      %dma_start3A_561 = arith.constant 0 : i32
      %dma_start3A_562 = arith.constant 0 : i32
      %dma_start3A_563 = tpu.memref_slice %arg17[%dma_start3A_552, %dma_start3A_561, %dma_start3A_562] : memref<32x8x64xf32, #tpu.memory_space<vmem>> -> memref<1x8x64xf32, #tpu.memory_space<vmem>>
      %dma_start3A_564 = tpu.memref_squeeze %dma_start3A_563 : memref<1x8x64xf32, #tpu.memory_space<vmem>> -> memref<8x64xf32, #tpu.memory_space<vmem>>
      %dma_start3A_565 = arith.constant 0 : i32
      %dma_start3A_566 = arith.constant 0 : i32
      %dma_start3A_567 = tpu.memref_slice %arg8[%squeeze3A_551, %dma_start3A_565, %dma_start3A_566] : memref<125000x8x64xf32, #tpu.memory_space<hbm>> -> memref<1x8x64xf32, #tpu.memory_space<hbm>>
      %dma_start3A_568 = tpu.memref_squeeze %dma_start3A_567 : memref<1x8x64xf32, #tpu.memory_space<hbm>> -> memref<8x64xf32, #tpu.memory_space<hbm>>
      tpu.enqueue_dma source(%dma_start3A_568 : memref<8x64xf32, #tpu.memory_space<hbm>>) target(%dma_start3A_564 : memref<8x64xf32, #tpu.memory_space<vmem>>) target_semaphore(%arg21 : memref<!tpu.dma_semaphore, #tpu.memory_space<semaphore_mem>>)
      %slice3A_569 = vector.extract_strided_slice %get3A_19 {offsets = [14], sizes = [1], strides = [1]} : vector<16xi32> to vector<1xi32>
      %squeeze3A_570 = vector.extract %slice3A_569[0] : i32 from vector<1xi32>
      %dma_start3A_571 = arith.constant 14 : i32
      %dma_start3A_572 = arith.constant 0 : i32
      %dma_start3A_573 = arith.constant 0 : i32
      %dma_start3A_574 = tpu.memref_slice %arg18[%dma_start3A_571, %dma_start3A_572, %dma_start3A_573] : memref<32x8x64xf32, #tpu.memory_space<vmem>> -> memref<1x8x64xf32, #tpu.memory_space<vmem>>
      %dma_start3A_575 = tpu.memref_squeeze %dma_start3A_574 : memref<1x8x64xf32, #tpu.memory_space<vmem>> -> memref<8x64xf32, #tpu.memory_space<vmem>>
      %dma_start3A_576 = arith.constant 0 : i32
      %dma_start3A_577 = arith.constant 0 : i32
      %dma_start3A_578 = tpu.memref_slice %arg8[%squeeze3A_570, %dma_start3A_576, %dma_start3A_577] : memref<125000x8x64xf32, #tpu.memory_space<hbm>> -> memref<1x8x64xf32, #tpu.memory_space<hbm>>
      %dma_start3A_579 = tpu.memref_squeeze %dma_start3A_578 : memref<1x8x64xf32, #tpu.memory_space<hbm>> -> memref<8x64xf32, #tpu.memory_space<hbm>>
      %dma_start3A_580 = arith.constant 0 : i32
      %dma_start3A_581 = arith.constant 0 : i32
      %dma_start3A_582 = tpu.memref_slice %arg18[%dma_start3A_571, %dma_start3A_580, %dma_start3A_581] : memref<32x8x64xf32, #tpu.memory_space<vmem>> -> memref<1x8x64xf32, #tpu.memory_space<vmem>>
      %dma_start3A_583 = tpu.memref_squeeze %dma_start3A_582 : memref<1x8x64xf32, #tpu.memory_space<vmem>> -> memref<8x64xf32, #tpu.memory_space<vmem>>
      %dma_start3A_584 = arith.constant 0 : i32
      %dma_start3A_585 = arith.constant 0 : i32
      %dma_start3A_586 = tpu.memref_slice %arg8[%squeeze3A_570, %dma_start3A_584, %dma_start3A_585] : memref<125000x8x64xf32, #tpu.memory_space<hbm>> -> memref<1x8x64xf32, #tpu.memory_space<hbm>>
      %dma_start3A_587 = tpu.memref_squeeze %dma_start3A_586 : memref<1x8x64xf32, #tpu.memory_space<hbm>> -> memref<8x64xf32, #tpu.memory_space<hbm>>
      tpu.enqueue_dma source(%dma_start3A_587 : memref<8x64xf32, #tpu.memory_space<hbm>>) target(%dma_start3A_583 : memref<8x64xf32, #tpu.memory_space<vmem>>) target_semaphore(%arg21 : memref<!tpu.dma_semaphore, #tpu.memory_space<semaphore_mem>>)
      %slice3A_588 = vector.extract_strided_slice %get3A_17 {offsets = [15], sizes = [1], strides = [1]} : vector<16xi32> to vector<1xi32>
      %squeeze3A_589 = vector.extract %slice3A_588[0] : i32 from vector<1xi32>
      %dma_start3A_590 = arith.constant 15 : i32
      %dma_start3A_591 = arith.constant 0 : i32
      %dma_start3A_592 = arith.constant 0 : i32
      %dma_start3A_593 = tpu.memref_slice %arg17[%dma_start3A_590, %dma_start3A_591, %dma_start3A_592] : memref<32x8x64xf32, #tpu.memory_space<vmem>> -> memref<1x8x64xf32, #tpu.memory_space<vmem>>
      %dma_start3A_594 = tpu.memref_squeeze %dma_start3A_593 : memref<1x8x64xf32, #tpu.memory_space<vmem>> -> memref<8x64xf32, #tpu.memory_space<vmem>>
      %dma_start3A_595 = arith.constant 0 : i32
      %dma_start3A_596 = arith.constant 0 : i32
      %dma_start3A_597 = tpu.memref_slice %arg8[%squeeze3A_589, %dma_start3A_595, %dma_start3A_596] : memref<125000x8x64xf32, #tpu.memory_space<hbm>> -> memref<1x8x64xf32, #tpu.memory_space<hbm>>
      %dma_start3A_598 = tpu.memref_squeeze %dma_start3A_597 : memref<1x8x64xf32, #tpu.memory_space<hbm>> -> memref<8x64xf32, #tpu.memory_space<hbm>>
      %dma_start3A_599 = arith.constant 0 : i32
      %dma_start3A_600 = arith.constant 0 : i32
      %dma_start3A_601 = tpu.memref_slice %arg17[%dma_start3A_590, %dma_start3A_599, %dma_start3A_600] : memref<32x8x64xf32, #tpu.memory_space<vmem>> -> memref<1x8x64xf32, #tpu.memory_space<vmem>>
      %dma_start3A_602 = tpu.memref_squeeze %dma_start3A_601 : memref<1x8x64xf32, #tpu.memory_space<vmem>> -> memref<8x64xf32, #tpu.memory_space<vmem>>
      %dma_start3A_603 = arith.constant 0 : i32
      %dma_start3A_604 = arith.constant 0 : i32
      %dma_start3A_605 = tpu.memref_slice %arg8[%squeeze3A_589, %dma_start3A_603, %dma_start3A_604] : memref<125000x8x64xf32, #tpu.memory_space<hbm>> -> memref<1x8x64xf32, #tpu.memory_space<hbm>>
      %dma_start3A_606 = tpu.memref_squeeze %dma_start3A_605 : memref<1x8x64xf32, #tpu.memory_space<hbm>> -> memref<8x64xf32, #tpu.memory_space<hbm>>
      tpu.enqueue_dma source(%dma_start3A_606 : memref<8x64xf32, #tpu.memory_space<hbm>>) target(%dma_start3A_602 : memref<8x64xf32, #tpu.memory_space<vmem>>) target_semaphore(%arg21 : memref<!tpu.dma_semaphore, #tpu.memory_space<semaphore_mem>>)
      %slice3A_607 = vector.extract_strided_slice %get3A_19 {offsets = [15], sizes = [1], strides = [1]} : vector<16xi32> to vector<1xi32>
      %squeeze3A_608 = vector.extract %slice3A_607[0] : i32 from vector<1xi32>
      %dma_start3A_609 = arith.constant 15 : i32
      %dma_start3A_610 = arith.constant 0 : i32
      %dma_start3A_611 = arith.constant 0 : i32
      %dma_start3A_612 = tpu.memref_slice %arg18[%dma_start3A_609, %dma_start3A_610, %dma_start3A_611] : memref<32x8x64xf32, #tpu.memory_space<vmem>> -> memref<1x8x64xf32, #tpu.memory_space<vmem>>
      %dma_start3A_613 = tpu.memref_squeeze %dma_start3A_612 : memref<1x8x64xf32, #tpu.memory_space<vmem>> -> memref<8x64xf32, #tpu.memory_space<vmem>>
      %dma_start3A_614 = arith.constant 0 : i32
      %dma_start3A_615 = arith.constant 0 : i32
      %dma_start3A_616 = tpu.memref_slice %arg8[%squeeze3A_608, %dma_start3A_614, %dma_start3A_615] : memref<125000x8x64xf32, #tpu.memory_space<hbm>> -> memref<1x8x64xf32, #tpu.memory_space<hbm>>
      %dma_start3A_617 = tpu.memref_squeeze %dma_start3A_616 : memref<1x8x64xf32, #tpu.memory_space<hbm>> -> memref<8x64xf32, #tpu.memory_space<hbm>>
      %dma_start3A_618 = arith.constant 0 : i32
      %dma_start3A_619 = arith.constant 0 : i32
      %dma_start3A_620 = tpu.memref_slice %arg18[%dma_start3A_609, %dma_start3A_618, %dma_start3A_619] : memref<32x8x64xf32, #tpu.memory_space<vmem>> -> memref<1x8x64xf32, #tpu.memory_space<vmem>>
      %dma_start3A_621 = tpu.memref_squeeze %dma_start3A_620 : memref<1x8x64xf32, #tpu.memory_space<vmem>> -> memref<8x64xf32, #tpu.memory_space<vmem>>
      %dma_start3A_622 = arith.constant 0 : i32
      %dma_start3A_623 = arith.constant 0 : i32
      %dma_start3A_624 = tpu.memref_slice %arg8[%squeeze3A_608, %dma_start3A_622, %dma_start3A_623] : memref<125000x8x64xf32, #tpu.memory_space<hbm>> -> memref<1x8x64xf32, #tpu.memory_space<hbm>>
      %dma_start3A_625 = tpu.memref_squeeze %dma_start3A_624 : memref<1x8x64xf32, #tpu.memory_space<hbm>> -> memref<8x64xf32, #tpu.memory_space<hbm>>
      tpu.enqueue_dma source(%dma_start3A_625 : memref<8x64xf32, #tpu.memory_space<hbm>>) target(%dma_start3A_621 : memref<8x64xf32, #tpu.memory_space<vmem>>) target_semaphore(%arg21 : memref<!tpu.dma_semaphore, #tpu.memory_space<semaphore_mem>>)
      %get3A_626 = arith.constant 16 : index
      %get3A_627 = tpu.vector_load %arg11[%get3A_626] {strides = array<i32>} : memref<32xi32, #tpu.memory_space<vmem>>, vector<16xi32>,
      %get3A_628 = arith.constant 16 : index
      %get3A_629 = tpu.vector_load %arg15[%get3A_628] {strides = array<i32>} : memref<32xi32, #tpu.memory_space<vmem>>, vector<16xi32>,
      %slice3A_630 = vector.extract_strided_slice %get3A_627 {offsets = [0], sizes = [1], strides = [1]} : vector<16xi32> to vector<1xi32>
      %squeeze3A_631 = vector.extract %slice3A_630[0] : i32 from vector<1xi32>
      %dma_start3A_632 = arith.constant 16 : i32
      %dma_start3A_633 = arith.constant 0 : i32
      %dma_start3A_634 = arith.constant 0 : i32
      %dma_start3A_635 = tpu.memref_slice %arg17[%dma_start3A_632, %dma_start3A_633, %dma_start3A_634] : memref<32x8x64xf32, #tpu.memory_space<vmem>> -> memref<1x8x64xf32, #tpu.memory_space<vmem>>
      %dma_start3A_636 = tpu.memref_squeeze %dma_start3A_635 : memref<1x8x64xf32, #tpu.memory_space<vmem>> -> memref<8x64xf32, #tpu.memory_space<vmem>>
      %dma_start3A_637 = arith.constant 0 : i32
      %dma_start3A_638 = arith.constant 0 : i32
      %dma_start3A_639 = tpu.memref_slice %arg8[%squeeze3A_631, %dma_start3A_637, %dma_start3A_638] : memref<125000x8x64xf32, #tpu.memory_space<hbm>> -> memref<1x8x64xf32, #tpu.memory_space<hbm>>
      %dma_start3A_640 = tpu.memref_squeeze %dma_start3A_639 : memref<1x8x64xf32, #tpu.memory_space<hbm>> -> memref<8x64xf32, #tpu.memory_space<hbm>>
      %dma_start3A_641 = arith.constant 0 : i32
      %dma_start3A_642 = arith.constant 0 : i32
      %dma_start3A_643 = tpu.memref_slice %arg17[%dma_start3A_632, %dma_start3A_641, %dma_start3A_642] : memref<32x8x64xf32, #tpu.memory_space<vmem>> -> memref<1x8x64xf32, #tpu.memory_space<vmem>>
      %dma_start3A_644 = tpu.memref_squeeze %dma_start3A_643 : memref<1x8x64xf32, #tpu.memory_space<vmem>> -> memref<8x64xf32, #tpu.memory_space<vmem>>
      %dma_start3A_645 = arith.constant 0 : i32
      %dma_start3A_646 = arith.constant 0 : i32
      %dma_start3A_647 = tpu.memref_slice %arg8[%squeeze3A_631, %dma_start3A_645, %dma_start3A_646] : memref<125000x8x64xf32, #tpu.memory_space<hbm>> -> memref<1x8x64xf32, #tpu.memory_space<hbm>>
      %dma_start3A_648 = tpu.memref_squeeze %dma_start3A_647 : memref<1x8x64xf32, #tpu.memory_space<hbm>> -> memref<8x64xf32, #tpu.memory_space<hbm>>
      tpu.enqueue_dma source(%dma_start3A_648 : memref<8x64xf32, #tpu.memory_space<hbm>>) target(%dma_start3A_644 : memref<8x64xf32, #tpu.memory_space<vmem>>) target_semaphore(%arg21 : memref<!tpu.dma_semaphore, #tpu.memory_space<semaphore_mem>>)
      %slice3A_649 = vector.extract_strided_slice %get3A_629 {offsets = [0], sizes = [1], strides = [1]} : vector<16xi32> to vector<1xi32>
      %squeeze3A_650 = vector.extract %slice3A_649[0] : i32 from vector<1xi32>
      %dma_start3A_651 = arith.constant 16 : i32
      %dma_start3A_652 = arith.constant 0 : i32
      %dma_start3A_653 = arith.constant 0 : i32
      %dma_start3A_654 = tpu.memref_slice %arg18[%dma_start3A_651, %dma_start3A_652, %dma_start3A_653] : memref<32x8x64xf32, #tpu.memory_space<vmem>> -> memref<1x8x64xf32, #tpu.memory_space<vmem>>
      %dma_start3A_655 = tpu.memref_squeeze %dma_start3A_654 : memref<1x8x64xf32, #tpu.memory_space<vmem>> -> memref<8x64xf32, #tpu.memory_space<vmem>>
      %dma_start3A_656 = arith.constant 0 : i32
      %dma_start3A_657 = arith.constant 0 : i32
      %dma_start3A_658 = tpu.memref_slice %arg8[%squeeze3A_650, %dma_start3A_656, %dma_start3A_657] : memref<125000x8x64xf32, #tpu.memory_space<hbm>> -> memref<1x8x64xf32, #tpu.memory_space<hbm>>
      %dma_start3A_659 = tpu.memref_squeeze %dma_start3A_658 : memref<1x8x64xf32, #tpu.memory_space<hbm>> -> memref<8x64xf32, #tpu.memory_space<hbm>>
      %dma_start3A_660 = arith.constant 0 : i32
      %dma_start3A_661 = arith.constant 0 : i32
      %dma_start3A_662 = tpu.memref_slice %arg18[%dma_start3A_651, %dma_start3A_660, %dma_start3A_661] : memref<32x8x64xf32, #tpu.memory_space<vmem>> -> memref<1x8x64xf32, #tpu.memory_space<vmem>>
      %dma_start3A_663 = tpu.memref_squeeze %dma_start3A_662 : memref<1x8x64xf32, #tpu.memory_space<vmem>> -> memref<8x64xf32, #tpu.memory_space<vmem>>
      %dma_start3A_664 = arith.constant 0 : i32
      %dma_start3A_665 = arith.constant 0 : i32
      %dma_start3A_666 = tpu.memref_slice %arg8[%squeeze3A_650, %dma_start3A_664, %dma_start3A_665] : memref<125000x8x64xf32, #tpu.memory_space<hbm>> -> memref<1x8x64xf32, #tpu.memory_space<hbm>>
      %dma_start3A_667 = tpu.memref_squeeze %dma_start3A_666 : memref<1x8x64xf32, #tpu.memory_space<hbm>> -> memref<8x64xf32, #tpu.memory_space<hbm>>
      tpu.enqueue_dma source(%dma_start3A_667 : memref<8x64xf32, #tpu.memory_space<hbm>>) target(%dma_start3A_663 : memref<8x64xf32, #tpu.memory_space<vmem>>) target_semaphore(%arg21 : memref<!tpu.dma_semaphore, #tpu.memory_space<semaphore_mem>>)
      %slice3A_668 = vector.extract_strided_slice %get3A_627 {offsets = [1], sizes = [1], strides = [1]} : vector<16xi32> to vector<1xi32>
      %squeeze3A_669 = vector.extract %slice3A_668[0] : i32 from vector<1xi32>
      %dma_start3A_670 = arith.constant 17 : i32
      %dma_start3A_671 = arith.constant 0 : i32
      %dma_start3A_672 = arith.constant 0 : i32
      %dma_start3A_673 = tpu.memref_slice %arg17[%dma_start3A_670, %dma_start3A_671, %dma_start3A_672] : memref<32x8x64xf32, #tpu.memory_space<vmem>> -> memref<1x8x64xf32, #tpu.memory_space<vmem>>
      %dma_start3A_674 = tpu.memref_squeeze %dma_start3A_673 : memref<1x8x64xf32, #tpu.memory_space<vmem>> -> memref<8x64xf32, #tpu.memory_space<vmem>>
      %dma_start3A_675 = arith.constant 0 : i32
      %dma_start3A_676 = arith.constant 0 : i32
      %dma_start3A_677 = tpu.memref_slice %arg8[%squeeze3A_669, %dma_start3A_675, %dma_start3A_676] : memref<125000x8x64xf32, #tpu.memory_space<hbm>> -> memref<1x8x64xf32, #tpu.memory_space<hbm>>
      %dma_start3A_678 = tpu.memref_squeeze %dma_start3A_677 : memref<1x8x64xf32, #tpu.memory_space<hbm>> -> memref<8x64xf32, #tpu.memory_space<hbm>>
      %dma_start3A_679 = arith.constant 0 : i32
      %dma_start3A_680 = arith.constant 0 : i32
      %dma_start3A_681 = tpu.memref_slice %arg17[%dma_start3A_670, %dma_start3A_679, %dma_start3A_680] : memref<32x8x64xf32, #tpu.memory_space<vmem>> -> memref<1x8x64xf32, #tpu.memory_space<vmem>>
      %dma_start3A_682 = tpu.memref_squeeze %dma_start3A_681 : memref<1x8x64xf32, #tpu.memory_space<vmem>> -> memref<8x64xf32, #tpu.memory_space<vmem>>
      %dma_start3A_683 = arith.constant 0 : i32
      %dma_start3A_684 = arith.constant 0 : i32
      %dma_start3A_685 = tpu.memref_slice %arg8[%squeeze3A_669, %dma_start3A_683, %dma_start3A_684] : memref<125000x8x64xf32, #tpu.memory_space<hbm>> -> memref<1x8x64xf32, #tpu.memory_space<hbm>>
      %dma_start3A_686 = tpu.memref_squeeze %dma_start3A_685 : memref<1x8x64xf32, #tpu.memory_space<hbm>> -> memref<8x64xf32, #tpu.memory_space<hbm>>
      tpu.enqueue_dma source(%dma_start3A_686 : memref<8x64xf32, #tpu.memory_space<hbm>>) target(%dma_start3A_682 : memref<8x64xf32, #tpu.memory_space<vmem>>) target_semaphore(%arg21 : memref<!tpu.dma_semaphore, #tpu.memory_space<semaphore_mem>>)
      %slice3A_687 = vector.extract_strided_slice %get3A_629 {offsets = [1], sizes = [1], strides = [1]} : vector<16xi32> to vector<1xi32>
      %squeeze3A_688 = vector.extract %slice3A_687[0] : i32 from vector<1xi32>
      %dma_start3A_689 = arith.constant 17 : i32
      %dma_start3A_690 = arith.constant 0 : i32
      %dma_start3A_691 = arith.constant 0 : i32
      %dma_start3A_692 = tpu.memref_slice %arg18[%dma_start3A_689, %dma_start3A_690, %dma_start3A_691] : memref<32x8x64xf32, #tpu.memory_space<vmem>> -> memref<1x8x64xf32, #tpu.memory_space<vmem>>
      %dma_start3A_693 = tpu.memref_squeeze %dma_start3A_692 : memref<1x8x64xf32, #tpu.memory_space<vmem>> -> memref<8x64xf32, #tpu.memory_space<vmem>>
      %dma_start3A_694 = arith.constant 0 : i32
      %dma_start3A_695 = arith.constant 0 : i32
      %dma_start3A_696 = tpu.memref_slice %arg8[%squeeze3A_688, %dma_start3A_694, %dma_start3A_695] : memref<125000x8x64xf32, #tpu.memory_space<hbm>> -> memref<1x8x64xf32, #tpu.memory_space<hbm>>
      %dma_start3A_697 = tpu.memref_squeeze %dma_start3A_696 : memref<1x8x64xf32, #tpu.memory_space<hbm>> -> memref<8x64xf32, #tpu.memory_space<hbm>>
      %dma_start3A_698 = arith.constant 0 : i32
      %dma_start3A_699 = arith.constant 0 : i32
      %dma_start3A_700 = tpu.memref_slice %arg18[%dma_start3A_689, %dma_start3A_698, %dma_start3A_699] : memref<32x8x64xf32, #tpu.memory_space<vmem>> -> memref<1x8x64xf32, #tpu.memory_space<vmem>>
      %dma_start3A_701 = tpu.memref_squeeze %dma_start3A_700 : memref<1x8x64xf32, #tpu.memory_space<vmem>> -> memref<8x64xf32, #tpu.memory_space<vmem>>
      %dma_start3A_702 = arith.constant 0 : i32
      %dma_start3A_703 = arith.constant 0 : i32
      %dma_start3A_704 = tpu.memref_slice %arg8[%squeeze3A_688, %dma_start3A_702, %dma_start3A_703] : memref<125000x8x64xf32, #tpu.memory_space<hbm>> -> memref<1x8x64xf32, #tpu.memory_space<hbm>>
      %dma_start3A_705 = tpu.memref_squeeze %dma_start3A_704 : memref<1x8x64xf32, #tpu.memory_space<hbm>> -> memref<8x64xf32, #tpu.memory_space<hbm>>
      tpu.enqueue_dma source(%dma_start3A_705 : memref<8x64xf32, #tpu.memory_space<hbm>>) target(%dma_start3A_701 : memref<8x64xf32, #tpu.memory_space<vmem>>) target_semaphore(%arg21 : memref<!tpu.dma_semaphore, #tpu.memory_space<semaphore_mem>>)
      %slice3A_706 = vector.extract_strided_slice %get3A_627 {offsets = [2], sizes = [1], strides = [1]} : vector<16xi32> to vector<1xi32>
      %squeeze3A_707 = vector.extract %slice3A_706[0] : i32 from vector<1xi32>
      %dma_start3A_708 = arith.constant 18 : i32
      %dma_start3A_709 = arith.constant 0 : i32
      %dma_start3A_710 = arith.constant 0 : i32
      %dma_start3A_711 = tpu.memref_slice %arg17[%dma_start3A_708, %dma_start3A_709, %dma_start3A_710] : memref<32x8x64xf32, #tpu.memory_space<vmem>> -> memref<1x8x64xf32, #tpu.memory_space<vmem>>
      %dma_start3A_712 = tpu.memref_squeeze %dma_start3A_711 : memref<1x8x64xf32, #tpu.memory_space<vmem>> -> memref<8x64xf32, #tpu.memory_space<vmem>>
      %dma_start3A_713 = arith.constant 0 : i32
      %dma_start3A_714 = arith.constant 0 : i32
      %dma_start3A_715 = tpu.memref_slice %arg8[%squeeze3A_707, %dma_start3A_713, %dma_start3A_714] : memref<125000x8x64xf32, #tpu.memory_space<hbm>> -> memref<1x8x64xf32, #tpu.memory_space<hbm>>
      %dma_start3A_716 = tpu.memref_squeeze %dma_start3A_715 : memref<1x8x64xf32, #tpu.memory_space<hbm>> -> memref<8x64xf32, #tpu.memory_space<hbm>>
      %dma_start3A_717 = arith.constant 0 : i32
      %dma_start3A_718 = arith.constant 0 : i32
      %dma_start3A_719 = tpu.memref_slice %arg17[%dma_start3A_708, %dma_start3A_717, %dma_start3A_718] : memref<32x8x64xf32, #tpu.memory_space<vmem>> -> memref<1x8x64xf32, #tpu.memory_space<vmem>>
      %dma_start3A_720 = tpu.memref_squeeze %dma_start3A_719 : memref<1x8x64xf32, #tpu.memory_space<vmem>> -> memref<8x64xf32, #tpu.memory_space<vmem>>
      %dma_start3A_721 = arith.constant 0 : i32
      %dma_start3A_722 = arith.constant 0 : i32
      %dma_start3A_723 = tpu.memref_slice %arg8[%squeeze3A_707, %dma_start3A_721, %dma_start3A_722] : memref<125000x8x64xf32, #tpu.memory_space<hbm>> -> memref<1x8x64xf32, #tpu.memory_space<hbm>>
      %dma_start3A_724 = tpu.memref_squeeze %dma_start3A_723 : memref<1x8x64xf32, #tpu.memory_space<hbm>> -> memref<8x64xf32, #tpu.memory_space<hbm>>
      tpu.enqueue_dma source(%dma_start3A_724 : memref<8x64xf32, #tpu.memory_space<hbm>>) target(%dma_start3A_720 : memref<8x64xf32, #tpu.memory_space<vmem>>) target_semaphore(%arg21 : memref<!tpu.dma_semaphore, #tpu.memory_space<semaphore_mem>>)
      %slice3A_725 = vector.extract_strided_slice %get3A_629 {offsets = [2], sizes = [1], strides = [1]} : vector<16xi32> to vector<1xi32>
      %squeeze3A_726 = vector.extract %slice3A_725[0] : i32 from vector<1xi32>
      %dma_start3A_727 = arith.constant 18 : i32
      %dma_start3A_728 = arith.constant 0 : i32
      %dma_start3A_729 = arith.constant 0 : i32
      %dma_start3A_730 = tpu.memref_slice %arg18[%dma_start3A_727, %dma_start3A_728, %dma_start3A_729] : memref<32x8x64xf32, #tpu.memory_space<vmem>> -> memref<1x8x64xf32, #tpu.memory_space<vmem>>
      %dma_start3A_731 = tpu.memref_squeeze %dma_start3A_730 : memref<1x8x64xf32, #tpu.memory_space<vmem>> -> memref<8x64xf32, #tpu.memory_space<vmem>>
      %dma_start3A_732 = arith.constant 0 : i32
      %dma_start3A_733 = arith.constant 0 : i32
      %dma_start3A_734 = tpu.memref_slice %arg8[%squeeze3A_726, %dma_start3A_732, %dma_start3A_733] : memref<125000x8x64xf32, #tpu.memory_space<hbm>> -> memref<1x8x64xf32, #tpu.memory_space<hbm>>
      %dma_start3A_735 = tpu.memref_squeeze %dma_start3A_734 : memref<1x8x64xf32, #tpu.memory_space<hbm>> -> memref<8x64xf32, #tpu.memory_space<hbm>>
      %dma_start3A_736 = arith.constant 0 : i32
      %dma_start3A_737 = arith.constant 0 : i32
      %dma_start3A_738 = tpu.memref_slice %arg18[%dma_start3A_727, %dma_start3A_736, %dma_start3A_737] : memref<32x8x64xf32, #tpu.memory_space<vmem>> -> memref<1x8x64xf32, #tpu.memory_space<vmem>>
      %dma_start3A_739 = tpu.memref_squeeze %dma_start3A_738 : memref<1x8x64xf32, #tpu.memory_space<vmem>> -> memref<8x64xf32, #tpu.memory_space<vmem>>
      %dma_start3A_740 = arith.constant 0 : i32
      %dma_start3A_741 = arith.constant 0 : i32
      %dma_start3A_742 = tpu.memref_slice %arg8[%squeeze3A_726, %dma_start3A_740, %dma_start3A_741] : memref<125000x8x64xf32, #tpu.memory_space<hbm>> -> memref<1x8x64xf32, #tpu.memory_space<hbm>>
      %dma_start3A_743 = tpu.memref_squeeze %dma_start3A_742 : memref<1x8x64xf32, #tpu.memory_space<hbm>> -> memref<8x64xf32, #tpu.memory_space<hbm>>
      tpu.enqueue_dma source(%dma_start3A_743 : memref<8x64xf32, #tpu.memory_space<hbm>>) target(%dma_start3A_739 : memref<8x64xf32, #tpu.memory_space<vmem>>) target_semaphore(%arg21 : memref<!tpu.dma_semaphore, #tpu.memory_space<semaphore_mem>>)
      %slice3A_744 = vector.extract_strided_slice %get3A_627 {offsets = [3], sizes = [1], strides = [1]} : vector<16xi32> to vector<1xi32>
      %squeeze3A_745 = vector.extract %slice3A_744[0] : i32 from vector<1xi32>
      %dma_start3A_746 = arith.constant 19 : i32
      %dma_start3A_747 = arith.constant 0 : i32
      %dma_start3A_748 = arith.constant 0 : i32
      %dma_start3A_749 = tpu.memref_slice %arg17[%dma_start3A_746, %dma_start3A_747, %dma_start3A_748] : memref<32x8x64xf32, #tpu.memory_space<vmem>> -> memref<1x8x64xf32, #tpu.memory_space<vmem>>
      %dma_start3A_750 = tpu.memref_squeeze %dma_start3A_749 : memref<1x8x64xf32, #tpu.memory_space<vmem>> -> memref<8x64xf32, #tpu.memory_space<vmem>>
      %dma_start3A_751 = arith.constant 0 : i32
      %dma_start3A_752 = arith.constant 0 : i32
      %dma_start3A_753 = tpu.memref_slice %arg8[%squeeze3A_745, %dma_start3A_751, %dma_start3A_752] : memref<125000x8x64xf32, #tpu.memory_space<hbm>> -> memref<1x8x64xf32, #tpu.memory_space<hbm>>
      %dma_start3A_754 = tpu.memref_squeeze %dma_start3A_753 : memref<1x8x64xf32, #tpu.memory_space<hbm>> -> memref<8x64xf32, #tpu.memory_space<hbm>>
      %dma_start3A_755 = arith.constant 0 : i32
      %dma_start3A_756 = arith.constant 0 : i32
      %dma_start3A_757 = tpu.memref_slice %arg17[%dma_start3A_746, %dma_start3A_755, %dma_start3A_756] : memref<32x8x64xf32, #tpu.memory_space<vmem>> -> memref<1x8x64xf32, #tpu.memory_space<vmem>>
      %dma_start3A_758 = tpu.memref_squeeze %dma_start3A_757 : memref<1x8x64xf32, #tpu.memory_space<vmem>> -> memref<8x64xf32, #tpu.memory_space<vmem>>
      %dma_start3A_759 = arith.constant 0 : i32
      %dma_start3A_760 = arith.constant 0 : i32
      %dma_start3A_761 = tpu.memref_slice %arg8[%squeeze3A_745, %dma_start3A_759, %dma_start3A_760] : memref<125000x8x64xf32, #tpu.memory_space<hbm>> -> memref<1x8x64xf32, #tpu.memory_space<hbm>>
      %dma_start3A_762 = tpu.memref_squeeze %dma_start3A_761 : memref<1x8x64xf32, #tpu.memory_space<hbm>> -> memref<8x64xf32, #tpu.memory_space<hbm>>
      tpu.enqueue_dma source(%dma_start3A_762 : memref<8x64xf32, #tpu.memory_space<hbm>>) target(%dma_start3A_758 : memref<8x64xf32, #tpu.memory_space<vmem>>) target_semaphore(%arg21 : memref<!tpu.dma_semaphore, #tpu.memory_space<semaphore_mem>>)
      %slice3A_763 = vector.extract_strided_slice %get3A_629 {offsets = [3], sizes = [1], strides = [1]} : vector<16xi32> to vector<1xi32>
      %squeeze3A_764 = vector.extract %slice3A_763[0] : i32 from vector<1xi32>
      %dma_start3A_765 = arith.constant 19 : i32
      %dma_start3A_766 = arith.constant 0 : i32
      %dma_start3A_767 = arith.constant 0 : i32
      %dma_start3A_768 = tpu.memref_slice %arg18[%dma_start3A_765, %dma_start3A_766, %dma_start3A_767] : memref<32x8x64xf32, #tpu.memory_space<vmem>> -> memref<1x8x64xf32, #tpu.memory_space<vmem>>
      %dma_start3A_769 = tpu.memref_squeeze %dma_start3A_768 : memref<1x8x64xf32, #tpu.memory_space<vmem>> -> memref<8x64xf32, #tpu.memory_space<vmem>>
      %dma_start3A_770 = arith.constant 0 : i32
      %dma_start3A_771 = arith.constant 0 : i32
      %dma_start3A_772 = tpu.memref_slice %arg8[%squeeze3A_764, %dma_start3A_770, %dma_start3A_771] : memref<125000x8x64xf32, #tpu.memory_space<hbm>> -> memref<1x8x64xf32, #tpu.memory_space<hbm>>
      %dma_start3A_773 = tpu.memref_squeeze %dma_start3A_772 : memref<1x8x64xf32, #tpu.memory_space<hbm>> -> memref<8x64xf32, #tpu.memory_space<hbm>>
      %dma_start3A_774 = arith.constant 0 : i32
      %dma_start3A_775 = arith.constant 0 : i32
      %dma_start3A_776 = tpu.memref_slice %arg18[%dma_start3A_765, %dma_start3A_774, %dma_start3A_775] : memref<32x8x64xf32, #tpu.memory_space<vmem>> -> memref<1x8x64xf32, #tpu.memory_space<vmem>>
      %dma_start3A_777 = tpu.memref_squeeze %dma_start3A_776 : memref<1x8x64xf32, #tpu.memory_space<vmem>> -> memref<8x64xf32, #tpu.memory_space<vmem>>
      %dma_start3A_778 = arith.constant 0 : i32
      %dma_start3A_779 = arith.constant 0 : i32
      %dma_start3A_780 = tpu.memref_slice %arg8[%squeeze3A_764, %dma_start3A_778, %dma_start3A_779] : memref<125000x8x64xf32, #tpu.memory_space<hbm>> -> memref<1x8x64xf32, #tpu.memory_space<hbm>>
      %dma_start3A_781 = tpu.memref_squeeze %dma_start3A_780 : memref<1x8x64xf32, #tpu.memory_space<hbm>> -> memref<8x64xf32, #tpu.memory_space<hbm>>
      tpu.enqueue_dma source(%dma_start3A_781 : memref<8x64xf32, #tpu.memory_space<hbm>>) target(%dma_start3A_777 : memref<8x64xf32, #tpu.memory_space<vmem>>) target_semaphore(%arg21 : memref<!tpu.dma_semaphore, #tpu.memory_space<semaphore_mem>>)
      %slice3A_782 = vector.extract_strided_slice %get3A_627 {offsets = [4], sizes = [1], strides = [1]} : vector<16xi32> to vector<1xi32>
      %squeeze3A_783 = vector.extract %slice3A_782[0] : i32 from vector<1xi32>
      %dma_start3A_784 = arith.constant 20 : i32
      %dma_start3A_785 = arith.constant 0 : i32
      %dma_start3A_786 = arith.constant 0 : i32
      %dma_start3A_787 = tpu.memref_slice %arg17[%dma_start3A_784, %dma_start3A_785, %dma_start3A_786] : memref<32x8x64xf32, #tpu.memory_space<vmem>> -> memref<1x8x64xf32, #tpu.memory_space<vmem>>
      %dma_start3A_788 = tpu.memref_squeeze %dma_start3A_787 : memref<1x8x64xf32, #tpu.memory_space<vmem>> -> memref<8x64xf32, #tpu.memory_space<vmem>>
      %dma_start3A_789 = arith.constant 0 : i32
      %dma_start3A_790 = arith.constant 0 : i32
      %dma_start3A_791 = tpu.memref_slice %arg8[%squeeze3A_783, %dma_start3A_789, %dma_start3A_790] : memref<125000x8x64xf32, #tpu.memory_space<hbm>> -> memref<1x8x64xf32, #tpu.memory_space<hbm>>
      %dma_start3A_792 = tpu.memref_squeeze %dma_start3A_791 : memref<1x8x64xf32, #tpu.memory_space<hbm>> -> memref<8x64xf32, #tpu.memory_space<hbm>>
      %dma_start3A_793 = arith.constant 0 : i32
      %dma_start3A_794 = arith.constant 0 : i32
      %dma_start3A_795 = tpu.memref_slice %arg17[%dma_start3A_784, %dma_start3A_793, %dma_start3A_794] : memref<32x8x64xf32, #tpu.memory_space<vmem>> -> memref<1x8x64xf32, #tpu.memory_space<vmem>>
      %dma_start3A_796 = tpu.memref_squeeze %dma_start3A_795 : memref<1x8x64xf32, #tpu.memory_space<vmem>> -> memref<8x64xf32, #tpu.memory_space<vmem>>
      %dma_start3A_797 = arith.constant 0 : i32
      %dma_start3A_798 = arith.constant 0 : i32
      %dma_start3A_799 = tpu.memref_slice %arg8[%squeeze3A_783, %dma_start3A_797, %dma_start3A_798] : memref<125000x8x64xf32, #tpu.memory_space<hbm>> -> memref<1x8x64xf32, #tpu.memory_space<hbm>>
      %dma_start3A_800 = tpu.memref_squeeze %dma_start3A_799 : memref<1x8x64xf32, #tpu.memory_space<hbm>> -> memref<8x64xf32, #tpu.memory_space<hbm>>
      tpu.enqueue_dma source(%dma_start3A_800 : memref<8x64xf32, #tpu.memory_space<hbm>>) target(%dma_start3A_796 : memref<8x64xf32, #tpu.memory_space<vmem>>) target_semaphore(%arg21 : memref<!tpu.dma_semaphore, #tpu.memory_space<semaphore_mem>>)
      %slice3A_801 = vector.extract_strided_slice %get3A_629 {offsets = [4], sizes = [1], strides = [1]} : vector<16xi32> to vector<1xi32>
      %squeeze3A_802 = vector.extract %slice3A_801[0] : i32 from vector<1xi32>
      %dma_start3A_803 = arith.constant 20 : i32
      %dma_start3A_804 = arith.constant 0 : i32
      %dma_start3A_805 = arith.constant 0 : i32
      %dma_start3A_806 = tpu.memref_slice %arg18[%dma_start3A_803, %dma_start3A_804, %dma_start3A_805] : memref<32x8x64xf32, #tpu.memory_space<vmem>> -> memref<1x8x64xf32, #tpu.memory_space<vmem>>
      %dma_start3A_807 = tpu.memref_squeeze %dma_start3A_806 : memref<1x8x64xf32, #tpu.memory_space<vmem>> -> memref<8x64xf32, #tpu.memory_space<vmem>>
      %dma_start3A_808 = arith.constant 0 : i32
      %dma_start3A_809 = arith.constant 0 : i32
      %dma_start3A_810 = tpu.memref_slice %arg8[%squeeze3A_802, %dma_start3A_808, %dma_start3A_809] : memref<125000x8x64xf32, #tpu.memory_space<hbm>> -> memref<1x8x64xf32, #tpu.memory_space<hbm>>
      %dma_start3A_811 = tpu.memref_squeeze %dma_start3A_810 : memref<1x8x64xf32, #tpu.memory_space<hbm>> -> memref<8x64xf32, #tpu.memory_space<hbm>>
      %dma_start3A_812 = arith.constant 0 : i32
      %dma_start3A_813 = arith.constant 0 : i32
      %dma_start3A_814 = tpu.memref_slice %arg18[%dma_start3A_803, %dma_start3A_812, %dma_start3A_813] : memref<32x8x64xf32, #tpu.memory_space<vmem>> -> memref<1x8x64xf32, #tpu.memory_space<vmem>>
      %dma_start3A_815 = tpu.memref_squeeze %dma_start3A_814 : memref<1x8x64xf32, #tpu.memory_space<vmem>> -> memref<8x64xf32, #tpu.memory_space<vmem>>
      %dma_start3A_816 = arith.constant 0 : i32
      %dma_start3A_817 = arith.constant 0 : i32
      %dma_start3A_818 = tpu.memref_slice %arg8[%squeeze3A_802, %dma_start3A_816, %dma_start3A_817] : memref<125000x8x64xf32, #tpu.memory_space<hbm>> -> memref<1x8x64xf32, #tpu.memory_space<hbm>>
      %dma_start3A_819 = tpu.memref_squeeze %dma_start3A_818 : memref<1x8x64xf32, #tpu.memory_space<hbm>> -> memref<8x64xf32, #tpu.memory_space<hbm>>
      tpu.enqueue_dma source(%dma_start3A_819 : memref<8x64xf32, #tpu.memory_space<hbm>>) target(%dma_start3A_815 : memref<8x64xf32, #tpu.memory_space<vmem>>) target_semaphore(%arg21 : memref<!tpu.dma_semaphore, #tpu.memory_space<semaphore_mem>>)
      %slice3A_820 = vector.extract_strided_slice %get3A_627 {offsets = [5], sizes = [1], strides = [1]} : vector<16xi32> to vector<1xi32>
      %squeeze3A_821 = vector.extract %slice3A_820[0] : i32 from vector<1xi32>
      %dma_start3A_822 = arith.constant 21 : i32
      %dma_start3A_823 = arith.constant 0 : i32
      %dma_start3A_824 = arith.constant 0 : i32
      %dma_start3A_825 = tpu.memref_slice %arg17[%dma_start3A_822, %dma_start3A_823, %dma_start3A_824] : memref<32x8x64xf32, #tpu.memory_space<vmem>> -> memref<1x8x64xf32, #tpu.memory_space<vmem>>
      %dma_start3A_826 = tpu.memref_squeeze %dma_start3A_825 : memref<1x8x64xf32, #tpu.memory_space<vmem>> -> memref<8x64xf32, #tpu.memory_space<vmem>>
      %dma_start3A_827 = arith.constant 0 : i32
      %dma_start3A_828 = arith.constant 0 : i32
      %dma_start3A_829 = tpu.memref_slice %arg8[%squeeze3A_821, %dma_start3A_827, %dma_start3A_828] : memref<125000x8x64xf32, #tpu.memory_space<hbm>> -> memref<1x8x64xf32, #tpu.memory_space<hbm>>
      %dma_start3A_830 = tpu.memref_squeeze %dma_start3A_829 : memref<1x8x64xf32, #tpu.memory_space<hbm>> -> memref<8x64xf32, #tpu.memory_space<hbm>>
      %dma_start3A_831 = arith.constant 0 : i32
      %dma_start3A_832 = arith.constant 0 : i32
      %dma_start3A_833 = tpu.memref_slice %arg17[%dma_start3A_822, %dma_start3A_831, %dma_start3A_832] : memref<32x8x64xf32, #tpu.memory_space<vmem>> -> memref<1x8x64xf32, #tpu.memory_space<vmem>>
      %dma_start3A_834 = tpu.memref_squeeze %dma_start3A_833 : memref<1x8x64xf32, #tpu.memory_space<vmem>> -> memref<8x64xf32, #tpu.memory_space<vmem>>
      %dma_start3A_835 = arith.constant 0 : i32
      %dma_start3A_836 = arith.constant 0 : i32
      %dma_start3A_837 = tpu.memref_slice %arg8[%squeeze3A_821, %dma_start3A_835, %dma_start3A_836] : memref<125000x8x64xf32, #tpu.memory_space<hbm>> -> memref<1x8x64xf32, #tpu.memory_space<hbm>>
      %dma_start3A_838 = tpu.memref_squeeze %dma_start3A_837 : memref<1x8x64xf32, #tpu.memory_space<hbm>> -> memref<8x64xf32, #tpu.memory_space<hbm>>
      tpu.enqueue_dma source(%dma_start3A_838 : memref<8x64xf32, #tpu.memory_space<hbm>>) target(%dma_start3A_834 : memref<8x64xf32, #tpu.memory_space<vmem>>) target_semaphore(%arg21 : memref<!tpu.dma_semaphore, #tpu.memory_space<semaphore_mem>>)
      %slice3A_839 = vector.extract_strided_slice %get3A_629 {offsets = [5], sizes = [1], strides = [1]} : vector<16xi32> to vector<1xi32>
      %squeeze3A_840 = vector.extract %slice3A_839[0] : i32 from vector<1xi32>
      %dma_start3A_841 = arith.constant 21 : i32
      %dma_start3A_842 = arith.constant 0 : i32
      %dma_start3A_843 = arith.constant 0 : i32
      %dma_start3A_844 = tpu.memref_slice %arg18[%dma_start3A_841, %dma_start3A_842, %dma_start3A_843] : memref<32x8x64xf32, #tpu.memory_space<vmem>> -> memref<1x8x64xf32, #tpu.memory_space<vmem>>
      %dma_start3A_845 = tpu.memref_squeeze %dma_start3A_844 : memref<1x8x64xf32, #tpu.memory_space<vmem>> -> memref<8x64xf32, #tpu.memory_space<vmem>>
      %dma_start3A_846 = arith.constant 0 : i32
      %dma_start3A_847 = arith.constant 0 : i32
      %dma_start3A_848 = tpu.memref_slice %arg8[%squeeze3A_840, %dma_start3A_846, %dma_start3A_847] : memref<125000x8x64xf32, #tpu.memory_space<hbm>> -> memref<1x8x64xf32, #tpu.memory_space<hbm>>
      %dma_start3A_849 = tpu.memref_squeeze %dma_start3A_848 : memref<1x8x64xf32, #tpu.memory_space<hbm>> -> memref<8x64xf32, #tpu.memory_space<hbm>>
      %dma_start3A_850 = arith.constant 0 : i32
      %dma_start3A_851 = arith.constant 0 : i32
      %dma_start3A_852 = tpu.memref_slice %arg18[%dma_start3A_841, %dma_start3A_850, %dma_start3A_851] : memref<32x8x64xf32, #tpu.memory_space<vmem>> -> memref<1x8x64xf32, #tpu.memory_space<vmem>>
      %dma_start3A_853 = tpu.memref_squeeze %dma_start3A_852 : memref<1x8x64xf32, #tpu.memory_space<vmem>> -> memref<8x64xf32, #tpu.memory_space<vmem>>
      %dma_start3A_854 = arith.constant 0 : i32
      %dma_start3A_855 = arith.constant 0 : i32
      %dma_start3A_856 = tpu.memref_slice %arg8[%squeeze3A_840, %dma_start3A_854, %dma_start3A_855] : memref<125000x8x64xf32, #tpu.memory_space<hbm>> -> memref<1x8x64xf32, #tpu.memory_space<hbm>>
      %dma_start3A_857 = tpu.memref_squeeze %dma_start3A_856 : memref<1x8x64xf32, #tpu.memory_space<hbm>> -> memref<8x64xf32, #tpu.memory_space<hbm>>
      tpu.enqueue_dma source(%dma_start3A_857 : memref<8x64xf32, #tpu.memory_space<hbm>>) target(%dma_start3A_853 : memref<8x64xf32, #tpu.memory_space<vmem>>) target_semaphore(%arg21 : memref<!tpu.dma_semaphore, #tpu.memory_space<semaphore_mem>>)
      %slice3A_858 = vector.extract_strided_slice %get3A_627 {offsets = [6], sizes = [1], strides = [1]} : vector<16xi32> to vector<1xi32>
      %squeeze3A_859 = vector.extract %slice3A_858[0] : i32 from vector<1xi32>
      %dma_start3A_860 = arith.constant 22 : i32
      %dma_start3A_861 = arith.constant 0 : i32
      %dma_start3A_862 = arith.constant 0 : i32
      %dma_start3A_863 = tpu.memref_slice %arg17[%dma_start3A_860, %dma_start3A_861, %dma_start3A_862] : memref<32x8x64xf32, #tpu.memory_space<vmem>> -> memref<1x8x64xf32, #tpu.memory_space<vmem>>
      %dma_start3A_864 = tpu.memref_squeeze %dma_start3A_863 : memref<1x8x64xf32, #tpu.memory_space<vmem>> -> memref<8x64xf32, #tpu.memory_space<vmem>>
      %dma_start3A_865 = arith.constant 0 : i32
      %dma_start3A_866 = arith.constant 0 : i32
      %dma_start3A_867 = tpu.memref_slice %arg8[%squeeze3A_859, %dma_start3A_865, %dma_start3A_866] : memref<125000x8x64xf32, #tpu.memory_space<hbm>> -> memref<1x8x64xf32, #tpu.memory_space<hbm>>
      %dma_start3A_868 = tpu.memref_squeeze %dma_start3A_867 : memref<1x8x64xf32, #tpu.memory_space<hbm>> -> memref<8x64xf32, #tpu.memory_space<hbm>>
      %dma_start3A_869 = arith.constant 0 : i32
      %dma_start3A_870 = arith.constant 0 : i32
      %dma_start3A_871 = tpu.memref_slice %arg17[%dma_start3A_860, %dma_start3A_869, %dma_start3A_870] : memref<32x8x64xf32, #tpu.memory_space<vmem>> -> memref<1x8x64xf32, #tpu.memory_space<vmem>>
      %dma_start3A_872 = tpu.memref_squeeze %dma_start3A_871 : memref<1x8x64xf32, #tpu.memory_space<vmem>> -> memref<8x64xf32, #tpu.memory_space<vmem>>
      %dma_start3A_873 = arith.constant 0 : i32
      %dma_start3A_874 = arith.constant 0 : i32
      %dma_start3A_875 = tpu.memref_slice %arg8[%squeeze3A_859, %dma_start3A_873, %dma_start3A_874] : memref<125000x8x64xf32, #tpu.memory_space<hbm>> -> memref<1x8x64xf32, #tpu.memory_space<hbm>>
      %dma_start3A_876 = tpu.memref_squeeze %dma_start3A_875 : memref<1x8x64xf32, #tpu.memory_space<hbm>> -> memref<8x64xf32, #tpu.memory_space<hbm>>
      tpu.enqueue_dma source(%dma_start3A_876 : memref<8x64xf32, #tpu.memory_space<hbm>>) target(%dma_start3A_872 : memref<8x64xf32, #tpu.memory_space<vmem>>) target_semaphore(%arg21 : memref<!tpu.dma_semaphore, #tpu.memory_space<semaphore_mem>>)
      %slice3A_877 = vector.extract_strided_slice %get3A_629 {offsets = [6], sizes = [1], strides = [1]} : vector<16xi32> to vector<1xi32>
      %squeeze3A_878 = vector.extract %slice3A_877[0] : i32 from vector<1xi32>
      %dma_start3A_879 = arith.constant 22 : i32
      %dma_start3A_880 = arith.constant 0 : i32
      %dma_start3A_881 = arith.constant 0 : i32
      %dma_start3A_882 = tpu.memref_slice %arg18[%dma_start3A_879, %dma_start3A_880, %dma_start3A_881] : memref<32x8x64xf32, #tpu.memory_space<vmem>> -> memref<1x8x64xf32, #tpu.memory_space<vmem>>
      %dma_start3A_883 = tpu.memref_squeeze %dma_start3A_882 : memref<1x8x64xf32, #tpu.memory_space<vmem>> -> memref<8x64xf32, #tpu.memory_space<vmem>>
      %dma_start3A_884 = arith.constant 0 : i32
      %dma_start3A_885 = arith.constant 0 : i32
      %dma_start3A_886 = tpu.memref_slice %arg8[%squeeze3A_878, %dma_start3A_884, %dma_start3A_885] : memref<125000x8x64xf32, #tpu.memory_space<hbm>> -> memref<1x8x64xf32, #tpu.memory_space<hbm>>
      %dma_start3A_887 = tpu.memref_squeeze %dma_start3A_886 : memref<1x8x64xf32, #tpu.memory_space<hbm>> -> memref<8x64xf32, #tpu.memory_space<hbm>>
      %dma_start3A_888 = arith.constant 0 : i32
      %dma_start3A_889 = arith.constant 0 : i32
      %dma_start3A_890 = tpu.memref_slice %arg18[%dma_start3A_879, %dma_start3A_888, %dma_start3A_889] : memref<32x8x64xf32, #tpu.memory_space<vmem>> -> memref<1x8x64xf32, #tpu.memory_space<vmem>>
      %dma_start3A_891 = tpu.memref_squeeze %dma_start3A_890 : memref<1x8x64xf32, #tpu.memory_space<vmem>> -> memref<8x64xf32, #tpu.memory_space<vmem>>
      %dma_start3A_892 = arith.constant 0 : i32
      %dma_start3A_893 = arith.constant 0 : i32
      %dma_start3A_894 = tpu.memref_slice %arg8[%squeeze3A_878, %dma_start3A_892, %dma_start3A_893] : memref<125000x8x64xf32, #tpu.memory_space<hbm>> -> memref<1x8x64xf32, #tpu.memory_space<hbm>>
      %dma_start3A_895 = tpu.memref_squeeze %dma_start3A_894 : memref<1x8x64xf32, #tpu.memory_space<hbm>> -> memref<8x64xf32, #tpu.memory_space<hbm>>
      tpu.enqueue_dma source(%dma_start3A_895 : memref<8x64xf32, #tpu.memory_space<hbm>>) target(%dma_start3A_891 : memref<8x64xf32, #tpu.memory_space<vmem>>) target_semaphore(%arg21 : memref<!tpu.dma_semaphore, #tpu.memory_space<semaphore_mem>>)
      %slice3A_896 = vector.extract_strided_slice %get3A_627 {offsets = [7], sizes = [1], strides = [1]} : vector<16xi32> to vector<1xi32>
      %squeeze3A_897 = vector.extract %slice3A_896[0] : i32 from vector<1xi32>
      %dma_start3A_898 = arith.constant 23 : i32
      %dma_start3A_899 = arith.constant 0 : i32
      %dma_start3A_900 = arith.constant 0 : i32
      %dma_start3A_901 = tpu.memref_slice %arg17[%dma_start3A_898, %dma_start3A_899, %dma_start3A_900] : memref<32x8x64xf32, #tpu.memory_space<vmem>> -> memref<1x8x64xf32, #tpu.memory_space<vmem>>
      %dma_start3A_902 = tpu.memref_squeeze %dma_start3A_901 : memref<1x8x64xf32, #tpu.memory_space<vmem>> -> memref<8x64xf32, #tpu.memory_space<vmem>>
      %dma_start3A_903 = arith.constant 0 : i32
      %dma_start3A_904 = arith.constant 0 : i32
      %dma_start3A_905 = tpu.memref_slice %arg8[%squeeze3A_897, %dma_start3A_903, %dma_start3A_904] : memref<125000x8x64xf32, #tpu.memory_space<hbm>> -> memref<1x8x64xf32, #tpu.memory_space<hbm>>
      %dma_start3A_906 = tpu.memref_squeeze %dma_start3A_905 : memref<1x8x64xf32, #tpu.memory_space<hbm>> -> memref<8x64xf32, #tpu.memory_space<hbm>>
      %dma_start3A_907 = arith.constant 0 : i32
      %dma_start3A_908 = arith.constant 0 : i32
      %dma_start3A_909 = tpu.memref_slice %arg17[%dma_start3A_898, %dma_start3A_907, %dma_start3A_908] : memref<32x8x64xf32, #tpu.memory_space<vmem>> -> memref<1x8x64xf32, #tpu.memory_space<vmem>>
      %dma_start3A_910 = tpu.memref_squeeze %dma_start3A_909 : memref<1x8x64xf32, #tpu.memory_space<vmem>> -> memref<8x64xf32, #tpu.memory_space<vmem>>
      %dma_start3A_911 = arith.constant 0 : i32
      %dma_start3A_912 = arith.constant 0 : i32
      %dma_start3A_913 = tpu.memref_slice %arg8[%squeeze3A_897, %dma_start3A_911, %dma_start3A_912] : memref<125000x8x64xf32, #tpu.memory_space<hbm>> -> memref<1x8x64xf32, #tpu.memory_space<hbm>>
      %dma_start3A_914 = tpu.memref_squeeze %dma_start3A_913 : memref<1x8x64xf32, #tpu.memory_space<hbm>> -> memref<8x64xf32, #tpu.memory_space<hbm>>
      tpu.enqueue_dma source(%dma_start3A_914 : memref<8x64xf32, #tpu.memory_space<hbm>>) target(%dma_start3A_910 : memref<8x64xf32, #tpu.memory_space<vmem>>) target_semaphore(%arg21 : memref<!tpu.dma_semaphore, #tpu.memory_space<semaphore_mem>>)
      %slice3A_915 = vector.extract_strided_slice %get3A_629 {offsets = [7], sizes = [1], strides = [1]} : vector<16xi32> to vector<1xi32>
      %squeeze3A_916 = vector.extract %slice3A_915[0] : i32 from vector<1xi32>
      %dma_start3A_917 = arith.constant 23 : i32
      %dma_start3A_918 = arith.constant 0 : i32
      %dma_start3A_919 = arith.constant 0 : i32
      %dma_start3A_920 = tpu.memref_slice %arg18[%dma_start3A_917, %dma_start3A_918, %dma_start3A_919] : memref<32x8x64xf32, #tpu.memory_space<vmem>> -> memref<1x8x64xf32, #tpu.memory_space<vmem>>
      %dma_start3A_921 = tpu.memref_squeeze %dma_start3A_920 : memref<1x8x64xf32, #tpu.memory_space<vmem>> -> memref<8x64xf32, #tpu.memory_space<vmem>>
      %dma_start3A_922 = arith.constant 0 : i32
      %dma_start3A_923 = arith.constant 0 : i32
      %dma_start3A_924 = tpu.memref_slice %arg8[%squeeze3A_916, %dma_start3A_922, %dma_start3A_923] : memref<125000x8x64xf32, #tpu.memory_space<hbm>> -> memref<1x8x64xf32, #tpu.memory_space<hbm>>
      %dma_start3A_925 = tpu.memref_squeeze %dma_start3A_924 : memref<1x8x64xf32, #tpu.memory_space<hbm>> -> memref<8x64xf32, #tpu.memory_space<hbm>>
      %dma_start3A_926 = arith.constant 0 : i32
      %dma_start3A_927 = arith.constant 0 : i32
      %dma_start3A_928 = tpu.memref_slice %arg18[%dma_start3A_917, %dma_start3A_926, %dma_start3A_927] : memref<32x8x64xf32, #tpu.memory_space<vmem>> -> memref<1x8x64xf32, #tpu.memory_space<vmem>>
      %dma_start3A_929 = tpu.memref_squeeze %dma_start3A_928 : memref<1x8x64xf32, #tpu.memory_space<vmem>> -> memref<8x64xf32, #tpu.memory_space<vmem>>
      %dma_start3A_930 = arith.constant 0 : i32
      %dma_start3A_931 = arith.constant 0 : i32
      %dma_start3A_932 = tpu.memref_slice %arg8[%squeeze3A_916, %dma_start3A_930, %dma_start3A_931] : memref<125000x8x64xf32, #tpu.memory_space<hbm>> -> memref<1x8x64xf32, #tpu.memory_space<hbm>>
      %dma_start3A_933 = tpu.memref_squeeze %dma_start3A_932 : memref<1x8x64xf32, #tpu.memory_space<hbm>> -> memref<8x64xf32, #tpu.memory_space<hbm>>
      tpu.enqueue_dma source(%dma_start3A_933 : memref<8x64xf32, #tpu.memory_space<hbm>>) target(%dma_start3A_929 : memref<8x64xf32, #tpu.memory_space<vmem>>) target_semaphore(%arg21 : memref<!tpu.dma_semaphore, #tpu.memory_space<semaphore_mem>>)
      %slice3A_934 = vector.extract_strided_slice %get3A_627 {offsets = [8], sizes = [1], strides = [1]} : vector<16xi32> to vector<1xi32>
      %squeeze3A_935 = vector.extract %slice3A_934[0] : i32 from vector<1xi32>
      %dma_start3A_936 = arith.constant 24 : i32
      %dma_start3A_937 = arith.constant 0 : i32
      %dma_start3A_938 = arith.constant 0 : i32
      %dma_start3A_939 = tpu.memref_slice %arg17[%dma_start3A_936, %dma_start3A_937, %dma_start3A_938] : memref<32x8x64xf32, #tpu.memory_space<vmem>> -> memref<1x8x64xf32, #tpu.memory_space<vmem>>
      %dma_start3A_940 = tpu.memref_squeeze %dma_start3A_939 : memref<1x8x64xf32, #tpu.memory_space<vmem>> -> memref<8x64xf32, #tpu.memory_space<vmem>>
      %dma_start3A_941 = arith.constant 0 : i32
      %dma_start3A_942 = arith.constant 0 : i32
      %dma_start3A_943 = tpu.memref_slice %arg8[%squeeze3A_935, %dma_start3A_941, %dma_start3A_942] : memref<125000x8x64xf32, #tpu.memory_space<hbm>> -> memref<1x8x64xf32, #tpu.memory_space<hbm>>
      %dma_start3A_944 = tpu.memref_squeeze %dma_start3A_943 : memref<1x8x64xf32, #tpu.memory_space<hbm>> -> memref<8x64xf32, #tpu.memory_space<hbm>>
      %dma_start3A_945 = arith.constant 0 : i32
      %dma_start3A_946 = arith.constant 0 : i32
      %dma_start3A_947 = tpu.memref_slice %arg17[%dma_start3A_936, %dma_start3A_945, %dma_start3A_946] : memref<32x8x64xf32, #tpu.memory_space<vmem>> -> memref<1x8x64xf32, #tpu.memory_space<vmem>>
      %dma_start3A_948 = tpu.memref_squeeze %dma_start3A_947 : memref<1x8x64xf32, #tpu.memory_space<vmem>> -> memref<8x64xf32, #tpu.memory_space<vmem>>
      %dma_start3A_949 = arith.constant 0 : i32
      %dma_start3A_950 = arith.constant 0 : i32
      %dma_start3A_951 = tpu.memref_slice %arg8[%squeeze3A_935, %dma_start3A_949, %dma_start3A_950] : memref<125000x8x64xf32, #tpu.memory_space<hbm>> -> memref<1x8x64xf32, #tpu.memory_space<hbm>>
      %dma_start3A_952 = tpu.memref_squeeze %dma_start3A_951 : memref<1x8x64xf32, #tpu.memory_space<hbm>> -> memref<8x64xf32, #tpu.memory_space<hbm>>
      tpu.enqueue_dma source(%dma_start3A_952 : memref<8x64xf32, #tpu.memory_space<hbm>>) target(%dma_start3A_948 : memref<8x64xf32, #tpu.memory_space<vmem>>) target_semaphore(%arg21 : memref<!tpu.dma_semaphore, #tpu.memory_space<semaphore_mem>>)
      %slice3A_953 = vector.extract_strided_slice %get3A_629 {offsets = [8], sizes = [1], strides = [1]} : vector<16xi32> to vector<1xi32>
      %squeeze3A_954 = vector.extract %slice3A_953[0] : i32 from vector<1xi32>
      %dma_start3A_955 = arith.constant 24 : i32
      %dma_start3A_956 = arith.constant 0 : i32
      %dma_start3A_957 = arith.constant 0 : i32
      %dma_start3A_958 = tpu.memref_slice %arg18[%dma_start3A_955, %dma_start3A_956, %dma_start3A_957] : memref<32x8x64xf32, #tpu.memory_space<vmem>> -> memref<1x8x64xf32, #tpu.memory_space<vmem>>
      %dma_start3A_959 = tpu.memref_squeeze %dma_start3A_958 : memref<1x8x64xf32, #tpu.memory_space<vmem>> -> memref<8x64xf32, #tpu.memory_space<vmem>>
      %dma_start3A_960 = arith.constant 0 : i32
      %dma_start3A_961 = arith.constant 0 : i32
      %dma_start3A_962 = tpu.memref_slice %arg8[%squeeze3A_954, %dma_start3A_960, %dma_start3A_961] : memref<125000x8x64xf32, #tpu.memory_space<hbm>> -> memref<1x8x64xf32, #tpu.memory_space<hbm>>
      %dma_start3A_963 = tpu.memref_squeeze %dma_start3A_962 : memref<1x8x64xf32, #tpu.memory_space<hbm>> -> memref<8x64xf32, #tpu.memory_space<hbm>>
      %dma_start3A_964 = arith.constant 0 : i32
      %dma_start3A_965 = arith.constant 0 : i32
      %dma_start3A_966 = tpu.memref_slice %arg18[%dma_start3A_955, %dma_start3A_964, %dma_start3A_965] : memref<32x8x64xf32, #tpu.memory_space<vmem>> -> memref<1x8x64xf32, #tpu.memory_space<vmem>>
      %dma_start3A_967 = tpu.memref_squeeze %dma_start3A_966 : memref<1x8x64xf32, #tpu.memory_space<vmem>> -> memref<8x64xf32, #tpu.memory_space<vmem>>
      %dma_start3A_968 = arith.constant 0 : i32
      %dma_start3A_969 = arith.constant 0 : i32
      %dma_start3A_970 = tpu.memref_slice %arg8[%squeeze3A_954, %dma_start3A_968, %dma_start3A_969] : memref<125000x8x64xf32, #tpu.memory_space<hbm>> -> memref<1x8x64xf32, #tpu.memory_space<hbm>>
      %dma_start3A_971 = tpu.memref_squeeze %dma_start3A_970 : memref<1x8x64xf32, #tpu.memory_space<hbm>> -> memref<8x64xf32, #tpu.memory_space<hbm>>
      tpu.enqueue_dma source(%dma_start3A_971 : memref<8x64xf32, #tpu.memory_space<hbm>>) target(%dma_start3A_967 : memref<8x64xf32, #tpu.memory_space<vmem>>) target_semaphore(%arg21 : memref<!tpu.dma_semaphore, #tpu.memory_space<semaphore_mem>>)
      %slice3A_972 = vector.extract_strided_slice %get3A_627 {offsets = [9], sizes = [1], strides = [1]} : vector<16xi32> to vector<1xi32>
      %squeeze3A_973 = vector.extract %slice3A_972[0] : i32 from vector<1xi32>
      %dma_start3A_974 = arith.constant 25 : i32
      %dma_start3A_975 = arith.constant 0 : i32
      %dma_start3A_976 = arith.constant 0 : i32
      %dma_start3A_977 = tpu.memref_slice %arg17[%dma_start3A_974, %dma_start3A_975, %dma_start3A_976] : memref<32x8x64xf32, #tpu.memory_space<vmem>> -> memref<1x8x64xf32, #tpu.memory_space<vmem>>
      %dma_start3A_978 = tpu.memref_squeeze %dma_start3A_977 : memref<1x8x64xf32, #tpu.memory_space<vmem>> -> memref<8x64xf32, #tpu.memory_space<vmem>>
      %dma_start3A_979 = arith.constant 0 : i32
      %dma_start3A_980 = arith.constant 0 : i32
      %dma_start3A_981 = tpu.memref_slice %arg8[%squeeze3A_973, %dma_start3A_979, %dma_start3A_980] : memref<125000x8x64xf32, #tpu.memory_space<hbm>> -> memref<1x8x64xf32, #tpu.memory_space<hbm>>
      %dma_start3A_982 = tpu.memref_squeeze %dma_start3A_981 : memref<1x8x64xf32, #tpu.memory_space<hbm>> -> memref<8x64xf32, #tpu.memory_space<hbm>>
      %dma_start3A_983 = arith.constant 0 : i32
      %dma_start3A_984 = arith.constant 0 : i32
      %dma_start3A_985 = tpu.memref_slice %arg17[%dma_start3A_974, %dma_start3A_983, %dma_start3A_984] : memref<32x8x64xf32, #tpu.memory_space<vmem>> -> memref<1x8x64xf32, #tpu.memory_space<vmem>>
      %dma_start3A_986 = tpu.memref_squeeze %dma_start3A_985 : memref<1x8x64xf32, #tpu.memory_space<vmem>> -> memref<8x64xf32, #tpu.memory_space<vmem>>
      %dma_start3A_987 = arith.constant 0 : i32
      %dma_start3A_988 = arith.constant 0 : i32
      %dma_start3A_989 = tpu.memref_slice %arg8[%squeeze3A_973, %dma_start3A_987, %dma_start3A_988] : memref<125000x8x64xf32, #tpu.memory_space<hbm>> -> memref<1x8x64xf32, #tpu.memory_space<hbm>>
      %dma_start3A_990 = tpu.memref_squeeze %dma_start3A_989 : memref<1x8x64xf32, #tpu.memory_space<hbm>> -> memref<8x64xf32, #tpu.memory_space<hbm>>
      tpu.enqueue_dma source(%dma_start3A_990 : memref<8x64xf32, #tpu.memory_space<hbm>>) target(%dma_start3A_986 : memref<8x64xf32, #tpu.memory_space<vmem>>) target_semaphore(%arg21 : memref<!tpu.dma_semaphore, #tpu.memory_space<semaphore_mem>>)
      %slice3A_991 = vector.extract_strided_slice %get3A_629 {offsets = [9], sizes = [1], strides = [1]} : vector<16xi32> to vector<1xi32>
      %squeeze3A_992 = vector.extract %slice3A_991[0] : i32 from vector<1xi32>
      %dma_start3A_993 = arith.constant 25 : i32
      %dma_start3A_994 = arith.constant 0 : i32
      %dma_start3A_995 = arith.constant 0 : i32
      %dma_start3A_996 = tpu.memref_slice %arg18[%dma_start3A_993, %dma_start3A_994, %dma_start3A_995] : memref<32x8x64xf32, #tpu.memory_space<vmem>> -> memref<1x8x64xf32, #tpu.memory_space<vmem>>
      %dma_start3A_997 = tpu.memref_squeeze %dma_start3A_996 : memref<1x8x64xf32, #tpu.memory_space<vmem>> -> memref<8x64xf32, #tpu.memory_space<vmem>>
      %dma_start3A_998 = arith.constant 0 : i32
      %dma_start3A_999 = arith.constant 0 : i32
      %dma_start3A_1000 = tpu.memref_slice %arg8[%squeeze3A_992, %dma_start3A_998, %dma_start3A_999] : memref<125000x8x64xf32, #tpu.memory_space<hbm>> -> memref<1x8x64xf32, #tpu.memory_space<hbm>>
      %dma_start3A_1001 = tpu.memref_squeeze %dma_start3A_1000 : memref<1x8x64xf32, #tpu.memory_space<hbm>> -> memref<8x64xf32, #tpu.memory_space<hbm>>
      %dma_start3A_1002 = arith.constant 0 : i32
      %dma_start3A_1003 = arith.constant 0 : i32
      %dma_start3A_1004 = tpu.memref_slice %arg18[%dma_start3A_993, %dma_start3A_1002, %dma_start3A_1003] : memref<32x8x64xf32, #tpu.memory_space<vmem>> -> memref<1x8x64xf32, #tpu.memory_space<vmem>>
      %dma_start3A_1005 = tpu.memref_squeeze %dma_start3A_1004 : memref<1x8x64xf32, #tpu.memory_space<vmem>> -> memref<8x64xf32, #tpu.memory_space<vmem>>
      %dma_start3A_1006 = arith.constant 0 : i32
      %dma_start3A_1007 = arith.constant 0 : i32
      %dma_start3A_1008 = tpu.memref_slice %arg8[%squeeze3A_992, %dma_start3A_1006, %dma_start3A_1007] : memref<125000x8x64xf32, #tpu.memory_space<hbm>> -> memref<1x8x64xf32, #tpu.memory_space<hbm>>
      %dma_start3A_1009 = tpu.memref_squeeze %dma_start3A_1008 : memref<1x8x64xf32, #tpu.memory_space<hbm>> -> memref<8x64xf32, #tpu.memory_space<hbm>>
      tpu.enqueue_dma source(%dma_start3A_1009 : memref<8x64xf32, #tpu.memory_space<hbm>>) target(%dma_start3A_1005 : memref<8x64xf32, #tpu.memory_space<vmem>>) target_semaphore(%arg21 : memref<!tpu.dma_semaphore, #tpu.memory_space<semaphore_mem>>)
      %slice3A_1010 = vector.extract_strided_slice %get3A_627 {offsets = [10], sizes = [1], strides = [1]} : vector<16xi32> to vector<1xi32>
      %squeeze3A_1011 = vector.extract %slice3A_1010[0] : i32 from vector<1xi32>
      %dma_start3A_1012 = arith.constant 26 : i32
      %dma_start3A_1013 = arith.constant 0 : i32
      %dma_start3A_1014 = arith.constant 0 : i32
      %dma_start3A_1015 = tpu.memref_slice %arg17[%dma_start3A_1012, %dma_start3A_1013, %dma_start3A_1014] : memref<32x8x64xf32, #tpu.memory_space<vmem>> -> memref<1x8x64xf32, #tpu.memory_space<vmem>>
      %dma_start3A_1016 = tpu.memref_squeeze %dma_start3A_1015 : memref<1x8x64xf32, #tpu.memory_space<vmem>> -> memref<8x64xf32, #tpu.memory_space<vmem>>
      %dma_start3A_1017 = arith.constant 0 : i32
      %dma_start3A_1018 = arith.constant 0 : i32
      %dma_start3A_1019 = tpu.memref_slice %arg8[%squeeze3A_1011, %dma_start3A_1017, %dma_start3A_1018] : memref<125000x8x64xf32, #tpu.memory_space<hbm>> -> memref<1x8x64xf32, #tpu.memory_space<hbm>>
      %dma_start3A_1020 = tpu.memref_squeeze %dma_start3A_1019 : memref<1x8x64xf32, #tpu.memory_space<hbm>> -> memref<8x64xf32, #tpu.memory_space<hbm>>
      %dma_start3A_1021 = arith.constant 0 : i32
      %dma_start3A_1022 = arith.constant 0 : i32
      %dma_start3A_1023 = tpu.memref_slice %arg17[%dma_start3A_1012, %dma_start3A_1021, %dma_start3A_1022] : memref<32x8x64xf32, #tpu.memory_space<vmem>> -> memref<1x8x64xf32, #tpu.memory_space<vmem>>
      %dma_start3A_1024 = tpu.memref_squeeze %dma_start3A_1023 : memref<1x8x64xf32, #tpu.memory_space<vmem>> -> memref<8x64xf32, #tpu.memory_space<vmem>>
      %dma_start3A_1025 = arith.constant 0 : i32
      %dma_start3A_1026 = arith.constant 0 : i32
      %dma_start3A_1027 = tpu.memref_slice %arg8[%squeeze3A_1011, %dma_start3A_1025, %dma_start3A_1026] : memref<125000x8x64xf32, #tpu.memory_space<hbm>> -> memref<1x8x64xf32, #tpu.memory_space<hbm>>
      %dma_start3A_1028 = tpu.memref_squeeze %dma_start3A_1027 : memref<1x8x64xf32, #tpu.memory_space<hbm>> -> memref<8x64xf32, #tpu.memory_space<hbm>>
      tpu.enqueue_dma source(%dma_start3A_1028 : memref<8x64xf32, #tpu.memory_space<hbm>>) target(%dma_start3A_1024 : memref<8x64xf32, #tpu.memory_space<vmem>>) target_semaphore(%arg21 : memref<!tpu.dma_semaphore, #tpu.memory_space<semaphore_mem>>)
      %slice3A_1029 = vector.extract_strided_slice %get3A_629 {offsets = [10], sizes = [1], strides = [1]} : vector<16xi32> to vector<1xi32>
      %squeeze3A_1030 = vector.extract %slice3A_1029[0] : i32 from vector<1xi32>
      %dma_start3A_1031 = arith.constant 26 : i32
      %dma_start3A_1032 = arith.constant 0 : i32
      %dma_start3A_1033 = arith.constant 0 : i32
      %dma_start3A_1034 = tpu.memref_slice %arg18[%dma_start3A_1031, %dma_start3A_1032, %dma_start3A_1033] : memref<32x8x64xf32, #tpu.memory_space<vmem>> -> memref<1x8x64xf32, #tpu.memory_space<vmem>>
      %dma_start3A_1035 = tpu.memref_squeeze %dma_start3A_1034 : memref<1x8x64xf32, #tpu.memory_space<vmem>> -> memref<8x64xf32, #tpu.memory_space<vmem>>
      %dma_start3A_1036 = arith.constant 0 : i32
      %dma_start3A_1037 = arith.constant 0 : i32
      %dma_start3A_1038 = tpu.memref_slice %arg8[%squeeze3A_1030, %dma_start3A_1036, %dma_start3A_1037] : memref<125000x8x64xf32, #tpu.memory_space<hbm>> -> memref<1x8x64xf32, #tpu.memory_space<hbm>>
      %dma_start3A_1039 = tpu.memref_squeeze %dma_start3A_1038 : memref<1x8x64xf32, #tpu.memory_space<hbm>> -> memref<8x64xf32, #tpu.memory_space<hbm>>
      %dma_start3A_1040 = arith.constant 0 : i32
      %dma_start3A_1041 = arith.constant 0 : i32
      %dma_start3A_1042 = tpu.memref_slice %arg18[%dma_start3A_1031, %dma_start3A_1040, %dma_start3A_1041] : memref<32x8x64xf32, #tpu.memory_space<vmem>> -> memref<1x8x64xf32, #tpu.memory_space<vmem>>
      %dma_start3A_1043 = tpu.memref_squeeze %dma_start3A_1042 : memref<1x8x64xf32, #tpu.memory_space<vmem>> -> memref<8x64xf32, #tpu.memory_space<vmem>>
      %dma_start3A_1044 = arith.constant 0 : i32
      %dma_start3A_1045 = arith.constant 0 : i32
      %dma_start3A_1046 = tpu.memref_slice %arg8[%squeeze3A_1030, %dma_start3A_1044, %dma_start3A_1045] : memref<125000x8x64xf32, #tpu.memory_space<hbm>> -> memref<1x8x64xf32, #tpu.memory_space<hbm>>
      %dma_start3A_1047 = tpu.memref_squeeze %dma_start3A_1046 : memref<1x8x64xf32, #tpu.memory_space<hbm>> -> memref<8x64xf32, #tpu.memory_space<hbm>>
      tpu.enqueue_dma source(%dma_start3A_1047 : memref<8x64xf32, #tpu.memory_space<hbm>>) target(%dma_start3A_1043 : memref<8x64xf32, #tpu.memory_space<vmem>>) target_semaphore(%arg21 : memref<!tpu.dma_semaphore, #tpu.memory_space<semaphore_mem>>)
      %slice3A_1048 = vector.extract_strided_slice %get3A_627 {offsets = [11], sizes = [1], strides = [1]} : vector<16xi32> to vector<1xi32>
      %squeeze3A_1049 = vector.extract %slice3A_1048[0] : i32 from vector<1xi32>
      %dma_start3A_1050 = arith.constant 27 : i32
      %dma_start3A_1051 = arith.constant 0 : i32
      %dma_start3A_1052 = arith.constant 0 : i32
      %dma_start3A_1053 = tpu.memref_slice %arg17[%dma_start3A_1050, %dma_start3A_1051, %dma_start3A_1052] : memref<32x8x64xf32, #tpu.memory_space<vmem>> -> memref<1x8x64xf32, #tpu.memory_space<vmem>>
      %dma_start3A_1054 = tpu.memref_squeeze %dma_start3A_1053 : memref<1x8x64xf32, #tpu.memory_space<vmem>> -> memref<8x64xf32, #tpu.memory_space<vmem>>
      %dma_start3A_1055 = arith.constant 0 : i32
      %dma_start3A_1056 = arith.constant 0 : i32
      %dma_start3A_1057 = tpu.memref_slice %arg8[%squeeze3A_1049, %dma_start3A_1055, %dma_start3A_1056] : memref<125000x8x64xf32, #tpu.memory_space<hbm>> -> memref<1x8x64xf32, #tpu.memory_space<hbm>>
      %dma_start3A_1058 = tpu.memref_squeeze %dma_start3A_1057 : memref<1x8x64xf32, #tpu.memory_space<hbm>> -> memref<8x64xf32, #tpu.memory_space<hbm>>
      %dma_start3A_1059 = arith.constant 0 : i32
      %dma_start3A_1060 = arith.constant 0 : i32
      %dma_start3A_1061 = tpu.memref_slice %arg17[%dma_start3A_1050, %dma_start3A_1059, %dma_start3A_1060] : memref<32x8x64xf32, #tpu.memory_space<vmem>> -> memref<1x8x64xf32, #tpu.memory_space<vmem>>
      %dma_start3A_1062 = tpu.memref_squeeze %dma_start3A_1061 : memref<1x8x64xf32, #tpu.memory_space<vmem>> -> memref<8x64xf32, #tpu.memory_space<vmem>>
      %dma_start3A_1063 = arith.constant 0 : i32
      %dma_start3A_1064 = arith.constant 0 : i32
      %dma_start3A_1065 = tpu.memref_slice %arg8[%squeeze3A_1049, %dma_start3A_1063, %dma_start3A_1064] : memref<125000x8x64xf32, #tpu.memory_space<hbm>> -> memref<1x8x64xf32, #tpu.memory_space<hbm>>
      %dma_start3A_1066 = tpu.memref_squeeze %dma_start3A_1065 : memref<1x8x64xf32, #tpu.memory_space<hbm>> -> memref<8x64xf32, #tpu.memory_space<hbm>>
      tpu.enqueue_dma source(%dma_start3A_1066 : memref<8x64xf32, #tpu.memory_space<hbm>>) target(%dma_start3A_1062 : memref<8x64xf32, #tpu.memory_space<vmem>>) target_semaphore(%arg21 : memref<!tpu.dma_semaphore, #tpu.memory_space<semaphore_mem>>)
      %slice3A_1067 = vector.extract_strided_slice %get3A_629 {offsets = [11], sizes = [1], strides = [1]} : vector<16xi32> to vector<1xi32>
      %squeeze3A_1068 = vector.extract %slice3A_1067[0] : i32 from vector<1xi32>
      %dma_start3A_1069 = arith.constant 27 : i32
      %dma_start3A_1070 = arith.constant 0 : i32
      %dma_start3A_1071 = arith.constant 0 : i32
      %dma_start3A_1072 = tpu.memref_slice %arg18[%dma_start3A_1069, %dma_start3A_1070, %dma_start3A_1071] : memref<32x8x64xf32, #tpu.memory_space<vmem>> -> memref<1x8x64xf32, #tpu.memory_space<vmem>>
      %dma_start3A_1073 = tpu.memref_squeeze %dma_start3A_1072 : memref<1x8x64xf32, #tpu.memory_space<vmem>> -> memref<8x64xf32, #tpu.memory_space<vmem>>
      %dma_start3A_1074 = arith.constant 0 : i32
      %dma_start3A_1075 = arith.constant 0 : i32
      %dma_start3A_1076 = tpu.memref_slice %arg8[%squeeze3A_1068, %dma_start3A_1074, %dma_start3A_1075] : memref<125000x8x64xf32, #tpu.memory_space<hbm>> -> memref<1x8x64xf32, #tpu.memory_space<hbm>>
      %dma_start3A_1077 = tpu.memref_squeeze %dma_start3A_1076 : memref<1x8x64xf32, #tpu.memory_space<hbm>> -> memref<8x64xf32, #tpu.memory_space<hbm>>
      %dma_start3A_1078 = arith.constant 0 : i32
      %dma_start3A_1079 = arith.constant 0 : i32
      %dma_start3A_1080 = tpu.memref_slice %arg18[%dma_start3A_1069, %dma_start3A_1078, %dma_start3A_1079] : memref<32x8x64xf32, #tpu.memory_space<vmem>> -> memref<1x8x64xf32, #tpu.memory_space<vmem>>
      %dma_start3A_1081 = tpu.memref_squeeze %dma_start3A_1080 : memref<1x8x64xf32, #tpu.memory_space<vmem>> -> memref<8x64xf32, #tpu.memory_space<vmem>>
      %dma_start3A_1082 = arith.constant 0 : i32
      %dma_start3A_1083 = arith.constant 0 : i32
      %dma_start3A_1084 = tpu.memref_slice %arg8[%squeeze3A_1068, %dma_start3A_1082, %dma_start3A_1083] : memref<125000x8x64xf32, #tpu.memory_space<hbm>> -> memref<1x8x64xf32, #tpu.memory_space<hbm>>
      %dma_start3A_1085 = tpu.memref_squeeze %dma_start3A_1084 : memref<1x8x64xf32, #tpu.memory_space<hbm>> -> memref<8x64xf32, #tpu.memory_space<hbm>>
      tpu.enqueue_dma source(%dma_start3A_1085 : memref<8x64xf32, #tpu.memory_space<hbm>>) target(%dma_start3A_1081 : memref<8x64xf32, #tpu.memory_space<vmem>>) target_semaphore(%arg21 : memref<!tpu.dma_semaphore, #tpu.memory_space<semaphore_mem>>)
      %slice3A_1086 = vector.extract_strided_slice %get3A_627 {offsets = [12], sizes = [1], strides = [1]} : vector<16xi32> to vector<1xi32>
      %squeeze3A_1087 = vector.extract %slice3A_1086[0] : i32 from vector<1xi32>
      %dma_start3A_1088 = arith.constant 28 : i32
      %dma_start3A_1089 = arith.constant 0 : i32
      %dma_start3A_1090 = arith.constant 0 : i32
      %dma_start3A_1091 = tpu.memref_slice %arg17[%dma_start3A_1088, %dma_start3A_1089, %dma_start3A_1090] : memref<32x8x64xf32, #tpu.memory_space<vmem>> -> memref<1x8x64xf32, #tpu.memory_space<vmem>>
      %dma_start3A_1092 = tpu.memref_squeeze %dma_start3A_1091 : memref<1x8x64xf32, #tpu.memory_space<vmem>> -> memref<8x64xf32, #tpu.memory_space<vmem>>
      %dma_start3A_1093 = arith.constant 0 : i32
      %dma_start3A_1094 = arith.constant 0 : i32
      %dma_start3A_1095 = tpu.memref_slice %arg8[%squeeze3A_1087, %dma_start3A_1093, %dma_start3A_1094] : memref<125000x8x64xf32, #tpu.memory_space<hbm>> -> memref<1x8x64xf32, #tpu.memory_space<hbm>>
      %dma_start3A_1096 = tpu.memref_squeeze %dma_start3A_1095 : memref<1x8x64xf32, #tpu.memory_space<hbm>> -> memref<8x64xf32, #tpu.memory_space<hbm>>
      %dma_start3A_1097 = arith.constant 0 : i32
      %dma_start3A_1098 = arith.constant 0 : i32
      %dma_start3A_1099 = tpu.memref_slice %arg17[%dma_start3A_1088, %dma_start3A_1097, %dma_start3A_1098] : memref<32x8x64xf32, #tpu.memory_space<vmem>> -> memref<1x8x64xf32, #tpu.memory_space<vmem>>
      %dma_start3A_1100 = tpu.memref_squeeze %dma_start3A_1099 : memref<1x8x64xf32, #tpu.memory_space<vmem>> -> memref<8x64xf32, #tpu.memory_space<vmem>>
      %dma_start3A_1101 = arith.constant 0 : i32
      %dma_start3A_1102 = arith.constant 0 : i32
      %dma_start3A_1103 = tpu.memref_slice %arg8[%squeeze3A_1087, %dma_start3A_1101, %dma_start3A_1102] : memref<125000x8x64xf32, #tpu.memory_space<hbm>> -> memref<1x8x64xf32, #tpu.memory_space<hbm>>
      %dma_start3A_1104 = tpu.memref_squeeze %dma_start3A_1103 : memref<1x8x64xf32, #tpu.memory_space<hbm>> -> memref<8x64xf32, #tpu.memory_space<hbm>>
      tpu.enqueue_dma source(%dma_start3A_1104 : memref<8x64xf32, #tpu.memory_space<hbm>>) target(%dma_start3A_1100 : memref<8x64xf32, #tpu.memory_space<vmem>>) target_semaphore(%arg21 : memref<!tpu.dma_semaphore, #tpu.memory_space<semaphore_mem>>)
      %slice3A_1105 = vector.extract_strided_slice %get3A_629 {offsets = [12], sizes = [1], strides = [1]} : vector<16xi32> to vector<1xi32>
      %squeeze3A_1106 = vector.extract %slice3A_1105[0] : i32 from vector<1xi32>
      %dma_start3A_1107 = arith.constant 28 : i32
      %dma_start3A_1108 = arith.constant 0 : i32
      %dma_start3A_1109 = arith.constant 0 : i32
      %dma_start3A_1110 = tpu.memref_slice %arg18[%dma_start3A_1107, %dma_start3A_1108, %dma_start3A_1109] : memref<32x8x64xf32, #tpu.memory_space<vmem>> -> memref<1x8x64xf32, #tpu.memory_space<vmem>>
      %dma_start3A_1111 = tpu.memref_squeeze %dma_start3A_1110 : memref<1x8x64xf32, #tpu.memory_space<vmem>> -> memref<8x64xf32, #tpu.memory_space<vmem>>
      %dma_start3A_1112 = arith.constant 0 : i32
      %dma_start3A_1113 = arith.constant 0 : i32
      %dma_start3A_1114 = tpu.memref_slice %arg8[%squeeze3A_1106, %dma_start3A_1112, %dma_start3A_1113] : memref<125000x8x64xf32, #tpu.memory_space<hbm>> -> memref<1x8x64xf32, #tpu.memory_space<hbm>>
      %dma_start3A_1115 = tpu.memref_squeeze %dma_start3A_1114 : memref<1x8x64xf32, #tpu.memory_space<hbm>> -> memref<8x64xf32, #tpu.memory_space<hbm>>
      %dma_start3A_1116 = arith.constant 0 : i32
      %dma_start3A_1117 = arith.constant 0 : i32
      %dma_start3A_1118 = tpu.memref_slice %arg18[%dma_start3A_1107, %dma_start3A_1116, %dma_start3A_1117] : memref<32x8x64xf32, #tpu.memory_space<vmem>> -> memref<1x8x64xf32, #tpu.memory_space<vmem>>
      %dma_start3A_1119 = tpu.memref_squeeze %dma_start3A_1118 : memref<1x8x64xf32, #tpu.memory_space<vmem>> -> memref<8x64xf32, #tpu.memory_space<vmem>>
      %dma_start3A_1120 = arith.constant 0 : i32
      %dma_start3A_1121 = arith.constant 0 : i32
      %dma_start3A_1122 = tpu.memref_slice %arg8[%squeeze3A_1106, %dma_start3A_1120, %dma_start3A_1121] : memref<125000x8x64xf32, #tpu.memory_space<hbm>> -> memref<1x8x64xf32, #tpu.memory_space<hbm>>
      %dma_start3A_1123 = tpu.memref_squeeze %dma_start3A_1122 : memref<1x8x64xf32, #tpu.memory_space<hbm>> -> memref<8x64xf32, #tpu.memory_space<hbm>>
      tpu.enqueue_dma source(%dma_start3A_1123 : memref<8x64xf32, #tpu.memory_space<hbm>>) target(%dma_start3A_1119 : memref<8x64xf32, #tpu.memory_space<vmem>>) target_semaphore(%arg21 : memref<!tpu.dma_semaphore, #tpu.memory_space<semaphore_mem>>)
      %slice3A_1124 = vector.extract_strided_slice %get3A_627 {offsets = [13], sizes = [1], strides = [1]} : vector<16xi32> to vector<1xi32>
      %squeeze3A_1125 = vector.extract %slice3A_1124[0] : i32 from vector<1xi32>
      %dma_start3A_1126 = arith.constant 29 : i32
      %dma_start3A_1127 = arith.constant 0 : i32
      %dma_start3A_1128 = arith.constant 0 : i32
      %dma_start3A_1129 = tpu.memref_slice %arg17[%dma_start3A_1126, %dma_start3A_1127, %dma_start3A_1128] : memref<32x8x64xf32, #tpu.memory_space<vmem>> -> memref<1x8x64xf32, #tpu.memory_space<vmem>>
      %dma_start3A_1130 = tpu.memref_squeeze %dma_start3A_1129 : memref<1x8x64xf32, #tpu.memory_space<vmem>> -> memref<8x64xf32, #tpu.memory_space<vmem>>
      %dma_start3A_1131 = arith.constant 0 : i32
      %dma_start3A_1132 = arith.constant 0 : i32
      %dma_start3A_1133 = tpu.memref_slice %arg8[%squeeze3A_1125, %dma_start3A_1131, %dma_start3A_1132] : memref<125000x8x64xf32, #tpu.memory_space<hbm>> -> memref<1x8x64xf32, #tpu.memory_space<hbm>>
      %dma_start3A_1134 = tpu.memref_squeeze %dma_start3A_1133 : memref<1x8x64xf32, #tpu.memory_space<hbm>> -> memref<8x64xf32, #tpu.memory_space<hbm>>
      %dma_start3A_1135 = arith.constant 0 : i32
      %dma_start3A_1136 = arith.constant 0 : i32
      %dma_start3A_1137 = tpu.memref_slice %arg17[%dma_start3A_1126, %dma_start3A_1135, %dma_start3A_1136] : memref<32x8x64xf32, #tpu.memory_space<vmem>> -> memref<1x8x64xf32, #tpu.memory_space<vmem>>
      %dma_start3A_1138 = tpu.memref_squeeze %dma_start3A_1137 : memref<1x8x64xf32, #tpu.memory_space<vmem>> -> memref<8x64xf32, #tpu.memory_space<vmem>>
      %dma_start3A_1139 = arith.constant 0 : i32
      %dma_start3A_1140 = arith.constant 0 : i32
      %dma_start3A_1141 = tpu.memref_slice %arg8[%squeeze3A_1125, %dma_start3A_1139, %dma_start3A_1140] : memref<125000x8x64xf32, #tpu.memory_space<hbm>> -> memref<1x8x64xf32, #tpu.memory_space<hbm>>
      %dma_start3A_1142 = tpu.memref_squeeze %dma_start3A_1141 : memref<1x8x64xf32, #tpu.memory_space<hbm>> -> memref<8x64xf32, #tpu.memory_space<hbm>>
      tpu.enqueue_dma source(%dma_start3A_1142 : memref<8x64xf32, #tpu.memory_space<hbm>>) target(%dma_start3A_1138 : memref<8x64xf32, #tpu.memory_space<vmem>>) target_semaphore(%arg21 : memref<!tpu.dma_semaphore, #tpu.memory_space<semaphore_mem>>)
      %slice3A_1143 = vector.extract_strided_slice %get3A_629 {offsets = [13], sizes = [1], strides = [1]} : vector<16xi32> to vector<1xi32>
      %squeeze3A_1144 = vector.extract %slice3A_1143[0] : i32 from vector<1xi32>
      %dma_start3A_1145 = arith.constant 29 : i32
      %dma_start3A_1146 = arith.constant 0 : i32
      %dma_start3A_1147 = arith.constant 0 : i32
      %dma_start3A_1148 = tpu.memref_slice %arg18[%dma_start3A_1145, %dma_start3A_1146, %dma_start3A_1147] : memref<32x8x64xf32, #tpu.memory_space<vmem>> -> memref<1x8x64xf32, #tpu.memory_space<vmem>>
      %dma_start3A_1149 = tpu.memref_squeeze %dma_start3A_1148 : memref<1x8x64xf32, #tpu.memory_space<vmem>> -> memref<8x64xf32, #tpu.memory_space<vmem>>
      %dma_start3A_1150 = arith.constant 0 : i32
      %dma_start3A_1151 = arith.constant 0 : i32
      %dma_start3A_1152 = tpu.memref_slice %arg8[%squeeze3A_1144, %dma_start3A_1150, %dma_start3A_1151] : memref<125000x8x64xf32, #tpu.memory_space<hbm>> -> memref<1x8x64xf32, #tpu.memory_space<hbm>>
      %dma_start3A_1153 = tpu.memref_squeeze %dma_start3A_1152 : memref<1x8x64xf32, #tpu.memory_space<hbm>> -> memref<8x64xf32, #tpu.memory_space<hbm>>
      %dma_start3A_1154 = arith.constant 0 : i32
      %dma_start3A_1155 = arith.constant 0 : i32
      %dma_start3A_1156 = tpu.memref_slice %arg18[%dma_start3A_1145, %dma_start3A_1154, %dma_start3A_1155] : memref<32x8x64xf32, #tpu.memory_space<vmem>> -> memref<1x8x64xf32, #tpu.memory_space<vmem>>
      %dma_start3A_1157 = tpu.memref_squeeze %dma_start3A_1156 : memref<1x8x64xf32, #tpu.memory_space<vmem>> -> memref<8x64xf32, #tpu.memory_space<vmem>>
      %dma_start3A_1158 = arith.constant 0 : i32
      %dma_start3A_1159 = arith.constant 0 : i32
      %dma_start3A_1160 = tpu.memref_slice %arg8[%squeeze3A_1144, %dma_start3A_1158, %dma_start3A_1159] : memref<125000x8x64xf32, #tpu.memory_space<hbm>> -> memref<1x8x64xf32, #tpu.memory_space<hbm>>
      %dma_start3A_1161 = tpu.memref_squeeze %dma_start3A_1160 : memref<1x8x64xf32, #tpu.memory_space<hbm>> -> memref<8x64xf32, #tpu.memory_space<hbm>>
      tpu.enqueue_dma source(%dma_start3A_1161 : memref<8x64xf32, #tpu.memory_space<hbm>>) target(%dma_start3A_1157 : memref<8x64xf32, #tpu.memory_space<vmem>>) target_semaphore(%arg21 : memref<!tpu.dma_semaphore, #tpu.memory_space<semaphore_mem>>)
      %slice3A_1162 = vector.extract_strided_slice %get3A_627 {offsets = [14], sizes = [1], strides = [1]} : vector<16xi32> to vector<1xi32>
      %squeeze3A_1163 = vector.extract %slice3A_1162[0] : i32 from vector<1xi32>
      %dma_start3A_1164 = arith.constant 30 : i32
      %dma_start3A_1165 = arith.constant 0 : i32
      %dma_start3A_1166 = arith.constant 0 : i32
      %dma_start3A_1167 = tpu.memref_slice %arg17[%dma_start3A_1164, %dma_start3A_1165, %dma_start3A_1166] : memref<32x8x64xf32, #tpu.memory_space<vmem>> -> memref<1x8x64xf32, #tpu.memory_space<vmem>>
      %dma_start3A_1168 = tpu.memref_squeeze %dma_start3A_1167 : memref<1x8x64xf32, #tpu.memory_space<vmem>> -> memref<8x64xf32, #tpu.memory_space<vmem>>
      %dma_start3A_1169 = arith.constant 0 : i32
      %dma_start3A_1170 = arith.constant 0 : i32
      %dma_start3A_1171 = tpu.memref_slice %arg8[%squeeze3A_1163, %dma_start3A_1169, %dma_start3A_1170] : memref<125000x8x64xf32, #tpu.memory_space<hbm>> -> memref<1x8x64xf32, #tpu.memory_space<hbm>>
      %dma_start3A_1172 = tpu.memref_squeeze %dma_start3A_1171 : memref<1x8x64xf32, #tpu.memory_space<hbm>> -> memref<8x64xf32, #tpu.memory_space<hbm>>
      %dma_start3A_1173 = arith.constant 0 : i32
      %dma_start3A_1174 = arith.constant 0 : i32
      %dma_start3A_1175 = tpu.memref_slice %arg17[%dma_start3A_1164, %dma_start3A_1173, %dma_start3A_1174] : memref<32x8x64xf32, #tpu.memory_space<vmem>> -> memref<1x8x64xf32, #tpu.memory_space<vmem>>
      %dma_start3A_1176 = tpu.memref_squeeze %dma_start3A_1175 : memref<1x8x64xf32, #tpu.memory_space<vmem>> -> memref<8x64xf32, #tpu.memory_space<vmem>>
      %dma_start3A_1177 = arith.constant 0 : i32
      %dma_start3A_1178 = arith.constant 0 : i32
      %dma_start3A_1179 = tpu.memref_slice %arg8[%squeeze3A_1163, %dma_start3A_1177, %dma_start3A_1178] : memref<125000x8x64xf32, #tpu.memory_space<hbm>> -> memref<1x8x64xf32, #tpu.memory_space<hbm>>
      %dma_start3A_1180 = tpu.memref_squeeze %dma_start3A_1179 : memref<1x8x64xf32, #tpu.memory_space<hbm>> -> memref<8x64xf32, #tpu.memory_space<hbm>>
      tpu.enqueue_dma source(%dma_start3A_1180 : memref<8x64xf32, #tpu.memory_space<hbm>>) target(%dma_start3A_1176 : memref<8x64xf32, #tpu.memory_space<vmem>>) target_semaphore(%arg21 : memref<!tpu.dma_semaphore, #tpu.memory_space<semaphore_mem>>)
      %slice3A_1181 = vector.extract_strided_slice %get3A_629 {offsets = [14], sizes = [1], strides = [1]} : vector<16xi32> to vector<1xi32>
      %squeeze3A_1182 = vector.extract %slice3A_1181[0] : i32 from vector<1xi32>
      %dma_start3A_1183 = arith.constant 30 : i32
      %dma_start3A_1184 = arith.constant 0 : i32
      %dma_start3A_1185 = arith.constant 0 : i32
      %dma_start3A_1186 = tpu.memref_slice %arg18[%dma_start3A_1183, %dma_start3A_1184, %dma_start3A_1185] : memref<32x8x64xf32, #tpu.memory_space<vmem>> -> memref<1x8x64xf32, #tpu.memory_space<vmem>>
      %dma_start3A_1187 = tpu.memref_squeeze %dma_start3A_1186 : memref<1x8x64xf32, #tpu.memory_space<vmem>> -> memref<8x64xf32, #tpu.memory_space<vmem>>
      %dma_start3A_1188 = arith.constant 0 : i32
      %dma_start3A_1189 = arith.constant 0 : i32
      %dma_start3A_1190 = tpu.memref_slice %arg8[%squeeze3A_1182, %dma_start3A_1188, %dma_start3A_1189] : memref<125000x8x64xf32, #tpu.memory_space<hbm>> -> memref<1x8x64xf32, #tpu.memory_space<hbm>>
      %dma_start3A_1191 = tpu.memref_squeeze %dma_start3A_1190 : memref<1x8x64xf32, #tpu.memory_space<hbm>> -> memref<8x64xf32, #tpu.memory_space<hbm>>
      %dma_start3A_1192 = arith.constant 0 : i32
      %dma_start3A_1193 = arith.constant 0 : i32
      %dma_start3A_1194 = tpu.memref_slice %arg18[%dma_start3A_1183, %dma_start3A_1192, %dma_start3A_1193] : memref<32x8x64xf32, #tpu.memory_space<vmem>> -> memref<1x8x64xf32, #tpu.memory_space<vmem>>
      %dma_start3A_1195 = tpu.memref_squeeze %dma_start3A_1194 : memref<1x8x64xf32, #tpu.memory_space<vmem>> -> memref<8x64xf32, #tpu.memory_space<vmem>>
      %dma_start3A_1196 = arith.constant 0 : i32
      %dma_start3A_1197 = arith.constant 0 : i32
      %dma_start3A_1198 = tpu.memref_slice %arg8[%squeeze3A_1182, %dma_start3A_1196, %dma_start3A_1197] : memref<125000x8x64xf32, #tpu.memory_space<hbm>> -> memref<1x8x64xf32, #tpu.memory_space<hbm>>
      %dma_start3A_1199 = tpu.memref_squeeze %dma_start3A_1198 : memref<1x8x64xf32, #tpu.memory_space<hbm>> -> memref<8x64xf32, #tpu.memory_space<hbm>>
      tpu.enqueue_dma source(%dma_start3A_1199 : memref<8x64xf32, #tpu.memory_space<hbm>>) target(%dma_start3A_1195 : memref<8x64xf32, #tpu.memory_space<vmem>>) target_semaphore(%arg21 : memref<!tpu.dma_semaphore, #tpu.memory_space<semaphore_mem>>)
      %slice3A_1200 = vector.extract_strided_slice %get3A_627 {offsets = [15], sizes = [1], strides = [1]} : vector<16xi32> to vector<1xi32>
      %squeeze3A_1201 = vector.extract %slice3A_1200[0] : i32 from vector<1xi32>
      %dma_start3A_1202 = arith.constant 31 : i32
      %dma_start3A_1203 = arith.constant 0 : i32
      %dma_start3A_1204 = arith.constant 0 : i32
      %dma_start3A_1205 = tpu.memref_slice %arg17[%dma_start3A_1202, %dma_start3A_1203, %dma_start3A_1204] : memref<32x8x64xf32, #tpu.memory_space<vmem>> -> memref<1x8x64xf32, #tpu.memory_space<vmem>>
      %dma_start3A_1206 = tpu.memref_squeeze %dma_start3A_1205 : memref<1x8x64xf32, #tpu.memory_space<vmem>> -> memref<8x64xf32, #tpu.memory_space<vmem>>
      %dma_start3A_1207 = arith.constant 0 : i32
      %dma_start3A_1208 = arith.constant 0 : i32
      %dma_start3A_1209 = tpu.memref_slice %arg8[%squeeze3A_1201, %dma_start3A_1207, %dma_start3A_1208] : memref<125000x8x64xf32, #tpu.memory_space<hbm>> -> memref<1x8x64xf32, #tpu.memory_space<hbm>>
      %dma_start3A_1210 = tpu.memref_squeeze %dma_start3A_1209 : memref<1x8x64xf32, #tpu.memory_space<hbm>> -> memref<8x64xf32, #tpu.memory_space<hbm>>
      %dma_start3A_1211 = arith.constant 0 : i32
      %dma_start3A_1212 = arith.constant 0 : i32
      %dma_start3A_1213 = tpu.memref_slice %arg17[%dma_start3A_1202, %dma_start3A_1211, %dma_start3A_1212] : memref<32x8x64xf32, #tpu.memory_space<vmem>> -> memref<1x8x64xf32, #tpu.memory_space<vmem>>
      %dma_start3A_1214 = tpu.memref_squeeze %dma_start3A_1213 : memref<1x8x64xf32, #tpu.memory_space<vmem>> -> memref<8x64xf32, #tpu.memory_space<vmem>>
      %dma_start3A_1215 = arith.constant 0 : i32
      %dma_start3A_1216 = arith.constant 0 : i32
      %dma_start3A_1217 = tpu.memref_slice %arg8[%squeeze3A_1201, %dma_start3A_1215, %dma_start3A_1216] : memref<125000x8x64xf32, #tpu.memory_space<hbm>> -> memref<1x8x64xf32, #tpu.memory_space<hbm>>
      %dma_start3A_1218 = tpu.memref_squeeze %dma_start3A_1217 : memref<1x8x64xf32, #tpu.memory_space<hbm>> -> memref<8x64xf32, #tpu.memory_space<hbm>>
      tpu.enqueue_dma source(%dma_start3A_1218 : memref<8x64xf32, #tpu.memory_space<hbm>>) target(%dma_start3A_1214 : memref<8x64xf32, #tpu.memory_space<vmem>>) target_semaphore(%arg21 : memref<!tpu.dma_semaphore, #tpu.memory_space<semaphore_mem>>)
      %slice3A_1219 = vector.extract_strided_slice %get3A_629 {offsets = [15], sizes = [1], strides = [1]} : vector<16xi32> to vector<1xi32>
      %squeeze3A_1220 = vector.extract %slice3A_1219[0] : i32 from vector<1xi32>
      %dma_start3A_1221 = arith.constant 31 : i32
      %dma_start3A_1222 = arith.constant 0 : i32
      %dma_start3A_1223 = arith.constant 0 : i32
      %dma_start3A_1224 = tpu.memref_slice %arg18[%dma_start3A_1221, %dma_start3A_1222, %dma_start3A_1223] : memref<32x8x64xf32, #tpu.memory_space<vmem>> -> memref<1x8x64xf32, #tpu.memory_space<vmem>>
      %dma_start3A_1225 = tpu.memref_squeeze %dma_start3A_1224 : memref<1x8x64xf32, #tpu.memory_space<vmem>> -> memref<8x64xf32, #tpu.memory_space<vmem>>
      %dma_start3A_1226 = arith.constant 0 : i32
      %dma_start3A_1227 = arith.constant 0 : i32
      %dma_start3A_1228 = tpu.memref_slice %arg8[%squeeze3A_1220, %dma_start3A_1226, %dma_start3A_1227] : memref<125000x8x64xf32, #tpu.memory_space<hbm>> -> memref<1x8x64xf32, #tpu.memory_space<hbm>>
      %dma_start3A_1229 = tpu.memref_squeeze %dma_start3A_1228 : memref<1x8x64xf32, #tpu.memory_space<hbm>> -> memref<8x64xf32, #tpu.memory_space<hbm>>
      %dma_start3A_1230 = arith.constant 0 : i32
      %dma_start3A_1231 = arith.constant 0 : i32
      %dma_start3A_1232 = tpu.memref_slice %arg18[%dma_start3A_1221, %dma_start3A_1230, %dma_start3A_1231] : memref<32x8x64xf32, #tpu.memory_space<vmem>> -> memref<1x8x64xf32, #tpu.memory_space<vmem>>
      %dma_start3A_1233 = tpu.memref_squeeze %dma_start3A_1232 : memref<1x8x64xf32, #tpu.memory_space<vmem>> -> memref<8x64xf32, #tpu.memory_space<vmem>>
      %dma_start3A_1234 = arith.constant 0 : i32
      %dma_start3A_1235 = arith.constant 0 : i32
      %dma_start3A_1236 = tpu.memref_slice %arg8[%squeeze3A_1220, %dma_start3A_1234, %dma_start3A_1235] : memref<125000x8x64xf32, #tpu.memory_space<hbm>> -> memref<1x8x64xf32, #tpu.memory_space<hbm>>
      %dma_start3A_1237 = tpu.memref_squeeze %dma_start3A_1236 : memref<1x8x64xf32, #tpu.memory_space<hbm>> -> memref<8x64xf32, #tpu.memory_space<hbm>>
      tpu.enqueue_dma source(%dma_start3A_1237 : memref<8x64xf32, #tpu.memory_space<hbm>>) target(%dma_start3A_1233 : memref<8x64xf32, #tpu.memory_space<vmem>>) target_semaphore(%arg21 : memref<!tpu.dma_semaphore, #tpu.memory_space<semaphore_mem>>)
      %dma_wait3A = arith.constant 0 : i32
      %dma_wait3A_1238 = arith.constant 0 : i32
      %dma_wait3A_1239 = arith.constant 0 : i32
      %dma_wait3A_1240 = tpu.memref_slice %arg17[%dma_wait3A, %dma_wait3A_1238, %dma_wait3A_1239] : memref<32x8x64xf32, #tpu.memory_space<vmem>> -> memref<1x8x64xf32, #tpu.memory_space<vmem>>
      %dma_wait3A_1241 = tpu.memref_squeeze %dma_wait3A_1240 : memref<1x8x64xf32, #tpu.memory_space<vmem>> -> memref<8x64xf32, #tpu.memory_space<vmem>>
      %dma_wait3A_1242 = arith.constant 0 : i32
      %dma_wait3A_1243 = arith.constant 0 : i32
      %dma_wait3A_1244 = tpu.memref_slice %arg8[%squeeze3A, %dma_wait3A_1242, %dma_wait3A_1243] : memref<125000x8x64xf32, #tpu.memory_space<hbm>> -> memref<1x8x64xf32, #tpu.memory_space<hbm>>
      %dma_wait3A_1245 = tpu.memref_squeeze %dma_wait3A_1244 : memref<1x8x64xf32, #tpu.memory_space<hbm>> -> memref<8x64xf32, #tpu.memory_space<hbm>>
      %dma_wait3A_1246 = arith.constant 0 : i32
      %dma_wait3A_1247 = arith.constant 0 : i32
      %dma_wait3A_1248 = tpu.memref_slice %arg17[%dma_wait3A, %dma_wait3A_1246, %dma_wait3A_1247] : memref<32x8x64xf32, #tpu.memory_space<vmem>> -> memref<1x8x64xf32, #tpu.memory_space<vmem>>
      %dma_wait3A_1249 = tpu.memref_squeeze %dma_wait3A_1248 : memref<1x8x64xf32, #tpu.memory_space<vmem>> -> memref<8x64xf32, #tpu.memory_space<vmem>>
      %dma_wait3A_1250 = arith.constant 0 : i32
      %dma_wait3A_1251 = arith.constant 0 : i32
      %dma_wait3A_1252 = tpu.memref_slice %arg8[%squeeze3A, %dma_wait3A_1250, %dma_wait3A_1251] : memref<125000x8x64xf32, #tpu.memory_space<hbm>> -> memref<1x8x64xf32, #tpu.memory_space<hbm>>
      %dma_wait3A_1253 = tpu.memref_squeeze %dma_wait3A_1252 : memref<1x8x64xf32, #tpu.memory_space<hbm>> -> memref<8x64xf32, #tpu.memory_space<hbm>>
      tpu.wait_dma2 semaphore(%arg21 : memref<!tpu.dma_semaphore, #tpu.memory_space<semaphore_mem>>) src(%dma_wait3A_1253 : memref<8x64xf32, #tpu.memory_space<hbm>>) dst(%dma_wait3A_1249 : memref<8x64xf32, #tpu.memory_space<vmem>>)
      %dma_wait3A_1254 = arith.constant 0 : i32
      %dma_wait3A_1255 = arith.constant 0 : i32
      %dma_wait3A_1256 = arith.constant 0 : i32
      %dma_wait3A_1257 = tpu.memref_slice %arg18[%dma_wait3A_1254, %dma_wait3A_1255, %dma_wait3A_1256] : memref<32x8x64xf32, #tpu.memory_space<vmem>> -> memref<1x8x64xf32, #tpu.memory_space<vmem>>
      %dma_wait3A_1258 = tpu.memref_squeeze %dma_wait3A_1257 : memref<1x8x64xf32, #tpu.memory_space<vmem>> -> memref<8x64xf32, #tpu.memory_space<vmem>>
      %dma_wait3A_1259 = arith.constant 0 : i32
      %dma_wait3A_1260 = arith.constant 0 : i32
      %dma_wait3A_1261 = tpu.memref_slice %arg8[%squeeze3A_38, %dma_wait3A_1259, %dma_wait3A_1260] : memref<125000x8x64xf32, #tpu.memory_space<hbm>> -> memref<1x8x64xf32, #tpu.memory_space<hbm>>
      %dma_wait3A_1262 = tpu.memref_squeeze %dma_wait3A_1261 : memref<1x8x64xf32, #tpu.memory_space<hbm>> -> memref<8x64xf32, #tpu.memory_space<hbm>>
      %dma_wait3A_1263 = arith.constant 0 : i32
      %dma_wait3A_1264 = arith.constant 0 : i32
      %dma_wait3A_1265 = tpu.memref_slice %arg18[%dma_wait3A_1254, %dma_wait3A_1263, %dma_wait3A_1264] : memref<32x8x64xf32, #tpu.memory_space<vmem>> -> memref<1x8x64xf32, #tpu.memory_space<vmem>>
      %dma_wait3A_1266 = tpu.memref_squeeze %dma_wait3A_1265 : memref<1x8x64xf32, #tpu.memory_space<vmem>> -> memref<8x64xf32, #tpu.memory_space<vmem>>
      %dma_wait3A_1267 = arith.constant 0 : i32
      %dma_wait3A_1268 = arith.constant 0 : i32
      %dma_wait3A_1269 = tpu.memref_slice %arg8[%squeeze3A_38, %dma_wait3A_1267, %dma_wait3A_1268] : memref<125000x8x64xf32, #tpu.memory_space<hbm>> -> memref<1x8x64xf32, #tpu.memory_space<hbm>>
      %dma_wait3A_1270 = tpu.memref_squeeze %dma_wait3A_1269 : memref<1x8x64xf32, #tpu.memory_space<hbm>> -> memref<8x64xf32, #tpu.memory_space<hbm>>
      tpu.wait_dma2 semaphore(%arg21 : memref<!tpu.dma_semaphore, #tpu.memory_space<semaphore_mem>>) src(%dma_wait3A_1270 : memref<8x64xf32, #tpu.memory_space<hbm>>) dst(%dma_wait3A_1266 : memref<8x64xf32, #tpu.memory_space<vmem>>)
      %dma_wait3A_1271 = arith.constant 1 : i32
      %dma_wait3A_1272 = arith.constant 0 : i32
      %dma_wait3A_1273 = arith.constant 0 : i32
      %dma_wait3A_1274 = tpu.memref_slice %arg17[%dma_wait3A_1271, %dma_wait3A_1272, %dma_wait3A_1273] : memref<32x8x64xf32, #tpu.memory_space<vmem>> -> memref<1x8x64xf32, #tpu.memory_space<vmem>>
      %dma_wait3A_1275 = tpu.memref_squeeze %dma_wait3A_1274 : memref<1x8x64xf32, #tpu.memory_space<vmem>> -> memref<8x64xf32, #tpu.memory_space<vmem>>
      %dma_wait3A_1276 = arith.constant 0 : i32
      %dma_wait3A_1277 = arith.constant 0 : i32
      %dma_wait3A_1278 = tpu.memref_slice %arg8[%squeeze3A_57, %dma_wait3A_1276, %dma_wait3A_1277] : memref<125000x8x64xf32, #tpu.memory_space<hbm>> -> memref<1x8x64xf32, #tpu.memory_space<hbm>>
      %dma_wait3A_1279 = tpu.memref_squeeze %dma_wait3A_1278 : memref<1x8x64xf32, #tpu.memory_space<hbm>> -> memref<8x64xf32, #tpu.memory_space<hbm>>
      %dma_wait3A_1280 = arith.constant 0 : i32
      %dma_wait3A_1281 = arith.constant 0 : i32
      %dma_wait3A_1282 = tpu.memref_slice %arg17[%dma_wait3A_1271, %dma_wait3A_1280, %dma_wait3A_1281] : memref<32x8x64xf32, #tpu.memory_space<vmem>> -> memref<1x8x64xf32, #tpu.memory_space<vmem>>
      %dma_wait3A_1283 = tpu.memref_squeeze %dma_wait3A_1282 : memref<1x8x64xf32, #tpu.memory_space<vmem>> -> memref<8x64xf32, #tpu.memory_space<vmem>>
      %dma_wait3A_1284 = arith.constant 0 : i32
      %dma_wait3A_1285 = arith.constant 0 : i32
      %dma_wait3A_1286 = tpu.memref_slice %arg8[%squeeze3A_57, %dma_wait3A_1284, %dma_wait3A_1285] : memref<125000x8x64xf32, #tpu.memory_space<hbm>> -> memref<1x8x64xf32, #tpu.memory_space<hbm>>
      %dma_wait3A_1287 = tpu.memref_squeeze %dma_wait3A_1286 : memref<1x8x64xf32, #tpu.memory_space<hbm>> -> memref<8x64xf32, #tpu.memory_space<hbm>>
      tpu.wait_dma2 semaphore(%arg21 : memref<!tpu.dma_semaphore, #tpu.memory_space<semaphore_mem>>) src(%dma_wait3A_1287 : memref<8x64xf32, #tpu.memory_space<hbm>>) dst(%dma_wait3A_1283 : memref<8x64xf32, #tpu.memory_space<vmem>>)
      %dma_wait3A_1288 = arith.constant 1 : i32
      %dma_wait3A_1289 = arith.constant 0 : i32
      %dma_wait3A_1290 = arith.constant 0 : i32
      %dma_wait3A_1291 = tpu.memref_slice %arg18[%dma_wait3A_1288, %dma_wait3A_1289, %dma_wait3A_1290] : memref<32x8x64xf32, #tpu.memory_space<vmem>> -> memref<1x8x64xf32, #tpu.memory_space<vmem>>
      %dma_wait3A_1292 = tpu.memref_squeeze %dma_wait3A_1291 : memref<1x8x64xf32, #tpu.memory_space<vmem>> -> memref<8x64xf32, #tpu.memory_space<vmem>>
      %dma_wait3A_1293 = arith.constant 0 : i32
      %dma_wait3A_1294 = arith.constant 0 : i32
      %dma_wait3A_1295 = tpu.memref_slice %arg8[%squeeze3A_76, %dma_wait3A_1293, %dma_wait3A_1294] : memref<125000x8x64xf32, #tpu.memory_space<hbm>> -> memref<1x8x64xf32, #tpu.memory_space<hbm>>
      %dma_wait3A_1296 = tpu.memref_squeeze %dma_wait3A_1295 : memref<1x8x64xf32, #tpu.memory_space<hbm>> -> memref<8x64xf32, #tpu.memory_space<hbm>>
      %dma_wait3A_1297 = arith.constant 0 : i32
      %dma_wait3A_1298 = arith.constant 0 : i32
      %dma_wait3A_1299 = tpu.memref_slice %arg18[%dma_wait3A_1288, %dma_wait3A_1297, %dma_wait3A_1298] : memref<32x8x64xf32, #tpu.memory_space<vmem>> -> memref<1x8x64xf32, #tpu.memory_space<vmem>>
      %dma_wait3A_1300 = tpu.memref_squeeze %dma_wait3A_1299 : memref<1x8x64xf32, #tpu.memory_space<vmem>> -> memref<8x64xf32, #tpu.memory_space<vmem>>
      %dma_wait3A_1301 = arith.constant 0 : i32
      %dma_wait3A_1302 = arith.constant 0 : i32
      %dma_wait3A_1303 = tpu.memref_slice %arg8[%squeeze3A_76, %dma_wait3A_1301, %dma_wait3A_1302] : memref<125000x8x64xf32, #tpu.memory_space<hbm>> -> memref<1x8x64xf32, #tpu.memory_space<hbm>>
      %dma_wait3A_1304 = tpu.memref_squeeze %dma_wait3A_1303 : memref<1x8x64xf32, #tpu.memory_space<hbm>> -> memref<8x64xf32, #tpu.memory_space<hbm>>
      tpu.wait_dma2 semaphore(%arg21 : memref<!tpu.dma_semaphore, #tpu.memory_space<semaphore_mem>>) src(%dma_wait3A_1304 : memref<8x64xf32, #tpu.memory_space<hbm>>) dst(%dma_wait3A_1300 : memref<8x64xf32, #tpu.memory_space<vmem>>)
      %dma_wait3A_1305 = arith.constant 2 : i32
      %dma_wait3A_1306 = arith.constant 0 : i32
      %dma_wait3A_1307 = arith.constant 0 : i32
      %dma_wait3A_1308 = tpu.memref_slice %arg17[%dma_wait3A_1305, %dma_wait3A_1306, %dma_wait3A_1307] : memref<32x8x64xf32, #tpu.memory_space<vmem>> -> memref<1x8x64xf32, #tpu.memory_space<vmem>>
      %dma_wait3A_1309 = tpu.memref_squeeze %dma_wait3A_1308 : memref<1x8x64xf32, #tpu.memory_space<vmem>> -> memref<8x64xf32, #tpu.memory_space<vmem>>
      %dma_wait3A_1310 = arith.constant 0 : i32
      %dma_wait3A_1311 = arith.constant 0 : i32
      %dma_wait3A_1312 = tpu.memref_slice %arg8[%squeeze3A_95, %dma_wait3A_1310, %dma_wait3A_1311] : memref<125000x8x64xf32, #tpu.memory_space<hbm>> -> memref<1x8x64xf32, #tpu.memory_space<hbm>>
      %dma_wait3A_1313 = tpu.memref_squeeze %dma_wait3A_1312 : memref<1x8x64xf32, #tpu.memory_space<hbm>> -> memref<8x64xf32, #tpu.memory_space<hbm>>
      %dma_wait3A_1314 = arith.constant 0 : i32
      %dma_wait3A_1315 = arith.constant 0 : i32
      %dma_wait3A_1316 = tpu.memref_slice %arg17[%dma_wait3A_1305, %dma_wait3A_1314, %dma_wait3A_1315] : memref<32x8x64xf32, #tpu.memory_space<vmem>> -> memref<1x8x64xf32, #tpu.memory_space<vmem>>
      %dma_wait3A_1317 = tpu.memref_squeeze %dma_wait3A_1316 : memref<1x8x64xf32, #tpu.memory_space<vmem>> -> memref<8x64xf32, #tpu.memory_space<vmem>>
      %dma_wait3A_1318 = arith.constant 0 : i32
      %dma_wait3A_1319 = arith.constant 0 : i32
      %dma_wait3A_1320 = tpu.memref_slice %arg8[%squeeze3A_95, %dma_wait3A_1318, %dma_wait3A_1319] : memref<125000x8x64xf32, #tpu.memory_space<hbm>> -> memref<1x8x64xf32, #tpu.memory_space<hbm>>
      %dma_wait3A_1321 = tpu.memref_squeeze %dma_wait3A_1320 : memref<1x8x64xf32, #tpu.memory_space<hbm>> -> memref<8x64xf32, #tpu.memory_space<hbm>>
      tpu.wait_dma2 semaphore(%arg21 : memref<!tpu.dma_semaphore, #tpu.memory_space<semaphore_mem>>) src(%dma_wait3A_1321 : memref<8x64xf32, #tpu.memory_space<hbm>>) dst(%dma_wait3A_1317 : memref<8x64xf32, #tpu.memory_space<vmem>>)
      %dma_wait3A_1322 = arith.constant 2 : i32
      %dma_wait3A_1323 = arith.constant 0 : i32
      %dma_wait3A_1324 = arith.constant 0 : i32
      %dma_wait3A_1325 = tpu.memref_slice %arg18[%dma_wait3A_1322, %dma_wait3A_1323, %dma_wait3A_1324] : memref<32x8x64xf32, #tpu.memory_space<vmem>> -> memref<1x8x64xf32, #tpu.memory_space<vmem>>
      %dma_wait3A_1326 = tpu.memref_squeeze %dma_wait3A_1325 : memref<1x8x64xf32, #tpu.memory_space<vmem>> -> memref<8x64xf32, #tpu.memory_space<vmem>>
      %dma_wait3A_1327 = arith.constant 0 : i32
      %dma_wait3A_1328 = arith.constant 0 : i32
      %dma_wait3A_1329 = tpu.memref_slice %arg8[%squeeze3A_114, %dma_wait3A_1327, %dma_wait3A_1328] : memref<125000x8x64xf32, #tpu.memory_space<hbm>> -> memref<1x8x64xf32, #tpu.memory_space<hbm>>
      %dma_wait3A_1330 = tpu.memref_squeeze %dma_wait3A_1329 : memref<1x8x64xf32, #tpu.memory_space<hbm>> -> memref<8x64xf32, #tpu.memory_space<hbm>>
      %dma_wait3A_1331 = arith.constant 0 : i32
      %dma_wait3A_1332 = arith.constant 0 : i32
      %dma_wait3A_1333 = tpu.memref_slice %arg18[%dma_wait3A_1322, %dma_wait3A_1331, %dma_wait3A_1332] : memref<32x8x64xf32, #tpu.memory_space<vmem>> -> memref<1x8x64xf32, #tpu.memory_space<vmem>>
      %dma_wait3A_1334 = tpu.memref_squeeze %dma_wait3A_1333 : memref<1x8x64xf32, #tpu.memory_space<vmem>> -> memref<8x64xf32, #tpu.memory_space<vmem>>
      %dma_wait3A_1335 = arith.constant 0 : i32
      %dma_wait3A_1336 = arith.constant 0 : i32
      %dma_wait3A_1337 = tpu.memref_slice %arg8[%squeeze3A_114, %dma_wait3A_1335, %dma_wait3A_1336] : memref<125000x8x64xf32, #tpu.memory_space<hbm>> -> memref<1x8x64xf32, #tpu.memory_space<hbm>>
      %dma_wait3A_1338 = tpu.memref_squeeze %dma_wait3A_1337 : memref<1x8x64xf32, #tpu.memory_space<hbm>> -> memref<8x64xf32, #tpu.memory_space<hbm>>
      tpu.wait_dma2 semaphore(%arg21 : memref<!tpu.dma_semaphore, #tpu.memory_space<semaphore_mem>>) src(%dma_wait3A_1338 : memref<8x64xf32, #tpu.memory_space<hbm>>) dst(%dma_wait3A_1334 : memref<8x64xf32, #tpu.memory_space<vmem>>)
      %dma_wait3A_1339 = arith.constant 3 : i32
      %dma_wait3A_1340 = arith.constant 0 : i32
      %dma_wait3A_1341 = arith.constant 0 : i32
      %dma_wait3A_1342 = tpu.memref_slice %arg17[%dma_wait3A_1339, %dma_wait3A_1340, %dma_wait3A_1341] : memref<32x8x64xf32, #tpu.memory_space<vmem>> -> memref<1x8x64xf32, #tpu.memory_space<vmem>>
      %dma_wait3A_1343 = tpu.memref_squeeze %dma_wait3A_1342 : memref<1x8x64xf32, #tpu.memory_space<vmem>> -> memref<8x64xf32, #tpu.memory_space<vmem>>
      %dma_wait3A_1344 = arith.constant 0 : i32
      %dma_wait3A_1345 = arith.constant 0 : i32
      %dma_wait3A_1346 = tpu.memref_slice %arg8[%squeeze3A_133, %dma_wait3A_1344, %dma_wait3A_1345] : memref<125000x8x64xf32, #tpu.memory_space<hbm>> -> memref<1x8x64xf32, #tpu.memory_space<hbm>>
      %dma_wait3A_1347 = tpu.memref_squeeze %dma_wait3A_1346 : memref<1x8x64xf32, #tpu.memory_space<hbm>> -> memref<8x64xf32, #tpu.memory_space<hbm>>
      %dma_wait3A_1348 = arith.constant 0 : i32
      %dma_wait3A_1349 = arith.constant 0 : i32
      %dma_wait3A_1350 = tpu.memref_slice %arg17[%dma_wait3A_1339, %dma_wait3A_1348, %dma_wait3A_1349] : memref<32x8x64xf32, #tpu.memory_space<vmem>> -> memref<1x8x64xf32, #tpu.memory_space<vmem>>
      %dma_wait3A_1351 = tpu.memref_squeeze %dma_wait3A_1350 : memref<1x8x64xf32, #tpu.memory_space<vmem>> -> memref<8x64xf32, #tpu.memory_space<vmem>>
      %dma_wait3A_1352 = arith.constant 0 : i32
      %dma_wait3A_1353 = arith.constant 0 : i32
      %dma_wait3A_1354 = tpu.memref_slice %arg8[%squeeze3A_133, %dma_wait3A_1352, %dma_wait3A_1353] : memref<125000x8x64xf32, #tpu.memory_space<hbm>> -> memref<1x8x64xf32, #tpu.memory_space<hbm>>
      %dma_wait3A_1355 = tpu.memref_squeeze %dma_wait3A_1354 : memref<1x8x64xf32, #tpu.memory_space<hbm>> -> memref<8x64xf32, #tpu.memory_space<hbm>>
      tpu.wait_dma2 semaphore(%arg21 : memref<!tpu.dma_semaphore, #tpu.memory_space<semaphore_mem>>) src(%dma_wait3A_1355 : memref<8x64xf32, #tpu.memory_space<hbm>>) dst(%dma_wait3A_1351 : memref<8x64xf32, #tpu.memory_space<vmem>>)
      %dma_wait3A_1356 = arith.constant 3 : i32
      %dma_wait3A_1357 = arith.constant 0 : i32
      %dma_wait3A_1358 = arith.constant 0 : i32
      %dma_wait3A_1359 = tpu.memref_slice %arg18[%dma_wait3A_1356, %dma_wait3A_1357, %dma_wait3A_1358] : memref<32x8x64xf32, #tpu.memory_space<vmem>> -> memref<1x8x64xf32, #tpu.memory_space<vmem>>
      %dma_wait3A_1360 = tpu.memref_squeeze %dma_wait3A_1359 : memref<1x8x64xf32, #tpu.memory_space<vmem>> -> memref<8x64xf32, #tpu.memory_space<vmem>>
      %dma_wait3A_1361 = arith.constant 0 : i32
      %dma_wait3A_1362 = arith.constant 0 : i32
      %dma_wait3A_1363 = tpu.memref_slice %arg8[%squeeze3A_152, %dma_wait3A_1361, %dma_wait3A_1362] : memref<125000x8x64xf32, #tpu.memory_space<hbm>> -> memref<1x8x64xf32, #tpu.memory_space<hbm>>
      %dma_wait3A_1364 = tpu.memref_squeeze %dma_wait3A_1363 : memref<1x8x64xf32, #tpu.memory_space<hbm>> -> memref<8x64xf32, #tpu.memory_space<hbm>>
      %dma_wait3A_1365 = arith.constant 0 : i32
      %dma_wait3A_1366 = arith.constant 0 : i32
      %dma_wait3A_1367 = tpu.memref_slice %arg18[%dma_wait3A_1356, %dma_wait3A_1365, %dma_wait3A_1366] : memref<32x8x64xf32, #tpu.memory_space<vmem>> -> memref<1x8x64xf32, #tpu.memory_space<vmem>>
      %dma_wait3A_1368 = tpu.memref_squeeze %dma_wait3A_1367 : memref<1x8x64xf32, #tpu.memory_space<vmem>> -> memref<8x64xf32, #tpu.memory_space<vmem>>
      %dma_wait3A_1369 = arith.constant 0 : i32
      %dma_wait3A_1370 = arith.constant 0 : i32
      %dma_wait3A_1371 = tpu.memref_slice %arg8[%squeeze3A_152, %dma_wait3A_1369, %dma_wait3A_1370] : memref<125000x8x64xf32, #tpu.memory_space<hbm>> -> memref<1x8x64xf32, #tpu.memory_space<hbm>>
      %dma_wait3A_1372 = tpu.memref_squeeze %dma_wait3A_1371 : memref<1x8x64xf32, #tpu.memory_space<hbm>> -> memref<8x64xf32, #tpu.memory_space<hbm>>
      tpu.wait_dma2 semaphore(%arg21 : memref<!tpu.dma_semaphore, #tpu.memory_space<semaphore_mem>>) src(%dma_wait3A_1372 : memref<8x64xf32, #tpu.memory_space<hbm>>) dst(%dma_wait3A_1368 : memref<8x64xf32, #tpu.memory_space<vmem>>)
      %dma_wait3A_1373 = arith.constant 4 : i32
      %dma_wait3A_1374 = arith.constant 0 : i32
      %dma_wait3A_1375 = arith.constant 0 : i32
      %dma_wait3A_1376 = tpu.memref_slice %arg17[%dma_wait3A_1373, %dma_wait3A_1374, %dma_wait3A_1375] : memref<32x8x64xf32, #tpu.memory_space<vmem>> -> memref<1x8x64xf32, #tpu.memory_space<vmem>>
      %dma_wait3A_1377 = tpu.memref_squeeze %dma_wait3A_1376 : memref<1x8x64xf32, #tpu.memory_space<vmem>> -> memref<8x64xf32, #tpu.memory_space<vmem>>
      %dma_wait3A_1378 = arith.constant 0 : i32
      %dma_wait3A_1379 = arith.constant 0 : i32
      %dma_wait3A_1380 = tpu.memref_slice %arg8[%squeeze3A_171, %dma_wait3A_1378, %dma_wait3A_1379] : memref<125000x8x64xf32, #tpu.memory_space<hbm>> -> memref<1x8x64xf32, #tpu.memory_space<hbm>>
      %dma_wait3A_1381 = tpu.memref_squeeze %dma_wait3A_1380 : memref<1x8x64xf32, #tpu.memory_space<hbm>> -> memref<8x64xf32, #tpu.memory_space<hbm>>
      %dma_wait3A_1382 = arith.constant 0 : i32
      %dma_wait3A_1383 = arith.constant 0 : i32
      %dma_wait3A_1384 = tpu.memref_slice %arg17[%dma_wait3A_1373, %dma_wait3A_1382, %dma_wait3A_1383] : memref<32x8x64xf32, #tpu.memory_space<vmem>> -> memref<1x8x64xf32, #tpu.memory_space<vmem>>
      %dma_wait3A_1385 = tpu.memref_squeeze %dma_wait3A_1384 : memref<1x8x64xf32, #tpu.memory_space<vmem>> -> memref<8x64xf32, #tpu.memory_space<vmem>>
      %dma_wait3A_1386 = arith.constant 0 : i32
      %dma_wait3A_1387 = arith.constant 0 : i32
      %dma_wait3A_1388 = tpu.memref_slice %arg8[%squeeze3A_171, %dma_wait3A_1386, %dma_wait3A_1387] : memref<125000x8x64xf32, #tpu.memory_space<hbm>> -> memref<1x8x64xf32, #tpu.memory_space<hbm>>
      %dma_wait3A_1389 = tpu.memref_squeeze %dma_wait3A_1388 : memref<1x8x64xf32, #tpu.memory_space<hbm>> -> memref<8x64xf32, #tpu.memory_space<hbm>>
      tpu.wait_dma2 semaphore(%arg21 : memref<!tpu.dma_semaphore, #tpu.memory_space<semaphore_mem>>) src(%dma_wait3A_1389 : memref<8x64xf32, #tpu.memory_space<hbm>>) dst(%dma_wait3A_1385 : memref<8x64xf32, #tpu.memory_space<vmem>>)
      %dma_wait3A_1390 = arith.constant 4 : i32
      %dma_wait3A_1391 = arith.constant 0 : i32
      %dma_wait3A_1392 = arith.constant 0 : i32
      %dma_wait3A_1393 = tpu.memref_slice %arg18[%dma_wait3A_1390, %dma_wait3A_1391, %dma_wait3A_1392] : memref<32x8x64xf32, #tpu.memory_space<vmem>> -> memref<1x8x64xf32, #tpu.memory_space<vmem>>
      %dma_wait3A_1394 = tpu.memref_squeeze %dma_wait3A_1393 : memref<1x8x64xf32, #tpu.memory_space<vmem>> -> memref<8x64xf32, #tpu.memory_space<vmem>>
      %dma_wait3A_1395 = arith.constant 0 : i32
      %dma_wait3A_1396 = arith.constant 0 : i32
      %dma_wait3A_1397 = tpu.memref_slice %arg8[%squeeze3A_190, %dma_wait3A_1395, %dma_wait3A_1396] : memref<125000x8x64xf32, #tpu.memory_space<hbm>> -> memref<1x8x64xf32, #tpu.memory_space<hbm>>
      %dma_wait3A_1398 = tpu.memref_squeeze %dma_wait3A_1397 : memref<1x8x64xf32, #tpu.memory_space<hbm>> -> memref<8x64xf32, #tpu.memory_space<hbm>>
      %dma_wait3A_1399 = arith.constant 0 : i32
      %dma_wait3A_1400 = arith.constant 0 : i32
      %dma_wait3A_1401 = tpu.memref_slice %arg18[%dma_wait3A_1390, %dma_wait3A_1399, %dma_wait3A_1400] : memref<32x8x64xf32, #tpu.memory_space<vmem>> -> memref<1x8x64xf32, #tpu.memory_space<vmem>>
      %dma_wait3A_1402 = tpu.memref_squeeze %dma_wait3A_1401 : memref<1x8x64xf32, #tpu.memory_space<vmem>> -> memref<8x64xf32, #tpu.memory_space<vmem>>
      %dma_wait3A_1403 = arith.constant 0 : i32
      %dma_wait3A_1404 = arith.constant 0 : i32
      %dma_wait3A_1405 = tpu.memref_slice %arg8[%squeeze3A_190, %dma_wait3A_1403, %dma_wait3A_1404] : memref<125000x8x64xf32, #tpu.memory_space<hbm>> -> memref<1x8x64xf32, #tpu.memory_space<hbm>>
      %dma_wait3A_1406 = tpu.memref_squeeze %dma_wait3A_1405 : memref<1x8x64xf32, #tpu.memory_space<hbm>> -> memref<8x64xf32, #tpu.memory_space<hbm>>
      tpu.wait_dma2 semaphore(%arg21 : memref<!tpu.dma_semaphore, #tpu.memory_space<semaphore_mem>>) src(%dma_wait3A_1406 : memref<8x64xf32, #tpu.memory_space<hbm>>) dst(%dma_wait3A_1402 : memref<8x64xf32, #tpu.memory_space<vmem>>)
      %dma_wait3A_1407 = arith.constant 5 : i32
      %dma_wait3A_1408 = arith.constant 0 : i32
      %dma_wait3A_1409 = arith.constant 0 : i32
      %dma_wait3A_1410 = tpu.memref_slice %arg17[%dma_wait3A_1407, %dma_wait3A_1408, %dma_wait3A_1409] : memref<32x8x64xf32, #tpu.memory_space<vmem>> -> memref<1x8x64xf32, #tpu.memory_space<vmem>>
      %dma_wait3A_1411 = tpu.memref_squeeze %dma_wait3A_1410 : memref<1x8x64xf32, #tpu.memory_space<vmem>> -> memref<8x64xf32, #tpu.memory_space<vmem>>
      %dma_wait3A_1412 = arith.constant 0 : i32
      %dma_wait3A_1413 = arith.constant 0 : i32
      %dma_wait3A_1414 = tpu.memref_slice %arg8[%squeeze3A_209, %dma_wait3A_1412, %dma_wait3A_1413] : memref<125000x8x64xf32, #tpu.memory_space<hbm>> -> memref<1x8x64xf32, #tpu.memory_space<hbm>>
      %dma_wait3A_1415 = tpu.memref_squeeze %dma_wait3A_1414 : memref<1x8x64xf32, #tpu.memory_space<hbm>> -> memref<8x64xf32, #tpu.memory_space<hbm>>
      %dma_wait3A_1416 = arith.constant 0 : i32
      %dma_wait3A_1417 = arith.constant 0 : i32
      %dma_wait3A_1418 = tpu.memref_slice %arg17[%dma_wait3A_1407, %dma_wait3A_1416, %dma_wait3A_1417] : memref<32x8x64xf32, #tpu.memory_space<vmem>> -> memref<1x8x64xf32, #tpu.memory_space<vmem>>
      %dma_wait3A_1419 = tpu.memref_squeeze %dma_wait3A_1418 : memref<1x8x64xf32, #tpu.memory_space<vmem>> -> memref<8x64xf32, #tpu.memory_space<vmem>>
      %dma_wait3A_1420 = arith.constant 0 : i32
      %dma_wait3A_1421 = arith.constant 0 : i32
      %dma_wait3A_1422 = tpu.memref_slice %arg8[%squeeze3A_209, %dma_wait3A_1420, %dma_wait3A_1421] : memref<125000x8x64xf32, #tpu.memory_space<hbm>> -> memref<1x8x64xf32, #tpu.memory_space<hbm>>
      %dma_wait3A_1423 = tpu.memref_squeeze %dma_wait3A_1422 : memref<1x8x64xf32, #tpu.memory_space<hbm>> -> memref<8x64xf32, #tpu.memory_space<hbm>>
      tpu.wait_dma2 semaphore(%arg21 : memref<!tpu.dma_semaphore, #tpu.memory_space<semaphore_mem>>) src(%dma_wait3A_1423 : memref<8x64xf32, #tpu.memory_space<hbm>>) dst(%dma_wait3A_1419 : memref<8x64xf32, #tpu.memory_space<vmem>>)
      %dma_wait3A_1424 = arith.constant 5 : i32
      %dma_wait3A_1425 = arith.constant 0 : i32
      %dma_wait3A_1426 = arith.constant 0 : i32
      %dma_wait3A_1427 = tpu.memref_slice %arg18[%dma_wait3A_1424, %dma_wait3A_1425, %dma_wait3A_1426] : memref<32x8x64xf32, #tpu.memory_space<vmem>> -> memref<1x8x64xf32, #tpu.memory_space<vmem>>
      %dma_wait3A_1428 = tpu.memref_squeeze %dma_wait3A_1427 : memref<1x8x64xf32, #tpu.memory_space<vmem>> -> memref<8x64xf32, #tpu.memory_space<vmem>>
      %dma_wait3A_1429 = arith.constant 0 : i32
      %dma_wait3A_1430 = arith.constant 0 : i32
      %dma_wait3A_1431 = tpu.memref_slice %arg8[%squeeze3A_228, %dma_wait3A_1429, %dma_wait3A_1430] : memref<125000x8x64xf32, #tpu.memory_space<hbm>> -> memref<1x8x64xf32, #tpu.memory_space<hbm>>
      %dma_wait3A_1432 = tpu.memref_squeeze %dma_wait3A_1431 : memref<1x8x64xf32, #tpu.memory_space<hbm>> -> memref<8x64xf32, #tpu.memory_space<hbm>>
      %dma_wait3A_1433 = arith.constant 0 : i32
      %dma_wait3A_1434 = arith.constant 0 : i32
      %dma_wait3A_1435 = tpu.memref_slice %arg18[%dma_wait3A_1424, %dma_wait3A_1433, %dma_wait3A_1434] : memref<32x8x64xf32, #tpu.memory_space<vmem>> -> memref<1x8x64xf32, #tpu.memory_space<vmem>>
      %dma_wait3A_1436 = tpu.memref_squeeze %dma_wait3A_1435 : memref<1x8x64xf32, #tpu.memory_space<vmem>> -> memref<8x64xf32, #tpu.memory_space<vmem>>
      %dma_wait3A_1437 = arith.constant 0 : i32
      %dma_wait3A_1438 = arith.constant 0 : i32
      %dma_wait3A_1439 = tpu.memref_slice %arg8[%squeeze3A_228, %dma_wait3A_1437, %dma_wait3A_1438] : memref<125000x8x64xf32, #tpu.memory_space<hbm>> -> memref<1x8x64xf32, #tpu.memory_space<hbm>>
      %dma_wait3A_1440 = tpu.memref_squeeze %dma_wait3A_1439 : memref<1x8x64xf32, #tpu.memory_space<hbm>> -> memref<8x64xf32, #tpu.memory_space<hbm>>
      tpu.wait_dma2 semaphore(%arg21 : memref<!tpu.dma_semaphore, #tpu.memory_space<semaphore_mem>>) src(%dma_wait3A_1440 : memref<8x64xf32, #tpu.memory_space<hbm>>) dst(%dma_wait3A_1436 : memref<8x64xf32, #tpu.memory_space<vmem>>)
      %dma_wait3A_1441 = arith.constant 6 : i32
      %dma_wait3A_1442 = arith.constant 0 : i32
      %dma_wait3A_1443 = arith.constant 0 : i32
      %dma_wait3A_1444 = tpu.memref_slice %arg17[%dma_wait3A_1441, %dma_wait3A_1442, %dma_wait3A_1443] : memref<32x8x64xf32, #tpu.memory_space<vmem>> -> memref<1x8x64xf32, #tpu.memory_space<vmem>>
      %dma_wait3A_1445 = tpu.memref_squeeze %dma_wait3A_1444 : memref<1x8x64xf32, #tpu.memory_space<vmem>> -> memref<8x64xf32, #tpu.memory_space<vmem>>
      %dma_wait3A_1446 = arith.constant 0 : i32
      %dma_wait3A_1447 = arith.constant 0 : i32
      %dma_wait3A_1448 = tpu.memref_slice %arg8[%squeeze3A_247, %dma_wait3A_1446, %dma_wait3A_1447] : memref<125000x8x64xf32, #tpu.memory_space<hbm>> -> memref<1x8x64xf32, #tpu.memory_space<hbm>>
      %dma_wait3A_1449 = tpu.memref_squeeze %dma_wait3A_1448 : memref<1x8x64xf32, #tpu.memory_space<hbm>> -> memref<8x64xf32, #tpu.memory_space<hbm>>
      %dma_wait3A_1450 = arith.constant 0 : i32
      %dma_wait3A_1451 = arith.constant 0 : i32
      %dma_wait3A_1452 = tpu.memref_slice %arg17[%dma_wait3A_1441, %dma_wait3A_1450, %dma_wait3A_1451] : memref<32x8x64xf32, #tpu.memory_space<vmem>> -> memref<1x8x64xf32, #tpu.memory_space<vmem>>
      %dma_wait3A_1453 = tpu.memref_squeeze %dma_wait3A_1452 : memref<1x8x64xf32, #tpu.memory_space<vmem>> -> memref<8x64xf32, #tpu.memory_space<vmem>>
      %dma_wait3A_1454 = arith.constant 0 : i32
      %dma_wait3A_1455 = arith.constant 0 : i32
      %dma_wait3A_1456 = tpu.memref_slice %arg8[%squeeze3A_247, %dma_wait3A_1454, %dma_wait3A_1455] : memref<125000x8x64xf32, #tpu.memory_space<hbm>> -> memref<1x8x64xf32, #tpu.memory_space<hbm>>
      %dma_wait3A_1457 = tpu.memref_squeeze %dma_wait3A_1456 : memref<1x8x64xf32, #tpu.memory_space<hbm>> -> memref<8x64xf32, #tpu.memory_space<hbm>>
      tpu.wait_dma2 semaphore(%arg21 : memref<!tpu.dma_semaphore, #tpu.memory_space<semaphore_mem>>) src(%dma_wait3A_1457 : memref<8x64xf32, #tpu.memory_space<hbm>>) dst(%dma_wait3A_1453 : memref<8x64xf32, #tpu.memory_space<vmem>>)
      %dma_wait3A_1458 = arith.constant 6 : i32
      %dma_wait3A_1459 = arith.constant 0 : i32
      %dma_wait3A_1460 = arith.constant 0 : i32
      %dma_wait3A_1461 = tpu.memref_slice %arg18[%dma_wait3A_1458, %dma_wait3A_1459, %dma_wait3A_1460] : memref<32x8x64xf32, #tpu.memory_space<vmem>> -> memref<1x8x64xf32, #tpu.memory_space<vmem>>
      %dma_wait3A_1462 = tpu.memref_squeeze %dma_wait3A_1461 : memref<1x8x64xf32, #tpu.memory_space<vmem>> -> memref<8x64xf32, #tpu.memory_space<vmem>>
      %dma_wait3A_1463 = arith.constant 0 : i32
      %dma_wait3A_1464 = arith.constant 0 : i32
      %dma_wait3A_1465 = tpu.memref_slice %arg8[%squeeze3A_266, %dma_wait3A_1463, %dma_wait3A_1464] : memref<125000x8x64xf32, #tpu.memory_space<hbm>> -> memref<1x8x64xf32, #tpu.memory_space<hbm>>
      %dma_wait3A_1466 = tpu.memref_squeeze %dma_wait3A_1465 : memref<1x8x64xf32, #tpu.memory_space<hbm>> -> memref<8x64xf32, #tpu.memory_space<hbm>>
      %dma_wait3A_1467 = arith.constant 0 : i32
      %dma_wait3A_1468 = arith.constant 0 : i32
      %dma_wait3A_1469 = tpu.memref_slice %arg18[%dma_wait3A_1458, %dma_wait3A_1467, %dma_wait3A_1468] : memref<32x8x64xf32, #tpu.memory_space<vmem>> -> memref<1x8x64xf32, #tpu.memory_space<vmem>>
      %dma_wait3A_1470 = tpu.memref_squeeze %dma_wait3A_1469 : memref<1x8x64xf32, #tpu.memory_space<vmem>> -> memref<8x64xf32, #tpu.memory_space<vmem>>
      %dma_wait3A_1471 = arith.constant 0 : i32
      %dma_wait3A_1472 = arith.constant 0 : i32
      %dma_wait3A_1473 = tpu.memref_slice %arg8[%squeeze3A_266, %dma_wait3A_1471, %dma_wait3A_1472] : memref<125000x8x64xf32, #tpu.memory_space<hbm>> -> memref<1x8x64xf32, #tpu.memory_space<hbm>>
      %dma_wait3A_1474 = tpu.memref_squeeze %dma_wait3A_1473 : memref<1x8x64xf32, #tpu.memory_space<hbm>> -> memref<8x64xf32, #tpu.memory_space<hbm>>
      tpu.wait_dma2 semaphore(%arg21 : memref<!tpu.dma_semaphore, #tpu.memory_space<semaphore_mem>>) src(%dma_wait3A_1474 : memref<8x64xf32, #tpu.memory_space<hbm>>) dst(%dma_wait3A_1470 : memref<8x64xf32, #tpu.memory_space<vmem>>)
      %dma_wait3A_1475 = arith.constant 7 : i32
      %dma_wait3A_1476 = arith.constant 0 : i32
      %dma_wait3A_1477 = arith.constant 0 : i32
      %dma_wait3A_1478 = tpu.memref_slice %arg17[%dma_wait3A_1475, %dma_wait3A_1476, %dma_wait3A_1477] : memref<32x8x64xf32, #tpu.memory_space<vmem>> -> memref<1x8x64xf32, #tpu.memory_space<vmem>>
      %dma_wait3A_1479 = tpu.memref_squeeze %dma_wait3A_1478 : memref<1x8x64xf32, #tpu.memory_space<vmem>> -> memref<8x64xf32, #tpu.memory_space<vmem>>
      %dma_wait3A_1480 = arith.constant 0 : i32
      %dma_wait3A_1481 = arith.constant 0 : i32
      %dma_wait3A_1482 = tpu.memref_slice %arg8[%squeeze3A_285, %dma_wait3A_1480, %dma_wait3A_1481] : memref<125000x8x64xf32, #tpu.memory_space<hbm>> -> memref<1x8x64xf32, #tpu.memory_space<hbm>>
      %dma_wait3A_1483 = tpu.memref_squeeze %dma_wait3A_1482 : memref<1x8x64xf32, #tpu.memory_space<hbm>> -> memref<8x64xf32, #tpu.memory_space<hbm>>
      %dma_wait3A_1484 = arith.constant 0 : i32
      %dma_wait3A_1485 = arith.constant 0 : i32
      %dma_wait3A_1486 = tpu.memref_slice %arg17[%dma_wait3A_1475, %dma_wait3A_1484, %dma_wait3A_1485] : memref<32x8x64xf32, #tpu.memory_space<vmem>> -> memref<1x8x64xf32, #tpu.memory_space<vmem>>
      %dma_wait3A_1487 = tpu.memref_squeeze %dma_wait3A_1486 : memref<1x8x64xf32, #tpu.memory_space<vmem>> -> memref<8x64xf32, #tpu.memory_space<vmem>>
      %dma_wait3A_1488 = arith.constant 0 : i32
      %dma_wait3A_1489 = arith.constant 0 : i32
      %dma_wait3A_1490 = tpu.memref_slice %arg8[%squeeze3A_285, %dma_wait3A_1488, %dma_wait3A_1489] : memref<125000x8x64xf32, #tpu.memory_space<hbm>> -> memref<1x8x64xf32, #tpu.memory_space<hbm>>
      %dma_wait3A_1491 = tpu.memref_squeeze %dma_wait3A_1490 : memref<1x8x64xf32, #tpu.memory_space<hbm>> -> memref<8x64xf32, #tpu.memory_space<hbm>>
      tpu.wait_dma2 semaphore(%arg21 : memref<!tpu.dma_semaphore, #tpu.memory_space<semaphore_mem>>) src(%dma_wait3A_1491 : memref<8x64xf32, #tpu.memory_space<hbm>>) dst(%dma_wait3A_1487 : memref<8x64xf32, #tpu.memory_space<vmem>>)
      %dma_wait3A_1492 = arith.constant 7 : i32
      %dma_wait3A_1493 = arith.constant 0 : i32
      %dma_wait3A_1494 = arith.constant 0 : i32
      %dma_wait3A_1495 = tpu.memref_slice %arg18[%dma_wait3A_1492, %dma_wait3A_1493, %dma_wait3A_1494] : memref<32x8x64xf32, #tpu.memory_space<vmem>> -> memref<1x8x64xf32, #tpu.memory_space<vmem>>
      %dma_wait3A_1496 = tpu.memref_squeeze %dma_wait3A_1495 : memref<1x8x64xf32, #tpu.memory_space<vmem>> -> memref<8x64xf32, #tpu.memory_space<vmem>>
      %dma_wait3A_1497 = arith.constant 0 : i32
      %dma_wait3A_1498 = arith.constant 0 : i32
      %dma_wait3A_1499 = tpu.memref_slice %arg8[%squeeze3A_304, %dma_wait3A_1497, %dma_wait3A_1498] : memref<125000x8x64xf32, #tpu.memory_space<hbm>> -> memref<1x8x64xf32, #tpu.memory_space<hbm>>
      %dma_wait3A_1500 = tpu.memref_squeeze %dma_wait3A_1499 : memref<1x8x64xf32, #tpu.memory_space<hbm>> -> memref<8x64xf32, #tpu.memory_space<hbm>>
      %dma_wait3A_1501 = arith.constant 0 : i32
      %dma_wait3A_1502 = arith.constant 0 : i32
      %dma_wait3A_1503 = tpu.memref_slice %arg18[%dma_wait3A_1492, %dma_wait3A_1501, %dma_wait3A_1502] : memref<32x8x64xf32, #tpu.memory_space<vmem>> -> memref<1x8x64xf32, #tpu.memory_space<vmem>>
      %dma_wait3A_1504 = tpu.memref_squeeze %dma_wait3A_1503 : memref<1x8x64xf32, #tpu.memory_space<vmem>> -> memref<8x64xf32, #tpu.memory_space<vmem>>
      %dma_wait3A_1505 = arith.constant 0 : i32
      %dma_wait3A_1506 = arith.constant 0 : i32
      %dma_wait3A_1507 = tpu.memref_slice %arg8[%squeeze3A_304, %dma_wait3A_1505, %dma_wait3A_1506] : memref<125000x8x64xf32, #tpu.memory_space<hbm>> -> memref<1x8x64xf32, #tpu.memory_space<hbm>>
      %dma_wait3A_1508 = tpu.memref_squeeze %dma_wait3A_1507 : memref<1x8x64xf32, #tpu.memory_space<hbm>> -> memref<8x64xf32, #tpu.memory_space<hbm>>
      tpu.wait_dma2 semaphore(%arg21 : memref<!tpu.dma_semaphore, #tpu.memory_space<semaphore_mem>>) src(%dma_wait3A_1508 : memref<8x64xf32, #tpu.memory_space<hbm>>) dst(%dma_wait3A_1504 : memref<8x64xf32, #tpu.memory_space<vmem>>)
      %dma_wait3A_1509 = arith.constant 8 : i32
      %dma_wait3A_1510 = arith.constant 0 : i32
      %dma_wait3A_1511 = arith.constant 0 : i32
      %dma_wait3A_1512 = tpu.memref_slice %arg17[%dma_wait3A_1509, %dma_wait3A_1510, %dma_wait3A_1511] : memref<32x8x64xf32, #tpu.memory_space<vmem>> -> memref<1x8x64xf32, #tpu.memory_space<vmem>>
      %dma_wait3A_1513 = tpu.memref_squeeze %dma_wait3A_1512 : memref<1x8x64xf32, #tpu.memory_space<vmem>> -> memref<8x64xf32, #tpu.memory_space<vmem>>
      %dma_wait3A_1514 = arith.constant 0 : i32
      %dma_wait3A_1515 = arith.constant 0 : i32
      %dma_wait3A_1516 = tpu.memref_slice %arg8[%squeeze3A_323, %dma_wait3A_1514, %dma_wait3A_1515] : memref<125000x8x64xf32, #tpu.memory_space<hbm>> -> memref<1x8x64xf32, #tpu.memory_space<hbm>>
      %dma_wait3A_1517 = tpu.memref_squeeze %dma_wait3A_1516 : memref<1x8x64xf32, #tpu.memory_space<hbm>> -> memref<8x64xf32, #tpu.memory_space<hbm>>
      %dma_wait3A_1518 = arith.constant 0 : i32
      %dma_wait3A_1519 = arith.constant 0 : i32
      %dma_wait3A_1520 = tpu.memref_slice %arg17[%dma_wait3A_1509, %dma_wait3A_1518, %dma_wait3A_1519] : memref<32x8x64xf32, #tpu.memory_space<vmem>> -> memref<1x8x64xf32, #tpu.memory_space<vmem>>
      %dma_wait3A_1521 = tpu.memref_squeeze %dma_wait3A_1520 : memref<1x8x64xf32, #tpu.memory_space<vmem>> -> memref<8x64xf32, #tpu.memory_space<vmem>>
      %dma_wait3A_1522 = arith.constant 0 : i32
      %dma_wait3A_1523 = arith.constant 0 : i32
      %dma_wait3A_1524 = tpu.memref_slice %arg8[%squeeze3A_323, %dma_wait3A_1522, %dma_wait3A_1523] : memref<125000x8x64xf32, #tpu.memory_space<hbm>> -> memref<1x8x64xf32, #tpu.memory_space<hbm>>
      %dma_wait3A_1525 = tpu.memref_squeeze %dma_wait3A_1524 : memref<1x8x64xf32, #tpu.memory_space<hbm>> -> memref<8x64xf32, #tpu.memory_space<hbm>>
      tpu.wait_dma2 semaphore(%arg21 : memref<!tpu.dma_semaphore, #tpu.memory_space<semaphore_mem>>) src(%dma_wait3A_1525 : memref<8x64xf32, #tpu.memory_space<hbm>>) dst(%dma_wait3A_1521 : memref<8x64xf32, #tpu.memory_space<vmem>>)
      %dma_wait3A_1526 = arith.constant 8 : i32
      %dma_wait3A_1527 = arith.constant 0 : i32
      %dma_wait3A_1528 = arith.constant 0 : i32
      %dma_wait3A_1529 = tpu.memref_slice %arg18[%dma_wait3A_1526, %dma_wait3A_1527, %dma_wait3A_1528] : memref<32x8x64xf32, #tpu.memory_space<vmem>> -> memref<1x8x64xf32, #tpu.memory_space<vmem>>
      %dma_wait3A_1530 = tpu.memref_squeeze %dma_wait3A_1529 : memref<1x8x64xf32, #tpu.memory_space<vmem>> -> memref<8x64xf32, #tpu.memory_space<vmem>>
      %dma_wait3A_1531 = arith.constant 0 : i32
      %dma_wait3A_1532 = arith.constant 0 : i32
      %dma_wait3A_1533 = tpu.memref_slice %arg8[%squeeze3A_342, %dma_wait3A_1531, %dma_wait3A_1532] : memref<125000x8x64xf32, #tpu.memory_space<hbm>> -> memref<1x8x64xf32, #tpu.memory_space<hbm>>
      %dma_wait3A_1534 = tpu.memref_squeeze %dma_wait3A_1533 : memref<1x8x64xf32, #tpu.memory_space<hbm>> -> memref<8x64xf32, #tpu.memory_space<hbm>>
      %dma_wait3A_1535 = arith.constant 0 : i32
      %dma_wait3A_1536 = arith.constant 0 : i32
      %dma_wait3A_1537 = tpu.memref_slice %arg18[%dma_wait3A_1526, %dma_wait3A_1535, %dma_wait3A_1536] : memref<32x8x64xf32, #tpu.memory_space<vmem>> -> memref<1x8x64xf32, #tpu.memory_space<vmem>>
      %dma_wait3A_1538 = tpu.memref_squeeze %dma_wait3A_1537 : memref<1x8x64xf32, #tpu.memory_space<vmem>> -> memref<8x64xf32, #tpu.memory_space<vmem>>
      %dma_wait3A_1539 = arith.constant 0 : i32
      %dma_wait3A_1540 = arith.constant 0 : i32
      %dma_wait3A_1541 = tpu.memref_slice %arg8[%squeeze3A_342, %dma_wait3A_1539, %dma_wait3A_1540] : memref<125000x8x64xf32, #tpu.memory_space<hbm>> -> memref<1x8x64xf32, #tpu.memory_space<hbm>>
      %dma_wait3A_1542 = tpu.memref_squeeze %dma_wait3A_1541 : memref<1x8x64xf32, #tpu.memory_space<hbm>> -> memref<8x64xf32, #tpu.memory_space<hbm>>
      tpu.wait_dma2 semaphore(%arg21 : memref<!tpu.dma_semaphore, #tpu.memory_space<semaphore_mem>>) src(%dma_wait3A_1542 : memref<8x64xf32, #tpu.memory_space<hbm>>) dst(%dma_wait3A_1538 : memref<8x64xf32, #tpu.memory_space<vmem>>)
      %dma_wait3A_1543 = arith.constant 9 : i32
      %dma_wait3A_1544 = arith.constant 0 : i32
      %dma_wait3A_1545 = arith.constant 0 : i32
      %dma_wait3A_1546 = tpu.memref_slice %arg17[%dma_wait3A_1543, %dma_wait3A_1544, %dma_wait3A_1545] : memref<32x8x64xf32, #tpu.memory_space<vmem>> -> memref<1x8x64xf32, #tpu.memory_space<vmem>>
      %dma_wait3A_1547 = tpu.memref_squeeze %dma_wait3A_1546 : memref<1x8x64xf32, #tpu.memory_space<vmem>> -> memref<8x64xf32, #tpu.memory_space<vmem>>
      %dma_wait3A_1548 = arith.constant 0 : i32
      %dma_wait3A_1549 = arith.constant 0 : i32
      %dma_wait3A_1550 = tpu.memref_slice %arg8[%squeeze3A_361, %dma_wait3A_1548, %dma_wait3A_1549] : memref<125000x8x64xf32, #tpu.memory_space<hbm>> -> memref<1x8x64xf32, #tpu.memory_space<hbm>>
      %dma_wait3A_1551 = tpu.memref_squeeze %dma_wait3A_1550 : memref<1x8x64xf32, #tpu.memory_space<hbm>> -> memref<8x64xf32, #tpu.memory_space<hbm>>
      %dma_wait3A_1552 = arith.constant 0 : i32
      %dma_wait3A_1553 = arith.constant 0 : i32
      %dma_wait3A_1554 = tpu.memref_slice %arg17[%dma_wait3A_1543, %dma_wait3A_1552, %dma_wait3A_1553] : memref<32x8x64xf32, #tpu.memory_space<vmem>> -> memref<1x8x64xf32, #tpu.memory_space<vmem>>
      %dma_wait3A_1555 = tpu.memref_squeeze %dma_wait3A_1554 : memref<1x8x64xf32, #tpu.memory_space<vmem>> -> memref<8x64xf32, #tpu.memory_space<vmem>>
      %dma_wait3A_1556 = arith.constant 0 : i32
      %dma_wait3A_1557 = arith.constant 0 : i32
      %dma_wait3A_1558 = tpu.memref_slice %arg8[%squeeze3A_361, %dma_wait3A_1556, %dma_wait3A_1557] : memref<125000x8x64xf32, #tpu.memory_space<hbm>> -> memref<1x8x64xf32, #tpu.memory_space<hbm>>
      %dma_wait3A_1559 = tpu.memref_squeeze %dma_wait3A_1558 : memref<1x8x64xf32, #tpu.memory_space<hbm>> -> memref<8x64xf32, #tpu.memory_space<hbm>>
      tpu.wait_dma2 semaphore(%arg21 : memref<!tpu.dma_semaphore, #tpu.memory_space<semaphore_mem>>) src(%dma_wait3A_1559 : memref<8x64xf32, #tpu.memory_space<hbm>>) dst(%dma_wait3A_1555 : memref<8x64xf32, #tpu.memory_space<vmem>>)
      %dma_wait3A_1560 = arith.constant 9 : i32
      %dma_wait3A_1561 = arith.constant 0 : i32
      %dma_wait3A_1562 = arith.constant 0 : i32
      %dma_wait3A_1563 = tpu.memref_slice %arg18[%dma_wait3A_1560, %dma_wait3A_1561, %dma_wait3A_1562] : memref<32x8x64xf32, #tpu.memory_space<vmem>> -> memref<1x8x64xf32, #tpu.memory_space<vmem>>
      %dma_wait3A_1564 = tpu.memref_squeeze %dma_wait3A_1563 : memref<1x8x64xf32, #tpu.memory_space<vmem>> -> memref<8x64xf32, #tpu.memory_space<vmem>>
      %dma_wait3A_1565 = arith.constant 0 : i32
      %dma_wait3A_1566 = arith.constant 0 : i32
      %dma_wait3A_1567 = tpu.memref_slice %arg8[%squeeze3A_380, %dma_wait3A_1565, %dma_wait3A_1566] : memref<125000x8x64xf32, #tpu.memory_space<hbm>> -> memref<1x8x64xf32, #tpu.memory_space<hbm>>
      %dma_wait3A_1568 = tpu.memref_squeeze %dma_wait3A_1567 : memref<1x8x64xf32, #tpu.memory_space<hbm>> -> memref<8x64xf32, #tpu.memory_space<hbm>>
      %dma_wait3A_1569 = arith.constant 0 : i32
      %dma_wait3A_1570 = arith.constant 0 : i32
      %dma_wait3A_1571 = tpu.memref_slice %arg18[%dma_wait3A_1560, %dma_wait3A_1569, %dma_wait3A_1570] : memref<32x8x64xf32, #tpu.memory_space<vmem>> -> memref<1x8x64xf32, #tpu.memory_space<vmem>>
      %dma_wait3A_1572 = tpu.memref_squeeze %dma_wait3A_1571 : memref<1x8x64xf32, #tpu.memory_space<vmem>> -> memref<8x64xf32, #tpu.memory_space<vmem>>
      %dma_wait3A_1573 = arith.constant 0 : i32
      %dma_wait3A_1574 = arith.constant 0 : i32
      %dma_wait3A_1575 = tpu.memref_slice %arg8[%squeeze3A_380, %dma_wait3A_1573, %dma_wait3A_1574] : memref<125000x8x64xf32, #tpu.memory_space<hbm>> -> memref<1x8x64xf32, #tpu.memory_space<hbm>>
      %dma_wait3A_1576 = tpu.memref_squeeze %dma_wait3A_1575 : memref<1x8x64xf32, #tpu.memory_space<hbm>> -> memref<8x64xf32, #tpu.memory_space<hbm>>
      tpu.wait_dma2 semaphore(%arg21 : memref<!tpu.dma_semaphore, #tpu.memory_space<semaphore_mem>>) src(%dma_wait3A_1576 : memref<8x64xf32, #tpu.memory_space<hbm>>) dst(%dma_wait3A_1572 : memref<8x64xf32, #tpu.memory_space<vmem>>)
      %dma_wait3A_1577 = arith.constant 10 : i32
      %dma_wait3A_1578 = arith.constant 0 : i32
      %dma_wait3A_1579 = arith.constant 0 : i32
      %dma_wait3A_1580 = tpu.memref_slice %arg17[%dma_wait3A_1577, %dma_wait3A_1578, %dma_wait3A_1579] : memref<32x8x64xf32, #tpu.memory_space<vmem>> -> memref<1x8x64xf32, #tpu.memory_space<vmem>>
      %dma_wait3A_1581 = tpu.memref_squeeze %dma_wait3A_1580 : memref<1x8x64xf32, #tpu.memory_space<vmem>> -> memref<8x64xf32, #tpu.memory_space<vmem>>
      %dma_wait3A_1582 = arith.constant 0 : i32
      %dma_wait3A_1583 = arith.constant 0 : i32
      %dma_wait3A_1584 = tpu.memref_slice %arg8[%squeeze3A_399, %dma_wait3A_1582, %dma_wait3A_1583] : memref<125000x8x64xf32, #tpu.memory_space<hbm>> -> memref<1x8x64xf32, #tpu.memory_space<hbm>>
      %dma_wait3A_1585 = tpu.memref_squeeze %dma_wait3A_1584 : memref<1x8x64xf32, #tpu.memory_space<hbm>> -> memref<8x64xf32, #tpu.memory_space<hbm>>
      %dma_wait3A_1586 = arith.constant 0 : i32
      %dma_wait3A_1587 = arith.constant 0 : i32
      %dma_wait3A_1588 = tpu.memref_slice %arg17[%dma_wait3A_1577, %dma_wait3A_1586, %dma_wait3A_1587] : memref<32x8x64xf32, #tpu.memory_space<vmem>> -> memref<1x8x64xf32, #tpu.memory_space<vmem>>
      %dma_wait3A_1589 = tpu.memref_squeeze %dma_wait3A_1588 : memref<1x8x64xf32, #tpu.memory_space<vmem>> -> memref<8x64xf32, #tpu.memory_space<vmem>>
      %dma_wait3A_1590 = arith.constant 0 : i32
      %dma_wait3A_1591 = arith.constant 0 : i32
      %dma_wait3A_1592 = tpu.memref_slice %arg8[%squeeze3A_399, %dma_wait3A_1590, %dma_wait3A_1591] : memref<125000x8x64xf32, #tpu.memory_space<hbm>> -> memref<1x8x64xf32, #tpu.memory_space<hbm>>
      %dma_wait3A_1593 = tpu.memref_squeeze %dma_wait3A_1592 : memref<1x8x64xf32, #tpu.memory_space<hbm>> -> memref<8x64xf32, #tpu.memory_space<hbm>>
      tpu.wait_dma2 semaphore(%arg21 : memref<!tpu.dma_semaphore, #tpu.memory_space<semaphore_mem>>) src(%dma_wait3A_1593 : memref<8x64xf32, #tpu.memory_space<hbm>>) dst(%dma_wait3A_1589 : memref<8x64xf32, #tpu.memory_space<vmem>>)
      %dma_wait3A_1594 = arith.constant 10 : i32
      %dma_wait3A_1595 = arith.constant 0 : i32
      %dma_wait3A_1596 = arith.constant 0 : i32
      %dma_wait3A_1597 = tpu.memref_slice %arg18[%dma_wait3A_1594, %dma_wait3A_1595, %dma_wait3A_1596] : memref<32x8x64xf32, #tpu.memory_space<vmem>> -> memref<1x8x64xf32, #tpu.memory_space<vmem>>
      %dma_wait3A_1598 = tpu.memref_squeeze %dma_wait3A_1597 : memref<1x8x64xf32, #tpu.memory_space<vmem>> -> memref<8x64xf32, #tpu.memory_space<vmem>>
      %dma_wait3A_1599 = arith.constant 0 : i32
      %dma_wait3A_1600 = arith.constant 0 : i32
      %dma_wait3A_1601 = tpu.memref_slice %arg8[%squeeze3A_418, %dma_wait3A_1599, %dma_wait3A_1600] : memref<125000x8x64xf32, #tpu.memory_space<hbm>> -> memref<1x8x64xf32, #tpu.memory_space<hbm>>
      %dma_wait3A_1602 = tpu.memref_squeeze %dma_wait3A_1601 : memref<1x8x64xf32, #tpu.memory_space<hbm>> -> memref<8x64xf32, #tpu.memory_space<hbm>>
      %dma_wait3A_1603 = arith.constant 0 : i32
      %dma_wait3A_1604 = arith.constant 0 : i32
      %dma_wait3A_1605 = tpu.memref_slice %arg18[%dma_wait3A_1594, %dma_wait3A_1603, %dma_wait3A_1604] : memref<32x8x64xf32, #tpu.memory_space<vmem>> -> memref<1x8x64xf32, #tpu.memory_space<vmem>>
      %dma_wait3A_1606 = tpu.memref_squeeze %dma_wait3A_1605 : memref<1x8x64xf32, #tpu.memory_space<vmem>> -> memref<8x64xf32, #tpu.memory_space<vmem>>
      %dma_wait3A_1607 = arith.constant 0 : i32
      %dma_wait3A_1608 = arith.constant 0 : i32
      %dma_wait3A_1609 = tpu.memref_slice %arg8[%squeeze3A_418, %dma_wait3A_1607, %dma_wait3A_1608] : memref<125000x8x64xf32, #tpu.memory_space<hbm>> -> memref<1x8x64xf32, #tpu.memory_space<hbm>>
      %dma_wait3A_1610 = tpu.memref_squeeze %dma_wait3A_1609 : memref<1x8x64xf32, #tpu.memory_space<hbm>> -> memref<8x64xf32, #tpu.memory_space<hbm>>
      tpu.wait_dma2 semaphore(%arg21 : memref<!tpu.dma_semaphore, #tpu.memory_space<semaphore_mem>>) src(%dma_wait3A_1610 : memref<8x64xf32, #tpu.memory_space<hbm>>) dst(%dma_wait3A_1606 : memref<8x64xf32, #tpu.memory_space<vmem>>)
      %dma_wait3A_1611 = arith.constant 11 : i32
      %dma_wait3A_1612 = arith.constant 0 : i32
      %dma_wait3A_1613 = arith.constant 0 : i32
      %dma_wait3A_1614 = tpu.memref_slice %arg17[%dma_wait3A_1611, %dma_wait3A_1612, %dma_wait3A_1613] : memref<32x8x64xf32, #tpu.memory_space<vmem>> -> memref<1x8x64xf32, #tpu.memory_space<vmem>>
      %dma_wait3A_1615 = tpu.memref_squeeze %dma_wait3A_1614 : memref<1x8x64xf32, #tpu.memory_space<vmem>> -> memref<8x64xf32, #tpu.memory_space<vmem>>
      %dma_wait3A_1616 = arith.constant 0 : i32
      %dma_wait3A_1617 = arith.constant 0 : i32
      %dma_wait3A_1618 = tpu.memref_slice %arg8[%squeeze3A_437, %dma_wait3A_1616, %dma_wait3A_1617] : memref<125000x8x64xf32, #tpu.memory_space<hbm>> -> memref<1x8x64xf32, #tpu.memory_space<hbm>>
      %dma_wait3A_1619 = tpu.memref_squeeze %dma_wait3A_1618 : memref<1x8x64xf32, #tpu.memory_space<hbm>> -> memref<8x64xf32, #tpu.memory_space<hbm>>
      %dma_wait3A_1620 = arith.constant 0 : i32
      %dma_wait3A_1621 = arith.constant 0 : i32
      %dma_wait3A_1622 = tpu.memref_slice %arg17[%dma_wait3A_1611, %dma_wait3A_1620, %dma_wait3A_1621] : memref<32x8x64xf32, #tpu.memory_space<vmem>> -> memref<1x8x64xf32, #tpu.memory_space<vmem>>
      %dma_wait3A_1623 = tpu.memref_squeeze %dma_wait3A_1622 : memref<1x8x64xf32, #tpu.memory_space<vmem>> -> memref<8x64xf32, #tpu.memory_space<vmem>>
      %dma_wait3A_1624 = arith.constant 0 : i32
      %dma_wait3A_1625 = arith.constant 0 : i32
      %dma_wait3A_1626 = tpu.memref_slice %arg8[%squeeze3A_437, %dma_wait3A_1624, %dma_wait3A_1625] : memref<125000x8x64xf32, #tpu.memory_space<hbm>> -> memref<1x8x64xf32, #tpu.memory_space<hbm>>
      %dma_wait3A_1627 = tpu.memref_squeeze %dma_wait3A_1626 : memref<1x8x64xf32, #tpu.memory_space<hbm>> -> memref<8x64xf32, #tpu.memory_space<hbm>>
      tpu.wait_dma2 semaphore(%arg21 : memref<!tpu.dma_semaphore, #tpu.memory_space<semaphore_mem>>) src(%dma_wait3A_1627 : memref<8x64xf32, #tpu.memory_space<hbm>>) dst(%dma_wait3A_1623 : memref<8x64xf32, #tpu.memory_space<vmem>>)
      %dma_wait3A_1628 = arith.constant 11 : i32
      %dma_wait3A_1629 = arith.constant 0 : i32
      %dma_wait3A_1630 = arith.constant 0 : i32
      %dma_wait3A_1631 = tpu.memref_slice %arg18[%dma_wait3A_1628, %dma_wait3A_1629, %dma_wait3A_1630] : memref<32x8x64xf32, #tpu.memory_space<vmem>> -> memref<1x8x64xf32, #tpu.memory_space<vmem>>
      %dma_wait3A_1632 = tpu.memref_squeeze %dma_wait3A_1631 : memref<1x8x64xf32, #tpu.memory_space<vmem>> -> memref<8x64xf32, #tpu.memory_space<vmem>>
      %dma_wait3A_1633 = arith.constant 0 : i32
      %dma_wait3A_1634 = arith.constant 0 : i32
      %dma_wait3A_1635 = tpu.memref_slice %arg8[%squeeze3A_456, %dma_wait3A_1633, %dma_wait3A_1634] : memref<125000x8x64xf32, #tpu.memory_space<hbm>> -> memref<1x8x64xf32, #tpu.memory_space<hbm>>
      %dma_wait3A_1636 = tpu.memref_squeeze %dma_wait3A_1635 : memref<1x8x64xf32, #tpu.memory_space<hbm>> -> memref<8x64xf32, #tpu.memory_space<hbm>>
      %dma_wait3A_1637 = arith.constant 0 : i32
      %dma_wait3A_1638 = arith.constant 0 : i32
      %dma_wait3A_1639 = tpu.memref_slice %arg18[%dma_wait3A_1628, %dma_wait3A_1637, %dma_wait3A_1638] : memref<32x8x64xf32, #tpu.memory_space<vmem>> -> memref<1x8x64xf32, #tpu.memory_space<vmem>>
      %dma_wait3A_1640 = tpu.memref_squeeze %dma_wait3A_1639 : memref<1x8x64xf32, #tpu.memory_space<vmem>> -> memref<8x64xf32, #tpu.memory_space<vmem>>
      %dma_wait3A_1641 = arith.constant 0 : i32
      %dma_wait3A_1642 = arith.constant 0 : i32
      %dma_wait3A_1643 = tpu.memref_slice %arg8[%squeeze3A_456, %dma_wait3A_1641, %dma_wait3A_1642] : memref<125000x8x64xf32, #tpu.memory_space<hbm>> -> memref<1x8x64xf32, #tpu.memory_space<hbm>>
      %dma_wait3A_1644 = tpu.memref_squeeze %dma_wait3A_1643 : memref<1x8x64xf32, #tpu.memory_space<hbm>> -> memref<8x64xf32, #tpu.memory_space<hbm>>
      tpu.wait_dma2 semaphore(%arg21 : memref<!tpu.dma_semaphore, #tpu.memory_space<semaphore_mem>>) src(%dma_wait3A_1644 : memref<8x64xf32, #tpu.memory_space<hbm>>) dst(%dma_wait3A_1640 : memref<8x64xf32, #tpu.memory_space<vmem>>)
      %dma_wait3A_1645 = arith.constant 12 : i32
      %dma_wait3A_1646 = arith.constant 0 : i32
      %dma_wait3A_1647 = arith.constant 0 : i32
      %dma_wait3A_1648 = tpu.memref_slice %arg17[%dma_wait3A_1645, %dma_wait3A_1646, %dma_wait3A_1647] : memref<32x8x64xf32, #tpu.memory_space<vmem>> -> memref<1x8x64xf32, #tpu.memory_space<vmem>>
      %dma_wait3A_1649 = tpu.memref_squeeze %dma_wait3A_1648 : memref<1x8x64xf32, #tpu.memory_space<vmem>> -> memref<8x64xf32, #tpu.memory_space<vmem>>
      %dma_wait3A_1650 = arith.constant 0 : i32
      %dma_wait3A_1651 = arith.constant 0 : i32
      %dma_wait3A_1652 = tpu.memref_slice %arg8[%squeeze3A_475, %dma_wait3A_1650, %dma_wait3A_1651] : memref<125000x8x64xf32, #tpu.memory_space<hbm>> -> memref<1x8x64xf32, #tpu.memory_space<hbm>>
      %dma_wait3A_1653 = tpu.memref_squeeze %dma_wait3A_1652 : memref<1x8x64xf32, #tpu.memory_space<hbm>> -> memref<8x64xf32, #tpu.memory_space<hbm>>
      %dma_wait3A_1654 = arith.constant 0 : i32
      %dma_wait3A_1655 = arith.constant 0 : i32
      %dma_wait3A_1656 = tpu.memref_slice %arg17[%dma_wait3A_1645, %dma_wait3A_1654, %dma_wait3A_1655] : memref<32x8x64xf32, #tpu.memory_space<vmem>> -> memref<1x8x64xf32, #tpu.memory_space<vmem>>
      %dma_wait3A_1657 = tpu.memref_squeeze %dma_wait3A_1656 : memref<1x8x64xf32, #tpu.memory_space<vmem>> -> memref<8x64xf32, #tpu.memory_space<vmem>>
      %dma_wait3A_1658 = arith.constant 0 : i32
      %dma_wait3A_1659 = arith.constant 0 : i32
      %dma_wait3A_1660 = tpu.memref_slice %arg8[%squeeze3A_475, %dma_wait3A_1658, %dma_wait3A_1659] : memref<125000x8x64xf32, #tpu.memory_space<hbm>> -> memref<1x8x64xf32, #tpu.memory_space<hbm>>
      %dma_wait3A_1661 = tpu.memref_squeeze %dma_wait3A_1660 : memref<1x8x64xf32, #tpu.memory_space<hbm>> -> memref<8x64xf32, #tpu.memory_space<hbm>>
      tpu.wait_dma2 semaphore(%arg21 : memref<!tpu.dma_semaphore, #tpu.memory_space<semaphore_mem>>) src(%dma_wait3A_1661 : memref<8x64xf32, #tpu.memory_space<hbm>>) dst(%dma_wait3A_1657 : memref<8x64xf32, #tpu.memory_space<vmem>>)
      %dma_wait3A_1662 = arith.constant 12 : i32
      %dma_wait3A_1663 = arith.constant 0 : i32
      %dma_wait3A_1664 = arith.constant 0 : i32
      %dma_wait3A_1665 = tpu.memref_slice %arg18[%dma_wait3A_1662, %dma_wait3A_1663, %dma_wait3A_1664] : memref<32x8x64xf32, #tpu.memory_space<vmem>> -> memref<1x8x64xf32, #tpu.memory_space<vmem>>
      %dma_wait3A_1666 = tpu.memref_squeeze %dma_wait3A_1665 : memref<1x8x64xf32, #tpu.memory_space<vmem>> -> memref<8x64xf32, #tpu.memory_space<vmem>>
      %dma_wait3A_1667 = arith.constant 0 : i32
      %dma_wait3A_1668 = arith.constant 0 : i32
      %dma_wait3A_1669 = tpu.memref_slice %arg8[%squeeze3A_494, %dma_wait3A_1667, %dma_wait3A_1668] : memref<125000x8x64xf32, #tpu.memory_space<hbm>> -> memref<1x8x64xf32, #tpu.memory_space<hbm>>
      %dma_wait3A_1670 = tpu.memref_squeeze %dma_wait3A_1669 : memref<1x8x64xf32, #tpu.memory_space<hbm>> -> memref<8x64xf32, #tpu.memory_space<hbm>>
      %dma_wait3A_1671 = arith.constant 0 : i32
      %dma_wait3A_1672 = arith.constant 0 : i32
      %dma_wait3A_1673 = tpu.memref_slice %arg18[%dma_wait3A_1662, %dma_wait3A_1671, %dma_wait3A_1672] : memref<32x8x64xf32, #tpu.memory_space<vmem>> -> memref<1x8x64xf32, #tpu.memory_space<vmem>>
      %dma_wait3A_1674 = tpu.memref_squeeze %dma_wait3A_1673 : memref<1x8x64xf32, #tpu.memory_space<vmem>> -> memref<8x64xf32, #tpu.memory_space<vmem>>
      %dma_wait3A_1675 = arith.constant 0 : i32
      %dma_wait3A_1676 = arith.constant 0 : i32
      %dma_wait3A_1677 = tpu.memref_slice %arg8[%squeeze3A_494, %dma_wait3A_1675, %dma_wait3A_1676] : memref<125000x8x64xf32, #tpu.memory_space<hbm>> -> memref<1x8x64xf32, #tpu.memory_space<hbm>>
      %dma_wait3A_1678 = tpu.memref_squeeze %dma_wait3A_1677 : memref<1x8x64xf32, #tpu.memory_space<hbm>> -> memref<8x64xf32, #tpu.memory_space<hbm>>
      tpu.wait_dma2 semaphore(%arg21 : memref<!tpu.dma_semaphore, #tpu.memory_space<semaphore_mem>>) src(%dma_wait3A_1678 : memref<8x64xf32, #tpu.memory_space<hbm>>) dst(%dma_wait3A_1674 : memref<8x64xf32, #tpu.memory_space<vmem>>)
      %dma_wait3A_1679 = arith.constant 13 : i32
      %dma_wait3A_1680 = arith.constant 0 : i32
      %dma_wait3A_1681 = arith.constant 0 : i32
      %dma_wait3A_1682 = tpu.memref_slice %arg17[%dma_wait3A_1679, %dma_wait3A_1680, %dma_wait3A_1681] : memref<32x8x64xf32, #tpu.memory_space<vmem>> -> memref<1x8x64xf32, #tpu.memory_space<vmem>>
      %dma_wait3A_1683 = tpu.memref_squeeze %dma_wait3A_1682 : memref<1x8x64xf32, #tpu.memory_space<vmem>> -> memref<8x64xf32, #tpu.memory_space<vmem>>
      %dma_wait3A_1684 = arith.constant 0 : i32
      %dma_wait3A_1685 = arith.constant 0 : i32
      %dma_wait3A_1686 = tpu.memref_slice %arg8[%squeeze3A_513, %dma_wait3A_1684, %dma_wait3A_1685] : memref<125000x8x64xf32, #tpu.memory_space<hbm>> -> memref<1x8x64xf32, #tpu.memory_space<hbm>>
      %dma_wait3A_1687 = tpu.memref_squeeze %dma_wait3A_1686 : memref<1x8x64xf32, #tpu.memory_space<hbm>> -> memref<8x64xf32, #tpu.memory_space<hbm>>
      %dma_wait3A_1688 = arith.constant 0 : i32
      %dma_wait3A_1689 = arith.constant 0 : i32
      %dma_wait3A_1690 = tpu.memref_slice %arg17[%dma_wait3A_1679, %dma_wait3A_1688, %dma_wait3A_1689] : memref<32x8x64xf32, #tpu.memory_space<vmem>> -> memref<1x8x64xf32, #tpu.memory_space<vmem>>
      %dma_wait3A_1691 = tpu.memref_squeeze %dma_wait3A_1690 : memref<1x8x64xf32, #tpu.memory_space<vmem>> -> memref<8x64xf32, #tpu.memory_space<vmem>>
      %dma_wait3A_1692 = arith.constant 0 : i32
      %dma_wait3A_1693 = arith.constant 0 : i32
      %dma_wait3A_1694 = tpu.memref_slice %arg8[%squeeze3A_513, %dma_wait3A_1692, %dma_wait3A_1693] : memref<125000x8x64xf32, #tpu.memory_space<hbm>> -> memref<1x8x64xf32, #tpu.memory_space<hbm>>
      %dma_wait3A_1695 = tpu.memref_squeeze %dma_wait3A_1694 : memref<1x8x64xf32, #tpu.memory_space<hbm>> -> memref<8x64xf32, #tpu.memory_space<hbm>>
      tpu.wait_dma2 semaphore(%arg21 : memref<!tpu.dma_semaphore, #tpu.memory_space<semaphore_mem>>) src(%dma_wait3A_1695 : memref<8x64xf32, #tpu.memory_space<hbm>>) dst(%dma_wait3A_1691 : memref<8x64xf32, #tpu.memory_space<vmem>>)
      %dma_wait3A_1696 = arith.constant 13 : i32
      %dma_wait3A_1697 = arith.constant 0 : i32
      %dma_wait3A_1698 = arith.constant 0 : i32
      %dma_wait3A_1699 = tpu.memref_slice %arg18[%dma_wait3A_1696, %dma_wait3A_1697, %dma_wait3A_1698] : memref<32x8x64xf32, #tpu.memory_space<vmem>> -> memref<1x8x64xf32, #tpu.memory_space<vmem>>
      %dma_wait3A_1700 = tpu.memref_squeeze %dma_wait3A_1699 : memref<1x8x64xf32, #tpu.memory_space<vmem>> -> memref<8x64xf32, #tpu.memory_space<vmem>>
      %dma_wait3A_1701 = arith.constant 0 : i32
      %dma_wait3A_1702 = arith.constant 0 : i32
      %dma_wait3A_1703 = tpu.memref_slice %arg8[%squeeze3A_532, %dma_wait3A_1701, %dma_wait3A_1702] : memref<125000x8x64xf32, #tpu.memory_space<hbm>> -> memref<1x8x64xf32, #tpu.memory_space<hbm>>
      %dma_wait3A_1704 = tpu.memref_squeeze %dma_wait3A_1703 : memref<1x8x64xf32, #tpu.memory_space<hbm>> -> memref<8x64xf32, #tpu.memory_space<hbm>>
      %dma_wait3A_1705 = arith.constant 0 : i32
      %dma_wait3A_1706 = arith.constant 0 : i32
      %dma_wait3A_1707 = tpu.memref_slice %arg18[%dma_wait3A_1696, %dma_wait3A_1705, %dma_wait3A_1706] : memref<32x8x64xf32, #tpu.memory_space<vmem>> -> memref<1x8x64xf32, #tpu.memory_space<vmem>>
      %dma_wait3A_1708 = tpu.memref_squeeze %dma_wait3A_1707 : memref<1x8x64xf32, #tpu.memory_space<vmem>> -> memref<8x64xf32, #tpu.memory_space<vmem>>
      %dma_wait3A_1709 = arith.constant 0 : i32
      %dma_wait3A_1710 = arith.constant 0 : i32
      %dma_wait3A_1711 = tpu.memref_slice %arg8[%squeeze3A_532, %dma_wait3A_1709, %dma_wait3A_1710] : memref<125000x8x64xf32, #tpu.memory_space<hbm>> -> memref<1x8x64xf32, #tpu.memory_space<hbm>>
      %dma_wait3A_1712 = tpu.memref_squeeze %dma_wait3A_1711 : memref<1x8x64xf32, #tpu.memory_space<hbm>> -> memref<8x64xf32, #tpu.memory_space<hbm>>
      tpu.wait_dma2 semaphore(%arg21 : memref<!tpu.dma_semaphore, #tpu.memory_space<semaphore_mem>>) src(%dma_wait3A_1712 : memref<8x64xf32, #tpu.memory_space<hbm>>) dst(%dma_wait3A_1708 : memref<8x64xf32, #tpu.memory_space<vmem>>)
      %dma_wait3A_1713 = arith.constant 14 : i32
      %dma_wait3A_1714 = arith.constant 0 : i32
      %dma_wait3A_1715 = arith.constant 0 : i32
      %dma_wait3A_1716 = tpu.memref_slice %arg17[%dma_wait3A_1713, %dma_wait3A_1714, %dma_wait3A_1715] : memref<32x8x64xf32, #tpu.memory_space<vmem>> -> memref<1x8x64xf32, #tpu.memory_space<vmem>>
      %dma_wait3A_1717 = tpu.memref_squeeze %dma_wait3A_1716 : memref<1x8x64xf32, #tpu.memory_space<vmem>> -> memref<8x64xf32, #tpu.memory_space<vmem>>
      %dma_wait3A_1718 = arith.constant 0 : i32
      %dma_wait3A_1719 = arith.constant 0 : i32
      %dma_wait3A_1720 = tpu.memref_slice %arg8[%squeeze3A_551, %dma_wait3A_1718, %dma_wait3A_1719] : memref<125000x8x64xf32, #tpu.memory_space<hbm>> -> memref<1x8x64xf32, #tpu.memory_space<hbm>>
      %dma_wait3A_1721 = tpu.memref_squeeze %dma_wait3A_1720 : memref<1x8x64xf32, #tpu.memory_space<hbm>> -> memref<8x64xf32, #tpu.memory_space<hbm>>
      %dma_wait3A_1722 = arith.constant 0 : i32
      %dma_wait3A_1723 = arith.constant 0 : i32
      %dma_wait3A_1724 = tpu.memref_slice %arg17[%dma_wait3A_1713, %dma_wait3A_1722, %dma_wait3A_1723] : memref<32x8x64xf32, #tpu.memory_space<vmem>> -> memref<1x8x64xf32, #tpu.memory_space<vmem>>
      %dma_wait3A_1725 = tpu.memref_squeeze %dma_wait3A_1724 : memref<1x8x64xf32, #tpu.memory_space<vmem>> -> memref<8x64xf32, #tpu.memory_space<vmem>>
      %dma_wait3A_1726 = arith.constant 0 : i32
      %dma_wait3A_1727 = arith.constant 0 : i32
      %dma_wait3A_1728 = tpu.memref_slice %arg8[%squeeze3A_551, %dma_wait3A_1726, %dma_wait3A_1727] : memref<125000x8x64xf32, #tpu.memory_space<hbm>> -> memref<1x8x64xf32, #tpu.memory_space<hbm>>
      %dma_wait3A_1729 = tpu.memref_squeeze %dma_wait3A_1728 : memref<1x8x64xf32, #tpu.memory_space<hbm>> -> memref<8x64xf32, #tpu.memory_space<hbm>>
      tpu.wait_dma2 semaphore(%arg21 : memref<!tpu.dma_semaphore, #tpu.memory_space<semaphore_mem>>) src(%dma_wait3A_1729 : memref<8x64xf32, #tpu.memory_space<hbm>>) dst(%dma_wait3A_1725 : memref<8x64xf32, #tpu.memory_space<vmem>>)
      %dma_wait3A_1730 = arith.constant 14 : i32
      %dma_wait3A_1731 = arith.constant 0 : i32
      %dma_wait3A_1732 = arith.constant 0 : i32
      %dma_wait3A_1733 = tpu.memref_slice %arg18[%dma_wait3A_1730, %dma_wait3A_1731, %dma_wait3A_1732] : memref<32x8x64xf32, #tpu.memory_space<vmem>> -> memref<1x8x64xf32, #tpu.memory_space<vmem>>
      %dma_wait3A_1734 = tpu.memref_squeeze %dma_wait3A_1733 : memref<1x8x64xf32, #tpu.memory_space<vmem>> -> memref<8x64xf32, #tpu.memory_space<vmem>>
      %dma_wait3A_1735 = arith.constant 0 : i32
      %dma_wait3A_1736 = arith.constant 0 : i32
      %dma_wait3A_1737 = tpu.memref_slice %arg8[%squeeze3A_570, %dma_wait3A_1735, %dma_wait3A_1736] : memref<125000x8x64xf32, #tpu.memory_space<hbm>> -> memref<1x8x64xf32, #tpu.memory_space<hbm>>
      %dma_wait3A_1738 = tpu.memref_squeeze %dma_wait3A_1737 : memref<1x8x64xf32, #tpu.memory_space<hbm>> -> memref<8x64xf32, #tpu.memory_space<hbm>>
      %dma_wait3A_1739 = arith.constant 0 : i32
      %dma_wait3A_1740 = arith.constant 0 : i32
      %dma_wait3A_1741 = tpu.memref_slice %arg18[%dma_wait3A_1730, %dma_wait3A_1739, %dma_wait3A_1740] : memref<32x8x64xf32, #tpu.memory_space<vmem>> -> memref<1x8x64xf32, #tpu.memory_space<vmem>>
      %dma_wait3A_1742 = tpu.memref_squeeze %dma_wait3A_1741 : memref<1x8x64xf32, #tpu.memory_space<vmem>> -> memref<8x64xf32, #tpu.memory_space<vmem>>
      %dma_wait3A_1743 = arith.constant 0 : i32
      %dma_wait3A_1744 = arith.constant 0 : i32
      %dma_wait3A_1745 = tpu.memref_slice %arg8[%squeeze3A_570, %dma_wait3A_1743, %dma_wait3A_1744] : memref<125000x8x64xf32, #tpu.memory_space<hbm>> -> memref<1x8x64xf32, #tpu.memory_space<hbm>>
      %dma_wait3A_1746 = tpu.memref_squeeze %dma_wait3A_1745 : memref<1x8x64xf32, #tpu.memory_space<hbm>> -> memref<8x64xf32, #tpu.memory_space<hbm>>
      tpu.wait_dma2 semaphore(%arg21 : memref<!tpu.dma_semaphore, #tpu.memory_space<semaphore_mem>>) src(%dma_wait3A_1746 : memref<8x64xf32, #tpu.memory_space<hbm>>) dst(%dma_wait3A_1742 : memref<8x64xf32, #tpu.memory_space<vmem>>)
      %dma_wait3A_1747 = arith.constant 15 : i32
      %dma_wait3A_1748 = arith.constant 0 : i32
      %dma_wait3A_1749 = arith.constant 0 : i32
      %dma_wait3A_1750 = tpu.memref_slice %arg17[%dma_wait3A_1747, %dma_wait3A_1748, %dma_wait3A_1749] : memref<32x8x64xf32, #tpu.memory_space<vmem>> -> memref<1x8x64xf32, #tpu.memory_space<vmem>>
      %dma_wait3A_1751 = tpu.memref_squeeze %dma_wait3A_1750 : memref<1x8x64xf32, #tpu.memory_space<vmem>> -> memref<8x64xf32, #tpu.memory_space<vmem>>
      %dma_wait3A_1752 = arith.constant 0 : i32
      %dma_wait3A_1753 = arith.constant 0 : i32
      %dma_wait3A_1754 = tpu.memref_slice %arg8[%squeeze3A_589, %dma_wait3A_1752, %dma_wait3A_1753] : memref<125000x8x64xf32, #tpu.memory_space<hbm>> -> memref<1x8x64xf32, #tpu.memory_space<hbm>>
      %dma_wait3A_1755 = tpu.memref_squeeze %dma_wait3A_1754 : memref<1x8x64xf32, #tpu.memory_space<hbm>> -> memref<8x64xf32, #tpu.memory_space<hbm>>
      %dma_wait3A_1756 = arith.constant 0 : i32
      %dma_wait3A_1757 = arith.constant 0 : i32
      %dma_wait3A_1758 = tpu.memref_slice %arg17[%dma_wait3A_1747, %dma_wait3A_1756, %dma_wait3A_1757] : memref<32x8x64xf32, #tpu.memory_space<vmem>> -> memref<1x8x64xf32, #tpu.memory_space<vmem>>
      %dma_wait3A_1759 = tpu.memref_squeeze %dma_wait3A_1758 : memref<1x8x64xf32, #tpu.memory_space<vmem>> -> memref<8x64xf32, #tpu.memory_space<vmem>>
      %dma_wait3A_1760 = arith.constant 0 : i32
      %dma_wait3A_1761 = arith.constant 0 : i32
      %dma_wait3A_1762 = tpu.memref_slice %arg8[%squeeze3A_589, %dma_wait3A_1760, %dma_wait3A_1761] : memref<125000x8x64xf32, #tpu.memory_space<hbm>> -> memref<1x8x64xf32, #tpu.memory_space<hbm>>
      %dma_wait3A_1763 = tpu.memref_squeeze %dma_wait3A_1762 : memref<1x8x64xf32, #tpu.memory_space<hbm>> -> memref<8x64xf32, #tpu.memory_space<hbm>>
      tpu.wait_dma2 semaphore(%arg21 : memref<!tpu.dma_semaphore, #tpu.memory_space<semaphore_mem>>) src(%dma_wait3A_1763 : memref<8x64xf32, #tpu.memory_space<hbm>>) dst(%dma_wait3A_1759 : memref<8x64xf32, #tpu.memory_space<vmem>>)
      %dma_wait3A_1764 = arith.constant 15 : i32
      %dma_wait3A_1765 = arith.constant 0 : i32
      %dma_wait3A_1766 = arith.constant 0 : i32
      %dma_wait3A_1767 = tpu.memref_slice %arg18[%dma_wait3A_1764, %dma_wait3A_1765, %dma_wait3A_1766] : memref<32x8x64xf32, #tpu.memory_space<vmem>> -> memref<1x8x64xf32, #tpu.memory_space<vmem>>
      %dma_wait3A_1768 = tpu.memref_squeeze %dma_wait3A_1767 : memref<1x8x64xf32, #tpu.memory_space<vmem>> -> memref<8x64xf32, #tpu.memory_space<vmem>>
      %dma_wait3A_1769 = arith.constant 0 : i32
      %dma_wait3A_1770 = arith.constant 0 : i32
      %dma_wait3A_1771 = tpu.memref_slice %arg8[%squeeze3A_608, %dma_wait3A_1769, %dma_wait3A_1770] : memref<125000x8x64xf32, #tpu.memory_space<hbm>> -> memref<1x8x64xf32, #tpu.memory_space<hbm>>
      %dma_wait3A_1772 = tpu.memref_squeeze %dma_wait3A_1771 : memref<1x8x64xf32, #tpu.memory_space<hbm>> -> memref<8x64xf32, #tpu.memory_space<hbm>>
      %dma_wait3A_1773 = arith.constant 0 : i32
      %dma_wait3A_1774 = arith.constant 0 : i32
      %dma_wait3A_1775 = tpu.memref_slice %arg18[%dma_wait3A_1764, %dma_wait3A_1773, %dma_wait3A_1774] : memref<32x8x64xf32, #tpu.memory_space<vmem>> -> memref<1x8x64xf32, #tpu.memory_space<vmem>>
      %dma_wait3A_1776 = tpu.memref_squeeze %dma_wait3A_1775 : memref<1x8x64xf32, #tpu.memory_space<vmem>> -> memref<8x64xf32, #tpu.memory_space<vmem>>
      %dma_wait3A_1777 = arith.constant 0 : i32
      %dma_wait3A_1778 = arith.constant 0 : i32
      %dma_wait3A_1779 = tpu.memref_slice %arg8[%squeeze3A_608, %dma_wait3A_1777, %dma_wait3A_1778] : memref<125000x8x64xf32, #tpu.memory_space<hbm>> -> memref<1x8x64xf32, #tpu.memory_space<hbm>>
      %dma_wait3A_1780 = tpu.memref_squeeze %dma_wait3A_1779 : memref<1x8x64xf32, #tpu.memory_space<hbm>> -> memref<8x64xf32, #tpu.memory_space<hbm>>
      tpu.wait_dma2 semaphore(%arg21 : memref<!tpu.dma_semaphore, #tpu.memory_space<semaphore_mem>>) src(%dma_wait3A_1780 : memref<8x64xf32, #tpu.memory_space<hbm>>) dst(%dma_wait3A_1776 : memref<8x64xf32, #tpu.memory_space<vmem>>)
      %dma_wait3A_1781 = arith.constant 16 : i32
      %dma_wait3A_1782 = arith.constant 0 : i32
      %dma_wait3A_1783 = arith.constant 0 : i32
      %dma_wait3A_1784 = tpu.memref_slice %arg17[%dma_wait3A_1781, %dma_wait3A_1782, %dma_wait3A_1783] : memref<32x8x64xf32, #tpu.memory_space<vmem>> -> memref<1x8x64xf32, #tpu.memory_space<vmem>>
      %dma_wait3A_1785 = tpu.memref_squeeze %dma_wait3A_1784 : memref<1x8x64xf32, #tpu.memory_space<vmem>> -> memref<8x64xf32, #tpu.memory_space<vmem>>
      %dma_wait3A_1786 = arith.constant 0 : i32
      %dma_wait3A_1787 = arith.constant 0 : i32
      %dma_wait3A_1788 = tpu.memref_slice %arg8[%squeeze3A_631, %dma_wait3A_1786, %dma_wait3A_1787] : memref<125000x8x64xf32, #tpu.memory_space<hbm>> -> memref<1x8x64xf32, #tpu.memory_space<hbm>>
      %dma_wait3A_1789 = tpu.memref_squeeze %dma_wait3A_1788 : memref<1x8x64xf32, #tpu.memory_space<hbm>> -> memref<8x64xf32, #tpu.memory_space<hbm>>
      %dma_wait3A_1790 = arith.constant 0 : i32
      %dma_wait3A_1791 = arith.constant 0 : i32
      %dma_wait3A_1792 = tpu.memref_slice %arg17[%dma_wait3A_1781, %dma_wait3A_1790, %dma_wait3A_1791] : memref<32x8x64xf32, #tpu.memory_space<vmem>> -> memref<1x8x64xf32, #tpu.memory_space<vmem>>
      %dma_wait3A_1793 = tpu.memref_squeeze %dma_wait3A_1792 : memref<1x8x64xf32, #tpu.memory_space<vmem>> -> memref<8x64xf32, #tpu.memory_space<vmem>>
      %dma_wait3A_1794 = arith.constant 0 : i32
      %dma_wait3A_1795 = arith.constant 0 : i32
      %dma_wait3A_1796 = tpu.memref_slice %arg8[%squeeze3A_631, %dma_wait3A_1794, %dma_wait3A_1795] : memref<125000x8x64xf32, #tpu.memory_space<hbm>> -> memref<1x8x64xf32, #tpu.memory_space<hbm>>
      %dma_wait3A_1797 = tpu.memref_squeeze %dma_wait3A_1796 : memref<1x8x64xf32, #tpu.memory_space<hbm>> -> memref<8x64xf32, #tpu.memory_space<hbm>>
      tpu.wait_dma2 semaphore(%arg21 : memref<!tpu.dma_semaphore, #tpu.memory_space<semaphore_mem>>) src(%dma_wait3A_1797 : memref<8x64xf32, #tpu.memory_space<hbm>>) dst(%dma_wait3A_1793 : memref<8x64xf32, #tpu.memory_space<vmem>>)
      %dma_wait3A_1798 = arith.constant 16 : i32
      %dma_wait3A_1799 = arith.constant 0 : i32
      %dma_wait3A_1800 = arith.constant 0 : i32
      %dma_wait3A_1801 = tpu.memref_slice %arg18[%dma_wait3A_1798, %dma_wait3A_1799, %dma_wait3A_1800] : memref<32x8x64xf32, #tpu.memory_space<vmem>> -> memref<1x8x64xf32, #tpu.memory_space<vmem>>
      %dma_wait3A_1802 = tpu.memref_squeeze %dma_wait3A_1801 : memref<1x8x64xf32, #tpu.memory_space<vmem>> -> memref<8x64xf32, #tpu.memory_space<vmem>>
      %dma_wait3A_1803 = arith.constant 0 : i32
      %dma_wait3A_1804 = arith.constant 0 : i32
      %dma_wait3A_1805 = tpu.memref_slice %arg8[%squeeze3A_650, %dma_wait3A_1803, %dma_wait3A_1804] : memref<125000x8x64xf32, #tpu.memory_space<hbm>> -> memref<1x8x64xf32, #tpu.memory_space<hbm>>
      %dma_wait3A_1806 = tpu.memref_squeeze %dma_wait3A_1805 : memref<1x8x64xf32, #tpu.memory_space<hbm>> -> memref<8x64xf32, #tpu.memory_space<hbm>>
      %dma_wait3A_1807 = arith.constant 0 : i32
      %dma_wait3A_1808 = arith.constant 0 : i32
      %dma_wait3A_1809 = tpu.memref_slice %arg18[%dma_wait3A_1798, %dma_wait3A_1807, %dma_wait3A_1808] : memref<32x8x64xf32, #tpu.memory_space<vmem>> -> memref<1x8x64xf32, #tpu.memory_space<vmem>>
      %dma_wait3A_1810 = tpu.memref_squeeze %dma_wait3A_1809 : memref<1x8x64xf32, #tpu.memory_space<vmem>> -> memref<8x64xf32, #tpu.memory_space<vmem>>
      %dma_wait3A_1811 = arith.constant 0 : i32
      %dma_wait3A_1812 = arith.constant 0 : i32
      %dma_wait3A_1813 = tpu.memref_slice %arg8[%squeeze3A_650, %dma_wait3A_1811, %dma_wait3A_1812] : memref<125000x8x64xf32, #tpu.memory_space<hbm>> -> memref<1x8x64xf32, #tpu.memory_space<hbm>>
      %dma_wait3A_1814 = tpu.memref_squeeze %dma_wait3A_1813 : memref<1x8x64xf32, #tpu.memory_space<hbm>> -> memref<8x64xf32, #tpu.memory_space<hbm>>
      tpu.wait_dma2 semaphore(%arg21 : memref<!tpu.dma_semaphore, #tpu.memory_space<semaphore_mem>>) src(%dma_wait3A_1814 : memref<8x64xf32, #tpu.memory_space<hbm>>) dst(%dma_wait3A_1810 : memref<8x64xf32, #tpu.memory_space<vmem>>)
      %dma_wait3A_1815 = arith.constant 17 : i32
      %dma_wait3A_1816 = arith.constant 0 : i32
      %dma_wait3A_1817 = arith.constant 0 : i32
      %dma_wait3A_1818 = tpu.memref_slice %arg17[%dma_wait3A_1815, %dma_wait3A_1816, %dma_wait3A_1817] : memref<32x8x64xf32, #tpu.memory_space<vmem>> -> memref<1x8x64xf32, #tpu.memory_space<vmem>>
      %dma_wait3A_1819 = tpu.memref_squeeze %dma_wait3A_1818 : memref<1x8x64xf32, #tpu.memory_space<vmem>> -> memref<8x64xf32, #tpu.memory_space<vmem>>
      %dma_wait3A_1820 = arith.constant 0 : i32
      %dma_wait3A_1821 = arith.constant 0 : i32
      %dma_wait3A_1822 = tpu.memref_slice %arg8[%squeeze3A_669, %dma_wait3A_1820, %dma_wait3A_1821] : memref<125000x8x64xf32, #tpu.memory_space<hbm>> -> memref<1x8x64xf32, #tpu.memory_space<hbm>>
      %dma_wait3A_1823 = tpu.memref_squeeze %dma_wait3A_1822 : memref<1x8x64xf32, #tpu.memory_space<hbm>> -> memref<8x64xf32, #tpu.memory_space<hbm>>
      %dma_wait3A_1824 = arith.constant 0 : i32
      %dma_wait3A_1825 = arith.constant 0 : i32
      %dma_wait3A_1826 = tpu.memref_slice %arg17[%dma_wait3A_1815, %dma_wait3A_1824, %dma_wait3A_1825] : memref<32x8x64xf32, #tpu.memory_space<vmem>> -> memref<1x8x64xf32, #tpu.memory_space<vmem>>
      %dma_wait3A_1827 = tpu.memref_squeeze %dma_wait3A_1826 : memref<1x8x64xf32, #tpu.memory_space<vmem>> -> memref<8x64xf32, #tpu.memory_space<vmem>>
      %dma_wait3A_1828 = arith.constant 0 : i32
      %dma_wait3A_1829 = arith.constant 0 : i32
      %dma_wait3A_1830 = tpu.memref_slice %arg8[%squeeze3A_669, %dma_wait3A_1828, %dma_wait3A_1829] : memref<125000x8x64xf32, #tpu.memory_space<hbm>> -> memref<1x8x64xf32, #tpu.memory_space<hbm>>
      %dma_wait3A_1831 = tpu.memref_squeeze %dma_wait3A_1830 : memref<1x8x64xf32, #tpu.memory_space<hbm>> -> memref<8x64xf32, #tpu.memory_space<hbm>>
      tpu.wait_dma2 semaphore(%arg21 : memref<!tpu.dma_semaphore, #tpu.memory_space<semaphore_mem>>) src(%dma_wait3A_1831 : memref<8x64xf32, #tpu.memory_space<hbm>>) dst(%dma_wait3A_1827 : memref<8x64xf32, #tpu.memory_space<vmem>>)
      %dma_wait3A_1832 = arith.constant 17 : i32
      %dma_wait3A_1833 = arith.constant 0 : i32
      %dma_wait3A_1834 = arith.constant 0 : i32
      %dma_wait3A_1835 = tpu.memref_slice %arg18[%dma_wait3A_1832, %dma_wait3A_1833, %dma_wait3A_1834] : memref<32x8x64xf32, #tpu.memory_space<vmem>> -> memref<1x8x64xf32, #tpu.memory_space<vmem>>
      %dma_wait3A_1836 = tpu.memref_squeeze %dma_wait3A_1835 : memref<1x8x64xf32, #tpu.memory_space<vmem>> -> memref<8x64xf32, #tpu.memory_space<vmem>>
      %dma_wait3A_1837 = arith.constant 0 : i32
      %dma_wait3A_1838 = arith.constant 0 : i32
      %dma_wait3A_1839 = tpu.memref_slice %arg8[%squeeze3A_688, %dma_wait3A_1837, %dma_wait3A_1838] : memref<125000x8x64xf32, #tpu.memory_space<hbm>> -> memref<1x8x64xf32, #tpu.memory_space<hbm>>
      %dma_wait3A_1840 = tpu.memref_squeeze %dma_wait3A_1839 : memref<1x8x64xf32, #tpu.memory_space<hbm>> -> memref<8x64xf32, #tpu.memory_space<hbm>>
      %dma_wait3A_1841 = arith.constant 0 : i32
      %dma_wait3A_1842 = arith.constant 0 : i32
      %dma_wait3A_1843 = tpu.memref_slice %arg18[%dma_wait3A_1832, %dma_wait3A_1841, %dma_wait3A_1842] : memref<32x8x64xf32, #tpu.memory_space<vmem>> -> memref<1x8x64xf32, #tpu.memory_space<vmem>>
      %dma_wait3A_1844 = tpu.memref_squeeze %dma_wait3A_1843 : memref<1x8x64xf32, #tpu.memory_space<vmem>> -> memref<8x64xf32, #tpu.memory_space<vmem>>
      %dma_wait3A_1845 = arith.constant 0 : i32
      %dma_wait3A_1846 = arith.constant 0 : i32
      %dma_wait3A_1847 = tpu.memref_slice %arg8[%squeeze3A_688, %dma_wait3A_1845, %dma_wait3A_1846] : memref<125000x8x64xf32, #tpu.memory_space<hbm>> -> memref<1x8x64xf32, #tpu.memory_space<hbm>>
      %dma_wait3A_1848 = tpu.memref_squeeze %dma_wait3A_1847 : memref<1x8x64xf32, #tpu.memory_space<hbm>> -> memref<8x64xf32, #tpu.memory_space<hbm>>
      tpu.wait_dma2 semaphore(%arg21 : memref<!tpu.dma_semaphore, #tpu.memory_space<semaphore_mem>>) src(%dma_wait3A_1848 : memref<8x64xf32, #tpu.memory_space<hbm>>) dst(%dma_wait3A_1844 : memref<8x64xf32, #tpu.memory_space<vmem>>)
      %dma_wait3A_1849 = arith.constant 18 : i32
      %dma_wait3A_1850 = arith.constant 0 : i32
      %dma_wait3A_1851 = arith.constant 0 : i32
      %dma_wait3A_1852 = tpu.memref_slice %arg17[%dma_wait3A_1849, %dma_wait3A_1850, %dma_wait3A_1851] : memref<32x8x64xf32, #tpu.memory_space<vmem>> -> memref<1x8x64xf32, #tpu.memory_space<vmem>>
      %dma_wait3A_1853 = tpu.memref_squeeze %dma_wait3A_1852 : memref<1x8x64xf32, #tpu.memory_space<vmem>> -> memref<8x64xf32, #tpu.memory_space<vmem>>
      %dma_wait3A_1854 = arith.constant 0 : i32
      %dma_wait3A_1855 = arith.constant 0 : i32
      %dma_wait3A_1856 = tpu.memref_slice %arg8[%squeeze3A_707, %dma_wait3A_1854, %dma_wait3A_1855] : memref<125000x8x64xf32, #tpu.memory_space<hbm>> -> memref<1x8x64xf32, #tpu.memory_space<hbm>>
      %dma_wait3A_1857 = tpu.memref_squeeze %dma_wait3A_1856 : memref<1x8x64xf32, #tpu.memory_space<hbm>> -> memref<8x64xf32, #tpu.memory_space<hbm>>
      %dma_wait3A_1858 = arith.constant 0 : i32
      %dma_wait3A_1859 = arith.constant 0 : i32
      %dma_wait3A_1860 = tpu.memref_slice %arg17[%dma_wait3A_1849, %dma_wait3A_1858, %dma_wait3A_1859] : memref<32x8x64xf32, #tpu.memory_space<vmem>> -> memref<1x8x64xf32, #tpu.memory_space<vmem>>
      %dma_wait3A_1861 = tpu.memref_squeeze %dma_wait3A_1860 : memref<1x8x64xf32, #tpu.memory_space<vmem>> -> memref<8x64xf32, #tpu.memory_space<vmem>>
      %dma_wait3A_1862 = arith.constant 0 : i32
      %dma_wait3A_1863 = arith.constant 0 : i32
      %dma_wait3A_1864 = tpu.memref_slice %arg8[%squeeze3A_707, %dma_wait3A_1862, %dma_wait3A_1863] : memref<125000x8x64xf32, #tpu.memory_space<hbm>> -> memref<1x8x64xf32, #tpu.memory_space<hbm>>
      %dma_wait3A_1865 = tpu.memref_squeeze %dma_wait3A_1864 : memref<1x8x64xf32, #tpu.memory_space<hbm>> -> memref<8x64xf32, #tpu.memory_space<hbm>>
      tpu.wait_dma2 semaphore(%arg21 : memref<!tpu.dma_semaphore, #tpu.memory_space<semaphore_mem>>) src(%dma_wait3A_1865 : memref<8x64xf32, #tpu.memory_space<hbm>>) dst(%dma_wait3A_1861 : memref<8x64xf32, #tpu.memory_space<vmem>>)
      %dma_wait3A_1866 = arith.constant 18 : i32
      %dma_wait3A_1867 = arith.constant 0 : i32
      %dma_wait3A_1868 = arith.constant 0 : i32
      %dma_wait3A_1869 = tpu.memref_slice %arg18[%dma_wait3A_1866, %dma_wait3A_1867, %dma_wait3A_1868] : memref<32x8x64xf32, #tpu.memory_space<vmem>> -> memref<1x8x64xf32, #tpu.memory_space<vmem>>
      %dma_wait3A_1870 = tpu.memref_squeeze %dma_wait3A_1869 : memref<1x8x64xf32, #tpu.memory_space<vmem>> -> memref<8x64xf32, #tpu.memory_space<vmem>>
      %dma_wait3A_1871 = arith.constant 0 : i32
      %dma_wait3A_1872 = arith.constant 0 : i32
      %dma_wait3A_1873 = tpu.memref_slice %arg8[%squeeze3A_726, %dma_wait3A_1871, %dma_wait3A_1872] : memref<125000x8x64xf32, #tpu.memory_space<hbm>> -> memref<1x8x64xf32, #tpu.memory_space<hbm>>
      %dma_wait3A_1874 = tpu.memref_squeeze %dma_wait3A_1873 : memref<1x8x64xf32, #tpu.memory_space<hbm>> -> memref<8x64xf32, #tpu.memory_space<hbm>>
      %dma_wait3A_1875 = arith.constant 0 : i32
      %dma_wait3A_1876 = arith.constant 0 : i32
      %dma_wait3A_1877 = tpu.memref_slice %arg18[%dma_wait3A_1866, %dma_wait3A_1875, %dma_wait3A_1876] : memref<32x8x64xf32, #tpu.memory_space<vmem>> -> memref<1x8x64xf32, #tpu.memory_space<vmem>>
      %dma_wait3A_1878 = tpu.memref_squeeze %dma_wait3A_1877 : memref<1x8x64xf32, #tpu.memory_space<vmem>> -> memref<8x64xf32, #tpu.memory_space<vmem>>
      %dma_wait3A_1879 = arith.constant 0 : i32
      %dma_wait3A_1880 = arith.constant 0 : i32
      %dma_wait3A_1881 = tpu.memref_slice %arg8[%squeeze3A_726, %dma_wait3A_1879, %dma_wait3A_1880] : memref<125000x8x64xf32, #tpu.memory_space<hbm>> -> memref<1x8x64xf32, #tpu.memory_space<hbm>>
      %dma_wait3A_1882 = tpu.memref_squeeze %dma_wait3A_1881 : memref<1x8x64xf32, #tpu.memory_space<hbm>> -> memref<8x64xf32, #tpu.memory_space<hbm>>
      tpu.wait_dma2 semaphore(%arg21 : memref<!tpu.dma_semaphore, #tpu.memory_space<semaphore_mem>>) src(%dma_wait3A_1882 : memref<8x64xf32, #tpu.memory_space<hbm>>) dst(%dma_wait3A_1878 : memref<8x64xf32, #tpu.memory_space<vmem>>)
      %dma_wait3A_1883 = arith.constant 19 : i32
      %dma_wait3A_1884 = arith.constant 0 : i32
      %dma_wait3A_1885 = arith.constant 0 : i32
      %dma_wait3A_1886 = tpu.memref_slice %arg17[%dma_wait3A_1883, %dma_wait3A_1884, %dma_wait3A_1885] : memref<32x8x64xf32, #tpu.memory_space<vmem>> -> memref<1x8x64xf32, #tpu.memory_space<vmem>>
      %dma_wait3A_1887 = tpu.memref_squeeze %dma_wait3A_1886 : memref<1x8x64xf32, #tpu.memory_space<vmem>> -> memref<8x64xf32, #tpu.memory_space<vmem>>
      %dma_wait3A_1888 = arith.constant 0 : i32
      %dma_wait3A_1889 = arith.constant 0 : i32
      %dma_wait3A_1890 = tpu.memref_slice %arg8[%squeeze3A_745, %dma_wait3A_1888, %dma_wait3A_1889] : memref<125000x8x64xf32, #tpu.memory_space<hbm>> -> memref<1x8x64xf32, #tpu.memory_space<hbm>>
      %dma_wait3A_1891 = tpu.memref_squeeze %dma_wait3A_1890 : memref<1x8x64xf32, #tpu.memory_space<hbm>> -> memref<8x64xf32, #tpu.memory_space<hbm>>
      %dma_wait3A_1892 = arith.constant 0 : i32
      %dma_wait3A_1893 = arith.constant 0 : i32
      %dma_wait3A_1894 = tpu.memref_slice %arg17[%dma_wait3A_1883, %dma_wait3A_1892, %dma_wait3A_1893] : memref<32x8x64xf32, #tpu.memory_space<vmem>> -> memref<1x8x64xf32, #tpu.memory_space<vmem>>
      %dma_wait3A_1895 = tpu.memref_squeeze %dma_wait3A_1894 : memref<1x8x64xf32, #tpu.memory_space<vmem>> -> memref<8x64xf32, #tpu.memory_space<vmem>>
      %dma_wait3A_1896 = arith.constant 0 : i32
      %dma_wait3A_1897 = arith.constant 0 : i32
      %dma_wait3A_1898 = tpu.memref_slice %arg8[%squeeze3A_745, %dma_wait3A_1896, %dma_wait3A_1897] : memref<125000x8x64xf32, #tpu.memory_space<hbm>> -> memref<1x8x64xf32, #tpu.memory_space<hbm>>
      %dma_wait3A_1899 = tpu.memref_squeeze %dma_wait3A_1898 : memref<1x8x64xf32, #tpu.memory_space<hbm>> -> memref<8x64xf32, #tpu.memory_space<hbm>>
      tpu.wait_dma2 semaphore(%arg21 : memref<!tpu.dma_semaphore, #tpu.memory_space<semaphore_mem>>) src(%dma_wait3A_1899 : memref<8x64xf32, #tpu.memory_space<hbm>>) dst(%dma_wait3A_1895 : memref<8x64xf32, #tpu.memory_space<vmem>>)
      %dma_wait3A_1900 = arith.constant 19 : i32
      %dma_wait3A_1901 = arith.constant 0 : i32
      %dma_wait3A_1902 = arith.constant 0 : i32
      %dma_wait3A_1903 = tpu.memref_slice %arg18[%dma_wait3A_1900, %dma_wait3A_1901, %dma_wait3A_1902] : memref<32x8x64xf32, #tpu.memory_space<vmem>> -> memref<1x8x64xf32, #tpu.memory_space<vmem>>
      %dma_wait3A_1904 = tpu.memref_squeeze %dma_wait3A_1903 : memref<1x8x64xf32, #tpu.memory_space<vmem>> -> memref<8x64xf32, #tpu.memory_space<vmem>>
      %dma_wait3A_1905 = arith.constant 0 : i32
      %dma_wait3A_1906 = arith.constant 0 : i32
      %dma_wait3A_1907 = tpu.memref_slice %arg8[%squeeze3A_764, %dma_wait3A_1905, %dma_wait3A_1906] : memref<125000x8x64xf32, #tpu.memory_space<hbm>> -> memref<1x8x64xf32, #tpu.memory_space<hbm>>
      %dma_wait3A_1908 = tpu.memref_squeeze %dma_wait3A_1907 : memref<1x8x64xf32, #tpu.memory_space<hbm>> -> memref<8x64xf32, #tpu.memory_space<hbm>>
      %dma_wait3A_1909 = arith.constant 0 : i32
      %dma_wait3A_1910 = arith.constant 0 : i32
      %dma_wait3A_1911 = tpu.memref_slice %arg18[%dma_wait3A_1900, %dma_wait3A_1909, %dma_wait3A_1910] : memref<32x8x64xf32, #tpu.memory_space<vmem>> -> memref<1x8x64xf32, #tpu.memory_space<vmem>>
      %dma_wait3A_1912 = tpu.memref_squeeze %dma_wait3A_1911 : memref<1x8x64xf32, #tpu.memory_space<vmem>> -> memref<8x64xf32, #tpu.memory_space<vmem>>
      %dma_wait3A_1913 = arith.constant 0 : i32
      %dma_wait3A_1914 = arith.constant 0 : i32
      %dma_wait3A_1915 = tpu.memref_slice %arg8[%squeeze3A_764, %dma_wait3A_1913, %dma_wait3A_1914] : memref<125000x8x64xf32, #tpu.memory_space<hbm>> -> memref<1x8x64xf32, #tpu.memory_space<hbm>>
      %dma_wait3A_1916 = tpu.memref_squeeze %dma_wait3A_1915 : memref<1x8x64xf32, #tpu.memory_space<hbm>> -> memref<8x64xf32, #tpu.memory_space<hbm>>
      tpu.wait_dma2 semaphore(%arg21 : memref<!tpu.dma_semaphore, #tpu.memory_space<semaphore_mem>>) src(%dma_wait3A_1916 : memref<8x64xf32, #tpu.memory_space<hbm>>) dst(%dma_wait3A_1912 : memref<8x64xf32, #tpu.memory_space<vmem>>)
      %dma_wait3A_1917 = arith.constant 20 : i32
      %dma_wait3A_1918 = arith.constant 0 : i32
      %dma_wait3A_1919 = arith.constant 0 : i32
      %dma_wait3A_1920 = tpu.memref_slice %arg17[%dma_wait3A_1917, %dma_wait3A_1918, %dma_wait3A_1919] : memref<32x8x64xf32, #tpu.memory_space<vmem>> -> memref<1x8x64xf32, #tpu.memory_space<vmem>>
      %dma_wait3A_1921 = tpu.memref_squeeze %dma_wait3A_1920 : memref<1x8x64xf32, #tpu.memory_space<vmem>> -> memref<8x64xf32, #tpu.memory_space<vmem>>
      %dma_wait3A_1922 = arith.constant 0 : i32
      %dma_wait3A_1923 = arith.constant 0 : i32
      %dma_wait3A_1924 = tpu.memref_slice %arg8[%squeeze3A_783, %dma_wait3A_1922, %dma_wait3A_1923] : memref<125000x8x64xf32, #tpu.memory_space<hbm>> -> memref<1x8x64xf32, #tpu.memory_space<hbm>>
      %dma_wait3A_1925 = tpu.memref_squeeze %dma_wait3A_1924 : memref<1x8x64xf32, #tpu.memory_space<hbm>> -> memref<8x64xf32, #tpu.memory_space<hbm>>
      %dma_wait3A_1926 = arith.constant 0 : i32
      %dma_wait3A_1927 = arith.constant 0 : i32
      %dma_wait3A_1928 = tpu.memref_slice %arg17[%dma_wait3A_1917, %dma_wait3A_1926, %dma_wait3A_1927] : memref<32x8x64xf32, #tpu.memory_space<vmem>> -> memref<1x8x64xf32, #tpu.memory_space<vmem>>
      %dma_wait3A_1929 = tpu.memref_squeeze %dma_wait3A_1928 : memref<1x8x64xf32, #tpu.memory_space<vmem>> -> memref<8x64xf32, #tpu.memory_space<vmem>>
      %dma_wait3A_1930 = arith.constant 0 : i32
      %dma_wait3A_1931 = arith.constant 0 : i32
      %dma_wait3A_1932 = tpu.memref_slice %arg8[%squeeze3A_783, %dma_wait3A_1930, %dma_wait3A_1931] : memref<125000x8x64xf32, #tpu.memory_space<hbm>> -> memref<1x8x64xf32, #tpu.memory_space<hbm>>
      %dma_wait3A_1933 = tpu.memref_squeeze %dma_wait3A_1932 : memref<1x8x64xf32, #tpu.memory_space<hbm>> -> memref<8x64xf32, #tpu.memory_space<hbm>>
      tpu.wait_dma2 semaphore(%arg21 : memref<!tpu.dma_semaphore, #tpu.memory_space<semaphore_mem>>) src(%dma_wait3A_1933 : memref<8x64xf32, #tpu.memory_space<hbm>>) dst(%dma_wait3A_1929 : memref<8x64xf32, #tpu.memory_space<vmem>>)
      %dma_wait3A_1934 = arith.constant 20 : i32
      %dma_wait3A_1935 = arith.constant 0 : i32
      %dma_wait3A_1936 = arith.constant 0 : i32
      %dma_wait3A_1937 = tpu.memref_slice %arg18[%dma_wait3A_1934, %dma_wait3A_1935, %dma_wait3A_1936] : memref<32x8x64xf32, #tpu.memory_space<vmem>> -> memref<1x8x64xf32, #tpu.memory_space<vmem>>
      %dma_wait3A_1938 = tpu.memref_squeeze %dma_wait3A_1937 : memref<1x8x64xf32, #tpu.memory_space<vmem>> -> memref<8x64xf32, #tpu.memory_space<vmem>>
      %dma_wait3A_1939 = arith.constant 0 : i32
      %dma_wait3A_1940 = arith.constant 0 : i32
      %dma_wait3A_1941 = tpu.memref_slice %arg8[%squeeze3A_802, %dma_wait3A_1939, %dma_wait3A_1940] : memref<125000x8x64xf32, #tpu.memory_space<hbm>> -> memref<1x8x64xf32, #tpu.memory_space<hbm>>
      %dma_wait3A_1942 = tpu.memref_squeeze %dma_wait3A_1941 : memref<1x8x64xf32, #tpu.memory_space<hbm>> -> memref<8x64xf32, #tpu.memory_space<hbm>>
      %dma_wait3A_1943 = arith.constant 0 : i32
      %dma_wait3A_1944 = arith.constant 0 : i32
      %dma_wait3A_1945 = tpu.memref_slice %arg18[%dma_wait3A_1934, %dma_wait3A_1943, %dma_wait3A_1944] : memref<32x8x64xf32, #tpu.memory_space<vmem>> -> memref<1x8x64xf32, #tpu.memory_space<vmem>>
      %dma_wait3A_1946 = tpu.memref_squeeze %dma_wait3A_1945 : memref<1x8x64xf32, #tpu.memory_space<vmem>> -> memref<8x64xf32, #tpu.memory_space<vmem>>
      %dma_wait3A_1947 = arith.constant 0 : i32
      %dma_wait3A_1948 = arith.constant 0 : i32
      %dma_wait3A_1949 = tpu.memref_slice %arg8[%squeeze3A_802, %dma_wait3A_1947, %dma_wait3A_1948] : memref<125000x8x64xf32, #tpu.memory_space<hbm>> -> memref<1x8x64xf32, #tpu.memory_space<hbm>>
      %dma_wait3A_1950 = tpu.memref_squeeze %dma_wait3A_1949 : memref<1x8x64xf32, #tpu.memory_space<hbm>> -> memref<8x64xf32, #tpu.memory_space<hbm>>
      tpu.wait_dma2 semaphore(%arg21 : memref<!tpu.dma_semaphore, #tpu.memory_space<semaphore_mem>>) src(%dma_wait3A_1950 : memref<8x64xf32, #tpu.memory_space<hbm>>) dst(%dma_wait3A_1946 : memref<8x64xf32, #tpu.memory_space<vmem>>)
      %dma_wait3A_1951 = arith.constant 21 : i32
      %dma_wait3A_1952 = arith.constant 0 : i32
      %dma_wait3A_1953 = arith.constant 0 : i32
      %dma_wait3A_1954 = tpu.memref_slice %arg17[%dma_wait3A_1951, %dma_wait3A_1952, %dma_wait3A_1953] : memref<32x8x64xf32, #tpu.memory_space<vmem>> -> memref<1x8x64xf32, #tpu.memory_space<vmem>>
      %dma_wait3A_1955 = tpu.memref_squeeze %dma_wait3A_1954 : memref<1x8x64xf32, #tpu.memory_space<vmem>> -> memref<8x64xf32, #tpu.memory_space<vmem>>
      %dma_wait3A_1956 = arith.constant 0 : i32
      %dma_wait3A_1957 = arith.constant 0 : i32
      %dma_wait3A_1958 = tpu.memref_slice %arg8[%squeeze3A_821, %dma_wait3A_1956, %dma_wait3A_1957] : memref<125000x8x64xf32, #tpu.memory_space<hbm>> -> memref<1x8x64xf32, #tpu.memory_space<hbm>>
      %dma_wait3A_1959 = tpu.memref_squeeze %dma_wait3A_1958 : memref<1x8x64xf32, #tpu.memory_space<hbm>> -> memref<8x64xf32, #tpu.memory_space<hbm>>
      %dma_wait3A_1960 = arith.constant 0 : i32
      %dma_wait3A_1961 = arith.constant 0 : i32
      %dma_wait3A_1962 = tpu.memref_slice %arg17[%dma_wait3A_1951, %dma_wait3A_1960, %dma_wait3A_1961] : memref<32x8x64xf32, #tpu.memory_space<vmem>> -> memref<1x8x64xf32, #tpu.memory_space<vmem>>
      %dma_wait3A_1963 = tpu.memref_squeeze %dma_wait3A_1962 : memref<1x8x64xf32, #tpu.memory_space<vmem>> -> memref<8x64xf32, #tpu.memory_space<vmem>>
      %dma_wait3A_1964 = arith.constant 0 : i32
      %dma_wait3A_1965 = arith.constant 0 : i32
      %dma_wait3A_1966 = tpu.memref_slice %arg8[%squeeze3A_821, %dma_wait3A_1964, %dma_wait3A_1965] : memref<125000x8x64xf32, #tpu.memory_space<hbm>> -> memref<1x8x64xf32, #tpu.memory_space<hbm>>
      %dma_wait3A_1967 = tpu.memref_squeeze %dma_wait3A_1966 : memref<1x8x64xf32, #tpu.memory_space<hbm>> -> memref<8x64xf32, #tpu.memory_space<hbm>>
      tpu.wait_dma2 semaphore(%arg21 : memref<!tpu.dma_semaphore, #tpu.memory_space<semaphore_mem>>) src(%dma_wait3A_1967 : memref<8x64xf32, #tpu.memory_space<hbm>>) dst(%dma_wait3A_1963 : memref<8x64xf32, #tpu.memory_space<vmem>>)
      %dma_wait3A_1968 = arith.constant 21 : i32
      %dma_wait3A_1969 = arith.constant 0 : i32
      %dma_wait3A_1970 = arith.constant 0 : i32
      %dma_wait3A_1971 = tpu.memref_slice %arg18[%dma_wait3A_1968, %dma_wait3A_1969, %dma_wait3A_1970] : memref<32x8x64xf32, #tpu.memory_space<vmem>> -> memref<1x8x64xf32, #tpu.memory_space<vmem>>
      %dma_wait3A_1972 = tpu.memref_squeeze %dma_wait3A_1971 : memref<1x8x64xf32, #tpu.memory_space<vmem>> -> memref<8x64xf32, #tpu.memory_space<vmem>>
      %dma_wait3A_1973 = arith.constant 0 : i32
      %dma_wait3A_1974 = arith.constant 0 : i32
      %dma_wait3A_1975 = tpu.memref_slice %arg8[%squeeze3A_840, %dma_wait3A_1973, %dma_wait3A_1974] : memref<125000x8x64xf32, #tpu.memory_space<hbm>> -> memref<1x8x64xf32, #tpu.memory_space<hbm>>
      %dma_wait3A_1976 = tpu.memref_squeeze %dma_wait3A_1975 : memref<1x8x64xf32, #tpu.memory_space<hbm>> -> memref<8x64xf32, #tpu.memory_space<hbm>>
      %dma_wait3A_1977 = arith.constant 0 : i32
      %dma_wait3A_1978 = arith.constant 0 : i32
      %dma_wait3A_1979 = tpu.memref_slice %arg18[%dma_wait3A_1968, %dma_wait3A_1977, %dma_wait3A_1978] : memref<32x8x64xf32, #tpu.memory_space<vmem>> -> memref<1x8x64xf32, #tpu.memory_space<vmem>>
      %dma_wait3A_1980 = tpu.memref_squeeze %dma_wait3A_1979 : memref<1x8x64xf32, #tpu.memory_space<vmem>> -> memref<8x64xf32, #tpu.memory_space<vmem>>
      %dma_wait3A_1981 = arith.constant 0 : i32
      %dma_wait3A_1982 = arith.constant 0 : i32
      %dma_wait3A_1983 = tpu.memref_slice %arg8[%squeeze3A_840, %dma_wait3A_1981, %dma_wait3A_1982] : memref<125000x8x64xf32, #tpu.memory_space<hbm>> -> memref<1x8x64xf32, #tpu.memory_space<hbm>>
      %dma_wait3A_1984 = tpu.memref_squeeze %dma_wait3A_1983 : memref<1x8x64xf32, #tpu.memory_space<hbm>> -> memref<8x64xf32, #tpu.memory_space<hbm>>
      tpu.wait_dma2 semaphore(%arg21 : memref<!tpu.dma_semaphore, #tpu.memory_space<semaphore_mem>>) src(%dma_wait3A_1984 : memref<8x64xf32, #tpu.memory_space<hbm>>) dst(%dma_wait3A_1980 : memref<8x64xf32, #tpu.memory_space<vmem>>)
      %dma_wait3A_1985 = arith.constant 22 : i32
      %dma_wait3A_1986 = arith.constant 0 : i32
      %dma_wait3A_1987 = arith.constant 0 : i32
      %dma_wait3A_1988 = tpu.memref_slice %arg17[%dma_wait3A_1985, %dma_wait3A_1986, %dma_wait3A_1987] : memref<32x8x64xf32, #tpu.memory_space<vmem>> -> memref<1x8x64xf32, #tpu.memory_space<vmem>>
      %dma_wait3A_1989 = tpu.memref_squeeze %dma_wait3A_1988 : memref<1x8x64xf32, #tpu.memory_space<vmem>> -> memref<8x64xf32, #tpu.memory_space<vmem>>
      %dma_wait3A_1990 = arith.constant 0 : i32
      %dma_wait3A_1991 = arith.constant 0 : i32
      %dma_wait3A_1992 = tpu.memref_slice %arg8[%squeeze3A_859, %dma_wait3A_1990, %dma_wait3A_1991] : memref<125000x8x64xf32, #tpu.memory_space<hbm>> -> memref<1x8x64xf32, #tpu.memory_space<hbm>>
      %dma_wait3A_1993 = tpu.memref_squeeze %dma_wait3A_1992 : memref<1x8x64xf32, #tpu.memory_space<hbm>> -> memref<8x64xf32, #tpu.memory_space<hbm>>
      %dma_wait3A_1994 = arith.constant 0 : i32
      %dma_wait3A_1995 = arith.constant 0 : i32
      %dma_wait3A_1996 = tpu.memref_slice %arg17[%dma_wait3A_1985, %dma_wait3A_1994, %dma_wait3A_1995] : memref<32x8x64xf32, #tpu.memory_space<vmem>> -> memref<1x8x64xf32, #tpu.memory_space<vmem>>
      %dma_wait3A_1997 = tpu.memref_squeeze %dma_wait3A_1996 : memref<1x8x64xf32, #tpu.memory_space<vmem>> -> memref<8x64xf32, #tpu.memory_space<vmem>>
      %dma_wait3A_1998 = arith.constant 0 : i32
      %dma_wait3A_1999 = arith.constant 0 : i32
      %dma_wait3A_2000 = tpu.memref_slice %arg8[%squeeze3A_859, %dma_wait3A_1998, %dma_wait3A_1999] : memref<125000x8x64xf32, #tpu.memory_space<hbm>> -> memref<1x8x64xf32, #tpu.memory_space<hbm>>
      %dma_wait3A_2001 = tpu.memref_squeeze %dma_wait3A_2000 : memref<1x8x64xf32, #tpu.memory_space<hbm>> -> memref<8x64xf32, #tpu.memory_space<hbm>>
      tpu.wait_dma2 semaphore(%arg21 : memref<!tpu.dma_semaphore, #tpu.memory_space<semaphore_mem>>) src(%dma_wait3A_2001 : memref<8x64xf32, #tpu.memory_space<hbm>>) dst(%dma_wait3A_1997 : memref<8x64xf32, #tpu.memory_space<vmem>>)
      %dma_wait3A_2002 = arith.constant 22 : i32
      %dma_wait3A_2003 = arith.constant 0 : i32
      %dma_wait3A_2004 = arith.constant 0 : i32
      %dma_wait3A_2005 = tpu.memref_slice %arg18[%dma_wait3A_2002, %dma_wait3A_2003, %dma_wait3A_2004] : memref<32x8x64xf32, #tpu.memory_space<vmem>> -> memref<1x8x64xf32, #tpu.memory_space<vmem>>
      %dma_wait3A_2006 = tpu.memref_squeeze %dma_wait3A_2005 : memref<1x8x64xf32, #tpu.memory_space<vmem>> -> memref<8x64xf32, #tpu.memory_space<vmem>>
      %dma_wait3A_2007 = arith.constant 0 : i32
      %dma_wait3A_2008 = arith.constant 0 : i32
      %dma_wait3A_2009 = tpu.memref_slice %arg8[%squeeze3A_878, %dma_wait3A_2007, %dma_wait3A_2008] : memref<125000x8x64xf32, #tpu.memory_space<hbm>> -> memref<1x8x64xf32, #tpu.memory_space<hbm>>
      %dma_wait3A_2010 = tpu.memref_squeeze %dma_wait3A_2009 : memref<1x8x64xf32, #tpu.memory_space<hbm>> -> memref<8x64xf32, #tpu.memory_space<hbm>>
      %dma_wait3A_2011 = arith.constant 0 : i32
      %dma_wait3A_2012 = arith.constant 0 : i32
      %dma_wait3A_2013 = tpu.memref_slice %arg18[%dma_wait3A_2002, %dma_wait3A_2011, %dma_wait3A_2012] : memref<32x8x64xf32, #tpu.memory_space<vmem>> -> memref<1x8x64xf32, #tpu.memory_space<vmem>>
      %dma_wait3A_2014 = tpu.memref_squeeze %dma_wait3A_2013 : memref<1x8x64xf32, #tpu.memory_space<vmem>> -> memref<8x64xf32, #tpu.memory_space<vmem>>
      %dma_wait3A_2015 = arith.constant 0 : i32
      %dma_wait3A_2016 = arith.constant 0 : i32
      %dma_wait3A_2017 = tpu.memref_slice %arg8[%squeeze3A_878, %dma_wait3A_2015, %dma_wait3A_2016] : memref<125000x8x64xf32, #tpu.memory_space<hbm>> -> memref<1x8x64xf32, #tpu.memory_space<hbm>>
      %dma_wait3A_2018 = tpu.memref_squeeze %dma_wait3A_2017 : memref<1x8x64xf32, #tpu.memory_space<hbm>> -> memref<8x64xf32, #tpu.memory_space<hbm>>
      tpu.wait_dma2 semaphore(%arg21 : memref<!tpu.dma_semaphore, #tpu.memory_space<semaphore_mem>>) src(%dma_wait3A_2018 : memref<8x64xf32, #tpu.memory_space<hbm>>) dst(%dma_wait3A_2014 : memref<8x64xf32, #tpu.memory_space<vmem>>)
      %dma_wait3A_2019 = arith.constant 23 : i32
      %dma_wait3A_2020 = arith.constant 0 : i32
      %dma_wait3A_2021 = arith.constant 0 : i32
      %dma_wait3A_2022 = tpu.memref_slice %arg17[%dma_wait3A_2019, %dma_wait3A_2020, %dma_wait3A_2021] : memref<32x8x64xf32, #tpu.memory_space<vmem>> -> memref<1x8x64xf32, #tpu.memory_space<vmem>>
      %dma_wait3A_2023 = tpu.memref_squeeze %dma_wait3A_2022 : memref<1x8x64xf32, #tpu.memory_space<vmem>> -> memref<8x64xf32, #tpu.memory_space<vmem>>
      %dma_wait3A_2024 = arith.constant 0 : i32
      %dma_wait3A_2025 = arith.constant 0 : i32
      %dma_wait3A_2026 = tpu.memref_slice %arg8[%squeeze3A_897, %dma_wait3A_2024, %dma_wait3A_2025] : memref<125000x8x64xf32, #tpu.memory_space<hbm>> -> memref<1x8x64xf32, #tpu.memory_space<hbm>>
      %dma_wait3A_2027 = tpu.memref_squeeze %dma_wait3A_2026 : memref<1x8x64xf32, #tpu.memory_space<hbm>> -> memref<8x64xf32, #tpu.memory_space<hbm>>
      %dma_wait3A_2028 = arith.constant 0 : i32
      %dma_wait3A_2029 = arith.constant 0 : i32
      %dma_wait3A_2030 = tpu.memref_slice %arg17[%dma_wait3A_2019, %dma_wait3A_2028, %dma_wait3A_2029] : memref<32x8x64xf32, #tpu.memory_space<vmem>> -> memref<1x8x64xf32, #tpu.memory_space<vmem>>
      %dma_wait3A_2031 = tpu.memref_squeeze %dma_wait3A_2030 : memref<1x8x64xf32, #tpu.memory_space<vmem>> -> memref<8x64xf32, #tpu.memory_space<vmem>>
      %dma_wait3A_2032 = arith.constant 0 : i32
      %dma_wait3A_2033 = arith.constant 0 : i32
      %dma_wait3A_2034 = tpu.memref_slice %arg8[%squeeze3A_897, %dma_wait3A_2032, %dma_wait3A_2033] : memref<125000x8x64xf32, #tpu.memory_space<hbm>> -> memref<1x8x64xf32, #tpu.memory_space<hbm>>
      %dma_wait3A_2035 = tpu.memref_squeeze %dma_wait3A_2034 : memref<1x8x64xf32, #tpu.memory_space<hbm>> -> memref<8x64xf32, #tpu.memory_space<hbm>>
      tpu.wait_dma2 semaphore(%arg21 : memref<!tpu.dma_semaphore, #tpu.memory_space<semaphore_mem>>) src(%dma_wait3A_2035 : memref<8x64xf32, #tpu.memory_space<hbm>>) dst(%dma_wait3A_2031 : memref<8x64xf32, #tpu.memory_space<vmem>>)
      %dma_wait3A_2036 = arith.constant 23 : i32
      %dma_wait3A_2037 = arith.constant 0 : i32
      %dma_wait3A_2038 = arith.constant 0 : i32
      %dma_wait3A_2039 = tpu.memref_slice %arg18[%dma_wait3A_2036, %dma_wait3A_2037, %dma_wait3A_2038] : memref<32x8x64xf32, #tpu.memory_space<vmem>> -> memref<1x8x64xf32, #tpu.memory_space<vmem>>
      %dma_wait3A_2040 = tpu.memref_squeeze %dma_wait3A_2039 : memref<1x8x64xf32, #tpu.memory_space<vmem>> -> memref<8x64xf32, #tpu.memory_space<vmem>>
      %dma_wait3A_2041 = arith.constant 0 : i32
      %dma_wait3A_2042 = arith.constant 0 : i32
      %dma_wait3A_2043 = tpu.memref_slice %arg8[%squeeze3A_916, %dma_wait3A_2041, %dma_wait3A_2042] : memref<125000x8x64xf32, #tpu.memory_space<hbm>> -> memref<1x8x64xf32, #tpu.memory_space<hbm>>
      %dma_wait3A_2044 = tpu.memref_squeeze %dma_wait3A_2043 : memref<1x8x64xf32, #tpu.memory_space<hbm>> -> memref<8x64xf32, #tpu.memory_space<hbm>>
      %dma_wait3A_2045 = arith.constant 0 : i32
      %dma_wait3A_2046 = arith.constant 0 : i32
      %dma_wait3A_2047 = tpu.memref_slice %arg18[%dma_wait3A_2036, %dma_wait3A_2045, %dma_wait3A_2046] : memref<32x8x64xf32, #tpu.memory_space<vmem>> -> memref<1x8x64xf32, #tpu.memory_space<vmem>>
      %dma_wait3A_2048 = tpu.memref_squeeze %dma_wait3A_2047 : memref<1x8x64xf32, #tpu.memory_space<vmem>> -> memref<8x64xf32, #tpu.memory_space<vmem>>
      %dma_wait3A_2049 = arith.constant 0 : i32
      %dma_wait3A_2050 = arith.constant 0 : i32
      %dma_wait3A_2051 = tpu.memref_slice %arg8[%squeeze3A_916, %dma_wait3A_2049, %dma_wait3A_2050] : memref<125000x8x64xf32, #tpu.memory_space<hbm>> -> memref<1x8x64xf32, #tpu.memory_space<hbm>>
      %dma_wait3A_2052 = tpu.memref_squeeze %dma_wait3A_2051 : memref<1x8x64xf32, #tpu.memory_space<hbm>> -> memref<8x64xf32, #tpu.memory_space<hbm>>
      tpu.wait_dma2 semaphore(%arg21 : memref<!tpu.dma_semaphore, #tpu.memory_space<semaphore_mem>>) src(%dma_wait3A_2052 : memref<8x64xf32, #tpu.memory_space<hbm>>) dst(%dma_wait3A_2048 : memref<8x64xf32, #tpu.memory_space<vmem>>)
      %dma_wait3A_2053 = arith.constant 24 : i32
      %dma_wait3A_2054 = arith.constant 0 : i32
      %dma_wait3A_2055 = arith.constant 0 : i32
      %dma_wait3A_2056 = tpu.memref_slice %arg17[%dma_wait3A_2053, %dma_wait3A_2054, %dma_wait3A_2055] : memref<32x8x64xf32, #tpu.memory_space<vmem>> -> memref<1x8x64xf32, #tpu.memory_space<vmem>>
      %dma_wait3A_2057 = tpu.memref_squeeze %dma_wait3A_2056 : memref<1x8x64xf32, #tpu.memory_space<vmem>> -> memref<8x64xf32, #tpu.memory_space<vmem>>
      %dma_wait3A_2058 = arith.constant 0 : i32
      %dma_wait3A_2059 = arith.constant 0 : i32
      %dma_wait3A_2060 = tpu.memref_slice %arg8[%squeeze3A_935, %dma_wait3A_2058, %dma_wait3A_2059] : memref<125000x8x64xf32, #tpu.memory_space<hbm>> -> memref<1x8x64xf32, #tpu.memory_space<hbm>>
      %dma_wait3A_2061 = tpu.memref_squeeze %dma_wait3A_2060 : memref<1x8x64xf32, #tpu.memory_space<hbm>> -> memref<8x64xf32, #tpu.memory_space<hbm>>
      %dma_wait3A_2062 = arith.constant 0 : i32
      %dma_wait3A_2063 = arith.constant 0 : i32
      %dma_wait3A_2064 = tpu.memref_slice %arg17[%dma_wait3A_2053, %dma_wait3A_2062, %dma_wait3A_2063] : memref<32x8x64xf32, #tpu.memory_space<vmem>> -> memref<1x8x64xf32, #tpu.memory_space<vmem>>
      %dma_wait3A_2065 = tpu.memref_squeeze %dma_wait3A_2064 : memref<1x8x64xf32, #tpu.memory_space<vmem>> -> memref<8x64xf32, #tpu.memory_space<vmem>>
      %dma_wait3A_2066 = arith.constant 0 : i32
      %dma_wait3A_2067 = arith.constant 0 : i32
      %dma_wait3A_2068 = tpu.memref_slice %arg8[%squeeze3A_935, %dma_wait3A_2066, %dma_wait3A_2067] : memref<125000x8x64xf32, #tpu.memory_space<hbm>> -> memref<1x8x64xf32, #tpu.memory_space<hbm>>
      %dma_wait3A_2069 = tpu.memref_squeeze %dma_wait3A_2068 : memref<1x8x64xf32, #tpu.memory_space<hbm>> -> memref<8x64xf32, #tpu.memory_space<hbm>>
      tpu.wait_dma2 semaphore(%arg21 : memref<!tpu.dma_semaphore, #tpu.memory_space<semaphore_mem>>) src(%dma_wait3A_2069 : memref<8x64xf32, #tpu.memory_space<hbm>>) dst(%dma_wait3A_2065 : memref<8x64xf32, #tpu.memory_space<vmem>>)
      %dma_wait3A_2070 = arith.constant 24 : i32
      %dma_wait3A_2071 = arith.constant 0 : i32
      %dma_wait3A_2072 = arith.constant 0 : i32
      %dma_wait3A_2073 = tpu.memref_slice %arg18[%dma_wait3A_2070, %dma_wait3A_2071, %dma_wait3A_2072] : memref<32x8x64xf32, #tpu.memory_space<vmem>> -> memref<1x8x64xf32, #tpu.memory_space<vmem>>
      %dma_wait3A_2074 = tpu.memref_squeeze %dma_wait3A_2073 : memref<1x8x64xf32, #tpu.memory_space<vmem>> -> memref<8x64xf32, #tpu.memory_space<vmem>>
      %dma_wait3A_2075 = arith.constant 0 : i32
      %dma_wait3A_2076 = arith.constant 0 : i32
      %dma_wait3A_2077 = tpu.memref_slice %arg8[%squeeze3A_954, %dma_wait3A_2075, %dma_wait3A_2076] : memref<125000x8x64xf32, #tpu.memory_space<hbm>> -> memref<1x8x64xf32, #tpu.memory_space<hbm>>
      %dma_wait3A_2078 = tpu.memref_squeeze %dma_wait3A_2077 : memref<1x8x64xf32, #tpu.memory_space<hbm>> -> memref<8x64xf32, #tpu.memory_space<hbm>>
      %dma_wait3A_2079 = arith.constant 0 : i32
      %dma_wait3A_2080 = arith.constant 0 : i32
      %dma_wait3A_2081 = tpu.memref_slice %arg18[%dma_wait3A_2070, %dma_wait3A_2079, %dma_wait3A_2080] : memref<32x8x64xf32, #tpu.memory_space<vmem>> -> memref<1x8x64xf32, #tpu.memory_space<vmem>>
      %dma_wait3A_2082 = tpu.memref_squeeze %dma_wait3A_2081 : memref<1x8x64xf32, #tpu.memory_space<vmem>> -> memref<8x64xf32, #tpu.memory_space<vmem>>
      %dma_wait3A_2083 = arith.constant 0 : i32
      %dma_wait3A_2084 = arith.constant 0 : i32
      %dma_wait3A_2085 = tpu.memref_slice %arg8[%squeeze3A_954, %dma_wait3A_2083, %dma_wait3A_2084] : memref<125000x8x64xf32, #tpu.memory_space<hbm>> -> memref<1x8x64xf32, #tpu.memory_space<hbm>>
      %dma_wait3A_2086 = tpu.memref_squeeze %dma_wait3A_2085 : memref<1x8x64xf32, #tpu.memory_space<hbm>> -> memref<8x64xf32, #tpu.memory_space<hbm>>
      tpu.wait_dma2 semaphore(%arg21 : memref<!tpu.dma_semaphore, #tpu.memory_space<semaphore_mem>>) src(%dma_wait3A_2086 : memref<8x64xf32, #tpu.memory_space<hbm>>) dst(%dma_wait3A_2082 : memref<8x64xf32, #tpu.memory_space<vmem>>)
      %dma_wait3A_2087 = arith.constant 25 : i32
      %dma_wait3A_2088 = arith.constant 0 : i32
      %dma_wait3A_2089 = arith.constant 0 : i32
      %dma_wait3A_2090 = tpu.memref_slice %arg17[%dma_wait3A_2087, %dma_wait3A_2088, %dma_wait3A_2089] : memref<32x8x64xf32, #tpu.memory_space<vmem>> -> memref<1x8x64xf32, #tpu.memory_space<vmem>>
      %dma_wait3A_2091 = tpu.memref_squeeze %dma_wait3A_2090 : memref<1x8x64xf32, #tpu.memory_space<vmem>> -> memref<8x64xf32, #tpu.memory_space<vmem>>
      %dma_wait3A_2092 = arith.constant 0 : i32
      %dma_wait3A_2093 = arith.constant 0 : i32
      %dma_wait3A_2094 = tpu.memref_slice %arg8[%squeeze3A_973, %dma_wait3A_2092, %dma_wait3A_2093] : memref<125000x8x64xf32, #tpu.memory_space<hbm>> -> memref<1x8x64xf32, #tpu.memory_space<hbm>>
      %dma_wait3A_2095 = tpu.memref_squeeze %dma_wait3A_2094 : memref<1x8x64xf32, #tpu.memory_space<hbm>> -> memref<8x64xf32, #tpu.memory_space<hbm>>
      %dma_wait3A_2096 = arith.constant 0 : i32
      %dma_wait3A_2097 = arith.constant 0 : i32
      %dma_wait3A_2098 = tpu.memref_slice %arg17[%dma_wait3A_2087, %dma_wait3A_2096, %dma_wait3A_2097] : memref<32x8x64xf32, #tpu.memory_space<vmem>> -> memref<1x8x64xf32, #tpu.memory_space<vmem>>
      %dma_wait3A_2099 = tpu.memref_squeeze %dma_wait3A_2098 : memref<1x8x64xf32, #tpu.memory_space<vmem>> -> memref<8x64xf32, #tpu.memory_space<vmem>>
      %dma_wait3A_2100 = arith.constant 0 : i32
      %dma_wait3A_2101 = arith.constant 0 : i32
      %dma_wait3A_2102 = tpu.memref_slice %arg8[%squeeze3A_973, %dma_wait3A_2100, %dma_wait3A_2101] : memref<125000x8x64xf32, #tpu.memory_space<hbm>> -> memref<1x8x64xf32, #tpu.memory_space<hbm>>
      %dma_wait3A_2103 = tpu.memref_squeeze %dma_wait3A_2102 : memref<1x8x64xf32, #tpu.memory_space<hbm>> -> memref<8x64xf32, #tpu.memory_space<hbm>>
      tpu.wait_dma2 semaphore(%arg21 : memref<!tpu.dma_semaphore, #tpu.memory_space<semaphore_mem>>) src(%dma_wait3A_2103 : memref<8x64xf32, #tpu.memory_space<hbm>>) dst(%dma_wait3A_2099 : memref<8x64xf32, #tpu.memory_space<vmem>>)
      %dma_wait3A_2104 = arith.constant 25 : i32
      %dma_wait3A_2105 = arith.constant 0 : i32
      %dma_wait3A_2106 = arith.constant 0 : i32
      %dma_wait3A_2107 = tpu.memref_slice %arg18[%dma_wait3A_2104, %dma_wait3A_2105, %dma_wait3A_2106] : memref<32x8x64xf32, #tpu.memory_space<vmem>> -> memref<1x8x64xf32, #tpu.memory_space<vmem>>
      %dma_wait3A_2108 = tpu.memref_squeeze %dma_wait3A_2107 : memref<1x8x64xf32, #tpu.memory_space<vmem>> -> memref<8x64xf32, #tpu.memory_space<vmem>>
      %dma_wait3A_2109 = arith.constant 0 : i32
      %dma_wait3A_2110 = arith.constant 0 : i32
      %dma_wait3A_2111 = tpu.memref_slice %arg8[%squeeze3A_992, %dma_wait3A_2109, %dma_wait3A_2110] : memref<125000x8x64xf32, #tpu.memory_space<hbm>> -> memref<1x8x64xf32, #tpu.memory_space<hbm>>
      %dma_wait3A_2112 = tpu.memref_squeeze %dma_wait3A_2111 : memref<1x8x64xf32, #tpu.memory_space<hbm>> -> memref<8x64xf32, #tpu.memory_space<hbm>>
      %dma_wait3A_2113 = arith.constant 0 : i32
      %dma_wait3A_2114 = arith.constant 0 : i32
      %dma_wait3A_2115 = tpu.memref_slice %arg18[%dma_wait3A_2104, %dma_wait3A_2113, %dma_wait3A_2114] : memref<32x8x64xf32, #tpu.memory_space<vmem>> -> memref<1x8x64xf32, #tpu.memory_space<vmem>>
      %dma_wait3A_2116 = tpu.memref_squeeze %dma_wait3A_2115 : memref<1x8x64xf32, #tpu.memory_space<vmem>> -> memref<8x64xf32, #tpu.memory_space<vmem>>
      %dma_wait3A_2117 = arith.constant 0 : i32
      %dma_wait3A_2118 = arith.constant 0 : i32
      %dma_wait3A_2119 = tpu.memref_slice %arg8[%squeeze3A_992, %dma_wait3A_2117, %dma_wait3A_2118] : memref<125000x8x64xf32, #tpu.memory_space<hbm>> -> memref<1x8x64xf32, #tpu.memory_space<hbm>>
      %dma_wait3A_2120 = tpu.memref_squeeze %dma_wait3A_2119 : memref<1x8x64xf32, #tpu.memory_space<hbm>> -> memref<8x64xf32, #tpu.memory_space<hbm>>
      tpu.wait_dma2 semaphore(%arg21 : memref<!tpu.dma_semaphore, #tpu.memory_space<semaphore_mem>>) src(%dma_wait3A_2120 : memref<8x64xf32, #tpu.memory_space<hbm>>) dst(%dma_wait3A_2116 : memref<8x64xf32, #tpu.memory_space<vmem>>)
      %dma_wait3A_2121 = arith.constant 26 : i32
      %dma_wait3A_2122 = arith.constant 0 : i32
      %dma_wait3A_2123 = arith.constant 0 : i32
      %dma_wait3A_2124 = tpu.memref_slice %arg17[%dma_wait3A_2121, %dma_wait3A_2122, %dma_wait3A_2123] : memref<32x8x64xf32, #tpu.memory_space<vmem>> -> memref<1x8x64xf32, #tpu.memory_space<vmem>>
      %dma_wait3A_2125 = tpu.memref_squeeze %dma_wait3A_2124 : memref<1x8x64xf32, #tpu.memory_space<vmem>> -> memref<8x64xf32, #tpu.memory_space<vmem>>
      %dma_wait3A_2126 = arith.constant 0 : i32
      %dma_wait3A_2127 = arith.constant 0 : i32
      %dma_wait3A_2128 = tpu.memref_slice %arg8[%squeeze3A_1011, %dma_wait3A_2126, %dma_wait3A_2127] : memref<125000x8x64xf32, #tpu.memory_space<hbm>> -> memref<1x8x64xf32, #tpu.memory_space<hbm>>
      %dma_wait3A_2129 = tpu.memref_squeeze %dma_wait3A_2128 : memref<1x8x64xf32, #tpu.memory_space<hbm>> -> memref<8x64xf32, #tpu.memory_space<hbm>>
      %dma_wait3A_2130 = arith.constant 0 : i32
      %dma_wait3A_2131 = arith.constant 0 : i32
      %dma_wait3A_2132 = tpu.memref_slice %arg17[%dma_wait3A_2121, %dma_wait3A_2130, %dma_wait3A_2131] : memref<32x8x64xf32, #tpu.memory_space<vmem>> -> memref<1x8x64xf32, #tpu.memory_space<vmem>>
      %dma_wait3A_2133 = tpu.memref_squeeze %dma_wait3A_2132 : memref<1x8x64xf32, #tpu.memory_space<vmem>> -> memref<8x64xf32, #tpu.memory_space<vmem>>
      %dma_wait3A_2134 = arith.constant 0 : i32
      %dma_wait3A_2135 = arith.constant 0 : i32
      %dma_wait3A_2136 = tpu.memref_slice %arg8[%squeeze3A_1011, %dma_wait3A_2134, %dma_wait3A_2135] : memref<125000x8x64xf32, #tpu.memory_space<hbm>> -> memref<1x8x64xf32, #tpu.memory_space<hbm>>
      %dma_wait3A_2137 = tpu.memref_squeeze %dma_wait3A_2136 : memref<1x8x64xf32, #tpu.memory_space<hbm>> -> memref<8x64xf32, #tpu.memory_space<hbm>>
      tpu.wait_dma2 semaphore(%arg21 : memref<!tpu.dma_semaphore, #tpu.memory_space<semaphore_mem>>) src(%dma_wait3A_2137 : memref<8x64xf32, #tpu.memory_space<hbm>>) dst(%dma_wait3A_2133 : memref<8x64xf32, #tpu.memory_space<vmem>>)
      %dma_wait3A_2138 = arith.constant 26 : i32
      %dma_wait3A_2139 = arith.constant 0 : i32
      %dma_wait3A_2140 = arith.constant 0 : i32
      %dma_wait3A_2141 = tpu.memref_slice %arg18[%dma_wait3A_2138, %dma_wait3A_2139, %dma_wait3A_2140] : memref<32x8x64xf32, #tpu.memory_space<vmem>> -> memref<1x8x64xf32, #tpu.memory_space<vmem>>
      %dma_wait3A_2142 = tpu.memref_squeeze %dma_wait3A_2141 : memref<1x8x64xf32, #tpu.memory_space<vmem>> -> memref<8x64xf32, #tpu.memory_space<vmem>>
      %dma_wait3A_2143 = arith.constant 0 : i32
      %dma_wait3A_2144 = arith.constant 0 : i32
      %dma_wait3A_2145 = tpu.memref_slice %arg8[%squeeze3A_1030, %dma_wait3A_2143, %dma_wait3A_2144] : memref<125000x8x64xf32, #tpu.memory_space<hbm>> -> memref<1x8x64xf32, #tpu.memory_space<hbm>>
      %dma_wait3A_2146 = tpu.memref_squeeze %dma_wait3A_2145 : memref<1x8x64xf32, #tpu.memory_space<hbm>> -> memref<8x64xf32, #tpu.memory_space<hbm>>
      %dma_wait3A_2147 = arith.constant 0 : i32
      %dma_wait3A_2148 = arith.constant 0 : i32
      %dma_wait3A_2149 = tpu.memref_slice %arg18[%dma_wait3A_2138, %dma_wait3A_2147, %dma_wait3A_2148] : memref<32x8x64xf32, #tpu.memory_space<vmem>> -> memref<1x8x64xf32, #tpu.memory_space<vmem>>
      %dma_wait3A_2150 = tpu.memref_squeeze %dma_wait3A_2149 : memref<1x8x64xf32, #tpu.memory_space<vmem>> -> memref<8x64xf32, #tpu.memory_space<vmem>>
      %dma_wait3A_2151 = arith.constant 0 : i32
      %dma_wait3A_2152 = arith.constant 0 : i32
      %dma_wait3A_2153 = tpu.memref_slice %arg8[%squeeze3A_1030, %dma_wait3A_2151, %dma_wait3A_2152] : memref<125000x8x64xf32, #tpu.memory_space<hbm>> -> memref<1x8x64xf32, #tpu.memory_space<hbm>>
      %dma_wait3A_2154 = tpu.memref_squeeze %dma_wait3A_2153 : memref<1x8x64xf32, #tpu.memory_space<hbm>> -> memref<8x64xf32, #tpu.memory_space<hbm>>
      tpu.wait_dma2 semaphore(%arg21 : memref<!tpu.dma_semaphore, #tpu.memory_space<semaphore_mem>>) src(%dma_wait3A_2154 : memref<8x64xf32, #tpu.memory_space<hbm>>) dst(%dma_wait3A_2150 : memref<8x64xf32, #tpu.memory_space<vmem>>)
      %dma_wait3A_2155 = arith.constant 27 : i32
      %dma_wait3A_2156 = arith.constant 0 : i32
      %dma_wait3A_2157 = arith.constant 0 : i32
      %dma_wait3A_2158 = tpu.memref_slice %arg17[%dma_wait3A_2155, %dma_wait3A_2156, %dma_wait3A_2157] : memref<32x8x64xf32, #tpu.memory_space<vmem>> -> memref<1x8x64xf32, #tpu.memory_space<vmem>>
      %dma_wait3A_2159 = tpu.memref_squeeze %dma_wait3A_2158 : memref<1x8x64xf32, #tpu.memory_space<vmem>> -> memref<8x64xf32, #tpu.memory_space<vmem>>
      %dma_wait3A_2160 = arith.constant 0 : i32
      %dma_wait3A_2161 = arith.constant 0 : i32
      %dma_wait3A_2162 = tpu.memref_slice %arg8[%squeeze3A_1049, %dma_wait3A_2160, %dma_wait3A_2161] : memref<125000x8x64xf32, #tpu.memory_space<hbm>> -> memref<1x8x64xf32, #tpu.memory_space<hbm>>
      %dma_wait3A_2163 = tpu.memref_squeeze %dma_wait3A_2162 : memref<1x8x64xf32, #tpu.memory_space<hbm>> -> memref<8x64xf32, #tpu.memory_space<hbm>>
      %dma_wait3A_2164 = arith.constant 0 : i32
      %dma_wait3A_2165 = arith.constant 0 : i32
      %dma_wait3A_2166 = tpu.memref_slice %arg17[%dma_wait3A_2155, %dma_wait3A_2164, %dma_wait3A_2165] : memref<32x8x64xf32, #tpu.memory_space<vmem>> -> memref<1x8x64xf32, #tpu.memory_space<vmem>>
      %dma_wait3A_2167 = tpu.memref_squeeze %dma_wait3A_2166 : memref<1x8x64xf32, #tpu.memory_space<vmem>> -> memref<8x64xf32, #tpu.memory_space<vmem>>
      %dma_wait3A_2168 = arith.constant 0 : i32
      %dma_wait3A_2169 = arith.constant 0 : i32
      %dma_wait3A_2170 = tpu.memref_slice %arg8[%squeeze3A_1049, %dma_wait3A_2168, %dma_wait3A_2169] : memref<125000x8x64xf32, #tpu.memory_space<hbm>> -> memref<1x8x64xf32, #tpu.memory_space<hbm>>
      %dma_wait3A_2171 = tpu.memref_squeeze %dma_wait3A_2170 : memref<1x8x64xf32, #tpu.memory_space<hbm>> -> memref<8x64xf32, #tpu.memory_space<hbm>>
      tpu.wait_dma2 semaphore(%arg21 : memref<!tpu.dma_semaphore, #tpu.memory_space<semaphore_mem>>) src(%dma_wait3A_2171 : memref<8x64xf32, #tpu.memory_space<hbm>>) dst(%dma_wait3A_2167 : memref<8x64xf32, #tpu.memory_space<vmem>>)
      %dma_wait3A_2172 = arith.constant 27 : i32
      %dma_wait3A_2173 = arith.constant 0 : i32
      %dma_wait3A_2174 = arith.constant 0 : i32
      %dma_wait3A_2175 = tpu.memref_slice %arg18[%dma_wait3A_2172, %dma_wait3A_2173, %dma_wait3A_2174] : memref<32x8x64xf32, #tpu.memory_space<vmem>> -> memref<1x8x64xf32, #tpu.memory_space<vmem>>
      %dma_wait3A_2176 = tpu.memref_squeeze %dma_wait3A_2175 : memref<1x8x64xf32, #tpu.memory_space<vmem>> -> memref<8x64xf32, #tpu.memory_space<vmem>>
      %dma_wait3A_2177 = arith.constant 0 : i32
      %dma_wait3A_2178 = arith.constant 0 : i32
      %dma_wait3A_2179 = tpu.memref_slice %arg8[%squeeze3A_1068, %dma_wait3A_2177, %dma_wait3A_2178] : memref<125000x8x64xf32, #tpu.memory_space<hbm>> -> memref<1x8x64xf32, #tpu.memory_space<hbm>>
      %dma_wait3A_2180 = tpu.memref_squeeze %dma_wait3A_2179 : memref<1x8x64xf32, #tpu.memory_space<hbm>> -> memref<8x64xf32, #tpu.memory_space<hbm>>
      %dma_wait3A_2181 = arith.constant 0 : i32
      %dma_wait3A_2182 = arith.constant 0 : i32
      %dma_wait3A_2183 = tpu.memref_slice %arg18[%dma_wait3A_2172, %dma_wait3A_2181, %dma_wait3A_2182] : memref<32x8x64xf32, #tpu.memory_space<vmem>> -> memref<1x8x64xf32, #tpu.memory_space<vmem>>
      %dma_wait3A_2184 = tpu.memref_squeeze %dma_wait3A_2183 : memref<1x8x64xf32, #tpu.memory_space<vmem>> -> memref<8x64xf32, #tpu.memory_space<vmem>>
      %dma_wait3A_2185 = arith.constant 0 : i32
      %dma_wait3A_2186 = arith.constant 0 : i32
      %dma_wait3A_2187 = tpu.memref_slice %arg8[%squeeze3A_1068, %dma_wait3A_2185, %dma_wait3A_2186] : memref<125000x8x64xf32, #tpu.memory_space<hbm>> -> memref<1x8x64xf32, #tpu.memory_space<hbm>>
      %dma_wait3A_2188 = tpu.memref_squeeze %dma_wait3A_2187 : memref<1x8x64xf32, #tpu.memory_space<hbm>> -> memref<8x64xf32, #tpu.memory_space<hbm>>
      tpu.wait_dma2 semaphore(%arg21 : memref<!tpu.dma_semaphore, #tpu.memory_space<semaphore_mem>>) src(%dma_wait3A_2188 : memref<8x64xf32, #tpu.memory_space<hbm>>) dst(%dma_wait3A_2184 : memref<8x64xf32, #tpu.memory_space<vmem>>)
      %dma_wait3A_2189 = arith.constant 28 : i32
      %dma_wait3A_2190 = arith.constant 0 : i32
      %dma_wait3A_2191 = arith.constant 0 : i32
      %dma_wait3A_2192 = tpu.memref_slice %arg17[%dma_wait3A_2189, %dma_wait3A_2190, %dma_wait3A_2191] : memref<32x8x64xf32, #tpu.memory_space<vmem>> -> memref<1x8x64xf32, #tpu.memory_space<vmem>>
      %dma_wait3A_2193 = tpu.memref_squeeze %dma_wait3A_2192 : memref<1x8x64xf32, #tpu.memory_space<vmem>> -> memref<8x64xf32, #tpu.memory_space<vmem>>
      %dma_wait3A_2194 = arith.constant 0 : i32
      %dma_wait3A_2195 = arith.constant 0 : i32
      %dma_wait3A_2196 = tpu.memref_slice %arg8[%squeeze3A_1087, %dma_wait3A_2194, %dma_wait3A_2195] : memref<125000x8x64xf32, #tpu.memory_space<hbm>> -> memref<1x8x64xf32, #tpu.memory_space<hbm>>
      %dma_wait3A_2197 = tpu.memref_squeeze %dma_wait3A_2196 : memref<1x8x64xf32, #tpu.memory_space<hbm>> -> memref<8x64xf32, #tpu.memory_space<hbm>>
      %dma_wait3A_2198 = arith.constant 0 : i32
      %dma_wait3A_2199 = arith.constant 0 : i32
      %dma_wait3A_2200 = tpu.memref_slice %arg17[%dma_wait3A_2189, %dma_wait3A_2198, %dma_wait3A_2199] : memref<32x8x64xf32, #tpu.memory_space<vmem>> -> memref<1x8x64xf32, #tpu.memory_space<vmem>>
      %dma_wait3A_2201 = tpu.memref_squeeze %dma_wait3A_2200 : memref<1x8x64xf32, #tpu.memory_space<vmem>> -> memref<8x64xf32, #tpu.memory_space<vmem>>
      %dma_wait3A_2202 = arith.constant 0 : i32
      %dma_wait3A_2203 = arith.constant 0 : i32
      %dma_wait3A_2204 = tpu.memref_slice %arg8[%squeeze3A_1087, %dma_wait3A_2202, %dma_wait3A_2203] : memref<125000x8x64xf32, #tpu.memory_space<hbm>> -> memref<1x8x64xf32, #tpu.memory_space<hbm>>
      %dma_wait3A_2205 = tpu.memref_squeeze %dma_wait3A_2204 : memref<1x8x64xf32, #tpu.memory_space<hbm>> -> memref<8x64xf32, #tpu.memory_space<hbm>>
      tpu.wait_dma2 semaphore(%arg21 : memref<!tpu.dma_semaphore, #tpu.memory_space<semaphore_mem>>) src(%dma_wait3A_2205 : memref<8x64xf32, #tpu.memory_space<hbm>>) dst(%dma_wait3A_2201 : memref<8x64xf32, #tpu.memory_space<vmem>>)
      %dma_wait3A_2206 = arith.constant 28 : i32
      %dma_wait3A_2207 = arith.constant 0 : i32
      %dma_wait3A_2208 = arith.constant 0 : i32
      %dma_wait3A_2209 = tpu.memref_slice %arg18[%dma_wait3A_2206, %dma_wait3A_2207, %dma_wait3A_2208] : memref<32x8x64xf32, #tpu.memory_space<vmem>> -> memref<1x8x64xf32, #tpu.memory_space<vmem>>
      %dma_wait3A_2210 = tpu.memref_squeeze %dma_wait3A_2209 : memref<1x8x64xf32, #tpu.memory_space<vmem>> -> memref<8x64xf32, #tpu.memory_space<vmem>>
      %dma_wait3A_2211 = arith.constant 0 : i32
      %dma_wait3A_2212 = arith.constant 0 : i32
      %dma_wait3A_2213 = tpu.memref_slice %arg8[%squeeze3A_1106, %dma_wait3A_2211, %dma_wait3A_2212] : memref<125000x8x64xf32, #tpu.memory_space<hbm>> -> memref<1x8x64xf32, #tpu.memory_space<hbm>>
      %dma_wait3A_2214 = tpu.memref_squeeze %dma_wait3A_2213 : memref<1x8x64xf32, #tpu.memory_space<hbm>> -> memref<8x64xf32, #tpu.memory_space<hbm>>
      %dma_wait3A_2215 = arith.constant 0 : i32
      %dma_wait3A_2216 = arith.constant 0 : i32
      %dma_wait3A_2217 = tpu.memref_slice %arg18[%dma_wait3A_2206, %dma_wait3A_2215, %dma_wait3A_2216] : memref<32x8x64xf32, #tpu.memory_space<vmem>> -> memref<1x8x64xf32, #tpu.memory_space<vmem>>
      %dma_wait3A_2218 = tpu.memref_squeeze %dma_wait3A_2217 : memref<1x8x64xf32, #tpu.memory_space<vmem>> -> memref<8x64xf32, #tpu.memory_space<vmem>>
      %dma_wait3A_2219 = arith.constant 0 : i32
      %dma_wait3A_2220 = arith.constant 0 : i32
      %dma_wait3A_2221 = tpu.memref_slice %arg8[%squeeze3A_1106, %dma_wait3A_2219, %dma_wait3A_2220] : memref<125000x8x64xf32, #tpu.memory_space<hbm>> -> memref<1x8x64xf32, #tpu.memory_space<hbm>>
      %dma_wait3A_2222 = tpu.memref_squeeze %dma_wait3A_2221 : memref<1x8x64xf32, #tpu.memory_space<hbm>> -> memref<8x64xf32, #tpu.memory_space<hbm>>
      tpu.wait_dma2 semaphore(%arg21 : memref<!tpu.dma_semaphore, #tpu.memory_space<semaphore_mem>>) src(%dma_wait3A_2222 : memref<8x64xf32, #tpu.memory_space<hbm>>) dst(%dma_wait3A_2218 : memref<8x64xf32, #tpu.memory_space<vmem>>)
      %dma_wait3A_2223 = arith.constant 29 : i32
      %dma_wait3A_2224 = arith.constant 0 : i32
      %dma_wait3A_2225 = arith.constant 0 : i32
      %dma_wait3A_2226 = tpu.memref_slice %arg17[%dma_wait3A_2223, %dma_wait3A_2224, %dma_wait3A_2225] : memref<32x8x64xf32, #tpu.memory_space<vmem>> -> memref<1x8x64xf32, #tpu.memory_space<vmem>>
      %dma_wait3A_2227 = tpu.memref_squeeze %dma_wait3A_2226 : memref<1x8x64xf32, #tpu.memory_space<vmem>> -> memref<8x64xf32, #tpu.memory_space<vmem>>
      %dma_wait3A_2228 = arith.constant 0 : i32
      %dma_wait3A_2229 = arith.constant 0 : i32
      %dma_wait3A_2230 = tpu.memref_slice %arg8[%squeeze3A_1125, %dma_wait3A_2228, %dma_wait3A_2229] : memref<125000x8x64xf32, #tpu.memory_space<hbm>> -> memref<1x8x64xf32, #tpu.memory_space<hbm>>
      %dma_wait3A_2231 = tpu.memref_squeeze %dma_wait3A_2230 : memref<1x8x64xf32, #tpu.memory_space<hbm>> -> memref<8x64xf32, #tpu.memory_space<hbm>>
      %dma_wait3A_2232 = arith.constant 0 : i32
      %dma_wait3A_2233 = arith.constant 0 : i32
      %dma_wait3A_2234 = tpu.memref_slice %arg17[%dma_wait3A_2223, %dma_wait3A_2232, %dma_wait3A_2233] : memref<32x8x64xf32, #tpu.memory_space<vmem>> -> memref<1x8x64xf32, #tpu.memory_space<vmem>>
      %dma_wait3A_2235 = tpu.memref_squeeze %dma_wait3A_2234 : memref<1x8x64xf32, #tpu.memory_space<vmem>> -> memref<8x64xf32, #tpu.memory_space<vmem>>
      %dma_wait3A_2236 = arith.constant 0 : i32
      %dma_wait3A_2237 = arith.constant 0 : i32
      %dma_wait3A_2238 = tpu.memref_slice %arg8[%squeeze3A_1125, %dma_wait3A_2236, %dma_wait3A_2237] : memref<125000x8x64xf32, #tpu.memory_space<hbm>> -> memref<1x8x64xf32, #tpu.memory_space<hbm>>
      %dma_wait3A_2239 = tpu.memref_squeeze %dma_wait3A_2238 : memref<1x8x64xf32, #tpu.memory_space<hbm>> -> memref<8x64xf32, #tpu.memory_space<hbm>>
      tpu.wait_dma2 semaphore(%arg21 : memref<!tpu.dma_semaphore, #tpu.memory_space<semaphore_mem>>) src(%dma_wait3A_2239 : memref<8x64xf32, #tpu.memory_space<hbm>>) dst(%dma_wait3A_2235 : memref<8x64xf32, #tpu.memory_space<vmem>>)
      %dma_wait3A_2240 = arith.constant 29 : i32
      %dma_wait3A_2241 = arith.constant 0 : i32
      %dma_wait3A_2242 = arith.constant 0 : i32
      %dma_wait3A_2243 = tpu.memref_slice %arg18[%dma_wait3A_2240, %dma_wait3A_2241, %dma_wait3A_2242] : memref<32x8x64xf32, #tpu.memory_space<vmem>> -> memref<1x8x64xf32, #tpu.memory_space<vmem>>
      %dma_wait3A_2244 = tpu.memref_squeeze %dma_wait3A_2243 : memref<1x8x64xf32, #tpu.memory_space<vmem>> -> memref<8x64xf32, #tpu.memory_space<vmem>>
      %dma_wait3A_2245 = arith.constant 0 : i32
      %dma_wait3A_2246 = arith.constant 0 : i32
      %dma_wait3A_2247 = tpu.memref_slice %arg8[%squeeze3A_1144, %dma_wait3A_2245, %dma_wait3A_2246] : memref<125000x8x64xf32, #tpu.memory_space<hbm>> -> memref<1x8x64xf32, #tpu.memory_space<hbm>>
      %dma_wait3A_2248 = tpu.memref_squeeze %dma_wait3A_2247 : memref<1x8x64xf32, #tpu.memory_space<hbm>> -> memref<8x64xf32, #tpu.memory_space<hbm>>
      %dma_wait3A_2249 = arith.constant 0 : i32
      %dma_wait3A_2250 = arith.constant 0 : i32
      %dma_wait3A_2251 = tpu.memref_slice %arg18[%dma_wait3A_2240, %dma_wait3A_2249, %dma_wait3A_2250] : memref<32x8x64xf32, #tpu.memory_space<vmem>> -> memref<1x8x64xf32, #tpu.memory_space<vmem>>
      %dma_wait3A_2252 = tpu.memref_squeeze %dma_wait3A_2251 : memref<1x8x64xf32, #tpu.memory_space<vmem>> -> memref<8x64xf32, #tpu.memory_space<vmem>>
      %dma_wait3A_2253 = arith.constant 0 : i32
      %dma_wait3A_2254 = arith.constant 0 : i32
      %dma_wait3A_2255 = tpu.memref_slice %arg8[%squeeze3A_1144, %dma_wait3A_2253, %dma_wait3A_2254] : memref<125000x8x64xf32, #tpu.memory_space<hbm>> -> memref<1x8x64xf32, #tpu.memory_space<hbm>>
      %dma_wait3A_2256 = tpu.memref_squeeze %dma_wait3A_2255 : memref<1x8x64xf32, #tpu.memory_space<hbm>> -> memref<8x64xf32, #tpu.memory_space<hbm>>
      tpu.wait_dma2 semaphore(%arg21 : memref<!tpu.dma_semaphore, #tpu.memory_space<semaphore_mem>>) src(%dma_wait3A_2256 : memref<8x64xf32, #tpu.memory_space<hbm>>) dst(%dma_wait3A_2252 : memref<8x64xf32, #tpu.memory_space<vmem>>)
      %dma_wait3A_2257 = arith.constant 30 : i32
      %dma_wait3A_2258 = arith.constant 0 : i32
      %dma_wait3A_2259 = arith.constant 0 : i32
      %dma_wait3A_2260 = tpu.memref_slice %arg17[%dma_wait3A_2257, %dma_wait3A_2258, %dma_wait3A_2259] : memref<32x8x64xf32, #tpu.memory_space<vmem>> -> memref<1x8x64xf32, #tpu.memory_space<vmem>>
      %dma_wait3A_2261 = tpu.memref_squeeze %dma_wait3A_2260 : memref<1x8x64xf32, #tpu.memory_space<vmem>> -> memref<8x64xf32, #tpu.memory_space<vmem>>
      %dma_wait3A_2262 = arith.constant 0 : i32
      %dma_wait3A_2263 = arith.constant 0 : i32
      %dma_wait3A_2264 = tpu.memref_slice %arg8[%squeeze3A_1163, %dma_wait3A_2262, %dma_wait3A_2263] : memref<125000x8x64xf32, #tpu.memory_space<hbm>> -> memref<1x8x64xf32, #tpu.memory_space<hbm>>
      %dma_wait3A_2265 = tpu.memref_squeeze %dma_wait3A_2264 : memref<1x8x64xf32, #tpu.memory_space<hbm>> -> memref<8x64xf32, #tpu.memory_space<hbm>>
      %dma_wait3A_2266 = arith.constant 0 : i32
      %dma_wait3A_2267 = arith.constant 0 : i32
      %dma_wait3A_2268 = tpu.memref_slice %arg17[%dma_wait3A_2257, %dma_wait3A_2266, %dma_wait3A_2267] : memref<32x8x64xf32, #tpu.memory_space<vmem>> -> memref<1x8x64xf32, #tpu.memory_space<vmem>>
      %dma_wait3A_2269 = tpu.memref_squeeze %dma_wait3A_2268 : memref<1x8x64xf32, #tpu.memory_space<vmem>> -> memref<8x64xf32, #tpu.memory_space<vmem>>
      %dma_wait3A_2270 = arith.constant 0 : i32
      %dma_wait3A_2271 = arith.constant 0 : i32
      %dma_wait3A_2272 = tpu.memref_slice %arg8[%squeeze3A_1163, %dma_wait3A_2270, %dma_wait3A_2271] : memref<125000x8x64xf32, #tpu.memory_space<hbm>> -> memref<1x8x64xf32, #tpu.memory_space<hbm>>
      %dma_wait3A_2273 = tpu.memref_squeeze %dma_wait3A_2272 : memref<1x8x64xf32, #tpu.memory_space<hbm>> -> memref<8x64xf32, #tpu.memory_space<hbm>>
      tpu.wait_dma2 semaphore(%arg21 : memref<!tpu.dma_semaphore, #tpu.memory_space<semaphore_mem>>) src(%dma_wait3A_2273 : memref<8x64xf32, #tpu.memory_space<hbm>>) dst(%dma_wait3A_2269 : memref<8x64xf32, #tpu.memory_space<vmem>>)
      %dma_wait3A_2274 = arith.constant 30 : i32
      %dma_wait3A_2275 = arith.constant 0 : i32
      %dma_wait3A_2276 = arith.constant 0 : i32
      %dma_wait3A_2277 = tpu.memref_slice %arg18[%dma_wait3A_2274, %dma_wait3A_2275, %dma_wait3A_2276] : memref<32x8x64xf32, #tpu.memory_space<vmem>> -> memref<1x8x64xf32, #tpu.memory_space<vmem>>
      %dma_wait3A_2278 = tpu.memref_squeeze %dma_wait3A_2277 : memref<1x8x64xf32, #tpu.memory_space<vmem>> -> memref<8x64xf32, #tpu.memory_space<vmem>>
      %dma_wait3A_2279 = arith.constant 0 : i32
      %dma_wait3A_2280 = arith.constant 0 : i32
      %dma_wait3A_2281 = tpu.memref_slice %arg8[%squeeze3A_1182, %dma_wait3A_2279, %dma_wait3A_2280] : memref<125000x8x64xf32, #tpu.memory_space<hbm>> -> memref<1x8x64xf32, #tpu.memory_space<hbm>>
      %dma_wait3A_2282 = tpu.memref_squeeze %dma_wait3A_2281 : memref<1x8x64xf32, #tpu.memory_space<hbm>> -> memref<8x64xf32, #tpu.memory_space<hbm>>
      %dma_wait3A_2283 = arith.constant 0 : i32
      %dma_wait3A_2284 = arith.constant 0 : i32
      %dma_wait3A_2285 = tpu.memref_slice %arg18[%dma_wait3A_2274, %dma_wait3A_2283, %dma_wait3A_2284] : memref<32x8x64xf32, #tpu.memory_space<vmem>> -> memref<1x8x64xf32, #tpu.memory_space<vmem>>
      %dma_wait3A_2286 = tpu.memref_squeeze %dma_wait3A_2285 : memref<1x8x64xf32, #tpu.memory_space<vmem>> -> memref<8x64xf32, #tpu.memory_space<vmem>>
      %dma_wait3A_2287 = arith.constant 0 : i32
      %dma_wait3A_2288 = arith.constant 0 : i32
      %dma_wait3A_2289 = tpu.memref_slice %arg8[%squeeze3A_1182, %dma_wait3A_2287, %dma_wait3A_2288] : memref<125000x8x64xf32, #tpu.memory_space<hbm>> -> memref<1x8x64xf32, #tpu.memory_space<hbm>>
      %dma_wait3A_2290 = tpu.memref_squeeze %dma_wait3A_2289 : memref<1x8x64xf32, #tpu.memory_space<hbm>> -> memref<8x64xf32, #tpu.memory_space<hbm>>
      tpu.wait_dma2 semaphore(%arg21 : memref<!tpu.dma_semaphore, #tpu.memory_space<semaphore_mem>>) src(%dma_wait3A_2290 : memref<8x64xf32, #tpu.memory_space<hbm>>) dst(%dma_wait3A_2286 : memref<8x64xf32, #tpu.memory_space<vmem>>)
      %dma_wait3A_2291 = arith.constant 31 : i32
      %dma_wait3A_2292 = arith.constant 0 : i32
      %dma_wait3A_2293 = arith.constant 0 : i32
      %dma_wait3A_2294 = tpu.memref_slice %arg17[%dma_wait3A_2291, %dma_wait3A_2292, %dma_wait3A_2293] : memref<32x8x64xf32, #tpu.memory_space<vmem>> -> memref<1x8x64xf32, #tpu.memory_space<vmem>>
      %dma_wait3A_2295 = tpu.memref_squeeze %dma_wait3A_2294 : memref<1x8x64xf32, #tpu.memory_space<vmem>> -> memref<8x64xf32, #tpu.memory_space<vmem>>
      %dma_wait3A_2296 = arith.constant 0 : i32
      %dma_wait3A_2297 = arith.constant 0 : i32
      %dma_wait3A_2298 = tpu.memref_slice %arg8[%squeeze3A_1201, %dma_wait3A_2296, %dma_wait3A_2297] : memref<125000x8x64xf32, #tpu.memory_space<hbm>> -> memref<1x8x64xf32, #tpu.memory_space<hbm>>
      %dma_wait3A_2299 = tpu.memref_squeeze %dma_wait3A_2298 : memref<1x8x64xf32, #tpu.memory_space<hbm>> -> memref<8x64xf32, #tpu.memory_space<hbm>>
      %dma_wait3A_2300 = arith.constant 0 : i32
      %dma_wait3A_2301 = arith.constant 0 : i32
      %dma_wait3A_2302 = tpu.memref_slice %arg17[%dma_wait3A_2291, %dma_wait3A_2300, %dma_wait3A_2301] : memref<32x8x64xf32, #tpu.memory_space<vmem>> -> memref<1x8x64xf32, #tpu.memory_space<vmem>>
      %dma_wait3A_2303 = tpu.memref_squeeze %dma_wait3A_2302 : memref<1x8x64xf32, #tpu.memory_space<vmem>> -> memref<8x64xf32, #tpu.memory_space<vmem>>
      %dma_wait3A_2304 = arith.constant 0 : i32
      %dma_wait3A_2305 = arith.constant 0 : i32
      %dma_wait3A_2306 = tpu.memref_slice %arg8[%squeeze3A_1201, %dma_wait3A_2304, %dma_wait3A_2305] : memref<125000x8x64xf32, #tpu.memory_space<hbm>> -> memref<1x8x64xf32, #tpu.memory_space<hbm>>
      %dma_wait3A_2307 = tpu.memref_squeeze %dma_wait3A_2306 : memref<1x8x64xf32, #tpu.memory_space<hbm>> -> memref<8x64xf32, #tpu.memory_space<hbm>>
      tpu.wait_dma2 semaphore(%arg21 : memref<!tpu.dma_semaphore, #tpu.memory_space<semaphore_mem>>) src(%dma_wait3A_2307 : memref<8x64xf32, #tpu.memory_space<hbm>>) dst(%dma_wait3A_2303 : memref<8x64xf32, #tpu.memory_space<vmem>>)
      %dma_wait3A_2308 = arith.constant 31 : i32
      %dma_wait3A_2309 = arith.constant 0 : i32
      %dma_wait3A_2310 = arith.constant 0 : i32
      %dma_wait3A_2311 = tpu.memref_slice %arg18[%dma_wait3A_2308, %dma_wait3A_2309, %dma_wait3A_2310] : memref<32x8x64xf32, #tpu.memory_space<vmem>> -> memref<1x8x64xf32, #tpu.memory_space<vmem>>
      %dma_wait3A_2312 = tpu.memref_squeeze %dma_wait3A_2311 : memref<1x8x64xf32, #tpu.memory_space<vmem>> -> memref<8x64xf32, #tpu.memory_space<vmem>>
      %dma_wait3A_2313 = arith.constant 0 : i32
      %dma_wait3A_2314 = arith.constant 0 : i32
      %dma_wait3A_2315 = tpu.memref_slice %arg8[%squeeze3A_1220, %dma_wait3A_2313, %dma_wait3A_2314] : memref<125000x8x64xf32, #tpu.memory_space<hbm>> -> memref<1x8x64xf32, #tpu.memory_space<hbm>>
      %dma_wait3A_2316 = tpu.memref_squeeze %dma_wait3A_2315 : memref<1x8x64xf32, #tpu.memory_space<hbm>> -> memref<8x64xf32, #tpu.memory_space<hbm>>
      %dma_wait3A_2317 = arith.constant 0 : i32
      %dma_wait3A_2318 = arith.constant 0 : i32
      %dma_wait3A_2319 = tpu.memref_slice %arg18[%dma_wait3A_2308, %dma_wait3A_2317, %dma_wait3A_2318] : memref<32x8x64xf32, #tpu.memory_space<vmem>> -> memref<1x8x64xf32, #tpu.memory_space<vmem>>
      %dma_wait3A_2320 = tpu.memref_squeeze %dma_wait3A_2319 : memref<1x8x64xf32, #tpu.memory_space<vmem>> -> memref<8x64xf32, #tpu.memory_space<vmem>>
      %dma_wait3A_2321 = arith.constant 0 : i32
      %dma_wait3A_2322 = arith.constant 0 : i32
      %dma_wait3A_2323 = tpu.memref_slice %arg8[%squeeze3A_1220, %dma_wait3A_2321, %dma_wait3A_2322] : memref<125000x8x64xf32, #tpu.memory_space<hbm>> -> memref<1x8x64xf32, #tpu.memory_space<hbm>>
      %dma_wait3A_2324 = tpu.memref_squeeze %dma_wait3A_2323 : memref<1x8x64xf32, #tpu.memory_space<hbm>> -> memref<8x64xf32, #tpu.memory_space<hbm>>
      tpu.wait_dma2 semaphore(%arg21 : memref<!tpu.dma_semaphore, #tpu.memory_space<semaphore_mem>>) src(%dma_wait3A_2324 : memref<8x64xf32, #tpu.memory_space<hbm>>) dst(%dma_wait3A_2320 : memref<8x64xf32, #tpu.memory_space<vmem>>)
      %dma_wait3A_2325 = arith.constant 0 : i32
      %dma_wait3A_2326 = arith.constant 0 : i32
      %dma_wait3A_2327 = tpu.memref_slice %arg9[%dma_wait3A_2325, %dma_wait3A_2326] : memref<500x128xf32, #tpu.memory_space<hbm>> -> memref<500x128xf32, #tpu.memory_space<hbm>>
      tpu.wait_indirect_dma semaphore(%arg22 : memref<!tpu.dma_semaphore, #tpu.memory_space<semaphore_mem>>) src(%dma_wait3A_2327 : memref<500x128xf32, #tpu.memory_space<hbm>>) dst(%arg19 : memref<32x128xf32, #tpu.memory_space<vmem>>)
      %iota3A = tpu.iota {dimensions = array<i32: 0>} : vector<16xi32>
      %scan3A_2328 = arith.constant 0 : i32
      %scan3A_2329 = arith.constant 2 : i32
      %scan3A_2330 = arith.addi %scan3A_2328, %scan3A_2329 : i32
      %scan3A_2331 = arith.constant 1 : i32
      scf.for %scan3A_2333 = %scan3A_2328 to %scan3A_2330 step %scan3A_2331  : i32 {
        %mul3A_2334 = arith.constant 1 : i32
        %mul3A_2335 = arith.muli %scan3A_2333, %mul3A_2334 : i32
        %add3A_2336 = arith.constant 0 : i32
        %add3A_2337 = arith.addi %add3A_2336, %mul3A_2335 : i32
        %mul3A_2338 = arith.constant 16 : i32
        %mul3A_2339 = arith.muli %add3A_2337, %mul3A_2338 : i32
        %add3A_2340 = vector.broadcast %mul3A_2339 : i32 to vector<16xi32>
        %add3A_2341 = arith.addi %add3A_2340, %iota3A : vector<16xi32>
        %mul3A_2342 = arith.constant 16 : i32
        %mul3A_2343 = arith.muli %add3A_2337, %mul3A_2342 : i32
        %get3A_2344 = arith.index_cast %mul3A_2343 : i32 to index
        %get3A_2345 = tpu.vector_load %arg12[%get3A_2344] {strides = array<i32>} : memref<32xi32, #tpu.memory_space<vmem>>, vector<16xi32>,
        %mul3A_2346 = arith.constant 16 : i32
        %mul3A_2347 = arith.muli %add3A_2337, %mul3A_2346 : i32
        %get3A_2348 = arith.index_cast %mul3A_2347 : i32 to index
        %get3A_2349 = tpu.vector_load %arg16[%get3A_2348] {strides = array<i32>} : memref<32xi32, #tpu.memory_space<vmem>>, vector<16xi32>,
        %mul3A_2350 = arith.constant 16 : i32
        %mul3A_2351 = arith.muli %add3A_2337, %mul3A_2350 : i32
        %get3A_2352 = arith.index_cast %mul3A_2351 : i32 to index
        %get3A_2353 = tpu.vector_load %arg14[%get3A_2352] {strides = array<i32>} : memref<32xi32, #tpu.memory_space<vmem>>, vector<16xi32>,
        %broadcast_in_dim3A = arith.constant 0.000000e+00 : f32
        %broadcast_in_dim3A_2354 = vector.broadcast %broadcast_in_dim3A : f32 to vector<16xf32>
        %broadcast_in_dim3A_2355 = arith.constant 0 : i32
        %broadcast_in_dim3A_2356 = vector.broadcast %broadcast_in_dim3A_2355 : i32 to vector<16xi32>
        %gather3A = tpu.vector_load_idx %arg17[%add3A_2341, %get3A_2345, %broadcast_in_dim3A_2356] : memref<32x8x64xf32, #tpu.memory_space<vmem>>[vector<16xi32>, vector<16xi32>, vector<16xi32>], vector<16xf32>,
        %gather3A_2357 = tpu.vector_load_idx %arg18[%add3A_2341, %get3A_2349, %broadcast_in_dim3A_2356] : memref<32x8x64xf32, #tpu.memory_space<vmem>>[vector<16xi32>, vector<16xi32>, vector<16xi32>], vector<16xf32>,
        %add3A_2358 = arith.addi %get3A_2353, %broadcast_in_dim3A_2356 : vector<16xi32>
        %gather3A_2359 = tpu.vector_load_idx %arg19[%add3A_2341, %add3A_2358] : memref<32x128xf32, #tpu.memory_space<vmem>>[vector<16xi32>, vector<16xi32>], vector<16xf32>,
        %add3A_2360 = arith.addf %gather3A, %gather3A_2359 : vector<16xf32>
        %sub3A = arith.subf %add3A_2360, %gather3A_2357 : vector<16xf32>
        %abs3A = math.absf %sub3A : vector<16xf32>
        %add3A_2361 = arith.addf %broadcast_in_dim3A_2354, %abs3A : vector<16xf32>
        %add3A_2362 = arith.constant 1 : i32
        %add3A_2363 = vector.broadcast %add3A_2362 : i32 to vector<16xi32>
        %add3A_2364 = arith.addi %broadcast_in_dim3A_2356, %add3A_2363 : vector<16xi32>
        %gather3A_2365 = tpu.vector_load_idx %arg17[%add3A_2341, %get3A_2345, %add3A_2364] : memref<32x8x64xf32, #tpu.memory_space<vmem>>[vector<16xi32>, vector<16xi32>, vector<16xi32>], vector<16xf32>,
        %gather3A_2366 = tpu.vector_load_idx %arg18[%add3A_2341, %get3A_2349, %add3A_2364] : memref<32x8x64xf32, #tpu.memory_space<vmem>>[vector<16xi32>, vector<16xi32>, vector<16xi32>], vector<16xf32>,
        %add3A_2367 = arith.addi %get3A_2353, %add3A_2364 : vector<16xi32>
        %gather3A_2368 = tpu.vector_load_idx %arg19[%add3A_2341, %add3A_2367] : memref<32x128xf32, #tpu.memory_space<vmem>>[vector<16xi32>, vector<16xi32>], vector<16xf32>,
        %add3A_2369 = arith.addf %gather3A_2365, %gather3A_2368 : vector<16xf32>
        %sub3A_2370 = arith.subf %add3A_2369, %gather3A_2366 : vector<16xf32>
        %abs3A_2371 = math.absf %sub3A_2370 : vector<16xf32>
        %add3A_2372 = arith.addf %add3A_2361, %abs3A_2371 : vector<16xf32>
        %add3A_2373 = arith.constant 1 : i32
        %add3A_2374 = vector.broadcast %add3A_2373 : i32 to vector<16xi32>
        %add3A_2375 = arith.addi %add3A_2364, %add3A_2374 : vector<16xi32>
        %gather3A_2376 = tpu.vector_load_idx %arg17[%add3A_2341, %get3A_2345, %add3A_2375] : memref<32x8x64xf32, #tpu.memory_space<vmem>>[vector<16xi32>, vector<16xi32>, vector<16xi32>], vector<16xf32>,
        %gather3A_2377 = tpu.vector_load_idx %arg18[%add3A_2341, %get3A_2349, %add3A_2375] : memref<32x8x64xf32, #tpu.memory_space<vmem>>[vector<16xi32>, vector<16xi32>, vector<16xi32>], vector<16xf32>,
        %add3A_2378 = arith.addi %get3A_2353, %add3A_2375 : vector<16xi32>
        %gather3A_2379 = tpu.vector_load_idx %arg19[%add3A_2341, %add3A_2378] : memref<32x128xf32, #tpu.memory_space<vmem>>[vector<16xi32>, vector<16xi32>], vector<16xf32>,
        %add3A_2380 = arith.addf %gather3A_2376, %gather3A_2379 : vector<16xf32>
        %sub3A_2381 = arith.subf %add3A_2380, %gather3A_2377 : vector<16xf32>
        %abs3A_2382 = math.absf %sub3A_2381 : vector<16xf32>
        %add3A_2383 = arith.addf %add3A_2372, %abs3A_2382 : vector<16xf32>
        %add3A_2384 = arith.constant 1 : i32
        %add3A_2385 = vector.broadcast %add3A_2384 : i32 to vector<16xi32>
        %add3A_2386 = arith.addi %add3A_2375, %add3A_2385 : vector<16xi32>
        %gather3A_2387 = tpu.vector_load_idx %arg17[%add3A_2341, %get3A_2345, %add3A_2386] : memref<32x8x64xf32, #tpu.memory_space<vmem>>[vector<16xi32>, vector<16xi32>, vector<16xi32>], vector<16xf32>,
        %gather3A_2388 = tpu.vector_load_idx %arg18[%add3A_2341, %get3A_2349, %add3A_2386] : memref<32x8x64xf32, #tpu.memory_space<vmem>>[vector<16xi32>, vector<16xi32>, vector<16xi32>], vector<16xf32>,
        %add3A_2389 = arith.addi %get3A_2353, %add3A_2386 : vector<16xi32>
        %gather3A_2390 = tpu.vector_load_idx %arg19[%add3A_2341, %add3A_2389] : memref<32x128xf32, #tpu.memory_space<vmem>>[vector<16xi32>, vector<16xi32>], vector<16xf32>,
        %add3A_2391 = arith.addf %gather3A_2387, %gather3A_2390 : vector<16xf32>
        %sub3A_2392 = arith.subf %add3A_2391, %gather3A_2388 : vector<16xf32>
        %abs3A_2393 = math.absf %sub3A_2392 : vector<16xf32>
        %add3A_2394 = arith.addf %add3A_2383, %abs3A_2393 : vector<16xf32>
        %add3A_2395 = arith.constant 1 : i32
        %add3A_2396 = vector.broadcast %add3A_2395 : i32 to vector<16xi32>
        %add3A_2397 = arith.addi %add3A_2386, %add3A_2396 : vector<16xi32>
        %gather3A_2398 = tpu.vector_load_idx %arg17[%add3A_2341, %get3A_2345, %add3A_2397] : memref<32x8x64xf32, #tpu.memory_space<vmem>>[vector<16xi32>, vector<16xi32>, vector<16xi32>], vector<16xf32>,
        %gather3A_2399 = tpu.vector_load_idx %arg18[%add3A_2341, %get3A_2349, %add3A_2397] : memref<32x8x64xf32, #tpu.memory_space<vmem>>[vector<16xi32>, vector<16xi32>, vector<16xi32>], vector<16xf32>,
        %add3A_2400 = arith.addi %get3A_2353, %add3A_2397 : vector<16xi32>
        %gather3A_2401 = tpu.vector_load_idx %arg19[%add3A_2341, %add3A_2400] : memref<32x128xf32, #tpu.memory_space<vmem>>[vector<16xi32>, vector<16xi32>], vector<16xf32>,
        %add3A_2402 = arith.addf %gather3A_2398, %gather3A_2401 : vector<16xf32>
        %sub3A_2403 = arith.subf %add3A_2402, %gather3A_2399 : vector<16xf32>
        %abs3A_2404 = math.absf %sub3A_2403 : vector<16xf32>
        %add3A_2405 = arith.addf %add3A_2394, %abs3A_2404 : vector<16xf32>
        %add3A_2406 = arith.constant 1 : i32
        %add3A_2407 = vector.broadcast %add3A_2406 : i32 to vector<16xi32>
        %add3A_2408 = arith.addi %add3A_2397, %add3A_2407 : vector<16xi32>
        %gather3A_2409 = tpu.vector_load_idx %arg17[%add3A_2341, %get3A_2345, %add3A_2408] : memref<32x8x64xf32, #tpu.memory_space<vmem>>[vector<16xi32>, vector<16xi32>, vector<16xi32>], vector<16xf32>,
        %gather3A_2410 = tpu.vector_load_idx %arg18[%add3A_2341, %get3A_2349, %add3A_2408] : memref<32x8x64xf32, #tpu.memory_space<vmem>>[vector<16xi32>, vector<16xi32>, vector<16xi32>], vector<16xf32>,
        %add3A_2411 = arith.addi %get3A_2353, %add3A_2408 : vector<16xi32>
        %gather3A_2412 = tpu.vector_load_idx %arg19[%add3A_2341, %add3A_2411] : memref<32x128xf32, #tpu.memory_space<vmem>>[vector<16xi32>, vector<16xi32>], vector<16xf32>,
        %add3A_2413 = arith.addf %gather3A_2409, %gather3A_2412 : vector<16xf32>
        %sub3A_2414 = arith.subf %add3A_2413, %gather3A_2410 : vector<16xf32>
        %abs3A_2415 = math.absf %sub3A_2414 : vector<16xf32>
        %add3A_2416 = arith.addf %add3A_2405, %abs3A_2415 : vector<16xf32>
        %add3A_2417 = arith.constant 1 : i32
        %add3A_2418 = vector.broadcast %add3A_2417 : i32 to vector<16xi32>
        %add3A_2419 = arith.addi %add3A_2408, %add3A_2418 : vector<16xi32>
        %gather3A_2420 = tpu.vector_load_idx %arg17[%add3A_2341, %get3A_2345, %add3A_2419] : memref<32x8x64xf32, #tpu.memory_space<vmem>>[vector<16xi32>, vector<16xi32>, vector<16xi32>], vector<16xf32>,
        %gather3A_2421 = tpu.vector_load_idx %arg18[%add3A_2341, %get3A_2349, %add3A_2419] : memref<32x8x64xf32, #tpu.memory_space<vmem>>[vector<16xi32>, vector<16xi32>, vector<16xi32>], vector<16xf32>,
        %add3A_2422 = arith.addi %get3A_2353, %add3A_2419 : vector<16xi32>
        %gather3A_2423 = tpu.vector_load_idx %arg19[%add3A_2341, %add3A_2422] : memref<32x128xf32, #tpu.memory_space<vmem>>[vector<16xi32>, vector<16xi32>], vector<16xf32>,
        %add3A_2424 = arith.addf %gather3A_2420, %gather3A_2423 : vector<16xf32>
        %sub3A_2425 = arith.subf %add3A_2424, %gather3A_2421 : vector<16xf32>
        %abs3A_2426 = math.absf %sub3A_2425 : vector<16xf32>
        %add3A_2427 = arith.addf %add3A_2416, %abs3A_2426 : vector<16xf32>
        %add3A_2428 = arith.constant 1 : i32
        %add3A_2429 = vector.broadcast %add3A_2428 : i32 to vector<16xi32>
        %add3A_2430 = arith.addi %add3A_2419, %add3A_2429 : vector<16xi32>
        %gather3A_2431 = tpu.vector_load_idx %arg17[%add3A_2341, %get3A_2345, %add3A_2430] : memref<32x8x64xf32, #tpu.memory_space<vmem>>[vector<16xi32>, vector<16xi32>, vector<16xi32>], vector<16xf32>,
        %gather3A_2432 = tpu.vector_load_idx %arg18[%add3A_2341, %get3A_2349, %add3A_2430] : memref<32x8x64xf32, #tpu.memory_space<vmem>>[vector<16xi32>, vector<16xi32>, vector<16xi32>], vector<16xf32>,
        %add3A_2433 = arith.addi %get3A_2353, %add3A_2430 : vector<16xi32>
        %gather3A_2434 = tpu.vector_load_idx %arg19[%add3A_2341, %add3A_2433] : memref<32x128xf32, #tpu.memory_space<vmem>>[vector<16xi32>, vector<16xi32>], vector<16xf32>,
        %add3A_2435 = arith.addf %gather3A_2431, %gather3A_2434 : vector<16xf32>
        %sub3A_2436 = arith.subf %add3A_2435, %gather3A_2432 : vector<16xf32>
        %abs3A_2437 = math.absf %sub3A_2436 : vector<16xf32>
        %add3A_2438 = arith.addf %add3A_2427, %abs3A_2437 : vector<16xf32>
        %add3A_2439 = arith.constant 1 : i32
        %add3A_2440 = vector.broadcast %add3A_2439 : i32 to vector<16xi32>
        %add3A_2441 = arith.addi %add3A_2430, %add3A_2440 : vector<16xi32>
        %gather3A_2442 = tpu.vector_load_idx %arg17[%add3A_2341, %get3A_2345, %add3A_2441] : memref<32x8x64xf32, #tpu.memory_space<vmem>>[vector<16xi32>, vector<16xi32>, vector<16xi32>], vector<16xf32>,
        %gather3A_2443 = tpu.vector_load_idx %arg18[%add3A_2341, %get3A_2349, %add3A_2441] : memref<32x8x64xf32, #tpu.memory_space<vmem>>[vector<16xi32>, vector<16xi32>, vector<16xi32>], vector<16xf32>,
        %add3A_2444 = arith.addi %get3A_2353, %add3A_2441 : vector<16xi32>
        %gather3A_2445 = tpu.vector_load_idx %arg19[%add3A_2341, %add3A_2444] : memref<32x128xf32, #tpu.memory_space<vmem>>[vector<16xi32>, vector<16xi32>], vector<16xf32>,
        %add3A_2446 = arith.addf %gather3A_2442, %gather3A_2445 : vector<16xf32>
        %sub3A_2447 = arith.subf %add3A_2446, %gather3A_2443 : vector<16xf32>
        %abs3A_2448 = math.absf %sub3A_2447 : vector<16xf32>
        %add3A_2449 = arith.addf %add3A_2438, %abs3A_2448 : vector<16xf32>
        %add3A_2450 = arith.constant 1 : i32
        %add3A_2451 = vector.broadcast %add3A_2450 : i32 to vector<16xi32>
        %add3A_2452 = arith.addi %add3A_2441, %add3A_2451 : vector<16xi32>
        %gather3A_2453 = tpu.vector_load_idx %arg17[%add3A_2341, %get3A_2345, %add3A_2452] : memref<32x8x64xf32, #tpu.memory_space<vmem>>[vector<16xi32>, vector<16xi32>, vector<16xi32>], vector<16xf32>,
        %gather3A_2454 = tpu.vector_load_idx %arg18[%add3A_2341, %get3A_2349, %add3A_2452] : memref<32x8x64xf32, #tpu.memory_space<vmem>>[vector<16xi32>, vector<16xi32>, vector<16xi32>], vector<16xf32>,
        %add3A_2455 = arith.addi %get3A_2353, %add3A_2452 : vector<16xi32>
        %gather3A_2456 = tpu.vector_load_idx %arg19[%add3A_2341, %add3A_2455] : memref<32x128xf32, #tpu.memory_space<vmem>>[vector<16xi32>, vector<16xi32>], vector<16xf32>,
        %add3A_2457 = arith.addf %gather3A_2453, %gather3A_2456 : vector<16xf32>
        %sub3A_2458 = arith.subf %add3A_2457, %gather3A_2454 : vector<16xf32>
        %abs3A_2459 = math.absf %sub3A_2458 : vector<16xf32>
        %add3A_2460 = arith.addf %add3A_2449, %abs3A_2459 : vector<16xf32>
        %add3A_2461 = arith.constant 1 : i32
        %add3A_2462 = vector.broadcast %add3A_2461 : i32 to vector<16xi32>
        %add3A_2463 = arith.addi %add3A_2452, %add3A_2462 : vector<16xi32>
        %gather3A_2464 = tpu.vector_load_idx %arg17[%add3A_2341, %get3A_2345, %add3A_2463] : memref<32x8x64xf32, #tpu.memory_space<vmem>>[vector<16xi32>, vector<16xi32>, vector<16xi32>], vector<16xf32>,
        %gather3A_2465 = tpu.vector_load_idx %arg18[%add3A_2341, %get3A_2349, %add3A_2463] : memref<32x8x64xf32, #tpu.memory_space<vmem>>[vector<16xi32>, vector<16xi32>, vector<16xi32>], vector<16xf32>,
        %add3A_2466 = arith.addi %get3A_2353, %add3A_2463 : vector<16xi32>
        %gather3A_2467 = tpu.vector_load_idx %arg19[%add3A_2341, %add3A_2466] : memref<32x128xf32, #tpu.memory_space<vmem>>[vector<16xi32>, vector<16xi32>], vector<16xf32>,
        %add3A_2468 = arith.addf %gather3A_2464, %gather3A_2467 : vector<16xf32>
        %sub3A_2469 = arith.subf %add3A_2468, %gather3A_2465 : vector<16xf32>
        %abs3A_2470 = math.absf %sub3A_2469 : vector<16xf32>
        %add3A_2471 = arith.addf %add3A_2460, %abs3A_2470 : vector<16xf32>
        %add3A_2472 = arith.constant 1 : i32
        %add3A_2473 = vector.broadcast %add3A_2472 : i32 to vector<16xi32>
        %add3A_2474 = arith.addi %add3A_2463, %add3A_2473 : vector<16xi32>
        %gather3A_2475 = tpu.vector_load_idx %arg17[%add3A_2341, %get3A_2345, %add3A_2474] : memref<32x8x64xf32, #tpu.memory_space<vmem>>[vector<16xi32>, vector<16xi32>, vector<16xi32>], vector<16xf32>,
        %gather3A_2476 = tpu.vector_load_idx %arg18[%add3A_2341, %get3A_2349, %add3A_2474] : memref<32x8x64xf32, #tpu.memory_space<vmem>>[vector<16xi32>, vector<16xi32>, vector<16xi32>], vector<16xf32>,
        %add3A_2477 = arith.addi %get3A_2353, %add3A_2474 : vector<16xi32>
        %gather3A_2478 = tpu.vector_load_idx %arg19[%add3A_2341, %add3A_2477] : memref<32x128xf32, #tpu.memory_space<vmem>>[vector<16xi32>, vector<16xi32>], vector<16xf32>,
        %add3A_2479 = arith.addf %gather3A_2475, %gather3A_2478 : vector<16xf32>
        %sub3A_2480 = arith.subf %add3A_2479, %gather3A_2476 : vector<16xf32>
        %abs3A_2481 = math.absf %sub3A_2480 : vector<16xf32>
        %add3A_2482 = arith.addf %add3A_2471, %abs3A_2481 : vector<16xf32>
        %add3A_2483 = arith.constant 1 : i32
        %add3A_2484 = vector.broadcast %add3A_2483 : i32 to vector<16xi32>
        %add3A_2485 = arith.addi %add3A_2474, %add3A_2484 : vector<16xi32>
        %gather3A_2486 = tpu.vector_load_idx %arg17[%add3A_2341, %get3A_2345, %add3A_2485] : memref<32x8x64xf32, #tpu.memory_space<vmem>>[vector<16xi32>, vector<16xi32>, vector<16xi32>], vector<16xf32>,
        %gather3A_2487 = tpu.vector_load_idx %arg18[%add3A_2341, %get3A_2349, %add3A_2485] : memref<32x8x64xf32, #tpu.memory_space<vmem>>[vector<16xi32>, vector<16xi32>, vector<16xi32>], vector<16xf32>,
        %add3A_2488 = arith.addi %get3A_2353, %add3A_2485 : vector<16xi32>
        %gather3A_2489 = tpu.vector_load_idx %arg19[%add3A_2341, %add3A_2488] : memref<32x128xf32, #tpu.memory_space<vmem>>[vector<16xi32>, vector<16xi32>], vector<16xf32>,
        %add3A_2490 = arith.addf %gather3A_2486, %gather3A_2489 : vector<16xf32>
        %sub3A_2491 = arith.subf %add3A_2490, %gather3A_2487 : vector<16xf32>
        %abs3A_2492 = math.absf %sub3A_2491 : vector<16xf32>
        %add3A_2493 = arith.addf %add3A_2482, %abs3A_2492 : vector<16xf32>
        %add3A_2494 = arith.constant 1 : i32
        %add3A_2495 = vector.broadcast %add3A_2494 : i32 to vector<16xi32>
        %add3A_2496 = arith.addi %add3A_2485, %add3A_2495 : vector<16xi32>
        %gather3A_2497 = tpu.vector_load_idx %arg17[%add3A_2341, %get3A_2345, %add3A_2496] : memref<32x8x64xf32, #tpu.memory_space<vmem>>[vector<16xi32>, vector<16xi32>, vector<16xi32>], vector<16xf32>,
        %gather3A_2498 = tpu.vector_load_idx %arg18[%add3A_2341, %get3A_2349, %add3A_2496] : memref<32x8x64xf32, #tpu.memory_space<vmem>>[vector<16xi32>, vector<16xi32>, vector<16xi32>], vector<16xf32>,
        %add3A_2499 = arith.addi %get3A_2353, %add3A_2496 : vector<16xi32>
        %gather3A_2500 = tpu.vector_load_idx %arg19[%add3A_2341, %add3A_2499] : memref<32x128xf32, #tpu.memory_space<vmem>>[vector<16xi32>, vector<16xi32>], vector<16xf32>,
        %add3A_2501 = arith.addf %gather3A_2497, %gather3A_2500 : vector<16xf32>
        %sub3A_2502 = arith.subf %add3A_2501, %gather3A_2498 : vector<16xf32>
        %abs3A_2503 = math.absf %sub3A_2502 : vector<16xf32>
        %add3A_2504 = arith.addf %add3A_2493, %abs3A_2503 : vector<16xf32>
        %add3A_2505 = arith.constant 1 : i32
        %add3A_2506 = vector.broadcast %add3A_2505 : i32 to vector<16xi32>
        %add3A_2507 = arith.addi %add3A_2496, %add3A_2506 : vector<16xi32>
        %gather3A_2508 = tpu.vector_load_idx %arg17[%add3A_2341, %get3A_2345, %add3A_2507] : memref<32x8x64xf32, #tpu.memory_space<vmem>>[vector<16xi32>, vector<16xi32>, vector<16xi32>], vector<16xf32>,
        %gather3A_2509 = tpu.vector_load_idx %arg18[%add3A_2341, %get3A_2349, %add3A_2507] : memref<32x8x64xf32, #tpu.memory_space<vmem>>[vector<16xi32>, vector<16xi32>, vector<16xi32>], vector<16xf32>,
        %add3A_2510 = arith.addi %get3A_2353, %add3A_2507 : vector<16xi32>
        %gather3A_2511 = tpu.vector_load_idx %arg19[%add3A_2341, %add3A_2510] : memref<32x128xf32, #tpu.memory_space<vmem>>[vector<16xi32>, vector<16xi32>], vector<16xf32>,
        %add3A_2512 = arith.addf %gather3A_2508, %gather3A_2511 : vector<16xf32>
        %sub3A_2513 = arith.subf %add3A_2512, %gather3A_2509 : vector<16xf32>
        %abs3A_2514 = math.absf %sub3A_2513 : vector<16xf32>
        %add3A_2515 = arith.addf %add3A_2504, %abs3A_2514 : vector<16xf32>
        %add3A_2516 = arith.constant 1 : i32
        %add3A_2517 = vector.broadcast %add3A_2516 : i32 to vector<16xi32>
        %add3A_2518 = arith.addi %add3A_2507, %add3A_2517 : vector<16xi32>
        %gather3A_2519 = tpu.vector_load_idx %arg17[%add3A_2341, %get3A_2345, %add3A_2518] : memref<32x8x64xf32, #tpu.memory_space<vmem>>[vector<16xi32>, vector<16xi32>, vector<16xi32>], vector<16xf32>,
        %gather3A_2520 = tpu.vector_load_idx %arg18[%add3A_2341, %get3A_2349, %add3A_2518] : memref<32x8x64xf32, #tpu.memory_space<vmem>>[vector<16xi32>, vector<16xi32>, vector<16xi32>], vector<16xf32>,
        %add3A_2521 = arith.addi %get3A_2353, %add3A_2518 : vector<16xi32>
        %gather3A_2522 = tpu.vector_load_idx %arg19[%add3A_2341, %add3A_2521] : memref<32x128xf32, #tpu.memory_space<vmem>>[vector<16xi32>, vector<16xi32>], vector<16xf32>,
        %add3A_2523 = arith.addf %gather3A_2519, %gather3A_2522 : vector<16xf32>
        %sub3A_2524 = arith.subf %add3A_2523, %gather3A_2520 : vector<16xf32>
        %abs3A_2525 = math.absf %sub3A_2524 : vector<16xf32>
        %add3A_2526 = arith.addf %add3A_2515, %abs3A_2525 : vector<16xf32>
        %add3A_2527 = arith.constant 1 : i32
        %add3A_2528 = vector.broadcast %add3A_2527 : i32 to vector<16xi32>
        %add3A_2529 = arith.addi %add3A_2518, %add3A_2528 : vector<16xi32>
        %gather3A_2530 = tpu.vector_load_idx %arg17[%add3A_2341, %get3A_2345, %add3A_2529] : memref<32x8x64xf32, #tpu.memory_space<vmem>>[vector<16xi32>, vector<16xi32>, vector<16xi32>], vector<16xf32>,
        %gather3A_2531 = tpu.vector_load_idx %arg18[%add3A_2341, %get3A_2349, %add3A_2529] : memref<32x8x64xf32, #tpu.memory_space<vmem>>[vector<16xi32>, vector<16xi32>, vector<16xi32>], vector<16xf32>,
        %add3A_2532 = arith.addi %get3A_2353, %add3A_2529 : vector<16xi32>
        %gather3A_2533 = tpu.vector_load_idx %arg19[%add3A_2341, %add3A_2532] : memref<32x128xf32, #tpu.memory_space<vmem>>[vector<16xi32>, vector<16xi32>], vector<16xf32>,
        %add3A_2534 = arith.addf %gather3A_2530, %gather3A_2533 : vector<16xf32>
        %sub3A_2535 = arith.subf %add3A_2534, %gather3A_2531 : vector<16xf32>
        %abs3A_2536 = math.absf %sub3A_2535 : vector<16xf32>
        %add3A_2537 = arith.addf %add3A_2526, %abs3A_2536 : vector<16xf32>
        %add3A_2538 = arith.constant 1 : i32
        %add3A_2539 = vector.broadcast %add3A_2538 : i32 to vector<16xi32>
        %add3A_2540 = arith.addi %add3A_2529, %add3A_2539 : vector<16xi32>
        %gather3A_2541 = tpu.vector_load_idx %arg17[%add3A_2341, %get3A_2345, %add3A_2540] : memref<32x8x64xf32, #tpu.memory_space<vmem>>[vector<16xi32>, vector<16xi32>, vector<16xi32>], vector<16xf32>,
        %gather3A_2542 = tpu.vector_load_idx %arg18[%add3A_2341, %get3A_2349, %add3A_2540] : memref<32x8x64xf32, #tpu.memory_space<vmem>>[vector<16xi32>, vector<16xi32>, vector<16xi32>], vector<16xf32>,
        %add3A_2543 = arith.addi %get3A_2353, %add3A_2540 : vector<16xi32>
        %gather3A_2544 = tpu.vector_load_idx %arg19[%add3A_2341, %add3A_2543] : memref<32x128xf32, #tpu.memory_space<vmem>>[vector<16xi32>, vector<16xi32>], vector<16xf32>,
        %add3A_2545 = arith.addf %gather3A_2541, %gather3A_2544 : vector<16xf32>
        %sub3A_2546 = arith.subf %add3A_2545, %gather3A_2542 : vector<16xf32>
        %abs3A_2547 = math.absf %sub3A_2546 : vector<16xf32>
        %add3A_2548 = arith.addf %add3A_2537, %abs3A_2547 : vector<16xf32>
        %add3A_2549 = arith.constant 1 : i32
        %add3A_2550 = vector.broadcast %add3A_2549 : i32 to vector<16xi32>
        %add3A_2551 = arith.addi %add3A_2540, %add3A_2550 : vector<16xi32>
        %gather3A_2552 = tpu.vector_load_idx %arg17[%add3A_2341, %get3A_2345, %add3A_2551] : memref<32x8x64xf32, #tpu.memory_space<vmem>>[vector<16xi32>, vector<16xi32>, vector<16xi32>], vector<16xf32>,
        %gather3A_2553 = tpu.vector_load_idx %arg18[%add3A_2341, %get3A_2349, %add3A_2551] : memref<32x8x64xf32, #tpu.memory_space<vmem>>[vector<16xi32>, vector<16xi32>, vector<16xi32>], vector<16xf32>,
        %add3A_2554 = arith.addi %get3A_2353, %add3A_2551 : vector<16xi32>
        %gather3A_2555 = tpu.vector_load_idx %arg19[%add3A_2341, %add3A_2554] : memref<32x128xf32, #tpu.memory_space<vmem>>[vector<16xi32>, vector<16xi32>], vector<16xf32>,
        %add3A_2556 = arith.addf %gather3A_2552, %gather3A_2555 : vector<16xf32>
        %sub3A_2557 = arith.subf %add3A_2556, %gather3A_2553 : vector<16xf32>
        %abs3A_2558 = math.absf %sub3A_2557 : vector<16xf32>
        %add3A_2559 = arith.addf %add3A_2548, %abs3A_2558 : vector<16xf32>
        %add3A_2560 = arith.constant 1 : i32
        %add3A_2561 = vector.broadcast %add3A_2560 : i32 to vector<16xi32>
        %add3A_2562 = arith.addi %add3A_2551, %add3A_2561 : vector<16xi32>
        %gather3A_2563 = tpu.vector_load_idx %arg17[%add3A_2341, %get3A_2345, %add3A_2562] : memref<32x8x64xf32, #tpu.memory_space<vmem>>[vector<16xi32>, vector<16xi32>, vector<16xi32>], vector<16xf32>,
        %gather3A_2564 = tpu.vector_load_idx %arg18[%add3A_2341, %get3A_2349, %add3A_2562] : memref<32x8x64xf32, #tpu.memory_space<vmem>>[vector<16xi32>, vector<16xi32>, vector<16xi32>], vector<16xf32>,
        %add3A_2565 = arith.addi %get3A_2353, %add3A_2562 : vector<16xi32>
        %gather3A_2566 = tpu.vector_load_idx %arg19[%add3A_2341, %add3A_2565] : memref<32x128xf32, #tpu.memory_space<vmem>>[vector<16xi32>, vector<16xi32>], vector<16xf32>,
        %add3A_2567 = arith.addf %gather3A_2563, %gather3A_2566 : vector<16xf32>
        %sub3A_2568 = arith.subf %add3A_2567, %gather3A_2564 : vector<16xf32>
        %abs3A_2569 = math.absf %sub3A_2568 : vector<16xf32>
        %add3A_2570 = arith.addf %add3A_2559, %abs3A_2569 : vector<16xf32>
        %add3A_2571 = arith.constant 1 : i32
        %add3A_2572 = vector.broadcast %add3A_2571 : i32 to vector<16xi32>
        %add3A_2573 = arith.addi %add3A_2562, %add3A_2572 : vector<16xi32>
        %gather3A_2574 = tpu.vector_load_idx %arg17[%add3A_2341, %get3A_2345, %add3A_2573] : memref<32x8x64xf32, #tpu.memory_space<vmem>>[vector<16xi32>, vector<16xi32>, vector<16xi32>], vector<16xf32>,
        %gather3A_2575 = tpu.vector_load_idx %arg18[%add3A_2341, %get3A_2349, %add3A_2573] : memref<32x8x64xf32, #tpu.memory_space<vmem>>[vector<16xi32>, vector<16xi32>, vector<16xi32>], vector<16xf32>,
        %add3A_2576 = arith.addi %get3A_2353, %add3A_2573 : vector<16xi32>
        %gather3A_2577 = tpu.vector_load_idx %arg19[%add3A_2341, %add3A_2576] : memref<32x128xf32, #tpu.memory_space<vmem>>[vector<16xi32>, vector<16xi32>], vector<16xf32>,
        %add3A_2578 = arith.addf %gather3A_2574, %gather3A_2577 : vector<16xf32>
        %sub3A_2579 = arith.subf %add3A_2578, %gather3A_2575 : vector<16xf32>
        %abs3A_2580 = math.absf %sub3A_2579 : vector<16xf32>
        %add3A_2581 = arith.addf %add3A_2570, %abs3A_2580 : vector<16xf32>
        %add3A_2582 = arith.constant 1 : i32
        %add3A_2583 = vector.broadcast %add3A_2582 : i32 to vector<16xi32>
        %add3A_2584 = arith.addi %add3A_2573, %add3A_2583 : vector<16xi32>
        %gather3A_2585 = tpu.vector_load_idx %arg17[%add3A_2341, %get3A_2345, %add3A_2584] : memref<32x8x64xf32, #tpu.memory_space<vmem>>[vector<16xi32>, vector<16xi32>, vector<16xi32>], vector<16xf32>,
        %gather3A_2586 = tpu.vector_load_idx %arg18[%add3A_2341, %get3A_2349, %add3A_2584] : memref<32x8x64xf32, #tpu.memory_space<vmem>>[vector<16xi32>, vector<16xi32>, vector<16xi32>], vector<16xf32>,
        %add3A_2587 = arith.addi %get3A_2353, %add3A_2584 : vector<16xi32>
        %gather3A_2588 = tpu.vector_load_idx %arg19[%add3A_2341, %add3A_2587] : memref<32x128xf32, #tpu.memory_space<vmem>>[vector<16xi32>, vector<16xi32>], vector<16xf32>,
        %add3A_2589 = arith.addf %gather3A_2585, %gather3A_2588 : vector<16xf32>
        %sub3A_2590 = arith.subf %add3A_2589, %gather3A_2586 : vector<16xf32>
        %abs3A_2591 = math.absf %sub3A_2590 : vector<16xf32>
        %add3A_2592 = arith.addf %add3A_2581, %abs3A_2591 : vector<16xf32>
        %add3A_2593 = arith.constant 1 : i32
        %add3A_2594 = vector.broadcast %add3A_2593 : i32 to vector<16xi32>
        %add3A_2595 = arith.addi %add3A_2584, %add3A_2594 : vector<16xi32>
        %gather3A_2596 = tpu.vector_load_idx %arg17[%add3A_2341, %get3A_2345, %add3A_2595] : memref<32x8x64xf32, #tpu.memory_space<vmem>>[vector<16xi32>, vector<16xi32>, vector<16xi32>], vector<16xf32>,
        %gather3A_2597 = tpu.vector_load_idx %arg18[%add3A_2341, %get3A_2349, %add3A_2595] : memref<32x8x64xf32, #tpu.memory_space<vmem>>[vector<16xi32>, vector<16xi32>, vector<16xi32>], vector<16xf32>,
        %add3A_2598 = arith.addi %get3A_2353, %add3A_2595 : vector<16xi32>
        %gather3A_2599 = tpu.vector_load_idx %arg19[%add3A_2341, %add3A_2598] : memref<32x128xf32, #tpu.memory_space<vmem>>[vector<16xi32>, vector<16xi32>], vector<16xf32>,
        %add3A_2600 = arith.addf %gather3A_2596, %gather3A_2599 : vector<16xf32>
        %sub3A_2601 = arith.subf %add3A_2600, %gather3A_2597 : vector<16xf32>
        %abs3A_2602 = math.absf %sub3A_2601 : vector<16xf32>
        %add3A_2603 = arith.addf %add3A_2592, %abs3A_2602 : vector<16xf32>
        %add3A_2604 = arith.constant 1 : i32
        %add3A_2605 = vector.broadcast %add3A_2604 : i32 to vector<16xi32>
        %add3A_2606 = arith.addi %add3A_2595, %add3A_2605 : vector<16xi32>
        %gather3A_2607 = tpu.vector_load_idx %arg17[%add3A_2341, %get3A_2345, %add3A_2606] : memref<32x8x64xf32, #tpu.memory_space<vmem>>[vector<16xi32>, vector<16xi32>, vector<16xi32>], vector<16xf32>,
        %gather3A_2608 = tpu.vector_load_idx %arg18[%add3A_2341, %get3A_2349, %add3A_2606] : memref<32x8x64xf32, #tpu.memory_space<vmem>>[vector<16xi32>, vector<16xi32>, vector<16xi32>], vector<16xf32>,
        %add3A_2609 = arith.addi %get3A_2353, %add3A_2606 : vector<16xi32>
        %gather3A_2610 = tpu.vector_load_idx %arg19[%add3A_2341, %add3A_2609] : memref<32x128xf32, #tpu.memory_space<vmem>>[vector<16xi32>, vector<16xi32>], vector<16xf32>,
        %add3A_2611 = arith.addf %gather3A_2607, %gather3A_2610 : vector<16xf32>
        %sub3A_2612 = arith.subf %add3A_2611, %gather3A_2608 : vector<16xf32>
        %abs3A_2613 = math.absf %sub3A_2612 : vector<16xf32>
        %add3A_2614 = arith.addf %add3A_2603, %abs3A_2613 : vector<16xf32>
        %add3A_2615 = arith.constant 1 : i32
        %add3A_2616 = vector.broadcast %add3A_2615 : i32 to vector<16xi32>
        %add3A_2617 = arith.addi %add3A_2606, %add3A_2616 : vector<16xi32>
        %gather3A_2618 = tpu.vector_load_idx %arg17[%add3A_2341, %get3A_2345, %add3A_2617] : memref<32x8x64xf32, #tpu.memory_space<vmem>>[vector<16xi32>, vector<16xi32>, vector<16xi32>], vector<16xf32>,
        %gather3A_2619 = tpu.vector_load_idx %arg18[%add3A_2341, %get3A_2349, %add3A_2617] : memref<32x8x64xf32, #tpu.memory_space<vmem>>[vector<16xi32>, vector<16xi32>, vector<16xi32>], vector<16xf32>,
        %add3A_2620 = arith.addi %get3A_2353, %add3A_2617 : vector<16xi32>
        %gather3A_2621 = tpu.vector_load_idx %arg19[%add3A_2341, %add3A_2620] : memref<32x128xf32, #tpu.memory_space<vmem>>[vector<16xi32>, vector<16xi32>], vector<16xf32>,
        %add3A_2622 = arith.addf %gather3A_2618, %gather3A_2621 : vector<16xf32>
        %sub3A_2623 = arith.subf %add3A_2622, %gather3A_2619 : vector<16xf32>
        %abs3A_2624 = math.absf %sub3A_2623 : vector<16xf32>
        %add3A_2625 = arith.addf %add3A_2614, %abs3A_2624 : vector<16xf32>
        %add3A_2626 = arith.constant 1 : i32
        %add3A_2627 = vector.broadcast %add3A_2626 : i32 to vector<16xi32>
        %add3A_2628 = arith.addi %add3A_2617, %add3A_2627 : vector<16xi32>
        %gather3A_2629 = tpu.vector_load_idx %arg17[%add3A_2341, %get3A_2345, %add3A_2628] : memref<32x8x64xf32, #tpu.memory_space<vmem>>[vector<16xi32>, vector<16xi32>, vector<16xi32>], vector<16xf32>,
        %gather3A_2630 = tpu.vector_load_idx %arg18[%add3A_2341, %get3A_2349, %add3A_2628] : memref<32x8x64xf32, #tpu.memory_space<vmem>>[vector<16xi32>, vector<16xi32>, vector<16xi32>], vector<16xf32>,
        %add3A_2631 = arith.addi %get3A_2353, %add3A_2628 : vector<16xi32>
        %gather3A_2632 = tpu.vector_load_idx %arg19[%add3A_2341, %add3A_2631] : memref<32x128xf32, #tpu.memory_space<vmem>>[vector<16xi32>, vector<16xi32>], vector<16xf32>,
        %add3A_2633 = arith.addf %gather3A_2629, %gather3A_2632 : vector<16xf32>
        %sub3A_2634 = arith.subf %add3A_2633, %gather3A_2630 : vector<16xf32>
        %abs3A_2635 = math.absf %sub3A_2634 : vector<16xf32>
        %add3A_2636 = arith.addf %add3A_2625, %abs3A_2635 : vector<16xf32>
        %add3A_2637 = arith.constant 1 : i32
        %add3A_2638 = vector.broadcast %add3A_2637 : i32 to vector<16xi32>
        %add3A_2639 = arith.addi %add3A_2628, %add3A_2638 : vector<16xi32>
        %gather3A_2640 = tpu.vector_load_idx %arg17[%add3A_2341, %get3A_2345, %add3A_2639] : memref<32x8x64xf32, #tpu.memory_space<vmem>>[vector<16xi32>, vector<16xi32>, vector<16xi32>], vector<16xf32>,
        %gather3A_2641 = tpu.vector_load_idx %arg18[%add3A_2341, %get3A_2349, %add3A_2639] : memref<32x8x64xf32, #tpu.memory_space<vmem>>[vector<16xi32>, vector<16xi32>, vector<16xi32>], vector<16xf32>,
        %add3A_2642 = arith.addi %get3A_2353, %add3A_2639 : vector<16xi32>
        %gather3A_2643 = tpu.vector_load_idx %arg19[%add3A_2341, %add3A_2642] : memref<32x128xf32, #tpu.memory_space<vmem>>[vector<16xi32>, vector<16xi32>], vector<16xf32>,
        %add3A_2644 = arith.addf %gather3A_2640, %gather3A_2643 : vector<16xf32>
        %sub3A_2645 = arith.subf %add3A_2644, %gather3A_2641 : vector<16xf32>
        %abs3A_2646 = math.absf %sub3A_2645 : vector<16xf32>
        %add3A_2647 = arith.addf %add3A_2636, %abs3A_2646 : vector<16xf32>
        %add3A_2648 = arith.constant 1 : i32
        %add3A_2649 = vector.broadcast %add3A_2648 : i32 to vector<16xi32>
        %add3A_2650 = arith.addi %add3A_2639, %add3A_2649 : vector<16xi32>
        %gather3A_2651 = tpu.vector_load_idx %arg17[%add3A_2341, %get3A_2345, %add3A_2650] : memref<32x8x64xf32, #tpu.memory_space<vmem>>[vector<16xi32>, vector<16xi32>, vector<16xi32>], vector<16xf32>,
        %gather3A_2652 = tpu.vector_load_idx %arg18[%add3A_2341, %get3A_2349, %add3A_2650] : memref<32x8x64xf32, #tpu.memory_space<vmem>>[vector<16xi32>, vector<16xi32>, vector<16xi32>], vector<16xf32>,
        %add3A_2653 = arith.addi %get3A_2353, %add3A_2650 : vector<16xi32>
        %gather3A_2654 = tpu.vector_load_idx %arg19[%add3A_2341, %add3A_2653] : memref<32x128xf32, #tpu.memory_space<vmem>>[vector<16xi32>, vector<16xi32>], vector<16xf32>,
        %add3A_2655 = arith.addf %gather3A_2651, %gather3A_2654 : vector<16xf32>
        %sub3A_2656 = arith.subf %add3A_2655, %gather3A_2652 : vector<16xf32>
        %abs3A_2657 = math.absf %sub3A_2656 : vector<16xf32>
        %add3A_2658 = arith.addf %add3A_2647, %abs3A_2657 : vector<16xf32>
        %add3A_2659 = arith.constant 1 : i32
        %add3A_2660 = vector.broadcast %add3A_2659 : i32 to vector<16xi32>
        %add3A_2661 = arith.addi %add3A_2650, %add3A_2660 : vector<16xi32>
        %gather3A_2662 = tpu.vector_load_idx %arg17[%add3A_2341, %get3A_2345, %add3A_2661] : memref<32x8x64xf32, #tpu.memory_space<vmem>>[vector<16xi32>, vector<16xi32>, vector<16xi32>], vector<16xf32>,
        %gather3A_2663 = tpu.vector_load_idx %arg18[%add3A_2341, %get3A_2349, %add3A_2661] : memref<32x8x64xf32, #tpu.memory_space<vmem>>[vector<16xi32>, vector<16xi32>, vector<16xi32>], vector<16xf32>,
        %add3A_2664 = arith.addi %get3A_2353, %add3A_2661 : vector<16xi32>
        %gather3A_2665 = tpu.vector_load_idx %arg19[%add3A_2341, %add3A_2664] : memref<32x128xf32, #tpu.memory_space<vmem>>[vector<16xi32>, vector<16xi32>], vector<16xf32>,
        %add3A_2666 = arith.addf %gather3A_2662, %gather3A_2665 : vector<16xf32>
        %sub3A_2667 = arith.subf %add3A_2666, %gather3A_2663 : vector<16xf32>
        %abs3A_2668 = math.absf %sub3A_2667 : vector<16xf32>
        %add3A_2669 = arith.addf %add3A_2658, %abs3A_2668 : vector<16xf32>
        %add3A_2670 = arith.constant 1 : i32
        %add3A_2671 = vector.broadcast %add3A_2670 : i32 to vector<16xi32>
        %add3A_2672 = arith.addi %add3A_2661, %add3A_2671 : vector<16xi32>
        %gather3A_2673 = tpu.vector_load_idx %arg17[%add3A_2341, %get3A_2345, %add3A_2672] : memref<32x8x64xf32, #tpu.memory_space<vmem>>[vector<16xi32>, vector<16xi32>, vector<16xi32>], vector<16xf32>,
        %gather3A_2674 = tpu.vector_load_idx %arg18[%add3A_2341, %get3A_2349, %add3A_2672] : memref<32x8x64xf32, #tpu.memory_space<vmem>>[vector<16xi32>, vector<16xi32>, vector<16xi32>], vector<16xf32>,
        %add3A_2675 = arith.addi %get3A_2353, %add3A_2672 : vector<16xi32>
        %gather3A_2676 = tpu.vector_load_idx %arg19[%add3A_2341, %add3A_2675] : memref<32x128xf32, #tpu.memory_space<vmem>>[vector<16xi32>, vector<16xi32>], vector<16xf32>,
        %add3A_2677 = arith.addf %gather3A_2673, %gather3A_2676 : vector<16xf32>
        %sub3A_2678 = arith.subf %add3A_2677, %gather3A_2674 : vector<16xf32>
        %abs3A_2679 = math.absf %sub3A_2678 : vector<16xf32>
        %add3A_2680 = arith.addf %add3A_2669, %abs3A_2679 : vector<16xf32>
        %add3A_2681 = arith.constant 1 : i32
        %add3A_2682 = vector.broadcast %add3A_2681 : i32 to vector<16xi32>
        %add3A_2683 = arith.addi %add3A_2672, %add3A_2682 : vector<16xi32>
        %gather3A_2684 = tpu.vector_load_idx %arg17[%add3A_2341, %get3A_2345, %add3A_2683] : memref<32x8x64xf32, #tpu.memory_space<vmem>>[vector<16xi32>, vector<16xi32>, vector<16xi32>], vector<16xf32>,
        %gather3A_2685 = tpu.vector_load_idx %arg18[%add3A_2341, %get3A_2349, %add3A_2683] : memref<32x8x64xf32, #tpu.memory_space<vmem>>[vector<16xi32>, vector<16xi32>, vector<16xi32>], vector<16xf32>,
        %add3A_2686 = arith.addi %get3A_2353, %add3A_2683 : vector<16xi32>
        %gather3A_2687 = tpu.vector_load_idx %arg19[%add3A_2341, %add3A_2686] : memref<32x128xf32, #tpu.memory_space<vmem>>[vector<16xi32>, vector<16xi32>], vector<16xf32>,
        %add3A_2688 = arith.addf %gather3A_2684, %gather3A_2687 : vector<16xf32>
        %sub3A_2689 = arith.subf %add3A_2688, %gather3A_2685 : vector<16xf32>
        %abs3A_2690 = math.absf %sub3A_2689 : vector<16xf32>
        %add3A_2691 = arith.addf %add3A_2680, %abs3A_2690 : vector<16xf32>
        %add3A_2692 = arith.constant 1 : i32
        %add3A_2693 = vector.broadcast %add3A_2692 : i32 to vector<16xi32>
        %add3A_2694 = arith.addi %add3A_2683, %add3A_2693 : vector<16xi32>
        %gather3A_2695 = tpu.vector_load_idx %arg17[%add3A_2341, %get3A_2345, %add3A_2694] : memref<32x8x64xf32, #tpu.memory_space<vmem>>[vector<16xi32>, vector<16xi32>, vector<16xi32>], vector<16xf32>,
        %gather3A_2696 = tpu.vector_load_idx %arg18[%add3A_2341, %get3A_2349, %add3A_2694] : memref<32x8x64xf32, #tpu.memory_space<vmem>>[vector<16xi32>, vector<16xi32>, vector<16xi32>], vector<16xf32>,
        %add3A_2697 = arith.addi %get3A_2353, %add3A_2694 : vector<16xi32>
        %gather3A_2698 = tpu.vector_load_idx %arg19[%add3A_2341, %add3A_2697] : memref<32x128xf32, #tpu.memory_space<vmem>>[vector<16xi32>, vector<16xi32>], vector<16xf32>,
        %add3A_2699 = arith.addf %gather3A_2695, %gather3A_2698 : vector<16xf32>
        %sub3A_2700 = arith.subf %add3A_2699, %gather3A_2696 : vector<16xf32>
        %abs3A_2701 = math.absf %sub3A_2700 : vector<16xf32>
        %add3A_2702 = arith.addf %add3A_2691, %abs3A_2701 : vector<16xf32>
        %add3A_2703 = arith.constant 1 : i32
        %add3A_2704 = vector.broadcast %add3A_2703 : i32 to vector<16xi32>
        %add3A_2705 = arith.addi %add3A_2694, %add3A_2704 : vector<16xi32>
        %gather3A_2706 = tpu.vector_load_idx %arg17[%add3A_2341, %get3A_2345, %add3A_2705] : memref<32x8x64xf32, #tpu.memory_space<vmem>>[vector<16xi32>, vector<16xi32>, vector<16xi32>], vector<16xf32>,
        %gather3A_2707 = tpu.vector_load_idx %arg18[%add3A_2341, %get3A_2349, %add3A_2705] : memref<32x8x64xf32, #tpu.memory_space<vmem>>[vector<16xi32>, vector<16xi32>, vector<16xi32>], vector<16xf32>,
        %add3A_2708 = arith.addi %get3A_2353, %add3A_2705 : vector<16xi32>
        %gather3A_2709 = tpu.vector_load_idx %arg19[%add3A_2341, %add3A_2708] : memref<32x128xf32, #tpu.memory_space<vmem>>[vector<16xi32>, vector<16xi32>], vector<16xf32>,
        %add3A_2710 = arith.addf %gather3A_2706, %gather3A_2709 : vector<16xf32>
        %sub3A_2711 = arith.subf %add3A_2710, %gather3A_2707 : vector<16xf32>
        %abs3A_2712 = math.absf %sub3A_2711 : vector<16xf32>
        %add3A_2713 = arith.addf %add3A_2702, %abs3A_2712 : vector<16xf32>
        %add3A_2714 = arith.constant 1 : i32
        %add3A_2715 = vector.broadcast %add3A_2714 : i32 to vector<16xi32>
        %add3A_2716 = arith.addi %add3A_2705, %add3A_2715 : vector<16xi32>
        %gather3A_2717 = tpu.vector_load_idx %arg17[%add3A_2341, %get3A_2345, %add3A_2716] : memref<32x8x64xf32, #tpu.memory_space<vmem>>[vector<16xi32>, vector<16xi32>, vector<16xi32>], vector<16xf32>,
        %gather3A_2718 = tpu.vector_load_idx %arg18[%add3A_2341, %get3A_2349, %add3A_2716] : memref<32x8x64xf32, #tpu.memory_space<vmem>>[vector<16xi32>, vector<16xi32>, vector<16xi32>], vector<16xf32>,
        %add3A_2719 = arith.addi %get3A_2353, %add3A_2716 : vector<16xi32>
        %gather3A_2720 = tpu.vector_load_idx %arg19[%add3A_2341, %add3A_2719] : memref<32x128xf32, #tpu.memory_space<vmem>>[vector<16xi32>, vector<16xi32>], vector<16xf32>,
        %add3A_2721 = arith.addf %gather3A_2717, %gather3A_2720 : vector<16xf32>
        %sub3A_2722 = arith.subf %add3A_2721, %gather3A_2718 : vector<16xf32>
        %abs3A_2723 = math.absf %sub3A_2722 : vector<16xf32>
        %add3A_2724 = arith.addf %add3A_2713, %abs3A_2723 : vector<16xf32>
        %add3A_2725 = arith.constant 1 : i32
        %add3A_2726 = vector.broadcast %add3A_2725 : i32 to vector<16xi32>
        %add3A_2727 = arith.addi %add3A_2716, %add3A_2726 : vector<16xi32>
        %gather3A_2728 = tpu.vector_load_idx %arg17[%add3A_2341, %get3A_2345, %add3A_2727] : memref<32x8x64xf32, #tpu.memory_space<vmem>>[vector<16xi32>, vector<16xi32>, vector<16xi32>], vector<16xf32>,
        %gather3A_2729 = tpu.vector_load_idx %arg18[%add3A_2341, %get3A_2349, %add3A_2727] : memref<32x8x64xf32, #tpu.memory_space<vmem>>[vector<16xi32>, vector<16xi32>, vector<16xi32>], vector<16xf32>,
        %add3A_2730 = arith.addi %get3A_2353, %add3A_2727 : vector<16xi32>
        %gather3A_2731 = tpu.vector_load_idx %arg19[%add3A_2341, %add3A_2730] : memref<32x128xf32, #tpu.memory_space<vmem>>[vector<16xi32>, vector<16xi32>], vector<16xf32>,
        %add3A_2732 = arith.addf %gather3A_2728, %gather3A_2731 : vector<16xf32>
        %sub3A_2733 = arith.subf %add3A_2732, %gather3A_2729 : vector<16xf32>
        %abs3A_2734 = math.absf %sub3A_2733 : vector<16xf32>
        %add3A_2735 = arith.addf %add3A_2724, %abs3A_2734 : vector<16xf32>
        %add3A_2736 = arith.constant 1 : i32
        %add3A_2737 = vector.broadcast %add3A_2736 : i32 to vector<16xi32>
        %add3A_2738 = arith.addi %add3A_2727, %add3A_2737 : vector<16xi32>
        %gather3A_2739 = tpu.vector_load_idx %arg17[%add3A_2341, %get3A_2345, %add3A_2738] : memref<32x8x64xf32, #tpu.memory_space<vmem>>[vector<16xi32>, vector<16xi32>, vector<16xi32>], vector<16xf32>,
        %gather3A_2740 = tpu.vector_load_idx %arg18[%add3A_2341, %get3A_2349, %add3A_2738] : memref<32x8x64xf32, #tpu.memory_space<vmem>>[vector<16xi32>, vector<16xi32>, vector<16xi32>], vector<16xf32>,
        %add3A_2741 = arith.addi %get3A_2353, %add3A_2738 : vector<16xi32>
        %gather3A_2742 = tpu.vector_load_idx %arg19[%add3A_2341, %add3A_2741] : memref<32x128xf32, #tpu.memory_space<vmem>>[vector<16xi32>, vector<16xi32>], vector<16xf32>,
        %add3A_2743 = arith.addf %gather3A_2739, %gather3A_2742 : vector<16xf32>
        %sub3A_2744 = arith.subf %add3A_2743, %gather3A_2740 : vector<16xf32>
        %abs3A_2745 = math.absf %sub3A_2744 : vector<16xf32>
        %add3A_2746 = arith.addf %add3A_2735, %abs3A_2745 : vector<16xf32>
        %add3A_2747 = arith.constant 1 : i32
        %add3A_2748 = vector.broadcast %add3A_2747 : i32 to vector<16xi32>
        %add3A_2749 = arith.addi %add3A_2738, %add3A_2748 : vector<16xi32>
        %gather3A_2750 = tpu.vector_load_idx %arg17[%add3A_2341, %get3A_2345, %add3A_2749] : memref<32x8x64xf32, #tpu.memory_space<vmem>>[vector<16xi32>, vector<16xi32>, vector<16xi32>], vector<16xf32>,
        %gather3A_2751 = tpu.vector_load_idx %arg18[%add3A_2341, %get3A_2349, %add3A_2749] : memref<32x8x64xf32, #tpu.memory_space<vmem>>[vector<16xi32>, vector<16xi32>, vector<16xi32>], vector<16xf32>,
        %add3A_2752 = arith.addi %get3A_2353, %add3A_2749 : vector<16xi32>
        %gather3A_2753 = tpu.vector_load_idx %arg19[%add3A_2341, %add3A_2752] : memref<32x128xf32, #tpu.memory_space<vmem>>[vector<16xi32>, vector<16xi32>], vector<16xf32>,
        %add3A_2754 = arith.addf %gather3A_2750, %gather3A_2753 : vector<16xf32>
        %sub3A_2755 = arith.subf %add3A_2754, %gather3A_2751 : vector<16xf32>
        %abs3A_2756 = math.absf %sub3A_2755 : vector<16xf32>
        %add3A_2757 = arith.addf %add3A_2746, %abs3A_2756 : vector<16xf32>
        %add3A_2758 = arith.constant 1 : i32
        %add3A_2759 = vector.broadcast %add3A_2758 : i32 to vector<16xi32>
        %add3A_2760 = arith.addi %add3A_2749, %add3A_2759 : vector<16xi32>
        %gather3A_2761 = tpu.vector_load_idx %arg17[%add3A_2341, %get3A_2345, %add3A_2760] : memref<32x8x64xf32, #tpu.memory_space<vmem>>[vector<16xi32>, vector<16xi32>, vector<16xi32>], vector<16xf32>,
        %gather3A_2762 = tpu.vector_load_idx %arg18[%add3A_2341, %get3A_2349, %add3A_2760] : memref<32x8x64xf32, #tpu.memory_space<vmem>>[vector<16xi32>, vector<16xi32>, vector<16xi32>], vector<16xf32>,
        %add3A_2763 = arith.addi %get3A_2353, %add3A_2760 : vector<16xi32>
        %gather3A_2764 = tpu.vector_load_idx %arg19[%add3A_2341, %add3A_2763] : memref<32x128xf32, #tpu.memory_space<vmem>>[vector<16xi32>, vector<16xi32>], vector<16xf32>,
        %add3A_2765 = arith.addf %gather3A_2761, %gather3A_2764 : vector<16xf32>
        %sub3A_2766 = arith.subf %add3A_2765, %gather3A_2762 : vector<16xf32>
        %abs3A_2767 = math.absf %sub3A_2766 : vector<16xf32>
        %add3A_2768 = arith.addf %add3A_2757, %abs3A_2767 : vector<16xf32>
        %add3A_2769 = arith.constant 1 : i32
        %add3A_2770 = vector.broadcast %add3A_2769 : i32 to vector<16xi32>
        %add3A_2771 = arith.addi %add3A_2760, %add3A_2770 : vector<16xi32>
        %gather3A_2772 = tpu.vector_load_idx %arg17[%add3A_2341, %get3A_2345, %add3A_2771] : memref<32x8x64xf32, #tpu.memory_space<vmem>>[vector<16xi32>, vector<16xi32>, vector<16xi32>], vector<16xf32>,
        %gather3A_2773 = tpu.vector_load_idx %arg18[%add3A_2341, %get3A_2349, %add3A_2771] : memref<32x8x64xf32, #tpu.memory_space<vmem>>[vector<16xi32>, vector<16xi32>, vector<16xi32>], vector<16xf32>,
        %add3A_2774 = arith.addi %get3A_2353, %add3A_2771 : vector<16xi32>
        %gather3A_2775 = tpu.vector_load_idx %arg19[%add3A_2341, %add3A_2774] : memref<32x128xf32, #tpu.memory_space<vmem>>[vector<16xi32>, vector<16xi32>], vector<16xf32>,
        %add3A_2776 = arith.addf %gather3A_2772, %gather3A_2775 : vector<16xf32>
        %sub3A_2777 = arith.subf %add3A_2776, %gather3A_2773 : vector<16xf32>
        %abs3A_2778 = math.absf %sub3A_2777 : vector<16xf32>
        %add3A_2779 = arith.addf %add3A_2768, %abs3A_2778 : vector<16xf32>
        %add3A_2780 = arith.constant 1 : i32
        %add3A_2781 = vector.broadcast %add3A_2780 : i32 to vector<16xi32>
        %add3A_2782 = arith.addi %add3A_2771, %add3A_2781 : vector<16xi32>
        %gather3A_2783 = tpu.vector_load_idx %arg17[%add3A_2341, %get3A_2345, %add3A_2782] : memref<32x8x64xf32, #tpu.memory_space<vmem>>[vector<16xi32>, vector<16xi32>, vector<16xi32>], vector<16xf32>,
        %gather3A_2784 = tpu.vector_load_idx %arg18[%add3A_2341, %get3A_2349, %add3A_2782] : memref<32x8x64xf32, #tpu.memory_space<vmem>>[vector<16xi32>, vector<16xi32>, vector<16xi32>], vector<16xf32>,
        %add3A_2785 = arith.addi %get3A_2353, %add3A_2782 : vector<16xi32>
        %gather3A_2786 = tpu.vector_load_idx %arg19[%add3A_2341, %add3A_2785] : memref<32x128xf32, #tpu.memory_space<vmem>>[vector<16xi32>, vector<16xi32>], vector<16xf32>,
        %add3A_2787 = arith.addf %gather3A_2783, %gather3A_2786 : vector<16xf32>
        %sub3A_2788 = arith.subf %add3A_2787, %gather3A_2784 : vector<16xf32>
        %abs3A_2789 = math.absf %sub3A_2788 : vector<16xf32>
        %add3A_2790 = arith.addf %add3A_2779, %abs3A_2789 : vector<16xf32>
        %add3A_2791 = arith.constant 1 : i32
        %add3A_2792 = vector.broadcast %add3A_2791 : i32 to vector<16xi32>
        %add3A_2793 = arith.addi %add3A_2782, %add3A_2792 : vector<16xi32>
        %gather3A_2794 = tpu.vector_load_idx %arg17[%add3A_2341, %get3A_2345, %add3A_2793] : memref<32x8x64xf32, #tpu.memory_space<vmem>>[vector<16xi32>, vector<16xi32>, vector<16xi32>], vector<16xf32>,
        %gather3A_2795 = tpu.vector_load_idx %arg18[%add3A_2341, %get3A_2349, %add3A_2793] : memref<32x8x64xf32, #tpu.memory_space<vmem>>[vector<16xi32>, vector<16xi32>, vector<16xi32>], vector<16xf32>,
        %add3A_2796 = arith.addi %get3A_2353, %add3A_2793 : vector<16xi32>
        %gather3A_2797 = tpu.vector_load_idx %arg19[%add3A_2341, %add3A_2796] : memref<32x128xf32, #tpu.memory_space<vmem>>[vector<16xi32>, vector<16xi32>], vector<16xf32>,
        %add3A_2798 = arith.addf %gather3A_2794, %gather3A_2797 : vector<16xf32>
        %sub3A_2799 = arith.subf %add3A_2798, %gather3A_2795 : vector<16xf32>
        %abs3A_2800 = math.absf %sub3A_2799 : vector<16xf32>
        %add3A_2801 = arith.addf %add3A_2790, %abs3A_2800 : vector<16xf32>
        %add3A_2802 = arith.constant 1 : i32
        %add3A_2803 = vector.broadcast %add3A_2802 : i32 to vector<16xi32>
        %add3A_2804 = arith.addi %add3A_2793, %add3A_2803 : vector<16xi32>
        %gather3A_2805 = tpu.vector_load_idx %arg17[%add3A_2341, %get3A_2345, %add3A_2804] : memref<32x8x64xf32, #tpu.memory_space<vmem>>[vector<16xi32>, vector<16xi32>, vector<16xi32>], vector<16xf32>,
        %gather3A_2806 = tpu.vector_load_idx %arg18[%add3A_2341, %get3A_2349, %add3A_2804] : memref<32x8x64xf32, #tpu.memory_space<vmem>>[vector<16xi32>, vector<16xi32>, vector<16xi32>], vector<16xf32>,
        %add3A_2807 = arith.addi %get3A_2353, %add3A_2804 : vector<16xi32>
        %gather3A_2808 = tpu.vector_load_idx %arg19[%add3A_2341, %add3A_2807] : memref<32x128xf32, #tpu.memory_space<vmem>>[vector<16xi32>, vector<16xi32>], vector<16xf32>,
        %add3A_2809 = arith.addf %gather3A_2805, %gather3A_2808 : vector<16xf32>
        %sub3A_2810 = arith.subf %add3A_2809, %gather3A_2806 : vector<16xf32>
        %abs3A_2811 = math.absf %sub3A_2810 : vector<16xf32>
        %add3A_2812 = arith.addf %add3A_2801, %abs3A_2811 : vector<16xf32>
        %add3A_2813 = arith.constant 1 : i32
        %add3A_2814 = vector.broadcast %add3A_2813 : i32 to vector<16xi32>
        %add3A_2815 = arith.addi %add3A_2804, %add3A_2814 : vector<16xi32>
        %gather3A_2816 = tpu.vector_load_idx %arg17[%add3A_2341, %get3A_2345, %add3A_2815] : memref<32x8x64xf32, #tpu.memory_space<vmem>>[vector<16xi32>, vector<16xi32>, vector<16xi32>], vector<16xf32>,
        %gather3A_2817 = tpu.vector_load_idx %arg18[%add3A_2341, %get3A_2349, %add3A_2815] : memref<32x8x64xf32, #tpu.memory_space<vmem>>[vector<16xi32>, vector<16xi32>, vector<16xi32>], vector<16xf32>,
        %add3A_2818 = arith.addi %get3A_2353, %add3A_2815 : vector<16xi32>
        %gather3A_2819 = tpu.vector_load_idx %arg19[%add3A_2341, %add3A_2818] : memref<32x128xf32, #tpu.memory_space<vmem>>[vector<16xi32>, vector<16xi32>], vector<16xf32>,
        %add3A_2820 = arith.addf %gather3A_2816, %gather3A_2819 : vector<16xf32>
        %sub3A_2821 = arith.subf %add3A_2820, %gather3A_2817 : vector<16xf32>
        %abs3A_2822 = math.absf %sub3A_2821 : vector<16xf32>
        %add3A_2823 = arith.addf %add3A_2812, %abs3A_2822 : vector<16xf32>
        %add3A_2824 = arith.constant 1 : i32
        %add3A_2825 = vector.broadcast %add3A_2824 : i32 to vector<16xi32>
        %add3A_2826 = arith.addi %add3A_2815, %add3A_2825 : vector<16xi32>
        %gather3A_2827 = tpu.vector_load_idx %arg17[%add3A_2341, %get3A_2345, %add3A_2826] : memref<32x8x64xf32, #tpu.memory_space<vmem>>[vector<16xi32>, vector<16xi32>, vector<16xi32>], vector<16xf32>,
        %gather3A_2828 = tpu.vector_load_idx %arg18[%add3A_2341, %get3A_2349, %add3A_2826] : memref<32x8x64xf32, #tpu.memory_space<vmem>>[vector<16xi32>, vector<16xi32>, vector<16xi32>], vector<16xf32>,
        %add3A_2829 = arith.addi %get3A_2353, %add3A_2826 : vector<16xi32>
        %gather3A_2830 = tpu.vector_load_idx %arg19[%add3A_2341, %add3A_2829] : memref<32x128xf32, #tpu.memory_space<vmem>>[vector<16xi32>, vector<16xi32>], vector<16xf32>,
        %add3A_2831 = arith.addf %gather3A_2827, %gather3A_2830 : vector<16xf32>
        %sub3A_2832 = arith.subf %add3A_2831, %gather3A_2828 : vector<16xf32>
        %abs3A_2833 = math.absf %sub3A_2832 : vector<16xf32>
        %add3A_2834 = arith.addf %add3A_2823, %abs3A_2833 : vector<16xf32>
        %add3A_2835 = arith.constant 1 : i32
        %add3A_2836 = vector.broadcast %add3A_2835 : i32 to vector<16xi32>
        %add3A_2837 = arith.addi %add3A_2826, %add3A_2836 : vector<16xi32>
        %gather3A_2838 = tpu.vector_load_idx %arg17[%add3A_2341, %get3A_2345, %add3A_2837] : memref<32x8x64xf32, #tpu.memory_space<vmem>>[vector<16xi32>, vector<16xi32>, vector<16xi32>], vector<16xf32>,
        %gather3A_2839 = tpu.vector_load_idx %arg18[%add3A_2341, %get3A_2349, %add3A_2837] : memref<32x8x64xf32, #tpu.memory_space<vmem>>[vector<16xi32>, vector<16xi32>, vector<16xi32>], vector<16xf32>,
        %add3A_2840 = arith.addi %get3A_2353, %add3A_2837 : vector<16xi32>
        %gather3A_2841 = tpu.vector_load_idx %arg19[%add3A_2341, %add3A_2840] : memref<32x128xf32, #tpu.memory_space<vmem>>[vector<16xi32>, vector<16xi32>], vector<16xf32>,
        %add3A_2842 = arith.addf %gather3A_2838, %gather3A_2841 : vector<16xf32>
        %sub3A_2843 = arith.subf %add3A_2842, %gather3A_2839 : vector<16xf32>
        %abs3A_2844 = math.absf %sub3A_2843 : vector<16xf32>
        %add3A_2845 = arith.addf %add3A_2834, %abs3A_2844 : vector<16xf32>
        %add3A_2846 = arith.constant 1 : i32
        %add3A_2847 = vector.broadcast %add3A_2846 : i32 to vector<16xi32>
        %add3A_2848 = arith.addi %add3A_2837, %add3A_2847 : vector<16xi32>
        %gather3A_2849 = tpu.vector_load_idx %arg17[%add3A_2341, %get3A_2345, %add3A_2848] : memref<32x8x64xf32, #tpu.memory_space<vmem>>[vector<16xi32>, vector<16xi32>, vector<16xi32>], vector<16xf32>,
        %gather3A_2850 = tpu.vector_load_idx %arg18[%add3A_2341, %get3A_2349, %add3A_2848] : memref<32x8x64xf32, #tpu.memory_space<vmem>>[vector<16xi32>, vector<16xi32>, vector<16xi32>], vector<16xf32>,
        %add3A_2851 = arith.addi %get3A_2353, %add3A_2848 : vector<16xi32>
        %gather3A_2852 = tpu.vector_load_idx %arg19[%add3A_2341, %add3A_2851] : memref<32x128xf32, #tpu.memory_space<vmem>>[vector<16xi32>, vector<16xi32>], vector<16xf32>,
        %add3A_2853 = arith.addf %gather3A_2849, %gather3A_2852 : vector<16xf32>
        %sub3A_2854 = arith.subf %add3A_2853, %gather3A_2850 : vector<16xf32>
        %abs3A_2855 = math.absf %sub3A_2854 : vector<16xf32>
        %add3A_2856 = arith.addf %add3A_2845, %abs3A_2855 : vector<16xf32>
        %add3A_2857 = arith.constant 1 : i32
        %add3A_2858 = vector.broadcast %add3A_2857 : i32 to vector<16xi32>
        %add3A_2859 = arith.addi %add3A_2848, %add3A_2858 : vector<16xi32>
        %gather3A_2860 = tpu.vector_load_idx %arg17[%add3A_2341, %get3A_2345, %add3A_2859] : memref<32x8x64xf32, #tpu.memory_space<vmem>>[vector<16xi32>, vector<16xi32>, vector<16xi32>], vector<16xf32>,
        %gather3A_2861 = tpu.vector_load_idx %arg18[%add3A_2341, %get3A_2349, %add3A_2859] : memref<32x8x64xf32, #tpu.memory_space<vmem>>[vector<16xi32>, vector<16xi32>, vector<16xi32>], vector<16xf32>,
        %add3A_2862 = arith.addi %get3A_2353, %add3A_2859 : vector<16xi32>
        %gather3A_2863 = tpu.vector_load_idx %arg19[%add3A_2341, %add3A_2862] : memref<32x128xf32, #tpu.memory_space<vmem>>[vector<16xi32>, vector<16xi32>], vector<16xf32>,
        %add3A_2864 = arith.addf %gather3A_2860, %gather3A_2863 : vector<16xf32>
        %sub3A_2865 = arith.subf %add3A_2864, %gather3A_2861 : vector<16xf32>
        %abs3A_2866 = math.absf %sub3A_2865 : vector<16xf32>
        %add3A_2867 = arith.addf %add3A_2856, %abs3A_2866 : vector<16xf32>
        %add3A_2868 = arith.constant 1 : i32
        %add3A_2869 = vector.broadcast %add3A_2868 : i32 to vector<16xi32>
        %add3A_2870 = arith.addi %add3A_2859, %add3A_2869 : vector<16xi32>
        %gather3A_2871 = tpu.vector_load_idx %arg17[%add3A_2341, %get3A_2345, %add3A_2870] : memref<32x8x64xf32, #tpu.memory_space<vmem>>[vector<16xi32>, vector<16xi32>, vector<16xi32>], vector<16xf32>,
        %gather3A_2872 = tpu.vector_load_idx %arg18[%add3A_2341, %get3A_2349, %add3A_2870] : memref<32x8x64xf32, #tpu.memory_space<vmem>>[vector<16xi32>, vector<16xi32>, vector<16xi32>], vector<16xf32>,
        %add3A_2873 = arith.addi %get3A_2353, %add3A_2870 : vector<16xi32>
        %gather3A_2874 = tpu.vector_load_idx %arg19[%add3A_2341, %add3A_2873] : memref<32x128xf32, #tpu.memory_space<vmem>>[vector<16xi32>, vector<16xi32>], vector<16xf32>,
        %add3A_2875 = arith.addf %gather3A_2871, %gather3A_2874 : vector<16xf32>
        %sub3A_2876 = arith.subf %add3A_2875, %gather3A_2872 : vector<16xf32>
        %abs3A_2877 = math.absf %sub3A_2876 : vector<16xf32>
        %add3A_2878 = arith.addf %add3A_2867, %abs3A_2877 : vector<16xf32>
        %add3A_2879 = arith.constant 1 : i32
        %add3A_2880 = vector.broadcast %add3A_2879 : i32 to vector<16xi32>
        %add3A_2881 = arith.addi %add3A_2870, %add3A_2880 : vector<16xi32>
        %gather3A_2882 = tpu.vector_load_idx %arg17[%add3A_2341, %get3A_2345, %add3A_2881] : memref<32x8x64xf32, #tpu.memory_space<vmem>>[vector<16xi32>, vector<16xi32>, vector<16xi32>], vector<16xf32>,
        %gather3A_2883 = tpu.vector_load_idx %arg18[%add3A_2341, %get3A_2349, %add3A_2881] : memref<32x8x64xf32, #tpu.memory_space<vmem>>[vector<16xi32>, vector<16xi32>, vector<16xi32>], vector<16xf32>,
        %add3A_2884 = arith.addi %get3A_2353, %add3A_2881 : vector<16xi32>
        %gather3A_2885 = tpu.vector_load_idx %arg19[%add3A_2341, %add3A_2884] : memref<32x128xf32, #tpu.memory_space<vmem>>[vector<16xi32>, vector<16xi32>], vector<16xf32>,
        %add3A_2886 = arith.addf %gather3A_2882, %gather3A_2885 : vector<16xf32>
        %sub3A_2887 = arith.subf %add3A_2886, %gather3A_2883 : vector<16xf32>
        %abs3A_2888 = math.absf %sub3A_2887 : vector<16xf32>
        %add3A_2889 = arith.addf %add3A_2878, %abs3A_2888 : vector<16xf32>
        %add3A_2890 = arith.constant 1 : i32
        %add3A_2891 = vector.broadcast %add3A_2890 : i32 to vector<16xi32>
        %add3A_2892 = arith.addi %add3A_2881, %add3A_2891 : vector<16xi32>
        %gather3A_2893 = tpu.vector_load_idx %arg17[%add3A_2341, %get3A_2345, %add3A_2892] : memref<32x8x64xf32, #tpu.memory_space<vmem>>[vector<16xi32>, vector<16xi32>, vector<16xi32>], vector<16xf32>,
        %gather3A_2894 = tpu.vector_load_idx %arg18[%add3A_2341, %get3A_2349, %add3A_2892] : memref<32x8x64xf32, #tpu.memory_space<vmem>>[vector<16xi32>, vector<16xi32>, vector<16xi32>], vector<16xf32>,
        %add3A_2895 = arith.addi %get3A_2353, %add3A_2892 : vector<16xi32>
        %gather3A_2896 = tpu.vector_load_idx %arg19[%add3A_2341, %add3A_2895] : memref<32x128xf32, #tpu.memory_space<vmem>>[vector<16xi32>, vector<16xi32>], vector<16xf32>,
        %add3A_2897 = arith.addf %gather3A_2893, %gather3A_2896 : vector<16xf32>
        %sub3A_2898 = arith.subf %add3A_2897, %gather3A_2894 : vector<16xf32>
        %abs3A_2899 = math.absf %sub3A_2898 : vector<16xf32>
        %add3A_2900 = arith.addf %add3A_2889, %abs3A_2899 : vector<16xf32>
        %add3A_2901 = arith.constant 1 : i32
        %add3A_2902 = vector.broadcast %add3A_2901 : i32 to vector<16xi32>
        %add3A_2903 = arith.addi %add3A_2892, %add3A_2902 : vector<16xi32>
        %gather3A_2904 = tpu.vector_load_idx %arg17[%add3A_2341, %get3A_2345, %add3A_2903] : memref<32x8x64xf32, #tpu.memory_space<vmem>>[vector<16xi32>, vector<16xi32>, vector<16xi32>], vector<16xf32>,
        %gather3A_2905 = tpu.vector_load_idx %arg18[%add3A_2341, %get3A_2349, %add3A_2903] : memref<32x8x64xf32, #tpu.memory_space<vmem>>[vector<16xi32>, vector<16xi32>, vector<16xi32>], vector<16xf32>,
        %add3A_2906 = arith.addi %get3A_2353, %add3A_2903 : vector<16xi32>
        %gather3A_2907 = tpu.vector_load_idx %arg19[%add3A_2341, %add3A_2906] : memref<32x128xf32, #tpu.memory_space<vmem>>[vector<16xi32>, vector<16xi32>], vector<16xf32>,
        %add3A_2908 = arith.addf %gather3A_2904, %gather3A_2907 : vector<16xf32>
        %sub3A_2909 = arith.subf %add3A_2908, %gather3A_2905 : vector<16xf32>
        %abs3A_2910 = math.absf %sub3A_2909 : vector<16xf32>
        %add3A_2911 = arith.addf %add3A_2900, %abs3A_2910 : vector<16xf32>
        %add3A_2912 = arith.constant 1 : i32
        %add3A_2913 = vector.broadcast %add3A_2912 : i32 to vector<16xi32>
        %add3A_2914 = arith.addi %add3A_2903, %add3A_2913 : vector<16xi32>
        %gather3A_2915 = tpu.vector_load_idx %arg17[%add3A_2341, %get3A_2345, %add3A_2914] : memref<32x8x64xf32, #tpu.memory_space<vmem>>[vector<16xi32>, vector<16xi32>, vector<16xi32>], vector<16xf32>,
        %gather3A_2916 = tpu.vector_load_idx %arg18[%add3A_2341, %get3A_2349, %add3A_2914] : memref<32x8x64xf32, #tpu.memory_space<vmem>>[vector<16xi32>, vector<16xi32>, vector<16xi32>], vector<16xf32>,
        %add3A_2917 = arith.addi %get3A_2353, %add3A_2914 : vector<16xi32>
        %gather3A_2918 = tpu.vector_load_idx %arg19[%add3A_2341, %add3A_2917] : memref<32x128xf32, #tpu.memory_space<vmem>>[vector<16xi32>, vector<16xi32>], vector<16xf32>,
        %add3A_2919 = arith.addf %gather3A_2915, %gather3A_2918 : vector<16xf32>
        %sub3A_2920 = arith.subf %add3A_2919, %gather3A_2916 : vector<16xf32>
        %abs3A_2921 = math.absf %sub3A_2920 : vector<16xf32>
        %add3A_2922 = arith.addf %add3A_2911, %abs3A_2921 : vector<16xf32>
        %add3A_2923 = arith.constant 1 : i32
        %add3A_2924 = vector.broadcast %add3A_2923 : i32 to vector<16xi32>
        %add3A_2925 = arith.addi %add3A_2914, %add3A_2924 : vector<16xi32>
        %gather3A_2926 = tpu.vector_load_idx %arg17[%add3A_2341, %get3A_2345, %add3A_2925] : memref<32x8x64xf32, #tpu.memory_space<vmem>>[vector<16xi32>, vector<16xi32>, vector<16xi32>], vector<16xf32>,
        %gather3A_2927 = tpu.vector_load_idx %arg18[%add3A_2341, %get3A_2349, %add3A_2925] : memref<32x8x64xf32, #tpu.memory_space<vmem>>[vector<16xi32>, vector<16xi32>, vector<16xi32>], vector<16xf32>,
        %add3A_2928 = arith.addi %get3A_2353, %add3A_2925 : vector<16xi32>
        %gather3A_2929 = tpu.vector_load_idx %arg19[%add3A_2341, %add3A_2928] : memref<32x128xf32, #tpu.memory_space<vmem>>[vector<16xi32>, vector<16xi32>], vector<16xf32>,
        %add3A_2930 = arith.addf %gather3A_2926, %gather3A_2929 : vector<16xf32>
        %sub3A_2931 = arith.subf %add3A_2930, %gather3A_2927 : vector<16xf32>
        %abs3A_2932 = math.absf %sub3A_2931 : vector<16xf32>
        %add3A_2933 = arith.addf %add3A_2922, %abs3A_2932 : vector<16xf32>
        %add3A_2934 = arith.constant 1 : i32
        %add3A_2935 = vector.broadcast %add3A_2934 : i32 to vector<16xi32>
        %add3A_2936 = arith.addi %add3A_2925, %add3A_2935 : vector<16xi32>
        %gather3A_2937 = tpu.vector_load_idx %arg17[%add3A_2341, %get3A_2345, %add3A_2936] : memref<32x8x64xf32, #tpu.memory_space<vmem>>[vector<16xi32>, vector<16xi32>, vector<16xi32>], vector<16xf32>,
        %gather3A_2938 = tpu.vector_load_idx %arg18[%add3A_2341, %get3A_2349, %add3A_2936] : memref<32x8x64xf32, #tpu.memory_space<vmem>>[vector<16xi32>, vector<16xi32>, vector<16xi32>], vector<16xf32>,
        %add3A_2939 = arith.addi %get3A_2353, %add3A_2936 : vector<16xi32>
        %gather3A_2940 = tpu.vector_load_idx %arg19[%add3A_2341, %add3A_2939] : memref<32x128xf32, #tpu.memory_space<vmem>>[vector<16xi32>, vector<16xi32>], vector<16xf32>,
        %add3A_2941 = arith.addf %gather3A_2937, %gather3A_2940 : vector<16xf32>
        %sub3A_2942 = arith.subf %add3A_2941, %gather3A_2938 : vector<16xf32>
        %abs3A_2943 = math.absf %sub3A_2942 : vector<16xf32>
        %add3A_2944 = arith.addf %add3A_2933, %abs3A_2943 : vector<16xf32>
        %add3A_2945 = arith.constant 1 : i32
        %add3A_2946 = vector.broadcast %add3A_2945 : i32 to vector<16xi32>
        %add3A_2947 = arith.addi %add3A_2936, %add3A_2946 : vector<16xi32>
        %gather3A_2948 = tpu.vector_load_idx %arg17[%add3A_2341, %get3A_2345, %add3A_2947] : memref<32x8x64xf32, #tpu.memory_space<vmem>>[vector<16xi32>, vector<16xi32>, vector<16xi32>], vector<16xf32>,
        %gather3A_2949 = tpu.vector_load_idx %arg18[%add3A_2341, %get3A_2349, %add3A_2947] : memref<32x8x64xf32, #tpu.memory_space<vmem>>[vector<16xi32>, vector<16xi32>, vector<16xi32>], vector<16xf32>,
        %add3A_2950 = arith.addi %get3A_2353, %add3A_2947 : vector<16xi32>
        %gather3A_2951 = tpu.vector_load_idx %arg19[%add3A_2341, %add3A_2950] : memref<32x128xf32, #tpu.memory_space<vmem>>[vector<16xi32>, vector<16xi32>], vector<16xf32>,
        %add3A_2952 = arith.addf %gather3A_2948, %gather3A_2951 : vector<16xf32>
        %sub3A_2953 = arith.subf %add3A_2952, %gather3A_2949 : vector<16xf32>
        %abs3A_2954 = math.absf %sub3A_2953 : vector<16xf32>
        %add3A_2955 = arith.addf %add3A_2944, %abs3A_2954 : vector<16xf32>
        %add3A_2956 = arith.constant 1 : i32
        %add3A_2957 = vector.broadcast %add3A_2956 : i32 to vector<16xi32>
        %add3A_2958 = arith.addi %add3A_2947, %add3A_2957 : vector<16xi32>
        %gather3A_2959 = tpu.vector_load_idx %arg17[%add3A_2341, %get3A_2345, %add3A_2958] : memref<32x8x64xf32, #tpu.memory_space<vmem>>[vector<16xi32>, vector<16xi32>, vector<16xi32>], vector<16xf32>,
        %gather3A_2960 = tpu.vector_load_idx %arg18[%add3A_2341, %get3A_2349, %add3A_2958] : memref<32x8x64xf32, #tpu.memory_space<vmem>>[vector<16xi32>, vector<16xi32>, vector<16xi32>], vector<16xf32>,
        %add3A_2961 = arith.addi %get3A_2353, %add3A_2958 : vector<16xi32>
        %gather3A_2962 = tpu.vector_load_idx %arg19[%add3A_2341, %add3A_2961] : memref<32x128xf32, #tpu.memory_space<vmem>>[vector<16xi32>, vector<16xi32>], vector<16xf32>,
        %add3A_2963 = arith.addf %gather3A_2959, %gather3A_2962 : vector<16xf32>
        %sub3A_2964 = arith.subf %add3A_2963, %gather3A_2960 : vector<16xf32>
        %abs3A_2965 = math.absf %sub3A_2964 : vector<16xf32>
        %add3A_2966 = arith.addf %add3A_2955, %abs3A_2965 : vector<16xf32>
        %add3A_2967 = arith.constant 1 : i32
        %add3A_2968 = vector.broadcast %add3A_2967 : i32 to vector<16xi32>
        %add3A_2969 = arith.addi %add3A_2958, %add3A_2968 : vector<16xi32>
        %gather3A_2970 = tpu.vector_load_idx %arg17[%add3A_2341, %get3A_2345, %add3A_2969] : memref<32x8x64xf32, #tpu.memory_space<vmem>>[vector<16xi32>, vector<16xi32>, vector<16xi32>], vector<16xf32>,
        %gather3A_2971 = tpu.vector_load_idx %arg18[%add3A_2341, %get3A_2349, %add3A_2969] : memref<32x8x64xf32, #tpu.memory_space<vmem>>[vector<16xi32>, vector<16xi32>, vector<16xi32>], vector<16xf32>,
        %add3A_2972 = arith.addi %get3A_2353, %add3A_2969 : vector<16xi32>
        %gather3A_2973 = tpu.vector_load_idx %arg19[%add3A_2341, %add3A_2972] : memref<32x128xf32, #tpu.memory_space<vmem>>[vector<16xi32>, vector<16xi32>], vector<16xf32>,
        %add3A_2974 = arith.addf %gather3A_2970, %gather3A_2973 : vector<16xf32>
        %sub3A_2975 = arith.subf %add3A_2974, %gather3A_2971 : vector<16xf32>
        %abs3A_2976 = math.absf %sub3A_2975 : vector<16xf32>
        %add3A_2977 = arith.addf %add3A_2966, %abs3A_2976 : vector<16xf32>
        %add3A_2978 = arith.constant 1 : i32
        %add3A_2979 = vector.broadcast %add3A_2978 : i32 to vector<16xi32>
        %add3A_2980 = arith.addi %add3A_2969, %add3A_2979 : vector<16xi32>
        %gather3A_2981 = tpu.vector_load_idx %arg17[%add3A_2341, %get3A_2345, %add3A_2980] : memref<32x8x64xf32, #tpu.memory_space<vmem>>[vector<16xi32>, vector<16xi32>, vector<16xi32>], vector<16xf32>,
        %gather3A_2982 = tpu.vector_load_idx %arg18[%add3A_2341, %get3A_2349, %add3A_2980] : memref<32x8x64xf32, #tpu.memory_space<vmem>>[vector<16xi32>, vector<16xi32>, vector<16xi32>], vector<16xf32>,
        %add3A_2983 = arith.addi %get3A_2353, %add3A_2980 : vector<16xi32>
        %gather3A_2984 = tpu.vector_load_idx %arg19[%add3A_2341, %add3A_2983] : memref<32x128xf32, #tpu.memory_space<vmem>>[vector<16xi32>, vector<16xi32>], vector<16xf32>,
        %add3A_2985 = arith.addf %gather3A_2981, %gather3A_2984 : vector<16xf32>
        %sub3A_2986 = arith.subf %add3A_2985, %gather3A_2982 : vector<16xf32>
        %abs3A_2987 = math.absf %sub3A_2986 : vector<16xf32>
        %add3A_2988 = arith.addf %add3A_2977, %abs3A_2987 : vector<16xf32>
        %add3A_2989 = arith.constant 1 : i32
        %add3A_2990 = vector.broadcast %add3A_2989 : i32 to vector<16xi32>
        %add3A_2991 = arith.addi %add3A_2980, %add3A_2990 : vector<16xi32>
        %gather3A_2992 = tpu.vector_load_idx %arg17[%add3A_2341, %get3A_2345, %add3A_2991] : memref<32x8x64xf32, #tpu.memory_space<vmem>>[vector<16xi32>, vector<16xi32>, vector<16xi32>], vector<16xf32>,
        %gather3A_2993 = tpu.vector_load_idx %arg18[%add3A_2341, %get3A_2349, %add3A_2991] : memref<32x8x64xf32, #tpu.memory_space<vmem>>[vector<16xi32>, vector<16xi32>, vector<16xi32>], vector<16xf32>,
        %add3A_2994 = arith.addi %get3A_2353, %add3A_2991 : vector<16xi32>
        %gather3A_2995 = tpu.vector_load_idx %arg19[%add3A_2341, %add3A_2994] : memref<32x128xf32, #tpu.memory_space<vmem>>[vector<16xi32>, vector<16xi32>], vector<16xf32>,
        %add3A_2996 = arith.addf %gather3A_2992, %gather3A_2995 : vector<16xf32>
        %sub3A_2997 = arith.subf %add3A_2996, %gather3A_2993 : vector<16xf32>
        %abs3A_2998 = math.absf %sub3A_2997 : vector<16xf32>
        %add3A_2999 = arith.addf %add3A_2988, %abs3A_2998 : vector<16xf32>
        %add3A_3000 = arith.constant 1 : i32
        %add3A_3001 = vector.broadcast %add3A_3000 : i32 to vector<16xi32>
        %add3A_3002 = arith.addi %add3A_2991, %add3A_3001 : vector<16xi32>
        %gather3A_3003 = tpu.vector_load_idx %arg17[%add3A_2341, %get3A_2345, %add3A_3002] : memref<32x8x64xf32, #tpu.memory_space<vmem>>[vector<16xi32>, vector<16xi32>, vector<16xi32>], vector<16xf32>,
        %gather3A_3004 = tpu.vector_load_idx %arg18[%add3A_2341, %get3A_2349, %add3A_3002] : memref<32x8x64xf32, #tpu.memory_space<vmem>>[vector<16xi32>, vector<16xi32>, vector<16xi32>], vector<16xf32>,
        %add3A_3005 = arith.addi %get3A_2353, %add3A_3002 : vector<16xi32>
        %gather3A_3006 = tpu.vector_load_idx %arg19[%add3A_2341, %add3A_3005] : memref<32x128xf32, #tpu.memory_space<vmem>>[vector<16xi32>, vector<16xi32>], vector<16xf32>,
        %add3A_3007 = arith.addf %gather3A_3003, %gather3A_3006 : vector<16xf32>
        %sub3A_3008 = arith.subf %add3A_3007, %gather3A_3004 : vector<16xf32>
        %abs3A_3009 = math.absf %sub3A_3008 : vector<16xf32>
        %add3A_3010 = arith.addf %add3A_2999, %abs3A_3009 : vector<16xf32>
        %add3A_3011 = arith.constant 1 : i32
        %add3A_3012 = vector.broadcast %add3A_3011 : i32 to vector<16xi32>
        %add3A_3013 = arith.addi %add3A_3002, %add3A_3012 : vector<16xi32>
        %gather3A_3014 = tpu.vector_load_idx %arg17[%add3A_2341, %get3A_2345, %add3A_3013] : memref<32x8x64xf32, #tpu.memory_space<vmem>>[vector<16xi32>, vector<16xi32>, vector<16xi32>], vector<16xf32>,
        %gather3A_3015 = tpu.vector_load_idx %arg18[%add3A_2341, %get3A_2349, %add3A_3013] : memref<32x8x64xf32, #tpu.memory_space<vmem>>[vector<16xi32>, vector<16xi32>, vector<16xi32>], vector<16xf32>,
        %add3A_3016 = arith.addi %get3A_2353, %add3A_3013 : vector<16xi32>
        %gather3A_3017 = tpu.vector_load_idx %arg19[%add3A_2341, %add3A_3016] : memref<32x128xf32, #tpu.memory_space<vmem>>[vector<16xi32>, vector<16xi32>], vector<16xf32>,
        %add3A_3018 = arith.addf %gather3A_3014, %gather3A_3017 : vector<16xf32>
        %sub3A_3019 = arith.subf %add3A_3018, %gather3A_3015 : vector<16xf32>
        %abs3A_3020 = math.absf %sub3A_3019 : vector<16xf32>
        %add3A_3021 = arith.addf %add3A_3010, %abs3A_3020 : vector<16xf32>
        %add3A_3022 = arith.constant 1 : i32
        %add3A_3023 = vector.broadcast %add3A_3022 : i32 to vector<16xi32>
        %add3A_3024 = arith.addi %add3A_3013, %add3A_3023 : vector<16xi32>
        %gather3A_3025 = tpu.vector_load_idx %arg17[%add3A_2341, %get3A_2345, %add3A_3024] : memref<32x8x64xf32, #tpu.memory_space<vmem>>[vector<16xi32>, vector<16xi32>, vector<16xi32>], vector<16xf32>,
        %gather3A_3026 = tpu.vector_load_idx %arg18[%add3A_2341, %get3A_2349, %add3A_3024] : memref<32x8x64xf32, #tpu.memory_space<vmem>>[vector<16xi32>, vector<16xi32>, vector<16xi32>], vector<16xf32>,
        %add3A_3027 = arith.addi %get3A_2353, %add3A_3024 : vector<16xi32>
        %gather3A_3028 = tpu.vector_load_idx %arg19[%add3A_2341, %add3A_3027] : memref<32x128xf32, #tpu.memory_space<vmem>>[vector<16xi32>, vector<16xi32>], vector<16xf32>,
        %add3A_3029 = arith.addf %gather3A_3025, %gather3A_3028 : vector<16xf32>
        %sub3A_3030 = arith.subf %add3A_3029, %gather3A_3026 : vector<16xf32>
        %abs3A_3031 = math.absf %sub3A_3030 : vector<16xf32>
        %add3A_3032 = arith.addf %add3A_3021, %abs3A_3031 : vector<16xf32>
        %add3A_3033 = arith.constant 1 : i32
        %add3A_3034 = vector.broadcast %add3A_3033 : i32 to vector<16xi32>
        %add3A_3035 = arith.addi %add3A_3024, %add3A_3034 : vector<16xi32>
        %gather3A_3036 = tpu.vector_load_idx %arg17[%add3A_2341, %get3A_2345, %add3A_3035] : memref<32x8x64xf32, #tpu.memory_space<vmem>>[vector<16xi32>, vector<16xi32>, vector<16xi32>], vector<16xf32>,
        %gather3A_3037 = tpu.vector_load_idx %arg18[%add3A_2341, %get3A_2349, %add3A_3035] : memref<32x8x64xf32, #tpu.memory_space<vmem>>[vector<16xi32>, vector<16xi32>, vector<16xi32>], vector<16xf32>,
        %add3A_3038 = arith.addi %get3A_2353, %add3A_3035 : vector<16xi32>
        %gather3A_3039 = tpu.vector_load_idx %arg19[%add3A_2341, %add3A_3038] : memref<32x128xf32, #tpu.memory_space<vmem>>[vector<16xi32>, vector<16xi32>], vector<16xf32>,
        %add3A_3040 = arith.addf %gather3A_3036, %gather3A_3039 : vector<16xf32>
        %sub3A_3041 = arith.subf %add3A_3040, %gather3A_3037 : vector<16xf32>
        %abs3A_3042 = math.absf %sub3A_3041 : vector<16xf32>
        %add3A_3043 = arith.addf %add3A_3032, %abs3A_3042 : vector<16xf32>
        %add3A_3044 = arith.constant 1 : i32
        %add3A_3045 = vector.broadcast %add3A_3044 : i32 to vector<16xi32>
        %add3A_3046 = arith.addi %add3A_3035, %add3A_3045 : vector<16xi32>
        %gather3A_3047 = tpu.vector_load_idx %arg17[%add3A_2341, %get3A_2345, %add3A_3046] : memref<32x8x64xf32, #tpu.memory_space<vmem>>[vector<16xi32>, vector<16xi32>, vector<16xi32>], vector<16xf32>,
        %gather3A_3048 = tpu.vector_load_idx %arg18[%add3A_2341, %get3A_2349, %add3A_3046] : memref<32x8x64xf32, #tpu.memory_space<vmem>>[vector<16xi32>, vector<16xi32>, vector<16xi32>], vector<16xf32>,
        %add3A_3049 = arith.addi %get3A_2353, %add3A_3046 : vector<16xi32>
        %gather3A_3050 = tpu.vector_load_idx %arg19[%add3A_2341, %add3A_3049] : memref<32x128xf32, #tpu.memory_space<vmem>>[vector<16xi32>, vector<16xi32>], vector<16xf32>,
        %add3A_3051 = arith.addf %gather3A_3047, %gather3A_3050 : vector<16xf32>
        %sub3A_3052 = arith.subf %add3A_3051, %gather3A_3048 : vector<16xf32>
        %abs3A_3053 = math.absf %sub3A_3052 : vector<16xf32>
        %add3A_3054 = arith.addf %add3A_3043, %abs3A_3053 : vector<16xf32>
        %add3A_3055 = arith.constant 1 : i32
        %add3A_3056 = vector.broadcast %add3A_3055 : i32 to vector<16xi32>
        %add3A_3057 = arith.addi %add3A_3046, %add3A_3056 : vector<16xi32>
        %sub3A_3058 = arith.constant 1.200000e+01 : f32
        %sub3A_3059 = vector.broadcast %sub3A_3058 : f32 to vector<16xf32>
        %sub3A_3060 = arith.subf %sub3A_3059, %add3A_3054 : vector<16xf32>
        %mul3A_3061 = arith.constant 16 : i32
        %mul3A_3062 = arith.muli %add3A_2337, %mul3A_3061 : i32
        %swap3A = arith.index_cast %mul3A_3062 : i32 to index
        %swap3A_3063 = tpu.vector_load %arg20[%swap3A] {strides = array<i32>} : memref<32xf32, #tpu.memory_space<vmem>>, vector<16xf32>,
        tpu.vector_store %arg20[%swap3A], %sub3A_3060 {strides = array<i32>} : memref<32xf32, #tpu.memory_space<vmem>>, vector<16xf32>,
      }
      %scan3A_2332 = arith.constant 2 : i32
      "tpu.region"() ({
        %run_scoped3A = tpu.sem_alloc : memref<!tpu.dma_semaphore, #tpu.memory_space<semaphore_mem>>
        %dma_start3A_2333 = tpu.memref_slice %arg10[%add3A_14] : memref<16384xf32, #tpu.memory_space<hbm>> -> memref<32xf32, #tpu.memory_space<hbm>>
        %dma_start3A_2334 = tpu.memref_slice %arg10[%add3A_14] : memref<16384xf32, #tpu.memory_space<hbm>> -> memref<32xf32, #tpu.memory_space<hbm>>
        tpu.enqueue_dma source(%arg20 : memref<32xf32, #tpu.memory_space<vmem>>) target(%dma_start3A_2334 : memref<32xf32, #tpu.memory_space<hbm>>) target_semaphore(%run_scoped3A : memref<!tpu.dma_semaphore, #tpu.memory_space<semaphore_mem>>)
        %dma_wait3A_2335 = tpu.memref_slice %arg10[%add3A_14] : memref<16384xf32, #tpu.memory_space<hbm>> -> memref<32xf32, #tpu.memory_space<hbm>>
        %dma_wait3A_2336 = tpu.memref_slice %arg10[%add3A_14] : memref<16384xf32, #tpu.memory_space<hbm>> -> memref<32xf32, #tpu.memory_space<hbm>>
        tpu.wait_dma2 semaphore(%run_scoped3A : memref<!tpu.dma_semaphore, #tpu.memory_space<semaphore_mem>>) src(%arg20 : memref<32xf32, #tpu.memory_space<vmem>>) dst(%dma_wait3A_2336 : memref<32xf32, #tpu.memory_space<hbm>>)
        tpu.yield
      }) : () -> ()
    }
    %scan3A_6 = arith.constant 16 : i32
    return
  }
}

</mosaic_0001>

<sc_bundles>
// kernel: kernel.3.cloned.1.call-start
scs
__scs_entry_jumppad:
0x0: {  	(pc) =	sbr.rel $0x88, $3  }
0x1: {  	(tag) =	ssettag $0x0;
	lr =	simm.s32 $0x1  }
0x2: {  	[smem:$0x3F9C] =	sst lr;
	_ =	strace $0xD0000000  }
0x3: {  	_ = 	snop  }
0x4: {  	_ = 	snop  }
0x5: {  	_ = 	snop  }
0x6: {  	_ = 	snop  }
0x7: {  	_ = 	snop  }
__scs_overlays_trampoline_lowered:
0x8: {  	[smem:$0x3FAB] =	sst s0  }
0x9: {  	[smem:$0x3FAC] =	sst s1  }
0xa: {  	[smem:$0x3FAD] =	sst s2  }
0xb: {  	[smem:$0x3FAE] =	sst s3  }
0xc: {  	[smem:$0x3FAF] =	sst s4  }
0xd: {  	[smem:$0x3FB0] =	sst s5  }
0xe: {  	[smem:$0x3FB1] =	sst s6  }
0xf: {  	[smem:$0x3FB2] =	sst s7  }
0x10: {  	[smem:$0x3FB3] =	sst s8  }
0x11: {  	[smem:$0x3FB4] =	sst s9;
	s0 =	simm.s32 @!p0 $0x0  }
0x12: {  	s1 =	sld [smem:$0x3F9A];
	s0 =	simm.s32 @p0 $0x1  }
0x13: {  	[smem:$0x3FB5] =	sst s0;
	s0 =	simm.s32 @!p1 $0x0  }
0x14: {  	s2 =	sld [smem:$0x3F99];
	s0 =	simm.s32 @p1 $0x1  }
0x15: {  	[smem:$0x3FB6] =	sst s0;
	s0 =	simm.s32 @!p2 $0x0  }
0x16: {  	s3 =	sld [smem:$0x3FDB];
	s0 =	simm.s32 @p2 $0x1  }
0x17: {  	s4 =	simm.s32 $0x1BF5;
	[smem:$0x3FB8] =	sst s0  }
0x18: {  	s0 =	sld [smem:$0x3F9B];
	_ =	swait.ge [sflag:s4], $0x0  }
0x19: {  	s7 =	sld [smem:$0x3F9C]  }
0x1a: {  	s8 =	sadd.s32 $0xFFFFE003, lr  }
0x1b: {  	s9 =	sadd.s32 $0xFFFFFEF7, lr;
	s5 =	simm.s32 $0xFFFFFFFF;
	p2 =	slt.u32 s8, $0xFFFFF086  }
0x1c: {  	p1 =	slt.u32 s9, $0xF7A;
	s5 =	simm.s32 @!p2 $0x0  }
0x1d: {  	s5 =	simm.s32 @p1 $0x1;
	p0 =	seq.s32 s7, s2  }
0x1e: {  	s7 =	smul.u32 @!p0 $0xF7A, s2;
	p2 =	seq.s32 @!p0 s5, $0x0  }
0x1f: {  	s9 =	smul.u32 $0xF7A, s1;
	s8 =	simm.s32 @!p0 $0x1BF5;
	p2 =	por !p2, p0  }
0x20: {  	[sflag:s8] =	ssyncset.s32 @!p0 $0xFFFFF086;
	s6 =	sadd.s32 @!p0 s3, s7;
	s7 =	simm.s32 @!p0 $0x108  }
0x21: {  	s3 =	sadd.s32 s3, s9;
	s6 =	sadd.s32 @!p0 $0x88, s6;
	s7 =	simm.s32 @p2 $0x1082  }
0x22: {  	[simem:s7], [sflag:s8] =	dma.local @!p0 [hbm:s6], $0xF7A  }
0x23: {  	s9 =	sor.u32 $0xD0000000, s2;
	s6 =	simm.s32 $0x108;
	_ =	swait.ge @!p0 [sflag:s8], $0x0  }
0x24: {  	s3 =	sadd.s32 $0x88, s3;
	s6 =	simm.s32 @!p1 $0x1082;
	[sflag:s4] =	ssyncset.s32 $0xFFFFF086  }
0x25: {  	[simem:s6], [sflag:s4] =	dma.local [hbm:s3], $0xF7A  }
0x26: {  	[smem:$0x3F9C] =	sst s1;
	(tag) =	ssettag s2;
	_ =	strace s9  }
0x27: {  	s1 =	sld [smem:$0x3FAC]  }
0x28: {  	s2 =	sld [smem:$0x3FAD]  }
0x29: {  	s4 =	sld [smem:$0x3FAF]  }
0x2a: {  	p0 =	seq.s32 s5, $0x0;
	s5 =	sld [smem:$0x3FB0]  }
0x2b: {  	s6 =	sld [smem:$0x3FB1]  }
0x2c: {  	s7 =	sld [smem:$0x3FB2]  }
0x2d: {  	s3 =	simm.s32 $0x108;
	s8 =	sld [smem:$0x3FB3]  }
0x2e: {  	s3 =	simm.s32 @!p0 $0x1082;
	s9 =	sld [smem:$0x3FB4]  }
0x2f: {  	lr =	sadd.s32 s0, s3;
	s0 =	sld [smem:$0x3FAB]  }
0x30: {  	s3 =	sld [smem:$0x3FAE]  }
0x31: {  	[smem:$0x3FB7] =	sst s10  }
0x32: {  	s10 =	sld [smem:$0x3FB5];
	_ =	sdelay $0x3  }
0x33: {  	p0 =	seq.s32 s10, $0x1;
	s10 =	sld [smem:$0x3FB7];
	_ =	sdelay $0x3  }
0x34: {  	[smem:$0x3FB7] =	sst s10  }
0x35: {  	s10 =	sld [smem:$0x3FB6];
	_ =	sdelay $0x3  }
0x36: {  	p1 =	seq.s32 s10, $0x1;
	s10 =	sld [smem:$0x3FB7];
	_ =	sdelay $0x3  }
0x37: {  	[smem:$0x3FB7] =	sst s10  }
0x38: {  	s10 =	sld [smem:$0x3FB8]  }
0x39: {  	_ = 	snop;
	(pc) =	sbr.ind lr, $3  }
0x3a: {  	_ = 	snop  }
0x3b: {  	_ = 	snop  }
0x3c: {  	p2 =	seq.s32 s10, $0x1;
	s10 =	sld [smem:$0x3FB7]  }
0x3d: {  	_ =	shalt  }
0x3e: {  	_ =	shalt  }
0x3f: {  	_ =	shalt  }
0x40: {  	_ =	shalt  }
0x41: {  	_ =	shalt  }
0x42: {  	_ =	shalt  }
0x43: {  	_ =	shalt  }
0x44: {  	_ =	shalt  }
0x45: {  	_ =	shalt  }
0x46: {  	_ =	shalt  }
0x47: {  	_ =	shalt  }
0x48: {  	_ =	shalt  }
0x49: {  	_ =	shalt  }
0x4a: {  	_ =	shalt  }
0x4b: {  	_ =	shalt  }
0x4c: {  	_ =	shalt  }
0x4d: {  	_ =	shalt  }
0x4e: {  	_ =	shalt  }
0x4f: {  	_ =	shalt  }
0x50: {  	_ =	shalt  }
0x51: {  	_ =	shalt  }
0x52: {  	_ =	shalt  }
0x53: {  	_ =	shalt  }
0x54: {  	_ =	shalt  }
0x55: {  	_ =	shalt  }
0x56: {  	_ =	shalt  }
0x57: {  	_ =	shalt  }
0x58: {  	_ =	shalt  }
0x59: {  	_ =	shalt  }
0x5a: {  	_ =	shalt  }
0x5b: {  	_ =	shalt  }
0x5c: {  	_ =	shalt  }
0x5d: {  	_ =	shalt  }
0x5e: {  	_ =	shalt  }
0x5f: {  	_ =	shalt  }
0x60: {  	_ =	shalt  }
0x61: {  	_ =	shalt  }
0x62: {  	_ =	shalt  }
0x63: {  	_ =	shalt  }
0x64: {  	_ =	shalt  }
0x65: {  	_ =	shalt  }
0x66: {  	_ =	shalt  }
0x67: {  	_ =	shalt  }
0x68: {  	_ =	shalt  }
0x69: {  	_ =	shalt  }
0x6a: {  	_ =	shalt  }
0x6b: {  	_ =	shalt  }
0x6c: {  	_ =	shalt  }
0x6d: {  	_ =	shalt  }
0x6e: {  	_ =	shalt  }
0x6f: {  	_ =	shalt  }
0x70: {  	_ =	shalt  }
0x71: {  	_ =	shalt  }
0x72: {  	_ =	shalt  }
0x73: {  	_ =	shalt  }
0x74: {  	_ =	shalt  }
0x75: {  	_ =	shalt  }
0x76: {  	_ =	shalt  }
0x77: {  	_ =	shalt  }
0x78: {  	_ =	shalt  }
0x79: {  	_ =	shalt  }
0x7a: {  	_ =	shalt  }
0x7b: {  	_ =	shalt  }
0x7c: {  	_ =	shalt  }
0x7d: {  	_ =	shalt  }
0x7e: {  	_ =	shalt  }
0x7f: {  	_ =	shalt  }
0x80: {  	_ =	shalt  }
0x81: {  	_ =	shalt  }
0x82: {  	_ =	shalt  }
0x83: {  	_ =	shalt  }
0x84: {  	_ =	shalt  }
0x85: {  	_ =	shalt  }
0x86: {  	_ =	shalt  }
0x87: {  	_ =	shalt  }
.Lfunc_end0:
.L_simem_size_0:
called_computation_lowered:
.L_overlay_start_0:
0x88: {  	s2 =	sld [smem:$0x3FD9]  }
0x89: {  	s3 =	sld [smem:$0x3FFE];
	_ =	sdelay $0x1  }
0x8a: {  	s1 =	srdreg.scid  }
0x8b: {  	s0 =	sand.u32 $0x1, s1  }
0x8c: {  	s17 =	sshll.u32 s0, $0xA;
	s2 =	sadd.s32 s3, s2  }
0x8d: {  	s2 =	sadd.s32 s2, s17  }
0x8e: {  	[smem:$0x3FC3] =	sst s2  }
0x8f: {  	_ = 	snop  }
0x90: {  	s2 =	sld [smem:$0x3FD0];
	(tm) =	ssettm $0x1  }
0x91: {  	s18 =	sld [smem:$0x3FFB];
	_ =	sdelay $0x3  }
0x92: {  	_ =	strace s18  }
0x93: {  	s3 =	sld [smem:$0x3FFC];
	_ =	sdelay $0x3  }
0x94: {  	_ =	strace s3  }
0x95: {  	s3 =	sld [smem:$0x3FFD];
	_ =	sdelay $0x3  }
0x96: {  	_ =	strace s3  }
0x97: {  	_ =	strace $0x8FFFFFFF  }
0x98: {  	s19 =	sld [smem:$0x3FDB];
	_ =	sdelay $0x1  }
0x99: {  	s4 =	simm.s32 $_scs_section_size  }
0x9a: {  	s5 =	simm.s32 $_size__tile_overlayer_lowered;
	s6 =	simm.s32 $_tile_overlayer_lowered  }
0x9b: {  	s22 =	simm.s32 $0x1BFF;
	s21 =	sshll.u32 s6, $0x1;
	s3 =	sadd.s32 s4, s19  }
0x9c: {  	s7 =	simm.s32 $0x0;
	s20 =	sshll.u32 s5, $0x1;
	s5 =	sadd.s32 s21, s3  }
0x9d: {  	[timem:s7], [sflag:s22] =	dma.local [hbm:s5], s20  }
0x9e: {  	_ =	swait.ge [sflag:s22], s20  }
0x9f: {  	s4 =	ssub.s32 $0x0, s20;
	[sflag:s22] =	ssyncset.done $0x0  }
0xa0: {  	[sflag:s22] =	ssyncadd.s32 s4;
	_ =	sdelay $0x1  }
0xa1: {  	s23 =	simm.s32 $0x1B8B  }
0xa2: {  	_ =	swait.ge [sflag:s23], $0x1  }
0xa3: {  	[sflag:s23] =	ssyncset.done $0x0  }
0xa4: {  	s25 =	simm.s32 $0x1B8E;
	s24 =	sld [smem:$0x3FFE];
	[sflag:s23] =	ssyncadd.s32 $0xFFFFFFFF  }
0xa5: {  	s26 =	simm.s32 $execute0_lowered;
	[smem:$0x3FD2] =	sst s25  }
0xa6: {  	s5 =	sshll.u32 s26, $0x1;
	_ =	strace $0x80000046;
	[dreg:$0x1] =	wrdreg $0xFFFFFFFF  }
0xa7: {  	s28 =	simm.s32 $_size_execute0_lowered;
	s3 =	sadd.s32 s3, s5;
	[dreg:$0x0] =	wrdreg $0x0  }
0xa8: {  	s5 =	sshll.u32 s28, $0x1;
	[dreg:$0x2] =	wrdreg s3  }
0xa9: {  	[dreg:$0x3] =	wrdreg s5  }
0xaa: {  	[dreg:$0x4] =	wrdreg $0xC0  }
0xab: {  	_ =	task [dreg:s7], $0x5FFFF  }
0xac: {  	[dreg:$0x1] =	wrdreg $0xFFFFFFFF  }
0xad: {  	[dreg:$0x0] =	wrdreg $0x60  }
0xae: {  	[dreg:$0x2] =	wrdreg s24  }
0xaf: {  	[dreg:$0x3] =	wrdreg s2  }
0xb0: {  	[dreg:$0x4] =	wrdreg $0x9  }
0xb1: {  	_ =	task.clear_ibuf [dreg:s7], $0x5FFFF;
	_ =	strace $0x90000046  }
0xb2: {  	s29 =	simm.s32 $0x9;
	_ =	strace $0x80000048  }
0xb3: {  	_ =	swait.ge [sflag:s29], $0x1  }
0xb4: {  	[sflag:s29] =	ssyncadd.s32 $0xFFFFFFFF  }
0xb5: {  	_ =	strace $0x90000048  }
0xb6: {  	_ =	sfence  }
0xb7: {  	s30 =	sld [smem:$0x0];
	_ =	sdelay $0x2  }
0xb8: {  	s31 =	sshll.u32 s1, $0xD;
	s1 =	sshrl.u32 s1, $0x2  }
0xb9: {  	s3 =	sand.u32 $0x4000, s31;
	s1 =	sadd.s32 s1, s30  }
0xba: {  	s0 =	sor.u32 s3, s0;
	s1 =	sshll.u32 s1, $0x11  }
0xbb: {  	s0 =	sor.u32 s1, s0  }
0xbc: {  	s0 =	sadd.s32 $0x8F2B, s0  }
0xbd: {  	[sflag:s0] =	ssyncadd.remote.s32 $0x1  }
0xbe: {  	_ =	sfence.sel $0xFFFF  }
0xbf: {  	[dreg:$0x0] =	wrdreg $0xFFFFFFFF;
	(pc) =	sbr.abs _section_cstart, $3  }
0xc0: {  	[dreg:$0x1] =	wrdreg $0xFFFFFFFF  }
0xc1: {  	_ =	task.clear_ibuf [dreg:s7], $0x2FFFF;
	_ =	strace $0x9FFFFFFF  }
0xc2: {  	(tm) =	ssettm $0x7FFFFFFF  }
0xc3: {  	_ =	shalt  }
tec
execute0_lowered:
.L_overlay_start_1:
0x0: {  	(tag) =	ssettag $0x1  }
0x1: {  	s0 =	rddreg [dreg:$0x0];
	s1 =	simm.s32 $0x0  }
0x2: {  	s24 =	srdreg.scid;
	s8 =	stileid.u32;
	s14 =	simm.s32 $0x3  }
0x3: {  	s16 =	simm.s32 $0x100;
	s21 =	simm.s32 $0x10300;
	s22 =	simm.s32 $0x300  }
0x4: {  	s23 =	simm.s32 $0x8300;
	s28 =	simm.s32 $0x7300;
	s29 =	simm.s32 $0xF300  }
0x5: {  	s30 =	simm.s32 $0x7700;
	s31 =	simm.s32 $0xF700;
	s13 =	simm.s32 $0x7F00  }
0x6: {  	s15 =	simm.s32 $0x2;
	s17 =	simm.s32 $0x11300;
	s19 =	simm.s32 $0x0  }
0x7: {  	[smem:$0x7FF] =	sst s1;
	s3 =	sadd.s32 $0x1400, s0;
	s4 =	sadd.s32 $0xC00, s0  }
0x8: {  	s5 =	sadd.s32 $0xF46800, s0;
	s6 =	sadd.s32 $0xF46000, s0;
	s7 =	sadd.s32 $0xF47000, s0  }
0x9: {  	s1 =	sand.u32 $0x1, s24;
	s9 =	sadd.s32 $0xF47800, s0;
	s10 =	sadd.s32 $0x3C00, s0  }
0xa: {  	s11 =	sadd.s32 $0x1C00, s0;
	s26 =	sshll.u32 s8, $0x7;
	s2 =	ssub.s32 $0x2, s1  }
0xb: {  	s8 =	simm.s32 $0xFB00;
	s1 =	sshll.u32 s1, $0x6;
	s25 =	sshrl.u32 s2, $0x1  }
0xc: {  	_ =	strace $0x80000047;
	s12 =	sor.u32 s1, s26;
	s0 =	ssub.s32 s2, s25  }
0xd: {  	s26 =	simm.s32 $0xEF00;
	s1 =	simm.s32 $0xFF00;
	s0 =	smax.u32 s0, $0x1  }
0xe: {  	v0 =	vlaneseq.u32;
	s2 =	simm.s32 $0x1;
	[dreg:$0x3] =	wrdreg s0;
	s0 =	simm.s32 $0x7B00  }
.LBB2_1:
0xf: {  	[dreg:$0x4] =	wrdreg s19;
	s18 =	simm.s32 $0x0  }
.LBB2_2:
0x10: {  	s19 =	sshll.u32 s18, $0x2  }
0x11: {  	s19 =	sadd.s32 s12, s19  }
0x12: {  	s20 =	simm.s32 $0x0;
	s24 =	sadd.s32 s3, s19  }
0x13: {  	[tilespmem:s20], [sflag:$0x3] =	stream.linear.gather [hbm4b:s24+s20], $0x20, $0x38;
	[tilespmem:$0x11380] =	vst v63  }
0x14: {  	_ =	swait.ge [sflag:s14], $0x20  }
0x15: {  	[sflag:s14] =	ssyncset.done $0x0  }
0x16: {  	s25 =	simm.s32 $0x200;
	s24 =	sadd.s32 s7, s19;
	[sflag:s14] =	ssyncadd.s32 $0xFFFFFFE0  }
0x17: {  	[tilespmem:s25], [sflag:$0x3] =	stream.linear.gather [hbm4b:s24+s20], $0x20, $0x38;
	[tilespmem:$0x11380] =	vst v63  }
0x18: {  	_ =	swait.ge [sflag:s14], $0x20  }
0x19: {  	[sflag:s14] =	ssyncset.done $0x0  }
0x1a: {  	s25 =	sadd.s32 s5, s19;
	[sflag:s14] =	ssyncadd.s32 $0xFFFFFFE0  }
0x1b: {  	[tilespmem:s16], [sflag:$0x3] =	stream.linear.gather [hbm4b:s25+s20], $0x20, $0x38;
	[tilespmem:$0x11380] =	vst v63  }
0x1c: {  	_ =	swait.ge [sflag:s14], $0x20  }
0x1d: {  	[sflag:s14] =	ssyncset.done $0x0  }
0x1e: {  	s24 =	sadd.s32 s4, s19;
	s25 =	simm.s32 $0x80;
	[sflag:s14] =	ssyncadd.s32 $0xFFFFFFE0  }
0x1f: {  	[tilespmem:s25], [sflag:$0x3] =	stream.linear.gather [hbm4b:s24+s20], $0x20, $0x38;
	[tilespmem:$0x11380] =	vst v63  }
0x20: {  	_ =	swait.ge [sflag:s14], $0x20  }
0x21: {  	[sflag:s14] =	ssyncset.done $0x0  }
0x22: {  	s24 =	sadd.s32 s9, s19;
	s25 =	simm.s32 $0x280;
	[sflag:s14] =	ssyncadd.s32 $0xFFFFFFE0  }
0x23: {  	[tilespmem:s25], [sflag:$0x3] =	stream.linear.gather [hbm4b:s24+s20], $0x20, $0x38;
	[tilespmem:$0x11380] =	vst v63  }
0x24: {  	_ =	swait.ge [sflag:s14], $0x20  }
0x25: {  	[sflag:s14] =	ssyncset.done $0x0  }
0x26: {  	s24 =	sadd.s32 s6, s19;
	s25 =	simm.s32 $0x180;
	[sflag:s14] =	ssyncadd.s32 $0xFFFFFFE0  }
0x27: {  	[tilespmem:s25], [sflag:$0x3] =	stream.linear.gather [hbm4b:s24+s20], $0x20, $0x38;
	[tilespmem:$0x11380] =	vst v63  }
0x28: {  	_ =	swait.ge [sflag:s14], $0x20  }
0x29: {  	[sflag:s14] =	ssyncset.done $0x0  }
0x2a: {  	s25 =	simm.s32 $0x20;
	[sflag:s14] =	ssyncadd.s32 $0xFFFFFFE0  }
0x2b: {  	[tilespmem:s21], [sflag:$0x2] =	stream.indirect.gather [hbm4b:s11+s25], $0x80, s16, s25, $0xb8;
	[tilespmem:$0x11380] =	vst v63  }
0x2c: {  	v1 =	vld [tilespmem:$0x0];
	_ =	sdelay $0x2  }
0x2d: {  	v3 =	vld [tilespmem:$0x200];
	_ =	sdelay $0x1  }
0x2e: {  	v2 =	vshll.u32 v1, $0x7  }
0x2f: {  	(v2sf) =	vpush v2, $0x0;
	_ =	sdelay $0x1  }
0x30: {  	v1 =	vshll.u32 v3, $0x7  }
0x31: {  	(v2sf) =	vpush v1, $0x0;
	_ =	sdelay $0x2  }
0x32: {  	(v2sf) =	vpush v2, $0x1;
	_ =	sdelay $0x4  }
0x33: {  	(v2sf) =	vpush v1, $0x1;
	_ =	sdelay $0x3  }
0x34: {  	s25 =	spop (v2sf);
	(v2sf) =	vpush v2, $0x2;
	_ =	sdelay $0x1  }
0x35: {  	s24 =	sand.u32 $0x1FFFFF80, s25  }
0x36: {  	s25 =	spop (v2sf);
	s24 =	sadd.s32 s10, s24  }
0x37: {  	(v2sf) =	vpush v1, $0x2;
	[tilespmem:s22], [sflag:$0x1] =	stream.linear.gather [hbm4b:s24+s20], $0x400, $0x38;
	[tilespmem:$0x11380] =	vst v63  }
0x38: {  	s24 =	sand.u32 $0x1FFFFF80, s25  }
0x39: {  	s25 =	spop (v2sf);
	s24 =	sadd.s32 s10, s24  }
0x3a: {  	[tilespmem:s23], [sflag:$0x1] =	stream.linear.gather [hbm4b:s24+s20], $0x400, $0x38;
	[tilespmem:$0x11380] =	vst v63  }
0x3b: {  	(v2sf) =	vpush v2, $0x3;
	s24 =	sand.u32 $0x1FFFFF80, s25  }
0x3c: {  	s25 =	simm.s32 $0x700;
	s24 =	sadd.s32 s10, s24  }
0x3d: {  	[tilespmem:s25], [sflag:$0x1] =	stream.linear.gather [hbm4b:s24+s20], $0x400, $0x38;
	[tilespmem:$0x11380] =	vst v63  }
0x3e: {  	s25 =	spop (v2sf)  }
0x3f: {  	(v2sf) =	vpush v1, $0x3;
	s24 =	sand.u32 $0x1FFFFF80, s25  }
0x40: {  	s25 =	simm.s32 $0x8700;
	s24 =	sadd.s32 s10, s24  }
0x41: {  	[tilespmem:s25], [sflag:$0x1] =	stream.linear.gather [hbm4b:s24+s20], $0x400, $0x38;
	[tilespmem:$0x11380] =	vst v63  }
0x42: {  	s25 =	spop (v2sf)  }
0x43: {  	(v2sf) =	vpush v2, $0x4;
	s24 =	sand.u32 $0x1FFFFF80, s25  }
0x44: {  	s25 =	simm.s32 $0xB00;
	s24 =	sadd.s32 s10, s24  }
0x45: {  	[tilespmem:s25], [sflag:$0x1] =	stream.linear.gather [hbm4b:s24+s20], $0x400, $0x38;
	[tilespmem:$0x11380] =	vst v63  }
0x46: {  	s25 =	spop (v2sf)  }
0x47: {  	(v2sf) =	vpush v1, $0x4;
	s24 =	sand.u32 $0x1FFFFF80, s25  }
0x48: {  	s25 =	simm.s32 $0x8B00;
	s24 =	sadd.s32 s10, s24  }
0x49: {  	[tilespmem:s25], [sflag:$0x1] =	stream.linear.gather [hbm4b:s24+s20], $0x400, $0x38;
	[tilespmem:$0x11380] =	vst v63  }
0x4a: {  	s25 =	spop (v2sf)  }
0x4b: {  	(v2sf) =	vpush v2, $0x5;
	s24 =	sand.u32 $0x1FFFFF80, s25  }
0x4c: {  	s25 =	simm.s32 $0xF00;
	s24 =	sadd.s32 s10, s24  }
0x4d: {  	[tilespmem:s25], [sflag:$0x1] =	stream.linear.gather [hbm4b:s24+s20], $0x400, $0x38;
	[tilespmem:$0x11380] =	vst v63  }
0x4e: {  	s25 =	spop (v2sf)  }
0x4f: {  	(v2sf) =	vpush v1, $0x5;
	s24 =	sand.u32 $0x1FFFFF80, s25  }
0x50: {  	s25 =	simm.s32 $0x8F00;
	s24 =	sadd.s32 s10, s24  }
0x51: {  	[tilespmem:s25], [sflag:$0x1] =	stream.linear.gather [hbm4b:s24+s20], $0x400, $0x38;
	[tilespmem:$0x11380] =	vst v63  }
0x52: {  	s25 =	spop (v2sf)  }
0x53: {  	(v2sf) =	vpush v2, $0x6;
	s24 =	sand.u32 $0x1FFFFF80, s25  }
0x54: {  	s25 =	simm.s32 $0x1300;
	s24 =	sadd.s32 s10, s24  }
0x55: {  	[tilespmem:s25], [sflag:$0x1] =	stream.linear.gather [hbm4b:s24+s20], $0x400, $0x38;
	[tilespmem:$0x11380] =	vst v63  }
0x56: {  	s25 =	spop (v2sf)  }
0x57: {  	(v2sf) =	vpush v1, $0x6;
	s24 =	sand.u32 $0x1FFFFF80, s25  }
0x58: {  	s25 =	simm.s32 $0x9300;
	s24 =	sadd.s32 s10, s24  }
0x59: {  	[tilespmem:s25], [sflag:$0x1] =	stream.linear.gather [hbm4b:s24+s20], $0x400, $0x38;
	[tilespmem:$0x11380] =	vst v63  }
0x5a: {  	s25 =	spop (v2sf)  }
0x5b: {  	(v2sf) =	vpush v2, $0x7;
	s24 =	sand.u32 $0x1FFFFF80, s25  }
0x5c: {  	s25 =	simm.s32 $0x1700;
	s24 =	sadd.s32 s10, s24  }
0x5d: {  	[tilespmem:s25], [sflag:$0x1] =	stream.linear.gather [hbm4b:s24+s20], $0x400, $0x38;
	[tilespmem:$0x11380] =	vst v63  }
0x5e: {  	s25 =	spop (v2sf)  }
0x5f: {  	(v2sf) =	vpush v1, $0x7;
	s24 =	sand.u32 $0x1FFFFF80, s25  }
0x60: {  	s25 =	simm.s32 $0x9700;
	s24 =	sadd.s32 s10, s24  }
0x61: {  	[tilespmem:s25], [sflag:$0x1] =	stream.linear.gather [hbm4b:s24+s20], $0x400, $0x38;
	[tilespmem:$0x11380] =	vst v63  }
0x62: {  	s25 =	spop (v2sf)  }
0x63: {  	(v2sf) =	vpush v2, $0x8;
	s24 =	sand.u32 $0x1FFFFF80, s25  }
0x64: {  	s25 =	simm.s32 $0x1B00;
	s24 =	sadd.s32 s10, s24  }
0x65: {  	[tilespmem:s25], [sflag:$0x1] =	stream.linear.gather [hbm4b:s24+s20], $0x400, $0x38;
	[tilespmem:$0x11380] =	vst v63  }
0x66: {  	s25 =	spop (v2sf)  }
0x67: {  	(v2sf) =	vpush v1, $0x8;
	s24 =	sand.u32 $0x1FFFFF80, s25  }
0x68: {  	s25 =	simm.s32 $0x9B00;
	s24 =	sadd.s32 s10, s24  }
0x69: {  	[tilespmem:s25], [sflag:$0x1] =	stream.linear.gather [hbm4b:s24+s20], $0x400, $0x38;
	[tilespmem:$0x11380] =	vst v63  }
0x6a: {  	s25 =	spop (v2sf)  }
0x6b: {  	(v2sf) =	vpush v2, $0x9;
	s24 =	sand.u32 $0x1FFFFF80, s25  }
0x6c: {  	s25 =	simm.s32 $0x1F00;
	s24 =	sadd.s32 s10, s24  }
0x6d: {  	[tilespmem:s25], [sflag:$0x1] =	stream.linear.gather [hbm4b:s24+s20], $0x400, $0x38;
	[tilespmem:$0x11380] =	vst v63  }
0x6e: {  	s25 =	spop (v2sf)  }
0x6f: {  	(v2sf) =	vpush v1, $0x9;
	s24 =	sand.u32 $0x1FFFFF80, s25  }
0x70: {  	s25 =	simm.s32 $0x9F00;
	s24 =	sadd.s32 s10, s24  }
0x71: {  	[tilespmem:s25], [sflag:$0x1] =	stream.linear.gather [hbm4b:s24+s20], $0x400, $0x38;
	[tilespmem:$0x11380] =	vst v63  }
0x72: {  	s25 =	spop (v2sf)  }
0x73: {  	(v2sf) =	vpush v2, $0xA;
	s24 =	sand.u32 $0x1FFFFF80, s25  }
0x74: {  	s25 =	simm.s32 $0x2300;
	s24 =	sadd.s32 s10, s24  }
0x75: {  	[tilespmem:s25], [sflag:$0x1] =	stream.linear.gather [hbm4b:s24+s20], $0x400, $0x38;
	[tilespmem:$0x11380] =	vst v63  }
0x76: {  	s25 =	spop (v2sf)  }
0x77: {  	(v2sf) =	vpush v1, $0xA;
	s24 =	sand.u32 $0x1FFFFF80, s25  }
0x78: {  	s25 =	simm.s32 $0xA300;
	s24 =	sadd.s32 s10, s24  }
0x79: {  	[tilespmem:s25], [sflag:$0x1] =	stream.linear.gather [hbm4b:s24+s20], $0x400, $0x38;
	[tilespmem:$0x11380] =	vst v63  }
0x7a: {  	s25 =	spop (v2sf)  }
0x7b: {  	(v2sf) =	vpush v2, $0xB;
	s24 =	sand.u32 $0x1FFFFF80, s25  }
0x7c: {  	s25 =	simm.s32 $0x2700;
	s24 =	sadd.s32 s10, s24  }
0x7d: {  	[tilespmem:s25], [sflag:$0x1] =	stream.linear.gather [hbm4b:s24+s20], $0x400, $0x38;
	[tilespmem:$0x11380] =	vst v63  }
0x7e: {  	s25 =	spop (v2sf)  }
0x7f: {  	(v2sf) =	vpush v1, $0xB;
	s24 =	sand.u32 $0x1FFFFF80, s25  }
0x80: {  	s25 =	simm.s32 $0xA700;
	s24 =	sadd.s32 s10, s24  }
0x81: {  	[tilespmem:s25], [sflag:$0x1] =	stream.linear.gather [hbm4b:s24+s20], $0x400, $0x38;
	[tilespmem:$0x11380] =	vst v63  }
0x82: {  	s25 =	spop (v2sf)  }
0x83: {  	(v2sf) =	vpush v2, $0xC;
	s24 =	sand.u32 $0x1FFFFF80, s25  }
0x84: {  	s25 =	simm.s32 $0x2B00;
	s24 =	sadd.s32 s10, s24  }
0x85: {  	[tilespmem:s25], [sflag:$0x1] =	stream.linear.gather [hbm4b:s24+s20], $0x400, $0x38;
	[tilespmem:$0x11380] =	vst v63  }
0x86: {  	s25 =	spop (v2sf)  }
0x87: {  	(v2sf) =	vpush v1, $0xC;
	s24 =	sand.u32 $0x1FFFFF80, s25  }
0x88: {  	s25 =	simm.s32 $0xAB00;
	s24 =	sadd.s32 s10, s24  }
0x89: {  	[tilespmem:s25], [sflag:$0x1] =	stream.linear.gather [hbm4b:s24+s20], $0x400, $0x38;
	[tilespmem:$0x11380] =	vst v63  }
0x8a: {  	s25 =	spop (v2sf)  }
0x8b: {  	(v2sf) =	vpush v2, $0xD;
	s24 =	sand.u32 $0x1FFFFF80, s25  }
0x8c: {  	s25 =	simm.s32 $0x2F00;
	s24 =	sadd.s32 s10, s24  }
0x8d: {  	[tilespmem:s25], [sflag:$0x1] =	stream.linear.gather [hbm4b:s24+s20], $0x400, $0x38;
	[tilespmem:$0x11380] =	vst v63  }
0x8e: {  	s25 =	spop (v2sf)  }
0x8f: {  	(v2sf) =	vpush v1, $0xD;
	s24 =	sand.u32 $0x1FFFFF80, s25  }
0x90: {  	s25 =	simm.s32 $0xAF00;
	s24 =	sadd.s32 s10, s24  }
0x91: {  	[tilespmem:s25], [sflag:$0x1] =	stream.linear.gather [hbm4b:s24+s20], $0x400, $0x38;
	[tilespmem:$0x11380] =	vst v63  }
0x92: {  	s25 =	spop (v2sf)  }
0x93: {  	(v2sf) =	vpush v2, $0xE;
	s24 =	sand.u32 $0x1FFFFF80, s25  }
0x94: {  	s25 =	simm.s32 $0x3300;
	s24 =	sadd.s32 s10, s24  }
0x95: {  	[tilespmem:s25], [sflag:$0x1] =	stream.linear.gather [hbm4b:s24+s20], $0x400, $0x38;
	[tilespmem:$0x11380] =	vst v63  }
0x96: {  	s25 =	spop (v2sf)  }
0x97: {  	(v2sf) =	vpush v1, $0xE;
	s24 =	sand.u32 $0x1FFFFF80, s25  }
0x98: {  	s25 =	simm.s32 $0xB300;
	s24 =	sadd.s32 s10, s24  }
0x99: {  	[tilespmem:s25], [sflag:$0x1] =	stream.linear.gather [hbm4b:s24+s20], $0x400, $0x38;
	[tilespmem:$0x11380] =	vst v63  }
0x9a: {  	s25 =	spop (v2sf)  }
0x9b: {  	(v2sf) =	vpush v2, $0xF;
	s24 =	sand.u32 $0x1FFFFF80, s25  }
0x9c: {  	s25 =	simm.s32 $0x3700;
	s24 =	sadd.s32 s10, s24  }
0x9d: {  	[tilespmem:s25], [sflag:$0x1] =	stream.linear.gather [hbm4b:s24+s20], $0x400, $0x38;
	[tilespmem:$0x11380] =	vst v63  }
0x9e: {  	s25 =	spop (v2sf)  }
0x9f: {  	(v2sf) =	vpush v1, $0xF;
	s24 =	sand.u32 $0x1FFFFF80, s25  }
0xa0: {  	s25 =	simm.s32 $0xB700;
	s24 =	sadd.s32 s10, s24  }
0xa1: {  	[tilespmem:s25], [sflag:$0x1] =	stream.linear.gather [hbm4b:s24+s20], $0x400, $0x38;
	[tilespmem:$0x11380] =	vst v63  }
0xa2: {  	s25 =	spop (v2sf)  }
0xa3: {  	s24 =	sand.u32 $0x1FFFFF80, s25  }
0xa4: {  	s25 =	simm.s32 $0x3B00;
	s24 =	sadd.s32 s10, s24  }
0xa5: {  	[tilespmem:s25], [sflag:$0x1] =	stream.linear.gather [hbm4b:s24+s20], $0x400, $0x38;
	[tilespmem:$0x11380] =	vst v63  }
0xa6: {  	s25 =	spop (v2sf)  }
0xa7: {  	s24 =	sand.u32 $0x1FFFFF80, s25  }
0xa8: {  	s25 =	simm.s32 $0xBB00;
	s24 =	sadd.s32 s10, s24  }
0xa9: {  	[tilespmem:s25], [sflag:$0x1] =	stream.linear.gather [hbm4b:s24+s20], $0x400, $0x38;
	[tilespmem:$0x11380] =	vst v63  }
0xaa: {  	s25 =	spop (v2sf)  }
0xab: {  	s24 =	sand.u32 $0x1FFFFF80, s25  }
0xac: {  	s25 =	simm.s32 $0x3F00;
	s24 =	sadd.s32 s10, s24  }
0xad: {  	[tilespmem:s25], [sflag:$0x1] =	stream.linear.gather [hbm4b:s24+s20], $0x400, $0x38;
	[tilespmem:$0x11380] =	vst v63  }
0xae: {  	s25 =	spop (v2sf)  }
0xaf: {  	s24 =	sand.u32 $0x1FFFFF80, s25  }
0xb0: {  	s25 =	simm.s32 $0xBF00;
	s24 =	sadd.s32 s10, s24  }
0xb1: {  	[tilespmem:s25], [sflag:$0x1] =	stream.linear.gather [hbm4b:s24+s20], $0x400, $0x38;
	[tilespmem:$0x11380] =	vst v63  }
0xb2: {  	v1 =	vld [tilespmem:$0x10];
	_ =	sdelay $0x3  }
0xb3: {  	v3 =	vld [tilespmem:$0x210]  }
0xb4: {  	v2 =	vshll.u32 v1, $0x7  }
0xb5: {  	(v2sf) =	vpush v2, $0x0;
	_ =	sdelay $0x2  }
0xb6: {  	v1 =	vshll.u32 v3, $0x7  }
0xb7: {  	(v2sf) =	vpush v1, $0x0;
	_ =	sdelay $0x3  }
0xb8: {  	(v2sf) =	vpush v2, $0x1;
	_ =	sdelay $0x3  }
0xb9: {  	(v2sf) =	vpush v1, $0x1;
	_ =	sdelay $0x2  }
0xba: {  	s25 =	spop (v2sf)  }
0xbb: {  	(v2sf) =	vpush v2, $0x2;
	s24 =	sand.u32 $0x1FFFFF80, s25  }
0xbc: {  	s25 =	simm.s32 $0x4300;
	s24 =	sadd.s32 s10, s24  }
0xbd: {  	[tilespmem:s25], [sflag:$0x1] =	stream.linear.gather [hbm4b:s24+s20], $0x400, $0x38;
	[tilespmem:$0x11380] =	vst v63  }
0xbe: {  	s25 =	spop (v2sf)  }
0xbf: {  	(v2sf) =	vpush v1, $0x2;
	s24 =	sand.u32 $0x1FFFFF80, s25  }
0xc0: {  	s25 =	simm.s32 $0xC300;
	s24 =	sadd.s32 s10, s24  }
0xc1: {  	[tilespmem:s25], [sflag:$0x1] =	stream.linear.gather [hbm4b:s24+s20], $0x400, $0x38;
	[tilespmem:$0x11380] =	vst v63  }
0xc2: {  	s25 =	spop (v2sf)  }
0xc3: {  	(v2sf) =	vpush v2, $0x3;
	s24 =	sand.u32 $0x1FFFFF80, s25  }
0xc4: {  	s25 =	simm.s32 $0x4700;
	s24 =	sadd.s32 s10, s24  }
0xc5: {  	[tilespmem:s25], [sflag:$0x1] =	stream.linear.gather [hbm4b:s24+s20], $0x400, $0x38;
	[tilespmem:$0x11380] =	vst v63  }
0xc6: {  	s25 =	spop (v2sf)  }
0xc7: {  	(v2sf) =	vpush v1, $0x3;
	s24 =	sand.u32 $0x1FFFFF80, s25  }
0xc8: {  	s25 =	simm.s32 $0xC700;
	s24 =	sadd.s32 s10, s24  }
0xc9: {  	[tilespmem:s25], [sflag:$0x1] =	stream.linear.gather [hbm4b:s24+s20], $0x400, $0x38;
	[tilespmem:$0x11380] =	vst v63  }
0xca: {  	s25 =	spop (v2sf)  }
0xcb: {  	(v2sf) =	vpush v2, $0x4;
	s24 =	sand.u32 $0x1FFFFF80, s25  }
0xcc: {  	s25 =	simm.s32 $0x4B00;
	s24 =	sadd.s32 s10, s24  }
0xcd: {  	[tilespmem:s25], [sflag:$0x1] =	stream.linear.gather [hbm4b:s24+s20], $0x400, $0x38;
	[tilespmem:$0x11380] =	vst v63  }
0xce: {  	s25 =	spop (v2sf)  }
0xcf: {  	(v2sf) =	vpush v1, $0x4;
	s24 =	sand.u32 $0x1FFFFF80, s25  }
0xd0: {  	s25 =	simm.s32 $0xCB00;
	s24 =	sadd.s32 s10, s24  }
0xd1: {  	[tilespmem:s25], [sflag:$0x1] =	stream.linear.gather [hbm4b:s24+s20], $0x400, $0x38;
	[tilespmem:$0x11380] =	vst v63  }
0xd2: {  	s25 =	spop (v2sf)  }
0xd3: {  	(v2sf) =	vpush v2, $0x5;
	s24 =	sand.u32 $0x1FFFFF80, s25  }
0xd4: {  	s25 =	simm.s32 $0x4F00;
	s24 =	sadd.s32 s10, s24  }
0xd5: {  	[tilespmem:s25], [sflag:$0x1] =	stream.linear.gather [hbm4b:s24+s20], $0x400, $0x38;
	[tilespmem:$0x11380] =	vst v63  }
0xd6: {  	s25 =	spop (v2sf)  }
0xd7: {  	(v2sf) =	vpush v1, $0x5;
	s24 =	sand.u32 $0x1FFFFF80, s25  }
0xd8: {  	s25 =	simm.s32 $0xCF00;
	s24 =	sadd.s32 s10, s24  }
0xd9: {  	[tilespmem:s25], [sflag:$0x1] =	stream.linear.gather [hbm4b:s24+s20], $0x400, $0x38;
	[tilespmem:$0x11380] =	vst v63  }
0xda: {  	s25 =	spop (v2sf)  }
0xdb: {  	(v2sf) =	vpush v2, $0x6;
	s24 =	sand.u32 $0x1FFFFF80, s25  }
0xdc: {  	s25 =	simm.s32 $0x5300;
	s24 =	sadd.s32 s10, s24  }
0xdd: {  	[tilespmem:s25], [sflag:$0x1] =	stream.linear.gather [hbm4b:s24+s20], $0x400, $0x38;
	[tilespmem:$0x11380] =	vst v63  }
0xde: {  	s25 =	spop (v2sf)  }
0xdf: {  	(v2sf) =	vpush v1, $0x6;
	s24 =	sand.u32 $0x1FFFFF80, s25  }
0xe0: {  	s25 =	simm.s32 $0xD300;
	s24 =	sadd.s32 s10, s24  }
0xe1: {  	[tilespmem:s25], [sflag:$0x1] =	stream.linear.gather [hbm4b:s24+s20], $0x400, $0x38;
	[tilespmem:$0x11380] =	vst v63  }
0xe2: {  	s25 =	spop (v2sf)  }
0xe3: {  	(v2sf) =	vpush v2, $0x7;
	s24 =	sand.u32 $0x1FFFFF80, s25  }
0xe4: {  	s25 =	simm.s32 $0x5700;
	s24 =	sadd.s32 s10, s24  }
0xe5: {  	[tilespmem:s25], [sflag:$0x1] =	stream.linear.gather [hbm4b:s24+s20], $0x400, $0x38;
	[tilespmem:$0x11380] =	vst v63  }
0xe6: {  	s25 =	spop (v2sf)  }
0xe7: {  	(v2sf) =	vpush v1, $0x7;
	s24 =	sand.u32 $0x1FFFFF80, s25  }
0xe8: {  	s25 =	simm.s32 $0xD700;
	s24 =	sadd.s32 s10, s24  }
0xe9: {  	[tilespmem:s25], [sflag:$0x1] =	stream.linear.gather [hbm4b:s24+s20], $0x400, $0x38;
	[tilespmem:$0x11380] =	vst v63  }
0xea: {  	s25 =	spop (v2sf)  }
0xeb: {  	(v2sf) =	vpush v2, $0x8;
	s24 =	sand.u32 $0x1FFFFF80, s25  }
0xec: {  	s25 =	simm.s32 $0x5B00;
	s24 =	sadd.s32 s10, s24  }
0xed: {  	[tilespmem:s25], [sflag:$0x1] =	stream.linear.gather [hbm4b:s24+s20], $0x400, $0x38;
	[tilespmem:$0x11380] =	vst v63  }
0xee: {  	s25 =	spop (v2sf)  }
0xef: {  	(v2sf) =	vpush v1, $0x8;
	s24 =	sand.u32 $0x1FFFFF80, s25  }
0xf0: {  	s25 =	simm.s32 $0xDB00;
	s24 =	sadd.s32 s10, s24  }
0xf1: {  	[tilespmem:s25], [sflag:$0x1] =	stream.linear.gather [hbm4b:s24+s20], $0x400, $0x38;
	[tilespmem:$0x11380] =	vst v63  }
0xf2: {  	s25 =	spop (v2sf)  }
0xf3: {  	(v2sf) =	vpush v2, $0x9;
	s24 =	sand.u32 $0x1FFFFF80, s25  }
0xf4: {  	s25 =	simm.s32 $0x5F00;
	s24 =	sadd.s32 s10, s24  }
0xf5: {  	[tilespmem:s25], [sflag:$0x1] =	stream.linear.gather [hbm4b:s24+s20], $0x400, $0x38;
	[tilespmem:$0x11380] =	vst v63  }
0xf6: {  	s25 =	spop (v2sf)  }
0xf7: {  	(v2sf) =	vpush v1, $0x9;
	s24 =	sand.u32 $0x1FFFFF80, s25  }
0xf8: {  	s25 =	simm.s32 $0xDF00;
	s24 =	sadd.s32 s10, s24  }
0xf9: {  	[tilespmem:s25], [sflag:$0x1] =	stream.linear.gather [hbm4b:s24+s20], $0x400, $0x38;
	[tilespmem:$0x11380] =	vst v63  }
0xfa: {  	s25 =	spop (v2sf)  }
0xfb: {  	(v2sf) =	vpush v2, $0xA;
	s24 =	sand.u32 $0x1FFFFF80, s25  }
0xfc: {  	s25 =	simm.s32 $0x6300;
	s24 =	sadd.s32 s10, s24  }
0xfd: {  	[tilespmem:s25], [sflag:$0x1] =	stream.linear.gather [hbm4b:s24+s20], $0x400, $0x38;
	[tilespmem:$0x11380] =	vst v63  }
0xfe: {  	s25 =	spop (v2sf)  }
0xff: {  	(v2sf) =	vpush v1, $0xA;
	s24 =	sand.u32 $0x1FFFFF80, s25  }
0x100: {  	s25 =	simm.s32 $0xE300;
	s24 =	sadd.s32 s10, s24  }
0x101: {  	[tilespmem:s25], [sflag:$0x1] =	stream.linear.gather [hbm4b:s24+s20], $0x400, $0x38;
	[tilespmem:$0x11380] =	vst v63  }
0x102: {  	s25 =	spop (v2sf)  }
0x103: {  	(v2sf) =	vpush v2, $0xB;
	s24 =	sand.u32 $0x1FFFFF80, s25  }
0x104: {  	s25 =	simm.s32 $0x6700;
	s24 =	sadd.s32 s10, s24  }
0x105: {  	[tilespmem:s25], [sflag:$0x1] =	stream.linear.gather [hbm4b:s24+s20], $0x400, $0x38;
	[tilespmem:$0x11380] =	vst v63  }
0x106: {  	s25 =	spop (v2sf)  }
0x107: {  	(v2sf) =	vpush v1, $0xB;
	s24 =	sand.u32 $0x1FFFFF80, s25  }
0x108: {  	s25 =	simm.s32 $0xE700;
	s24 =	sadd.s32 s10, s24  }
0x109: {  	[tilespmem:s25], [sflag:$0x1] =	stream.linear.gather [hbm4b:s24+s20], $0x400, $0x38;
	[tilespmem:$0x11380] =	vst v63  }
0x10a: {  	s25 =	spop (v2sf)  }
0x10b: {  	(v2sf) =	vpush v2, $0xC;
	s24 =	sand.u32 $0x1FFFFF80, s25  }
0x10c: {  	s25 =	simm.s32 $0x6B00;
	s24 =	sadd.s32 s10, s24  }
0x10d: {  	[tilespmem:s25], [sflag:$0x1] =	stream.linear.gather [hbm4b:s24+s20], $0x400, $0x38;
	[tilespmem:$0x11380] =	vst v63  }
0x10e: {  	s25 =	spop (v2sf)  }
0x10f: {  	(v2sf) =	vpush v1, $0xC;
	s24 =	sand.u32 $0x1FFFFF80, s25  }
0x110: {  	s25 =	simm.s32 $0xEB00;
	s24 =	sadd.s32 s10, s24  }
0x111: {  	[tilespmem:s25], [sflag:$0x1] =	stream.linear.gather [hbm4b:s24+s20], $0x400, $0x38;
	[tilespmem:$0x11380] =	vst v63  }
0x112: {  	s25 =	spop (v2sf)  }
0x113: {  	(v2sf) =	vpush v2, $0xD;
	s24 =	sand.u32 $0x1FFFFF80, s25  }
0x114: {  	s25 =	simm.s32 $0x6F00;
	s24 =	sadd.s32 s10, s24  }
0x115: {  	[tilespmem:s25], [sflag:$0x1] =	stream.linear.gather [hbm4b:s24+s20], $0x400, $0x38;
	[tilespmem:$0x11380] =	vst v63  }
0x116: {  	s25 =	spop (v2sf)  }
0x117: {  	(v2sf) =	vpush v1, $0xD;
	s24 =	sand.u32 $0x1FFFFF80, s25  }
0x118: {  	s24 =	sadd.s32 s10, s24  }
0x119: {  	[tilespmem:s26], [sflag:$0x1] =	stream.linear.gather [hbm4b:s24+s20], $0x400, $0x38;
	[tilespmem:$0x11380] =	vst v63  }
0x11a: {  	s25 =	spop (v2sf)  }
0x11b: {  	(v2sf) =	vpush v2, $0xE;
	s24 =	sand.u32 $0x1FFFFF80, s25  }
0x11c: {  	s24 =	sadd.s32 s10, s24  }
0x11d: {  	[tilespmem:s28], [sflag:$0x1] =	stream.linear.gather [hbm4b:s24+s20], $0x400, $0x38;
	[tilespmem:$0x11380] =	vst v63  }
0x11e: {  	s25 =	spop (v2sf)  }
0x11f: {  	(v2sf) =	vpush v1, $0xE;
	s24 =	sand.u32 $0x1FFFFF80, s25  }
0x120: {  	s24 =	sadd.s32 s10, s24  }
0x121: {  	[tilespmem:s29], [sflag:$0x1] =	stream.linear.gather [hbm4b:s24+s20], $0x400, $0x38;
	[tilespmem:$0x11380] =	vst v63  }
0x122: {  	s25 =	spop (v2sf)  }
0x123: {  	(v2sf) =	vpush v2, $0xF;
	s24 =	sand.u32 $0x1FFFFF80, s25  }
0x124: {  	s24 =	sadd.s32 s10, s24  }
0x125: {  	[tilespmem:s30], [sflag:$0x1] =	stream.linear.gather [hbm4b:s24+s20], $0x400, $0x38;
	[tilespmem:$0x11380] =	vst v63  }
0x126: {  	s25 =	spop (v2sf)  }
0x127: {  	(v2sf) =	vpush v1, $0xF;
	s24 =	sand.u32 $0x1FFFFF80, s25  }
0x128: {  	s24 =	sadd.s32 s10, s24  }
0x129: {  	[tilespmem:s31], [sflag:$0x1] =	stream.linear.gather [hbm4b:s24+s20], $0x400, $0x38;
	[tilespmem:$0x11380] =	vst v63  }
0x12a: {  	s25 =	spop (v2sf)  }
0x12b: {  	s24 =	sand.u32 $0x1FFFFF80, s25  }
0x12c: {  	s24 =	sadd.s32 s10, s24  }
0x12d: {  	[tilespmem:s0], [sflag:$0x1] =	stream.linear.gather [hbm4b:s24+s20], $0x400, $0x38;
	[tilespmem:$0x11380] =	vst v63  }
0x12e: {  	s25 =	spop (v2sf)  }
0x12f: {  	s24 =	sand.u32 $0x1FFFFF80, s25  }
0x130: {  	s24 =	sadd.s32 s10, s24  }
0x131: {  	[tilespmem:s8], [sflag:$0x1] =	stream.linear.gather [hbm4b:s24+s20], $0x400, $0x38;
	[tilespmem:$0x11380] =	vst v63  }
0x132: {  	s25 =	spop (v2sf)  }
0x133: {  	s24 =	sand.u32 $0x1FFFFF80, s25  }
0x134: {  	s24 =	sadd.s32 s10, s24  }
0x135: {  	[tilespmem:s13], [sflag:$0x1] =	stream.linear.gather [hbm4b:s24+s20], $0x400, $0x38;
	[tilespmem:$0x11380] =	vst v63  }
0x136: {  	s25 =	spop (v2sf)  }
0x137: {  	s24 =	sand.u32 $0x1FFFFF80, s25  }
0x138: {  	s24 =	sadd.s32 s10, s24  }
0x139: {  	[tilespmem:s1], [sflag:$0x1] =	stream.linear.gather [hbm4b:s24+s20], $0x400, $0x38;
	[tilespmem:$0x11380] =	vst v63  }
0x13a: {  	_ =	swait.ge [sflag:s2], $0x400  }
0x13b: {  	[sflag:s2] =	ssyncset.done $0x0  }
0x13c: {  	[sflag:s2] =	ssyncadd.s32 $0xFFFFFC00  }
0x13d: {  	_ =	swait.ge [sflag:s2], $0x400  }
0x13e: {  	[sflag:s2] =	ssyncset.done $0x0  }
0x13f: {  	[sflag:s2] =	ssyncadd.s32 $0xFFFFFC00  }
0x140: {  	_ =	swait.ge [sflag:s2], $0x400  }
0x141: {  	[sflag:s2] =	ssyncset.done $0x0  }
0x142: {  	[sflag:s2] =	ssyncadd.s32 $0xFFFFFC00  }
0x143: {  	_ =	swait.ge [sflag:s2], $0x400  }
0x144: {  	[sflag:s2] =	ssyncset.done $0x0  }
0x145: {  	[sflag:s2] =	ssyncadd.s32 $0xFFFFFC00  }
0x146: {  	_ =	swait.ge [sflag:s2], $0x400  }
0x147: {  	[sflag:s2] =	ssyncset.done $0x0  }
0x148: {  	[sflag:s2] =	ssyncadd.s32 $0xFFFFFC00  }
0x149: {  	_ =	swait.ge [sflag:s2], $0x400  }
0x14a: {  	[sflag:s2] =	ssyncset.done $0x0  }
0x14b: {  	[sflag:s2] =	ssyncadd.s32 $0xFFFFFC00  }
0x14c: {  	_ =	swait.ge [sflag:s2], $0x400  }
0x14d: {  	[sflag:s2] =	ssyncset.done $0x0  }
0x14e: {  	[sflag:s2] =	ssyncadd.s32 $0xFFFFFC00  }
0x14f: {  	_ =	swait.ge [sflag:s2], $0x400  }
0x150: {  	[sflag:s2] =	ssyncset.done $0x0  }
0x151: {  	[sflag:s2] =	ssyncadd.s32 $0xFFFFFC00  }
0x152: {  	_ =	swait.ge [sflag:s2], $0x400  }
0x153: {  	[sflag:s2] =	ssyncset.done $0x0  }
0x154: {  	[sflag:s2] =	ssyncadd.s32 $0xFFFFFC00  }
0x155: {  	_ =	swait.ge [sflag:s2], $0x400  }
0x156: {  	[sflag:s2] =	ssyncset.done $0x0  }
0x157: {  	[sflag:s2] =	ssyncadd.s32 $0xFFFFFC00  }
0x158: {  	_ =	swait.ge [sflag:s2], $0x400  }
0x159: {  	[sflag:s2] =	ssyncset.done $0x0  }
0x15a: {  	[sflag:s2] =	ssyncadd.s32 $0xFFFFFC00  }
0x15b: {  	_ =	swait.ge [sflag:s2], $0x400  }
0x15c: {  	[sflag:s2] =	ssyncset.done $0x0  }
0x15d: {  	[sflag:s2] =	ssyncadd.s32 $0xFFFFFC00  }
0x15e: {  	_ =	swait.ge [sflag:s2], $0x400  }
0x15f: {  	[sflag:s2] =	ssyncset.done $0x0  }
0x160: {  	[sflag:s2] =	ssyncadd.s32 $0xFFFFFC00  }
0x161: {  	_ =	swait.ge [sflag:s2], $0x400  }
0x162: {  	[sflag:s2] =	ssyncset.done $0x0  }
0x163: {  	[sflag:s2] =	ssyncadd.s32 $0xFFFFFC00  }
0x164: {  	_ =	swait.ge [sflag:s2], $0x400  }
0x165: {  	[sflag:s2] =	ssyncset.done $0x0  }
0x166: {  	[sflag:s2] =	ssyncadd.s32 $0xFFFFFC00  }
0x167: {  	_ =	swait.ge [sflag:s2], $0x400  }
0x168: {  	[sflag:s2] =	ssyncset.done $0x0  }
0x169: {  	[sflag:s2] =	ssyncadd.s32 $0xFFFFFC00  }
0x16a: {  	_ =	swait.ge [sflag:s2], $0x400  }
0x16b: {  	[sflag:s2] =	ssyncset.done $0x0  }
0x16c: {  	[sflag:s2] =	ssyncadd.s32 $0xFFFFFC00  }
0x16d: {  	_ =	swait.ge [sflag:s2], $0x400  }
0x16e: {  	[sflag:s2] =	ssyncset.done $0x0  }
0x16f: {  	[sflag:s2] =	ssyncadd.s32 $0xFFFFFC00  }
0x170: {  	_ =	swait.ge [sflag:s2], $0x400  }
0x171: {  	[sflag:s2] =	ssyncset.done $0x0  }
0x172: {  	[sflag:s2] =	ssyncadd.s32 $0xFFFFFC00  }
0x173: {  	_ =	swait.ge [sflag:s2], $0x400  }
0x174: {  	[sflag:s2] =	ssyncset.done $0x0  }
0x175: {  	[sflag:s2] =	ssyncadd.s32 $0xFFFFFC00  }
0x176: {  	_ =	swait.ge [sflag:s2], $0x400  }
0x177: {  	[sflag:s2] =	ssyncset.done $0x0  }
0x178: {  	[sflag:s2] =	ssyncadd.s32 $0xFFFFFC00  }
0x179: {  	_ =	swait.ge [sflag:s2], $0x400  }
0x17a: {  	[sflag:s2] =	ssyncset.done $0x0  }
0x17b: {  	[sflag:s2] =	ssyncadd.s32 $0xFFFFFC00  }
0x17c: {  	_ =	swait.ge [sflag:s2], $0x400  }
0x17d: {  	[sflag:s2] =	ssyncset.done $0x0  }
0x17e: {  	[sflag:s2] =	ssyncadd.s32 $0xFFFFFC00  }
0x17f: {  	_ =	swait.ge [sflag:s2], $0x400  }
0x180: {  	[sflag:s2] =	ssyncset.done $0x0  }
0x181: {  	[sflag:s2] =	ssyncadd.s32 $0xFFFFFC00  }
0x182: {  	_ =	swait.ge [sflag:s2], $0x400  }
0x183: {  	[sflag:s2] =	ssyncset.done $0x0  }
0x184: {  	[sflag:s2] =	ssyncadd.s32 $0xFFFFFC00  }
0x185: {  	_ =	swait.ge [sflag:s2], $0x400  }
0x186: {  	[sflag:s2] =	ssyncset.done $0x0  }
0x187: {  	[sflag:s2] =	ssyncadd.s32 $0xFFFFFC00  }
0x188: {  	_ =	swait.ge [sflag:s2], $0x400  }
0x189: {  	[sflag:s2] =	ssyncset.done $0x0  }
0x18a: {  	[sflag:s2] =	ssyncadd.s32 $0xFFFFFC00  }
0x18b: {  	_ =	swait.ge [sflag:s2], $0x400  }
0x18c: {  	[sflag:s2] =	ssyncset.done $0x0  }
0x18d: {  	[sflag:s2] =	ssyncadd.s32 $0xFFFFFC00  }
0x18e: {  	_ =	swait.ge [sflag:s2], $0x400  }
0x18f: {  	[sflag:s2] =	ssyncset.done $0x0  }
0x190: {  	[sflag:s2] =	ssyncadd.s32 $0xFFFFFC00  }
0x191: {  	_ =	swait.ge [sflag:s2], $0x400  }
0x192: {  	[sflag:s2] =	ssyncset.done $0x0  }
0x193: {  	[sflag:s2] =	ssyncadd.s32 $0xFFFFFC00  }
0x194: {  	_ =	swait.ge [sflag:s2], $0x400  }
0x195: {  	[sflag:s2] =	ssyncset.done $0x0  }
0x196: {  	[sflag:s2] =	ssyncadd.s32 $0xFFFFFC00  }
0x197: {  	_ =	swait.ge [sflag:s2], $0x400  }
0x198: {  	[sflag:s2] =	ssyncset.done $0x0  }
0x199: {  	[sflag:s2] =	ssyncadd.s32 $0xFFFFFC00  }
0x19a: {  	_ =	swait.ge [sflag:s2], $0x400  }
0x19b: {  	[sflag:s2] =	ssyncset.done $0x0  }
0x19c: {  	[sflag:s2] =	ssyncadd.s32 $0xFFFFFC00  }
0x19d: {  	_ =	swait.ge [sflag:s2], $0x400  }
0x19e: {  	[sflag:s2] =	ssyncset.done $0x0  }
0x19f: {  	[sflag:s2] =	ssyncadd.s32 $0xFFFFFC00  }
0x1a0: {  	_ =	swait.ge [sflag:s2], $0x400  }
0x1a1: {  	[sflag:s2] =	ssyncset.done $0x0  }
0x1a2: {  	[sflag:s2] =	ssyncadd.s32 $0xFFFFFC00  }
0x1a3: {  	_ =	swait.ge [sflag:s2], $0x400  }
0x1a4: {  	[sflag:s2] =	ssyncset.done $0x0  }
0x1a5: {  	[sflag:s2] =	ssyncadd.s32 $0xFFFFFC00  }
0x1a6: {  	_ =	swait.ge [sflag:s2], $0x400  }
0x1a7: {  	[sflag:s2] =	ssyncset.done $0x0  }
0x1a8: {  	[sflag:s2] =	ssyncadd.s32 $0xFFFFFC00  }
0x1a9: {  	_ =	swait.ge [sflag:s2], $0x400  }
0x1aa: {  	[sflag:s2] =	ssyncset.done $0x0  }
0x1ab: {  	[sflag:s2] =	ssyncadd.s32 $0xFFFFFC00  }
0x1ac: {  	_ =	swait.ge [sflag:s2], $0x400  }
0x1ad: {  	[sflag:s2] =	ssyncset.done $0x0  }
0x1ae: {  	[sflag:s2] =	ssyncadd.s32 $0xFFFFFC00  }
0x1af: {  	_ =	swait.ge [sflag:s2], $0x400  }
0x1b0: {  	[sflag:s2] =	ssyncset.done $0x0  }
0x1b1: {  	[sflag:s2] =	ssyncadd.s32 $0xFFFFFC00  }
0x1b2: {  	_ =	swait.ge [sflag:s2], $0x400  }
0x1b3: {  	[sflag:s2] =	ssyncset.done $0x0  }
0x1b4: {  	[sflag:s2] =	ssyncadd.s32 $0xFFFFFC00  }
0x1b5: {  	_ =	swait.ge [sflag:s2], $0x400  }
0x1b6: {  	[sflag:s2] =	ssyncset.done $0x0  }
0x1b7: {  	[sflag:s2] =	ssyncadd.s32 $0xFFFFFC00  }
0x1b8: {  	_ =	swait.ge [sflag:s2], $0x400  }
0x1b9: {  	[sflag:s2] =	ssyncset.done $0x0  }
0x1ba: {  	[sflag:s2] =	ssyncadd.s32 $0xFFFFFC00  }
0x1bb: {  	_ =	swait.ge [sflag:s2], $0x400  }
0x1bc: {  	[sflag:s2] =	ssyncset.done $0x0  }
0x1bd: {  	[sflag:s2] =	ssyncadd.s32 $0xFFFFFC00  }
0x1be: {  	_ =	swait.ge [sflag:s2], $0x400  }
0x1bf: {  	[sflag:s2] =	ssyncset.done $0x0  }
0x1c0: {  	[sflag:s2] =	ssyncadd.s32 $0xFFFFFC00  }
0x1c1: {  	_ =	swait.ge [sflag:s2], $0x400  }
0x1c2: {  	[sflag:s2] =	ssyncset.done $0x0  }
0x1c3: {  	[sflag:s2] =	ssyncadd.s32 $0xFFFFFC00  }
0x1c4: {  	_ =	swait.ge [sflag:s2], $0x400  }
0x1c5: {  	[sflag:s2] =	ssyncset.done $0x0  }
0x1c6: {  	[sflag:s2] =	ssyncadd.s32 $0xFFFFFC00  }
0x1c7: {  	_ =	swait.ge [sflag:s2], $0x400  }
0x1c8: {  	[sflag:s2] =	ssyncset.done $0x0  }
0x1c9: {  	[sflag:s2] =	ssyncadd.s32 $0xFFFFFC00  }
0x1ca: {  	_ =	swait.ge [sflag:s2], $0x400  }
0x1cb: {  	[sflag:s2] =	ssyncset.done $0x0  }
0x1cc: {  	[sflag:s2] =	ssyncadd.s32 $0xFFFFFC00  }
0x1cd: {  	_ =	swait.ge [sflag:s2], $0x400  }
0x1ce: {  	[sflag:s2] =	ssyncset.done $0x0  }
0x1cf: {  	[sflag:s2] =	ssyncadd.s32 $0xFFFFFC00  }
0x1d0: {  	_ =	swait.ge [sflag:s2], $0x400  }
0x1d1: {  	[sflag:s2] =	ssyncset.done $0x0  }
0x1d2: {  	[sflag:s2] =	ssyncadd.s32 $0xFFFFFC00  }
0x1d3: {  	_ =	swait.ge [sflag:s2], $0x400  }
0x1d4: {  	[sflag:s2] =	ssyncset.done $0x0  }
0x1d5: {  	[sflag:s2] =	ssyncadd.s32 $0xFFFFFC00  }
0x1d6: {  	_ =	swait.ge [sflag:s2], $0x400  }
0x1d7: {  	[sflag:s2] =	ssyncset.done $0x0  }
0x1d8: {  	[sflag:s2] =	ssyncadd.s32 $0xFFFFFC00  }
0x1d9: {  	_ =	swait.ge [sflag:s2], $0x400  }
0x1da: {  	[sflag:s2] =	ssyncset.done $0x0  }
0x1db: {  	[sflag:s2] =	ssyncadd.s32 $0xFFFFFC00  }
0x1dc: {  	_ =	swait.ge [sflag:s2], $0x400  }
0x1dd: {  	[sflag:s2] =	ssyncset.done $0x0  }
0x1de: {  	[sflag:s2] =	ssyncadd.s32 $0xFFFFFC00  }
0x1df: {  	_ =	swait.ge [sflag:s2], $0x400  }
0x1e0: {  	[sflag:s2] =	ssyncset.done $0x0  }
0x1e1: {  	[sflag:s2] =	ssyncadd.s32 $0xFFFFFC00  }
0x1e2: {  	_ =	swait.ge [sflag:s2], $0x400  }
0x1e3: {  	[sflag:s2] =	ssyncset.done $0x0  }
0x1e4: {  	[sflag:s2] =	ssyncadd.s32 $0xFFFFFC00  }
0x1e5: {  	_ =	swait.ge [sflag:s2], $0x400  }
0x1e6: {  	[sflag:s2] =	ssyncset.done $0x0  }
0x1e7: {  	[sflag:s2] =	ssyncadd.s32 $0xFFFFFC00  }
0x1e8: {  	_ =	swait.ge [sflag:s2], $0x400  }
0x1e9: {  	[sflag:s2] =	ssyncset.done $0x0  }
0x1ea: {  	[sflag:s2] =	ssyncadd.s32 $0xFFFFFC00  }
0x1eb: {  	_ =	swait.ge [sflag:s2], $0x400  }
0x1ec: {  	[sflag:s2] =	ssyncset.done $0x0  }
0x1ed: {  	[sflag:s2] =	ssyncadd.s32 $0xFFFFFC00  }
0x1ee: {  	_ =	swait.ge [sflag:s2], $0x400  }
0x1ef: {  	[sflag:s2] =	ssyncset.done $0x0  }
0x1f0: {  	[sflag:s2] =	ssyncadd.s32 $0xFFFFFC00  }
0x1f1: {  	_ =	swait.ge [sflag:s2], $0x400  }
0x1f2: {  	[sflag:s2] =	ssyncset.done $0x0  }
0x1f3: {  	[sflag:s2] =	ssyncadd.s32 $0xFFFFFC00  }
0x1f4: {  	_ =	swait.ge [sflag:s2], $0x400  }
0x1f5: {  	[sflag:s2] =	ssyncset.done $0x0  }
0x1f6: {  	[sflag:s2] =	ssyncadd.s32 $0xFFFFFC00  }
0x1f7: {  	_ =	swait.ge [sflag:s2], $0x400  }
0x1f8: {  	[sflag:s2] =	ssyncset.done $0x0  }
0x1f9: {  	[sflag:s2] =	ssyncadd.s32 $0xFFFFFC00  }
0x1fa: {  	_ =	swait.ge [sflag:s15], $0x1000  }
0x1fb: {  	[sflag:s15] =	ssyncset.done $0x0  }
0x1fc: {  	p0 =	por $0x1, $0x1;
	[sflag:s15] =	ssyncadd.s32 $0xFFFFF000  }
.LBB2_3:
0x1fd: {  	v1 =	vld [tilespmem:s20+$0x80]  }
0x1fe: {  	v2 =	vld [tilespmem:s20+$0x180];
	_ =	sdelay $0x1  }
0x1ff: {  	v5 =	vld [tilespmem:s20+$0x280]  }
0x200: {  	v3 =	vor.u32 s20, v0  }
0x201: {  	v6 =	vshll.u32 v3, $0xA  }
0x202: {  	v4 =	vshll.u32 v3, $0x7;
	v1 =	vshll.u32 v1, $0x7;
	v7 =	vand.u32 $0xFFFFFF80, v2  }
0x203: {  	v3 =	vadd.s32 v6, v1;
	v1 =	vand.u32 $0x7F, v2;
	v7 =	vadd.s32 v4, v7  }
0x204: {  	v5 =	vshll.u32 v5, $0x7;
	v7 =	vor.u32 v1, v7  }
0x205: {  	v1 =	vadd.s32 v6, v5  }
0x206: {  	v53 =	vor.u32 $0x1, v3  }
0x207: {  	v8 =	vadd.s32 $0x1, v2;
	v11 =	vor.u32 $0x2, v3  }
0x208: {  	v10 =	vadd.s32 $0x2, v2;
	v15 =	vadd.s32 $0x3, v2;
	v16 =	vor.u32 $0x3, v3;
	v54 =	vld.idx.msk [tilespmem:v3+s22+$0x0], $0xffff  }
0x209: {  	v58 =	vadd.s32 $0x4, v2;
	v20 =	vadd.s32 $0x5, v2;
	v17 =	vor.u32 $0x4, v3;
	v7 =	vld.idx.msk [tilespmem:v7+s21+$0x0], $0xffff  }
0x20a: {  	v23 =	vadd.s32 $0x6, v2;
	v31 =	vadd.s32 $0x7, v2;
	v61 =	vor.u32 $0x5, v3;
	v14 =	vld.idx.msk [tilespmem:v1+s23+$0x0], $0xffff  }
0x20b: {  	v39 =	vadd.s32 $0x8, v2;
	v43 =	vadd.s32 $0x9, v2;
	v26 =	vor.u32 $0x6, v3;
	v6 =	vld.idx.msk [tilespmem:v53+s22+$0x0], $0xffff  }
0x20c: {  	v52 =	vand.u32 $0xFFFFFF80, v8;
	v8 =	vand.u32 $0x7F, v8;
	v35 =	vor.u32 $0x7, v3;
	v56 =	vld.idx.msk [tilespmem:v11+s22+$0x0], $0xffff  }
0x20d: {  	v13 =	vand.u32 $0xFFFFFF80, v10;
	v5 =	vadd.s32 v4, v52;
	v40 =	vor.u32 $0x8, v3;
	v59 =	vld.idx.msk [tilespmem:v16+s22+$0x0], $0xffff  }
0x20e: {  	v10 =	vand.u32 $0x7F, v10;
	v55 =	vand.u32 $0xFFFFFF80, v15;
	v5 =	vor.u32 v8, v5;
	v63 =	vld.idx.msk [tilespmem:v17+s22+$0x0], $0xffff  }
0x20f: {  	v15 =	vand.u32 $0x7F, v15;
	v19 =	vand.u32 $0xFFFFFF80, v58;
	v9 =	vor.u32 $0x1, v1;
	v24 =	vld.idx.msk [tilespmem:v61+s22+$0x0], $0xffff  }
0x210: {  	v60 =	vand.u32 $0xFFFFFF80, v20;
	v13 =	vadd.s32 v4, v13;
	v12 =	vor.u32 $0x2, v1;
	v33 =	vld.idx.msk [tilespmem:v26+s22+$0x0], $0xffff  }
0x211: {  	v20 =	vand.u32 $0x7F, v20;
	v25 =	vand.u32 $0xFFFFFF80, v23;
	v10 =	vor.u32 v10, v13;
	v44 =	vld.idx.msk [tilespmem:v35+s22+$0x0], $0xffff  }
0x212: {  	v34 =	vand.u32 $0xFFFFFF80, v31;
	v42 =	vand.u32 $0xFFFFFF80, v39;
	v18 =	vor.u32 $0x4, v1;
	v50 =	vld.idx.msk [tilespmem:v40+s22+$0x0], $0xffff  }
0x213: {  	v45 =	vand.u32 $0xFFFFFF80, v43;
	v19 =	vadd.s32 v4, v19;
	v22 =	vor.u32 $0x5, v1;
	v5 =	vld.idx.msk [tilespmem:v5+s21+$0x0], $0xffff  }
0x214: {  	v46 =	vor.u32 $0x9, v3;
	v13 =	vadd.s32 v4, v55;
	v38 =	vor.u32 $0x7, v1;
	v9 =	vld.idx.msk [tilespmem:v9+s23+$0x0], $0xffff  }
0x215: {  	v52 =	vadd.s32 $0xA, v2;
	v57 =	vor.u32 $0x3, v1;
	v13 =	vor.u32 v15, v13;
	v12 =	vld.idx.msk [tilespmem:v12+s23+$0x0], $0xffff  }
0x216: {  	v30 =	vor.u32 $0x6, v1;
	v41 =	vor.u32 $0x8, v1;
	v15 =	vand.u32 $0x7F, v58;
	v10 =	vld.idx.msk [tilespmem:v10+s21+$0x0], $0xffff  }
0x217: {  	v51 =	vor.u32 $0x9, v1;
	v55 =	vand.u32 $0xFFFFFF80, v52;
	v15 =	vor.u32 v15, v19;
	v21 =	vld.idx.msk [tilespmem:v18+s23+$0x0], $0xffff  }
0x218: {  	v58 =	vor.u32 $0xB, v3;
	v16 =	vadd.s32 v4, v60;
	v53 =	vor.u32 $0xA, v3;
	v29 =	vld.idx.msk [tilespmem:v22+s23+$0x0], $0xffff  }
0x219: {  	v17 =	vand.u32 $0x7F, v23;
	v23 =	vadd.s32 $0xC, v2;
	v26 =	vor.u32 $0xC, v3;
	v48 =	vld.idx.msk [tilespmem:v38+s23+$0x0], $0xffff  }
0x21a: {  	v35 =	vor.u32 $0xD, v3;
	v40 =	vor.u32 $0xE, v3;
	v62 =	vor.u32 v20, v16;
	v13 =	vld.idx.msk [tilespmem:v13+s21+$0x0], $0xffff  }
0x21b: {  	v18 =	vand.u32 $0x7F, v43;
	v16 =	vld.idx.msk [tilespmem:v41+s23+$0x0], $0xffff;
	v20 =	vadd.s32 v4, v55;
	v22 =	vor.u32 $0xB, v1  }
0x21c: {  	v38 =	vor.u32 $0xD, v1;
	v41 =	vor.u32 $0xE, v1;
	v43 =	vadd.s32 $0xF, v2;
	v15 =	vld.idx.msk [tilespmem:v15+s21+$0x0], $0xffff  }
0x21d: {  	v7 =	vadd.f32 v7, v54;
	v54 =	vor.u32 $0xA, v1;
	v61 =	vld.idx.msk [tilespmem:v53+s22+$0x0], $0xffff;
	v53 =	vor.u32 $0x10, v3  }
0x21e: {  	v5 =	vadd.f32 v5, v6;
	v8 =	vadd.f32 v10, v56;
	v56 =	vld.idx.msk [tilespmem:v46+s22+$0x0], $0xffff;
	v46 =	vor.u32 $0xF, v3  }
0x21f: {  	v11 =	vld.idx.msk [tilespmem:v57+s23+$0x0], $0xffff;
	v7 =	vsub.f32 v7, v14;
	v6 =	vadd.f32 v13, v59;
	v13 =	vadd.s32 v4, v25  }
0x220: {  	v59 =	vld.idx.msk [tilespmem:v51+s23+$0x0], $0xffff;
	v25 =	vand.u32 $0xFFFFFF80, v23;
	v51 =	vor.u32 $0xF, v1;
	v5 =	vsub.f32 v5, v9  }
0x221: {  	v8 =	vsub.f32 v8, v12;
	v27 =	vor.u32 v17, v13;
	v28 =	vadd.f32 v15, v63  }
0x222: {  	v13 =	vand.u32 $0x7F, v31;
	v17 =	vadd.s32 v4, v42;
	v15 =	vadd.s32 v4, v45  }
0x223: {  	v31 =	vadd.s32 $0xD, v2;
	v45 =	vand.u32 $0xFFFFFF80, v43;
	v7 =	vand.u32 $0x7FFFFFFF, v7  }
0x224: {  	v14 =	vld.idx.msk [tilespmem:v62+s21+$0x0], $0xffff;
	v6 =	vsub.f32 v6, v11;
	v49 =	vor.u32 v18, v15;
	v15 =	vand.u32 $0x7F, v52  }
0x225: {  	v11 =	vld.idx.msk [tilespmem:v30+s23+$0x0], $0xffff;
	v30 =	vor.u32 $0xC, v1;
	v18 =	vand.u32 $0x7F, v43;
	v52 =	vadd.s32 $0x10, v2  }
0x226: {  	v5 =	vand.u32 $0x7FFFFFFF, v5;
	v8 =	vand.u32 $0x7FFFFFFF, v8;
	v15 =	vor.u32 v15, v20  }
0x227: {  	v63 =	vld.idx.msk [tilespmem:v54+s23+$0x0], $0xffff;
	v54 =	vor.u32 $0x10, v1;
	v55 =	vand.u32 $0xFFFFFF80, v52;
	v5 =	vadd.f32 v5, v7  }
0x228: {  	v6 =	vand.u32 $0x7FFFFFFF, v6;
	v20 =	vadd.s32 v4, v55;
	v55 =	vor.u32 $0x16, v1  }
0x229: {  	v32 =	vadd.f32 v14, v24;
	v14 =	vadd.s32 v4, v34;
	v34 =	vand.u32 $0xFFFFFF80, v31  }
0x22a: {  	v5 =	vadd.f32 v8, v5;
	v8 =	vsub.f32 v28, v21;
	v37 =	vor.u32 v13, v14  }
0x22b: {  	v13 =	vand.u32 $0x7F, v39;
	v21 =	vadd.s32 $0xB, v2;
	v39 =	vadd.s32 $0xE, v2  }
0x22c: {  	v7 =	vld.idx.msk [tilespmem:v27+s21+$0x0], $0xffff;
	v9 =	vsub.f32 v32, v29;
	v13 =	vor.u32 v13, v17;
	v57 =	vand.u32 $0xFFFFFF80, v21  }
0x22d: {  	v10 =	vld.idx.msk [tilespmem:v49+s21+$0x0], $0xffff;
	v21 =	vand.u32 $0x7F, v21;
	v42 =	vand.u32 $0xFFFFFF80, v39;
	v5 =	vadd.f32 v6, v5  }
0x22e: {  	v36 =	vand.u32 $0x7FFFFFFF, v8;
	v17 =	vadd.s32 v4, v57;
	v47 =	vand.u32 $0x7FFFFFFF, v9  }
0x22f: {  	v60 =	vor.u32 v21, v17;
	v21 =	vld.idx.msk [tilespmem:v15+s21+$0x0], $0xffff;
	v17 =	vand.u32 $0x7F, v23;
	v15 =	vadd.s32 v4, v45  }
0x230: {  	v23 =	vor.u32 $0x11, v1;
	v5 =	vadd.f32 v36, v5;
	v49 =	vor.u32 v18, v15;
	v8 =	vld.idx.msk [tilespmem:v37+s21+$0x0], $0xffff  }
0x231: {  	v15 =	vand.u32 $0x7F, v52;
	v52 =	vor.u32 $0x15, v1;
	v7 =	vadd.f32 v7, v33;
	v13 =	vld.idx.msk [tilespmem:v13+s21+$0x0], $0xffff  }
0x232: {  	v24 =	vld.idx.msk [tilespmem:v58+s22+$0x0], $0xffff;
	v15 =	vor.u32 v15, v20;
	v10 =	vadd.f32 v10, v56;
	v56 =	vadd.s32 $0x11, v2  }
0x233: {  	v29 =	vld.idx.msk [tilespmem:v22+s23+$0x0], $0xffff;
	v5 =	vadd.f32 v47, v5;
	v7 =	vsub.f32 v7, v11;
	v58 =	vand.u32 $0xFFFFFF80, v56  }
0x234: {  	v14 =	vld.idx.msk [tilespmem:v60+s21+$0x0], $0xffff;
	v6 =	vsub.f32 v10, v59;
	v28 =	vadd.f32 v21, v61;
	v59 =	vor.u32 $0x11, v3  }
0x235: {  	v57 =	vld.idx.msk [tilespmem:v46+s22+$0x0], $0xffff;
	v21 =	vand.u32 $0x7F, v56;
	v7 =	vand.u32 $0x7FFFFFFF, v7;
	v8 =	vadd.f32 v8, v44  }
0x236: {  	v11 =	vld.idx.msk [tilespmem:v49+s21+$0x0], $0xffff;
	v5 =	vadd.f32 v7, v5;
	v6 =	vand.u32 $0x7FFFFFFF, v6;
	v62 =	vadd.f32 v13, v50  }
0x237: {  	v13 =	vand.u32 $0x7F, v31;
	v50 =	vld.idx.msk [tilespmem:v40+s22+$0x0], $0xffff;
	v31 =	vor.u32 $0x12, v1;
	v40 =	vadd.s32 $0x14, v2  }
0x238: {  	v33 =	vld.idx.msk [tilespmem:v26+s22+$0x0], $0xffff;
	v8 =	vsub.f32 v8, v48;
	v43 =	vand.u32 $0xFFFFFF80, v40;
	v7 =	vsub.f32 v62, v16  }
0x239: {  	v10 =	vld.idx.msk [tilespmem:v30+s23+$0x0], $0xffff;
	v16 =	vadd.s32 v4, v25;
	v32 =	vadd.f32 v14, v24;
	v14 =	vadd.s32 v4, v34  }
0x23a: {  	v62 =	vld.idx.msk [tilespmem:v53+s22+$0x0], $0xffff;
	v24 =	vadd.s32 $0x12, v2;
	v53 =	vadd.s32 $0x16, v2;
	v8 =	vand.u32 $0x7FFFFFFF, v8  }
0x23b: {  	v60 =	vld.idx.msk [tilespmem:v51+s23+$0x0], $0xffff;
	v27 =	vor.u32 v17, v16;
	v37 =	vor.u32 v13, v14;
	v13 =	vand.u32 $0x7F, v39  }
0x23c: {  	v44 =	vld.idx.msk [tilespmem:v35+s22+$0x0], $0xffff;
	v17 =	vadd.s32 v4, v42;
	v11 =	vadd.f32 v11, v57;
	v26 =	vand.u32 $0xFFFFFF80, v24  }
0x23d: {  	v16 =	vld.idx.msk [tilespmem:v41+s23+$0x0], $0xffff;
	v39 =	vor.u32 $0x13, v1;
	v41 =	vor.u32 $0x14, v3;
	v42 =	vor.u32 $0x14, v1  }
0x23e: {  	v22 =	vld.idx.msk [tilespmem:v15+s21+$0x0], $0xffff;
	v56 =	vand.u32 $0xFFFFFF80, v53;
	v57 =	vadd.s32 $0x17, v2;
	v5 =	vadd.f32 v8, v5  }
0x23f: {  	v48 =	vld.idx.msk [tilespmem:v38+s23+$0x0], $0xffff;
	v7 =	vand.u32 $0x7FFFFFFF, v7;
	v9 =	vsub.f32 v32, v29;
	v13 =	vor.u32 v13, v17  }
0x240: {  	v25 =	vld.idx.msk [tilespmem:v59+s22+$0x0], $0xffff;
	v17 =	vadd.s32 v4, v58;
	v32 =	vadd.s32 $0x13, v2;
	v20 =	vadd.s32 v4, v56  }
0x241: {  	v61 =	vor.u32 v21, v17;
	v21 =	vld.idx.msk [tilespmem:v54+s23+$0x0], $0xffff;
	v5 =	vadd.f32 v7, v5;
	v7 =	vsub.f32 v28, v63  }
0x242: {  	v59 =	vand.u32 $0xFFFFFF80, v57;
	v56 =	vor.u32 $0x1C, v1;
	v17 =	vand.u32 $0x7F, v24;
	v8 =	vld.idx.msk [tilespmem:v27+s21+$0x0], $0xffff  }
0x243: {  	v35 =	vand.u32 $0xFFFFFF80, v32;
	v54 =	vor.u32 $0x16, v3;
	v36 =	vand.u32 $0x7FFFFFFF, v7;
	v7 =	vld.idx.msk [tilespmem:v37+s21+$0x0], $0xffff  }
0x244: {  	v24 =	vor.u32 $0x17, v1;
	v47 =	vand.u32 $0x7FFFFFFF, v9;
	v5 =	vadd.f32 v6, v5;
	v13 =	vld.idx.msk [tilespmem:v13+s21+$0x0], $0xffff  }
0x245: {  	v29 =	vadd.f32 v22, v62;
	v22 =	vld.idx.msk [tilespmem:v55+s23+$0x0], $0xffff;
	v55 =	vor.u32 $0x1C, v3;
	v6 =	vsub.f32 v11, v60  }
0x246: {  	v27 =	vor.u32 $0x12, v3;
	v51 =	vld.idx.msk [tilespmem:v41+s22+$0x0], $0xffff;
	v60 =	vor.u32 $0x17, v3;
	v5 =	vadd.f32 v36, v5  }
0x247: {  	v41 =	vadd.s32 $0x1A, v2;
	v14 =	vld.idx.msk [tilespmem:v61+s21+$0x0], $0xffff;
	v6 =	vand.u32 $0x7FFFFFFF, v6;
	v36 =	vor.u32 $0x13, v3  }
0x248: {  	v5 =	vadd.f32 v47, v5;
	v47 =	vor.u32 $0x15, v3;
	v8 =	vadd.f32 v8, v33  }
0x249: {  	v7 =	vadd.f32 v7, v44;
	v44 =	vadd.s32 $0x15, v2;
	v63 =	vadd.f32 v13, v50  }
0x24a: {  	v13 =	vand.u32 $0x7F, v32;
	v46 =	vand.u32 $0xFFFFFF80, v44;
	v18 =	vand.u32 $0x7F, v44  }
0x24b: {  	v30 =	vld.idx.msk [tilespmem:v23+s23+$0x0], $0xffff;
	v32 =	vor.u32 $0x18, v1;
	v44 =	vand.u32 $0xFFFFFF80, v41;
	v8 =	vsub.f32 v8, v10  }
0x24c: {  	v11 =	vld.idx.msk [tilespmem:v31+s23+$0x0], $0xffff;
	v7 =	vsub.f32 v7, v48;
	v33 =	vadd.f32 v14, v25;
	v14 =	vadd.s32 v4, v35  }
0x24d: {  	v49 =	vld.idx.msk [tilespmem:v39+s23+$0x0], $0xffff;
	v15 =	vadd.s32 v4, v46;
	v25 =	vadd.s32 $0x18, v2;
	v38 =	vor.u32 v13, v14  }
0x24e: {  	v61 =	vld.idx.msk [tilespmem:v52+s23+$0x0], $0xffff;
	v13 =	vand.u32 $0x7F, v40;
	v50 =	vor.u32 v18, v15;
	v15 =	vand.u32 $0x7F, v53  }
0x24f: {  	v34 =	vld.idx.msk [tilespmem:v27+s22+$0x0], $0xffff;
	v27 =	vand.u32 $0xFFFFFF80, v25;
	v40 =	vor.u32 $0x19, v1;
	v53 =	vor.u32 $0x1B, v1  }
0x250: {  	v45 =	vld.idx.msk [tilespmem:v36+s22+$0x0], $0xffff;
	v8 =	vand.u32 $0x7FFFFFFF, v8;
	v7 =	vand.u32 $0x7FFFFFFF, v7;
	v15 =	vor.u32 v15, v20  }
0x251: {  	v58 =	vld.idx.msk [tilespmem:v47+s22+$0x0], $0xffff;
	v5 =	vadd.f32 v8, v5;
	v8 =	vsub.f32 v63, v16;
	v16 =	vadd.s32 v4, v26  }
0x252: {  	v9 =	vsub.f32 v33, v30;
	v33 =	vadd.s32 $0x19, v2;
	v63 =	vld.idx.msk [tilespmem:v54+s22+$0x0], $0xffff;
	v28 =	vor.u32 v17, v16  }
0x253: {  	v26 =	vld.idx.msk [tilespmem:v60+s22+$0x0], $0xffff;
	v36 =	vand.u32 $0xFFFFFF80, v33;
	v54 =	vadd.s32 $0x1C, v2;
	v17 =	vadd.s32 v4, v43  }
0x254: {  	v48 =	vand.u32 $0x7FFFFFFF, v9;
	v16 =	vld.idx.msk [tilespmem:v42+s23+$0x0], $0xffff;
	v42 =	vor.u32 $0x1A, v3;
	v5 =	vadd.f32 v7, v5  }
0x255: {  	v8 =	vand.u32 $0x7FFFFFFF, v8;
	v13 =	vor.u32 v13, v17;
	v17 =	vadd.s32 v4, v59;
	v10 =	vld.idx.msk [tilespmem:v50+s21+$0x0], $0xffff  }
0x256: {  	v5 =	vadd.f32 v8, v5;
	v8 =	vsub.f32 v29, v21;
	v21 =	vand.u32 $0x7F, v57;
	v23 =	vld.idx.msk [tilespmem:v15+s21+$0x0], $0xffff  }
0x257: {  	v43 =	vor.u32 $0x1A, v1;
	v57 =	vand.u32 $0xFFFFFF80, v54;
	v62 =	vor.u32 v21, v17;
	v7 =	vld.idx.msk [tilespmem:v28+s21+$0x0], $0xffff  }
0x258: {  	v17 =	vand.u32 $0x7F, v25;
	v25 =	vor.u32 $0x1D, v1;
	v37 =	vand.u32 $0x7FFFFFFF, v8;
	v8 =	vld.idx.msk [tilespmem:v38+s21+$0x0], $0xffff  }
0x259: {  	v20 =	vadd.s32 v4, v57;
	v57 =	vor.u32 $0x22, v1;
	v5 =	vadd.f32 v6, v5;
	v52 =	vld.idx.msk [tilespmem:v42+s22+$0x0], $0xffff  }
0x25a: {  	v28 =	vor.u32 $0x18, v3;
	v42 =	vadd.s32 $0x20, v2;
	v13 =	vld.idx.msk [tilespmem:v13+s21+$0x0], $0xffff;
	v10 =	vadd.f32 v10, v58  }
0x25b: {  	v5 =	vadd.f32 v37, v5;
	v58 =	vadd.s32 $0x1D, v2;
	v30 =	vadd.f32 v23, v63;
	v23 =	vld.idx.msk [tilespmem:v56+s23+$0x0], $0xffff  }
0x25c: {  	v37 =	vor.u32 $0x19, v3;
	v60 =	vand.u32 $0xFFFFFF80, v58;
	v6 =	vsub.f32 v10, v61;
	v10 =	vld.idx.msk [tilespmem:v32+s23+$0x0], $0xffff  }
0x25d: {  	v56 =	vor.u32 $0x22, v3;
	v5 =	vadd.f32 v48, v5;
	v48 =	vor.u32 $0x1B, v3;
	v32 =	vld.idx.msk [tilespmem:v25+s23+$0x0], $0xffff  }
0x25e: {  	v61 =	vor.u32 $0x1D, v3;
	v25 =	vld.idx.msk [tilespmem:v57+s23+$0x0], $0xffff;
	v57 =	vadd.s32 $0x28, v2;
	v7 =	vadd.f32 v7, v34  }
0x25f: {  	v14 =	vld.idx.msk [tilespmem:v62+s21+$0x0], $0xffff;
	v8 =	vadd.f32 v8, v45;
	v45 =	vadd.s32 $0x1B, v2;
	v21 =	vadd.f32 v13, v51  }
0x260: {  	v6 =	vand.u32 $0x7FFFFFFF, v6;
	v13 =	vand.u32 $0x7F, v33;
	v47 =	vand.u32 $0xFFFFFF80, v45  }
0x261: {  	v18 =	vand.u32 $0x7F, v45;
	v33 =	vor.u32 $0x1E, v1;
	v45 =	vand.u32 $0xFFFFFF80, v42  }
0x262: {  	v7 =	vsub.f32 v7, v11;
	v8 =	vsub.f32 v8, v49;
	v15 =	vadd.s32 v4, v47  }
0x263: {  	v51 =	vor.u32 v18, v15;
	v15 =	vand.u32 $0x7F, v54;
	v54 =	vor.u32 $0x21, v1  }
0x264: {  	v31 =	vld.idx.msk [tilespmem:v24+s23+$0x0], $0xffff;
	v7 =	vand.u32 $0x7FFFFFFF, v7;
	v8 =	vand.u32 $0x7FFFFFFF, v8;
	v34 =	vadd.f32 v14, v26  }
0x265: {  	v62 =	vld.idx.msk [tilespmem:v53+s23+$0x0], $0xffff;
	v14 =	vadd.s32 v4, v36;
	v15 =	vor.u32 v15, v20;
	v26 =	vadd.s32 $0x1E, v2  }
0x266: {  	v35 =	vld.idx.msk [tilespmem:v28+s22+$0x0], $0xffff;
	v5 =	vadd.f32 v7, v5;
	v7 =	vsub.f32 v21, v16;
	v16 =	vadd.s32 v4, v27  }
0x267: {  	v46 =	vld.idx.msk [tilespmem:v37+s22+$0x0], $0xffff;
	v39 =	vor.u32 v13, v14;
	v13 =	vand.u32 $0x7F, v41;
	v21 =	vand.u32 $0x7F, v58  }
0x268: {  	v59 =	vld.idx.msk [tilespmem:v48+s22+$0x0], $0xffff;
	v28 =	vand.u32 $0xFFFFFF80, v26;
	v41 =	vor.u32 $0x1F, v1;
	v29 =	vor.u32 v17, v16  }
0x269: {  	v9 =	vsub.f32 v34, v31;
	v17 =	vadd.s32 v4, v44;
	v16 =	vld.idx.msk [tilespmem:v43+s23+$0x0], $0xffff;
	v43 =	vor.u32 $0x20, v3  }
0x26a: {  	v5 =	vadd.f32 v8, v5;
	v13 =	vor.u32 v13, v17;
	v17 =	vadd.s32 v4, v60;
	v11 =	vld.idx.msk [tilespmem:v51+s21+$0x0], $0xffff  }
0x26b: {  	v34 =	vadd.s32 $0x1F, v2;
	v7 =	vand.u32 $0x7FFFFFFF, v7;
	v63 =	vor.u32 v21, v17;
	v21 =	vld.idx.msk [tilespmem:v55+s22+$0x0], $0xffff  }
0x26c: {  	v44 =	vor.u32 $0x20, v1;
	v5 =	vadd.f32 v7, v5;
	v7 =	vsub.f32 v30, v22;
	v24 =	vld.idx.msk [tilespmem:v15+s21+$0x0], $0xffff  }
0x26d: {  	v37 =	vand.u32 $0xFFFFFF80, v34;
	v49 =	vand.u32 $0x7FFFFFFF, v9;
	v55 =	vadd.s32 $0x22, v2;
	v8 =	vld.idx.msk [tilespmem:v29+s21+$0x0], $0xffff  }
0x26e: {  	v58 =	vand.u32 $0xFFFFFF80, v55;
	v5 =	vadd.f32 v6, v5;
	v38 =	vand.u32 $0x7FFFFFFF, v7;
	v7 =	vld.idx.msk [tilespmem:v39+s21+$0x0], $0xffff  }
0x26f: {  	v17 =	vand.u32 $0x7F, v26;
	v20 =	vadd.s32 v4, v58;
	v58 =	vor.u32 $0x28, v3;
	v53 =	vld.idx.msk [tilespmem:v43+s22+$0x0], $0xffff  }
0x270: {  	v29 =	vor.u32 $0x1E, v3;
	v43 =	vor.u32 $0x25, v1;
	v13 =	vld.idx.msk [tilespmem:v13+s21+$0x0], $0xffff;
	v5 =	vadd.f32 v38, v5  }
0x271: {  	v50 =	vld.idx.msk [tilespmem:v40+s23+$0x0], $0xffff;
	v11 =	vadd.f32 v11, v59;
	v38 =	vor.u32 $0x1F, v3;
	v59 =	vadd.s32 $0x23, v2  }
0x272: {  	v27 =	vld.idx.msk [tilespmem:v61+s22+$0x0], $0xffff;
	v31 =	vadd.f32 v24, v21;
	v61 =	vand.u32 $0xFFFFFF80, v59;
	v21 =	vand.u32 $0x7F, v59  }
0x273: {  	v14 =	vld.idx.msk [tilespmem:v63+s21+$0x0], $0xffff;
	v59 =	vor.u32 $0x28, v1;
	v5 =	vadd.f32 v49, v5;
	v6 =	vsub.f32 v11, v62  }
0x274: {  	v49 =	vor.u32 $0x21, v3;
	v62 =	vor.u32 $0x23, v3;
	v8 =	vadd.f32 v8, v35  }
0x275: {  	v7 =	vadd.f32 v7, v46;
	v46 =	vadd.s32 $0x21, v2;
	v22 =	vadd.f32 v13, v52  }
0x276: {  	v6 =	vand.u32 $0x7FFFFFFF, v6;
	v13 =	vand.u32 $0x7F, v34;
	v48 =	vand.u32 $0xFFFFFF80, v46  }
0x277: {  	v18 =	vand.u32 $0x7F, v46;
	v46 =	vor.u32 $0x26, v1;
	v8 =	vsub.f32 v8, v10  }
0x278: {  	v7 =	vsub.f32 v7, v50;
	v35 =	vadd.f32 v14, v27;
	v14 =	vadd.s32 v4, v37  }
0x279: {  	v15 =	vadd.s32 v4, v48;
	v27 =	vor.u32 $0x23, v1;
	v48 =	vadd.s32 $0x27, v2  }
0x27a: {  	v40 =	vor.u32 v13, v14;
	v13 =	vand.u32 $0x7F, v42;
	v52 =	vor.u32 v18, v15  }
0x27b: {  	v63 =	vld.idx.msk [tilespmem:v54+s23+$0x0], $0xffff;
	v15 =	vand.u32 $0x7F, v55;
	v18 =	vand.u32 $0x7F, v48;
	v8 =	vand.u32 $0x7FFFFFFF, v8  }
0x27c: {  	v11 =	vld.idx.msk [tilespmem:v33+s23+$0x0], $0xffff;
	v7 =	vand.u32 $0x7FFFFFFF, v7;
	v9 =	vsub.f32 v35, v32;
	v15 =	vor.u32 v15, v20  }
0x27d: {  	v36 =	vld.idx.msk [tilespmem:v29+s22+$0x0], $0xffff;
	v5 =	vadd.f32 v8, v5;
	v8 =	vsub.f32 v22, v16;
	v16 =	vadd.s32 v4, v28  }
0x27e: {  	v60 =	vld.idx.msk [tilespmem:v49+s22+$0x0], $0xffff;
	v35 =	vor.u32 $0x24, v1;
	v28 =	vadd.s32 $0x24, v2;
	v30 =	vor.u32 v17, v16  }
0x27f: {  	v17 =	vadd.s32 v4, v45;
	v50 =	vand.u32 $0x7FFFFFFF, v9;
	v16 =	vld.idx.msk [tilespmem:v44+s23+$0x0], $0xffff;
	v5 =	vadd.f32 v7, v5  }
0x280: {  	v8 =	vand.u32 $0x7FFFFFFF, v8;
	v13 =	vor.u32 v13, v17;
	v17 =	vadd.s32 v4, v61;
	v10 =	vld.idx.msk [tilespmem:v52+s21+$0x0], $0xffff  }
0x281: {  	v22 =	vor.u32 v21, v17;
	v5 =	vadd.f32 v8, v5;
	v8 =	vsub.f32 v31, v23;
	v23 =	vld.idx.msk [tilespmem:v56+s22+$0x0], $0xffff  }
0x282: {  	v44 =	vadd.s32 $0x26, v2;
	v45 =	vor.u32 $0x26, v3;
	v26 =	vld.idx.msk [tilespmem:v15+s21+$0x0], $0xffff;
	v31 =	vor.u32 $0x24, v3  }
0x283: {  	v47 =	vld.idx.msk [tilespmem:v38+s22+$0x0], $0xffff;
	v61 =	vadd.s32 $0x29, v2;
	v17 =	vand.u32 $0x7F, v28;
	v5 =	vadd.f32 v6, v5  }
0x284: {  	v21 =	vand.u32 $0x7F, v61;
	v56 =	vor.u32 $0x27, v1;
	v7 =	vld.idx.msk [tilespmem:v30+s21+$0x0], $0xffff;
	v39 =	vand.u32 $0x7FFFFFFF, v8  }
0x285: {  	v8 =	vld.idx.msk [tilespmem:v40+s21+$0x0], $0xffff;
	v30 =	vand.u32 $0xFFFFFF80, v28;
	v40 =	vor.u32 $0x25, v3;
	v5 =	vadd.f32 v39, v5  }
0x286: {  	v10 =	vadd.f32 v10, v60;
	v14 =	vld.idx.msk [tilespmem:v22+s21+$0x0], $0xffff;
	v60 =	vand.u32 $0xFFFFFF80, v57;
	v22 =	vor.u32 $0x39, v1  }
0x287: {  	v33 =	vadd.f32 v26, v23;
	v38 =	vld.idx.msk [tilespmem:v31+s22+$0x0], $0xffff;
	v20 =	vadd.s32 v4, v60;
	v31 =	vor.u32 $0x29, v1  }
0x288: {  	v13 =	vld.idx.msk [tilespmem:v13+s21+$0x0], $0xffff;
	v60 =	vor.u32 $0x2D, v1;
	v23 =	vadd.s32 $0x3A, v2;
	v5 =	vadd.f32 v50, v5  }
0x289: {  	v51 =	vld.idx.msk [tilespmem:v41+s23+$0x0], $0xffff;
	v6 =	vsub.f32 v10, v63;
	v50 =	vand.u32 $0xFFFFFF80, v48;
	v63 =	vand.u32 $0xFFFFFF80, v61  }
0x28a: {  	v10 =	vld.idx.msk [tilespmem:v35+s23+$0x0], $0xffff;
	v35 =	vor.u32 $0x2A, v3;
	v48 =	vadd.s32 $0x2C, v2;
	v61 =	vadd.s32 $0x2E, v2  }
0x28b: {  	v29 =	vld.idx.msk [tilespmem:v62+s22+$0x0], $0xffff;
	v7 =	vadd.f32 v7, v36;
	v8 =	vadd.f32 v8, v47;
	v36 =	vadd.s32 $0x25, v2  }
0x28c: {  	v47 =	vand.u32 $0xFFFFFF80, v44;
	v49 =	vld.idx.msk [tilespmem:v40+s22+$0x0], $0xffff;
	v15 =	vadd.s32 v4, v50;
	v40 =	vadd.s32 $0x2B, v2  }
0x28d: {  	v50 =	vor.u32 $0x2C, v1;
	v24 =	vadd.f32 v13, v53;
	v6 =	vand.u32 $0x7FFFFFFF, v6  }
0x28e: {  	v34 =	vld.idx.msk [tilespmem:v27+s23+$0x0], $0xffff;
	v39 =	vand.u32 $0xFFFFFF80, v36;
	v13 =	vand.u32 $0x7F, v36;
	v54 =	vor.u32 v18, v15  }
0x28f: {  	v53 =	vld.idx.msk [tilespmem:v43+s23+$0x0], $0xffff;
	v15 =	vand.u32 $0x7F, v57;
	v43 =	vand.u32 $0xFFFFFF80, v40;
	v7 =	vsub.f32 v7, v11  }
0x290: {  	v8 =	vsub.f32 v8, v51;
	v37 =	vadd.f32 v14, v29;
	v51 =	vor.u32 $0x27, v3  }
0x291: {  	v14 =	vadd.s32 v4, v39;
	v15 =	vor.u32 v15, v20;
	v7 =	vand.u32 $0x7FFFFFFF, v7  }
0x292: {  	v39 =	vor.u32 $0x2A, v1;
	v42 =	vor.u32 v13, v14;
	v5 =	vadd.f32 v7, v5  }
0x293: {  	v27 =	vld.idx.msk [tilespmem:v58+s22+$0x0], $0xffff;
	v7 =	vsub.f32 v24, v16;
	v16 =	vadd.s32 v4, v30;
	v24 =	vor.u32 $0x29, v3  }
0x294: {  	v8 =	vand.u32 $0x7FFFFFFF, v8;
	v9 =	vsub.f32 v37, v34;
	v32 =	vor.u32 v17, v16;
	v11 =	vld.idx.msk [tilespmem:v54+s21+$0x0], $0xffff  }
0x295: {  	v13 =	vand.u32 $0x7F, v44;
	v44 =	vor.u32 $0x2B, v3;
	v5 =	vadd.f32 v8, v5;
	v62 =	vld.idx.msk [tilespmem:v51+s22+$0x0], $0xffff  }
0x296: {  	v17 =	vadd.s32 v4, v47;
	v52 =	vand.u32 $0x7FFFFFFF, v9;
	v7 =	vand.u32 $0x7FFFFFFF, v7;
	v30 =	vld.idx.msk [tilespmem:v15+s21+$0x0], $0xffff  }
0x297: {  	v47 =	vor.u32 $0x2B, v1;
	v5 =	vadd.f32 v7, v5;
	v7 =	vsub.f32 v33, v25;
	v25 =	vld.idx.msk [tilespmem:v56+s23+$0x0], $0xffff  }
0x298: {  	v13 =	vor.u32 v13, v17;
	v17 =	vadd.s32 v4, v63;
	v51 =	vand.u32 $0xFFFFFF80, v48;
	v33 =	vld.idx.msk [tilespmem:v24+s22+$0x0], $0xffff  }
0x299: {  	v63 =	vor.u32 $0x2E, v1;
	v26 =	vor.u32 v21, v17;
	v24 =	vand.u32 $0xFFFFFF80, v61;
	v8 =	vld.idx.msk [tilespmem:v32+s21+$0x0], $0xffff  }
0x29a: {  	v5 =	vadd.f32 v6, v5;
	v41 =	vand.u32 $0x7FFFFFFF, v7;
	v7 =	vld.idx.msk [tilespmem:v42+s21+$0x0], $0xffff;
	v32 =	vadd.s32 $0x2A, v2  }
0x29b: {  	v42 =	vld.idx.msk [tilespmem:v35+s22+$0x0], $0xffff;
	v20 =	vadd.s32 v4, v24;
	v35 =	vor.u32 $0x2F, v1;
	v24 =	vor.u32 $0x33, v1  }
0x29c: {  	v55 =	vld.idx.msk [tilespmem:v45+s22+$0x0], $0xffff;
	v11 =	vadd.f32 v11, v62;
	v34 =	vand.u32 $0xFFFFFF80, v32;
	v17 =	vand.u32 $0x7F, v32  }
0x29d: {  	v13 =	vld.idx.msk [tilespmem:v13+s21+$0x0], $0xffff;
	v37 =	vadd.f32 v30, v27;
	v62 =	vor.u32 $0x2E, v3;
	v5 =	vadd.f32 v41, v5  }
0x29e: {  	v6 =	vsub.f32 v11, v25;
	v11 =	vld.idx.msk [tilespmem:v39+s23+$0x0], $0xffff;
	v25 =	vadd.s32 $0x2F, v2;
	v39 =	vor.u32 $0x30, v3  }
0x29f: {  	v5 =	vadd.f32 v52, v5;
	v52 =	vadd.s32 $0x2D, v2;
	v27 =	vand.u32 $0xFFFFFF80, v25  }
0x2a0: {  	v14 =	vld.idx.msk [tilespmem:v26+s21+$0x0], $0xffff;
	v21 =	vand.u32 $0x7F, v25;
	v25 =	vadd.s32 $0x34, v2;
	v8 =	vadd.f32 v8, v38  }
0x2a1: {  	v7 =	vadd.f32 v7, v49;
	v6 =	vand.u32 $0x7FFFFFFF, v6;
	v49 =	vor.u32 $0x2C, v3  }
0x2a2: {  	v54 =	vand.u32 $0xFFFFFF80, v52;
	v18 =	vand.u32 $0x7F, v52;
	v52 =	vadd.s32 $0x32, v2  }
0x2a3: {  	v28 =	vadd.f32 v13, v55;
	v13 =	vand.u32 $0x7F, v40;
	v55 =	vor.u32 $0x2D, v3  }
0x2a4: {  	v16 =	vld.idx.msk [tilespmem:v46+s23+$0x0], $0xffff;
	v15 =	vadd.s32 v4, v54;
	v54 =	vor.u32 $0x32, v1;
	v8 =	vsub.f32 v8, v10  }
0x2a5: {  	v29 =	vld.idx.msk [tilespmem:v59+s23+$0x0], $0xffff;
	v7 =	vsub.f32 v7, v53;
	v41 =	vadd.f32 v14, v33;
	v14 =	vadd.s32 v4, v43  }
0x2a6: {  	v38 =	vld.idx.msk [tilespmem:v31+s23+$0x0], $0xffff;
	v58 =	vor.u32 v18, v15;
	v15 =	vand.u32 $0x7F, v61;
	v43 =	vor.u32 $0x30, v1  }
0x2a7: {  	v53 =	vld.idx.msk [tilespmem:v44+s22+$0x0], $0xffff;
	v44 =	vadd.s32 $0x31, v2;
	v15 =	vor.u32 v15, v20;
	v8 =	vand.u32 $0x7FFFFFFF, v8  }
0x2a8: {  	v57 =	vld.idx.msk [tilespmem:v47+s23+$0x0], $0xffff;
	v46 =	vor.u32 v13, v14;
	v13 =	vand.u32 $0x7F, v48;
	v5 =	vadd.f32 v8, v5  }
0x2a9: {  	v31 =	vld.idx.msk [tilespmem:v62+s22+$0x0], $0xffff;
	v8 =	vsub.f32 v28, v16;
	v16 =	vadd.s32 v4, v34;
	v28 =	vor.u32 $0x2F, v3  }
0x2aa: {  	v47 =	vand.u32 $0xFFFFFF80, v44;
	v7 =	vand.u32 $0x7FFFFFFF, v7;
	v36 =	vor.u32 v17, v16;
	v26 =	vld.idx.msk [tilespmem:v55+s22+$0x0], $0xffff  }
0x2ab: {  	v48 =	vor.u32 $0x31, v3;
	v9 =	vsub.f32 v41, v38;
	v5 =	vadd.f32 v7, v5;
	v10 =	vld.idx.msk [tilespmem:v58+s21+$0x0], $0xffff  }
0x2ac: {  	v17 =	vadd.s32 v4, v51;
	v51 =	vor.u32 $0x31, v1;
	v8 =	vand.u32 $0x7FFFFFFF, v8;
	v34 =	vld.idx.msk [tilespmem:v15+s21+$0x0], $0xffff  }
0x2ad: {  	v55 =	vand.u32 $0xFFFFFF80, v52;
	v5 =	vadd.f32 v8, v5;
	v8 =	vsub.f32 v37, v29;
	v29 =	vld.idx.msk [tilespmem:v60+s23+$0x0], $0xffff  }
0x2ae: {  	v13 =	vor.u32 v13, v17;
	v56 =	vand.u32 $0x7FFFFFFF, v9;
	v17 =	vadd.s32 v4, v27;
	v37 =	vld.idx.msk [tilespmem:v28+s22+$0x0], $0xffff  }
0x2af: {  	v27 =	vor.u32 $0x34, v1;
	v30 =	vor.u32 v21, v17;
	v28 =	vand.u32 $0xFFFFFF80, v25;
	v7 =	vld.idx.msk [tilespmem:v36+s21+$0x0], $0xffff  }
0x2b0: {  	v5 =	vadd.f32 v6, v5;
	v45 =	vand.u32 $0x7FFFFFFF, v8;
	v8 =	vld.idx.msk [tilespmem:v46+s21+$0x0], $0xffff;
	v36 =	vadd.s32 $0x30, v2  }
0x2b1: {  	v46 =	vld.idx.msk [tilespmem:v39+s22+$0x0], $0xffff;
	v20 =	vadd.s32 v4, v28;
	v39 =	vor.u32 $0x35, v1;
	v10 =	vadd.f32 v10, v26  }
0x2b2: {  	v59 =	vld.idx.msk [tilespmem:v49+s22+$0x0], $0xffff;
	v38 =	vand.u32 $0xFFFFFF80, v36;
	v17 =	vand.u32 $0x7F, v36;
	v5 =	vadd.f32 v45, v5  }
0x2b3: {  	v13 =	vld.idx.msk [tilespmem:v13+s21+$0x0], $0xffff;
	v26 =	vor.u32 $0x34, v3;
	v41 =	vadd.f32 v34, v31;
	v6 =	vsub.f32 v10, v29  }
0x2b4: {  	v10 =	vld.idx.msk [tilespmem:v43+s23+$0x0], $0xffff;
	v29 =	vadd.s32 $0x35, v2;
	v43 =	vor.u32 $0x36, v3;
	v5 =	vadd.f32 v56, v5  }
0x2b5: {  	v56 =	vadd.s32 $0x33, v2;
	v31 =	vand.u32 $0xFFFFFF80, v29;
	v21 =	vand.u32 $0x7F, v29  }
0x2b6: {  	v14 =	vld.idx.msk [tilespmem:v30+s21+$0x0], $0xffff;
	v7 =	vadd.f32 v7, v42;
	v8 =	vadd.f32 v8, v53;
	v6 =	vand.u32 $0x7FFFFFFF, v6  }
0x2b7: {  	v33 =	vld.idx.msk [tilespmem:v63+s23+$0x0], $0xffff;
	v53 =	vor.u32 $0x32, v3;
	v58 =	vand.u32 $0xFFFFFF80, v56;
	v18 =	vand.u32 $0x7F, v56  }
0x2b8: {  	v16 =	vld.idx.msk [tilespmem:v50+s23+$0x0], $0xffff;
	v56 =	vadd.s32 $0x38, v2;
	v32 =	vadd.f32 v13, v59;
	v13 =	vand.u32 $0x7F, v44  }
0x2b9: {  	v42 =	vld.idx.msk [tilespmem:v35+s23+$0x0], $0xffff;
	v59 =	vor.u32 $0x33, v3;
	v15 =	vadd.s32 v4, v58;
	v58 =	vor.u32 $0x38, v3  }
0x2ba: {  	v35 =	vld.idx.msk [tilespmem:v26+s22+$0x0], $0xffff;
	v26 =	vand.u32 $0xFFFFFF80, v23;
	v7 =	vsub.f32 v7, v11;
	v8 =	vsub.f32 v8, v57  }
0x2bb: {  	v61 =	vld.idx.msk [tilespmem:v51+s23+$0x0], $0xffff;
	v45 =	vadd.f32 v14, v37;
	v14 =	vadd.s32 v4, v47;
	v62 =	vor.u32 v18, v15  }
0x2bc: {  	v57 =	vld.idx.msk [tilespmem:v48+s22+$0x0], $0xffff;
	v15 =	vand.u32 $0x7F, v25;
	v47 =	vor.u32 $0x36, v1;
	v48 =	vadd.s32 $0x37, v2  }
0x2bd: {  	v37 =	vld.idx.msk [tilespmem:v27+s23+$0x0], $0xffff;
	v25 =	vor.u32 $0x3A, v3;
	v27 =	vor.u32 $0x3A, v1;
	v7 =	vand.u32 $0x7FFFFFFF, v7  }
0x2be: {  	v5 =	vadd.f32 v7, v5;
	v7 =	vsub.f32 v32, v16;
	v16 =	vadd.s32 v4, v38;
	v63 =	vld.idx.msk [tilespmem:v53+s22+$0x0], $0xffff  }
0x2bf: {  	v50 =	vor.u32 v13, v14;
	v15 =	vor.u32 v15, v20;
	v40 =	vor.u32 v17, v16;
	v16 =	vld.idx.msk [tilespmem:v54+s23+$0x0], $0xffff  }
0x2c0: {  	v13 =	vand.u32 $0x7F, v52;
	v51 =	vand.u32 $0xFFFFFF80, v48;
	v52 =	vor.u32 $0x37, v3;
	v30 =	vld.idx.msk [tilespmem:v59+s22+$0x0], $0xffff  }
0x2c1: {  	v8 =	vand.u32 $0x7FFFFFFF, v8;
	v9 =	vsub.f32 v45, v42;
	v32 =	vor.u32 $0x35, v3;
	v11 =	vld.idx.msk [tilespmem:v62+s21+$0x0], $0xffff  }
0x2c2: {  	v17 =	vadd.s32 v4, v55;
	v55 =	vor.u32 $0x37, v1;
	v59 =	vand.u32 $0xFFFFFF80, v56;
	v54 =	vld.idx.msk [tilespmem:v47+s23+$0x0], $0xffff  }
0x2c3: {  	v5 =	vadd.f32 v8, v5;
	v13 =	vor.u32 v13, v17;
	v17 =	vadd.s32 v4, v31;
	v31 =	vld.idx.msk [tilespmem:v22+s23+$0x0], $0xffff  }
0x2c4: {  	v7 =	vand.u32 $0x7FFFFFFF, v7;
	v60 =	vand.u32 $0x7FFFFFFF, v9;
	v62 =	vadd.s32 $0x39, v2;
	v38 =	vld.idx.msk [tilespmem:v15+s21+$0x0], $0xffff  }
0x2c5: {  	v34 =	vor.u32 v21, v17;
	v5 =	vadd.f32 v7, v5;
	v7 =	vsub.f32 v41, v33;
	v33 =	vld.idx.msk [tilespmem:v24+s23+$0x0], $0xffff  }
0x2c6: {  	v22 =	vor.u32 $0x3D, v1;
	v47 =	vadd.s32 $0x3E, v2;
	v21 =	vand.u32 $0xFFFFFF80, v62;
	v8 =	vld.idx.msk [tilespmem:v40+s21+$0x0], $0xffff  }
0x2c7: {  	v18 =	vand.u32 $0x7F, v47;
	v41 =	vld.idx.msk [tilespmem:v32+s22+$0x0], $0xffff;
	v32 =	vor.u32 $0x3B, v3;
	v5 =	vadd.f32 v6, v5  }
0x2c8: {  	v49 =	vand.u32 $0x7FFFFFFF, v7;
	v7 =	vld.idx.msk [tilespmem:v50+s21+$0x0], $0xffff;
	v40 =	vadd.s32 $0x36, v2;
	v11 =	vadd.f32 v11, v30  }
0x2c9: {  	v13 =	vld.idx.msk [tilespmem:v13+s21+$0x0], $0xffff;
	v42 =	vand.u32 $0xFFFFFF80, v40;
	v17 =	vand.u32 $0x7F, v40;
	v30 =	vadd.s32 $0x3B, v2  }
0x2ca: {  	v5 =	vadd.f32 v49, v5;
	v14 =	vld.idx.msk [tilespmem:v34+s21+$0x0], $0xffff;
	v45 =	vadd.f32 v38, v35;
	v34 =	vor.u32 $0x3B, v1  }
0x2cb: {  	v35 =	vadd.s32 $0x3C, v2;
	v6 =	vsub.f32 v11, v33;
	v8 =	vadd.f32 v8, v46  }
0x2cc: {  	v11 =	vand.u32 $0x7F, v56;
	v33 =	vand.u32 $0xFFFFFF80, v30;
	v5 =	vadd.f32 v60, v5  }
0x2cd: {  	v38 =	vand.u32 $0xFFFFFF80, v35;
	v7 =	vadd.f32 v7, v57;
	v8 =	vsub.f32 v8, v10  }
0x2ce: {  	v60 =	vor.u32 $0x38, v1;
	v20 =	vadd.s32 v4, v38;
	v6 =	vand.u32 $0x7FFFFFFF, v6  }
0x2cf: {  	v15 =	vld.idx.msk [tilespmem:v25+s22+$0x0], $0xffff;
	v36 =	vadd.f32 v13, v63;
	v7 =	vsub.f32 v7, v61;
	v8 =	vand.u32 $0x7FFFFFFF, v8  }
0x2d0: {  	v46 =	vld.idx.msk [tilespmem:v39+s23+$0x0], $0xffff;
	v39 =	vor.u32 $0x3C, v1;
	v13 =	vand.u32 $0x7F, v48;
	v5 =	vadd.f32 v8, v5  }
0x2d1: {  	v50 =	vld.idx.msk [tilespmem:v43+s22+$0x0], $0xffff;
	v63 =	vor.u32 $0x39, v3;
	v7 =	vand.u32 $0x7FFFFFFF, v7;
	v8 =	vsub.f32 v36, v16  }
0x2d2: {  	v40 =	vld.idx.msk [tilespmem:v32+s22+$0x0], $0xffff;
	v49 =	vadd.f32 v14, v41;
	v16 =	vadd.s32 v4, v42;
	v5 =	vadd.f32 v7, v5  }
0x2d3: {  	v57 =	vld.idx.msk [tilespmem:v52+s22+$0x0], $0xffff;
	v14 =	vadd.s32 v4, v51;
	v44 =	vor.u32 v17, v16;
	v8 =	vand.u32 $0x7FFFFFFF, v8  }
0x2d4: {  	v52 =	vld.idx.msk [tilespmem:v22+s23+$0x0], $0xffff;
	v53 =	vor.u32 v13, v14;
	v14 =	vadd.s32 v4, v59;
	v5 =	vadd.f32 v8, v5  }
0x2d5: {  	v10 =	vld.idx.msk [tilespmem:v55+s23+$0x0], $0xffff;
	v61 =	vor.u32 v11, v14;
	v11 =	vand.u32 $0x7F, v62;
	v8 =	vsub.f32 v45, v37  }
0x2d6: {  	v43 =	vld.idx.msk [tilespmem:v34+s23+$0x0], $0xffff;
	v14 =	vadd.s32 v4, v21;
	v9 =	vsub.f32 v49, v46;
	v5 =	vadd.f32 v6, v5  }
0x2d7: {  	v13 =	vld.idx.msk [tilespmem:v58+s22+$0x0], $0xffff;
	v11 =	vor.u32 v11, v14;
	v14 =	vand.u32 $0x7F, v23;
	v8 =	vand.u32 $0x7FFFFFFF, v8  }
0x2d8: {  	v42 =	vadd.s32 $0x3D, v2;
	v49 =	vor.u32 $0x3E, v3;
	v7 =	vld.idx.msk [tilespmem:v44+s21+$0x0], $0xffff;
	v5 =	vadd.f32 v8, v5  }
0x2d9: {  	v23 =	vor.u32 $0x3E, v1;
	v17 =	vadd.s32 v4, v26;
	v9 =	vand.u32 $0x7FFFFFFF, v9;
	v6 =	vld.idx.msk [tilespmem:v53+s21+$0x0], $0xffff  }
0x2da: {  	v2 =	vadd.s32 $0x3F, v2;
	v29 =	vor.u32 v14, v17;
	v5 =	vadd.f32 v9, v5;
	v9 =	vld.idx.msk [tilespmem:v61+s21+$0x0], $0xffff  }
0x2db: {  	v24 =	vld.idx.msk [tilespmem:v60+s23+$0x0], $0xffff;
	v51 =	vand.u32 $0xFFFFFF80, v2;
	v14 =	vand.u32 $0x7F, v30;
	v17 =	vadd.s32 v4, v33  }
0x2dc: {  	v36 =	vld.idx.msk [tilespmem:v27+s23+$0x0], $0xffff;
	v2 =	vand.u32 $0x7F, v2;
	v14 =	vor.u32 v14, v17;
	v17 =	vand.u32 $0x7F, v35  }
0x2dd: {  	v28 =	vld.idx.msk [tilespmem:v63+s22+$0x0], $0xffff;
	v37 =	vor.u32 $0x3C, v3;
	v41 =	vor.u32 v17, v20;
	v7 =	vadd.f32 v7, v50  }
0x2de: {  	v45 =	vand.u32 $0xFFFFFF80, v42;
	v17 =	vand.u32 $0x7F, v42;
	v11 =	vld.idx.msk [tilespmem:v11+s21+$0x0], $0xffff;
	v6 =	vadd.f32 v6, v57  }
0x2df: {  	v20 =	vadd.s32 v4, v45;
	v8 =	vld.idx.msk [tilespmem:v29+s21+$0x0], $0xffff;
	v7 =	vsub.f32 v7, v54;
	v9 =	vadd.f32 v9, v13  }
0x2e0: {  	v48 =	vld.idx.msk [tilespmem:v39+s23+$0x0], $0xffff;
	v44 =	vor.u32 $0x3D, v3;
	v17 =	vor.u32 v17, v20;
	v6 =	vsub.f32 v6, v10  }
0x2e1: {  	v56 =	vld.idx.msk [tilespmem:v49+s22+$0x0], $0xffff;
	v7 =	vand.u32 $0x7FFFFFFF, v7;
	v9 =	vsub.f32 v9, v24;
	v24 =	vand.u32 $0xFFFFFF80, v47  }
0x2e2: {  	v3 =	vor.u32 $0x3F, v3;
	v14 =	vld.idx.msk [tilespmem:v14+s21+$0x0], $0xffff;
	v5 =	vadd.f32 v7, v5;
	v24 =	vadd.s32 v4, v24  }
0x2e3: {  	v46 =	vld.idx.msk [tilespmem:v37+s22+$0x0], $0xffff;
	v6 =	vand.u32 $0x7FFFFFFF, v6;
	v7 =	vadd.f32 v11, v28;
	v18 =	vor.u32 v18, v24  }
0x2e4: {  	v16 =	vld.idx.msk [tilespmem:v41+s21+$0x0], $0xffff;
	v8 =	vadd.f32 v8, v15;
	v5 =	vadd.f32 v6, v5;
	v4 =	vadd.s32 v4, v51  }
0x2e5: {  	v50 =	vld.idx.msk [tilespmem:v44+s22+$0x0], $0xffff;
	v7 =	vsub.f32 v7, v31;
	v2 =	vor.u32 v2, v4;
	v53 =	vand.u32 $0x7FFFFFFF, v9  }
0x2e6: {  	v1 =	vor.u32 $0x3F, v1;
	v54 =	vld.idx.msk [tilespmem:v17+s21+$0x0], $0xffff;
	v4 =	vadd.f32 v53, v5  }
0x2e7: {  	v57 =	vld.idx.msk [tilespmem:v23+s23+$0x0], $0xffff;
	v55 =	vsub.f32 v8, v36;
	v6 =	vadd.f32 v14, v40;
	v7 =	vand.u32 $0x7FFFFFFF, v7  }
0x2e8: {  	v4 =	vadd.f32 v7, v4;
	v58 =	vld.idx.msk [tilespmem:v18+s21+$0x0], $0xffff  }
0x2e9: {  	v3 =	vld.idx.msk [tilespmem:v3+s22+$0x0], $0xffff;
	v11 =	vadd.f32 v16, v46;
	v6 =	vsub.f32 v6, v43;
	v5 =	vand.u32 $0x7FFFFFFF, v55  }
0x2ea: {  	v4 =	vadd.f32 v5, v4;
	v2 =	vld.idx.msk [tilespmem:v2+s21+$0x0], $0xffff  }
0x2eb: {  	v59 =	vsub.f32 v11, v48;
	v9 =	vadd.f32 v54, v50;
	v6 =	vand.u32 $0x7FFFFFFF, v6  }
0x2ec: {  	v1 =	vld.idx.msk [tilespmem:v1+s23+$0x0], $0xffff;
	v4 =	vadd.f32 v6, v4  }
0x2ed: {  	v60 =	vsub.f32 v9, v52;
	v5 =	vand.u32 $0x7FFFFFFF, v59;
	v7 =	vadd.f32 v58, v56  }
0x2ee: {  	v4 =	vadd.f32 v5, v4  }
0x2ef: {  	v61 =	vand.u32 $0x7FFFFFFF, v60;
	v2 =	vadd.f32 v2, v3;
	v62 =	vsub.f32 v7, v57  }
0x2f0: {  	v3 =	vadd.f32 v61, v4  }
0x2f1: {  	v1 =	vsub.f32 v2, v1;
	v63 =	vand.u32 $0x7FFFFFFF, v62  }
0x2f2: {  	v2 =	vadd.f32 v63, v3  }
0x2f3: {  	p1 =	por p0, p0;
	v1 =	vand.u32 $0x7FFFFFFF, v1  }
.Ltmp0:
0x2f4: {  	v1 =	vadd.f32 v1, v2;
	(pc) =	sbr.rel @p1 .LBB2_3-.Ltmp0, $3  }
0x2f5: {  	_ = 	snop  }
0x2f6: {  	v1 =	vsub.f32 $1.200000000e+01, v1;
	_ =	sdelay $0x1  }
0x2f7: {  	p0 =	por $0x0, $0x0;
	[tilespmem:s20+$0x11300] =	vst v1;
	s20 =	simm.s32 $0x10  }
0x2f8: {  	s18 =	sadd.s32 $0x1, s18  }
0x2f9: {  	s20 =	rddreg [dreg:$0x1];
	p0 =	sne.s32 s18, $0x10  }
.Ltmp1:
0x2fa: {  	s25 =	simm.s32 $0x0;
	s19 =	sadd.s32 s20, s19;
	(pc) =	sbr.rel @p0 .LBB2_2-.Ltmp1, $4  }
0x2fb: {  	[hbm4b:s19+s25] =	stream.linear.scatter [tilespmem:s17], [sflag:$0x3], $0x20, $0x38;
	[tilespmem:$0x11380] =	vst v63  }
0x2fc: {  	_ =	swait.ge [sflag:s14], $0x20  }
0x2fd: {  	[sflag:s14] =	ssyncset.done $0x0  }
0x2fe: {  	[sflag:s14] =	ssyncadd.s32 $0xFFFFFFE0  }
0x2ff: {  	s19 =	rddreg [dreg:$0x4]  }
0x300: {  	s18 =	rddreg [dreg:$0x3];
	s19 =	sadd.s32 $0x1, s19  }
0x301: {  	p0 =	sne.s32 s19, s18  }
.Ltmp2:
0x302: {  	_ = 	snop;
	(pc) =	sbr.rel @p0 .LBB2_1-.Ltmp2, $1  }
0x303: {  	_ =	sdelay $0x3  }
0x304: {  	_ =	sfence.sel $0x180000  }
0x305: {  	[bflag:$0x0] =	sbarrier.arrive $0xFFFF  }
0x306: {  	_ =	strace $0x90000047  }
0x307: {  	s0 =	stileid.u32;
	[bflag:$0x2] =	sbarrier.arrive $0xFFFF  }
0x308: {  	p0 =	sne.s32 s0, $0x0;
	s0 =	rddreg [dreg:$0x2]  }
0x309: {  	s0 =	sadd.s32 @!p0 $0x100000, s0  }
0x30a: {  	[sflag:s0] =	ssyncadd.tile.s32 @!p0 $0x1;
	_ =	shalt  }
.Lfunc_end2:
_tile_overlayer_lowered:
.L_overlay_start_2:
0x30b: {  	(tag) =	ssettag $0x2  }
0x30c: {  	s0 =	rddreg [dreg:$0x0];
	s2 =	stileid.u32  }
0x30d: {  	s1 =	rddreg [dreg:$0x1];
	p0 =	sne.s32 s2, $0x0  }
0x30e: {  	s3 =	rddreg [dreg:$0x2];
	[bflag:$0x3] =	sbarrier.arrive $0xFFFF;
	s2 =	simm.s32 @!p0 $0x1C03  }
0x30f: {  	[timem:s3], [sflag:s2] =	dma.local @!p0 [hbm:s0], s1  }
0x310: {  	s0 =	simm.s32 @!p0 $0x3  }
0x311: {  	_ =	swait.ge @!p0 [sflag:s0], s1  }
0x312: {  	s1 =	ssub.s32 @!p0 $0x0, s1;
	[sflag:s0] =	ssyncset.done @!p0 $0x0  }
0x313: {  	[sflag:s0] =	ssyncadd.s32 @!p0 s1  }
0x314: {  	[bflag:$0x3] =	sbarrier.arrive $0xFFFF  }
0x315: {  	_ =	shalt  }

</sc_bundles>
